<compile_context>
chip_gen: v7x
topology: tpu7x:2x2x1
jax: 0.10.2.dev20260603
libtpu: 0.0.44.dev20260713+nightly
codegen_flags: <defaults>
</compile_context>

<pallas_src>
import functools
import jax
import jax.numpy as jnp
from jax import lax
from jax.experimental import pallas as pl
from jax.experimental.pallas import tpu as pltpu
from jax.experimental.pallas import tpu_sc as plsc

SINK = 256
RECENT = 4096
TOP_C = 2048
TCAP = 32768
OLD_END = TCAP - RECENT
KEEP = SINK + TOP_C + RECENT
D = 2048
NTILES = 32
ROWS_PER_TILE = KEEP // NTILES
G_CHUNK = 40
G_NCHUNK = ROWS_PER_TILE // G_CHUNK
S_CHUNK = 32
S_NCHUNK = 8
CORE_SPLIT = KEEP // 2


def _sc_compact(mem_k2, mem_v2, new_k2, new_v2, msrc, jl_l, pl_l, cnt_l):
    mesh = plsc.VectorSubcoreMesh(core_axis_name="c", subcore_axis_name="s",
                                  num_cores=2, num_subcores=16)

    @functools.partial(
        pl.kernel,
        out_type=(
            jax.ShapeDtypeStruct((TCAP, D), jnp.float32),
            jax.ShapeDtypeStruct((TCAP, D), jnp.float32),
        ),
        mesh=mesh,
        scratch_types=[
            pltpu.VMEM((G_CHUNK,), jnp.int32),
            pltpu.VMEM((G_CHUNK, D), jnp.float32),
            pltpu.VMEM((S_CHUNK,), jnp.int32),
            pltpu.VMEM((S_CHUNK,), jnp.int32),
            pltpu.VMEM((16,), jnp.int32),
            pltpu.SemaphoreType.DMA,
        ],
    )
    def k(mem_k, mem_v, new_k, new_v, src, jl, plst, cnts,
          out_k, out_v,
          idx_v, buf, jv, pv, cntv, sem):
        core = lax.axis_index("c")
        sub = lax.axis_index("s")
        wid = core * 16 + sub

        for c in range(G_NCHUNK):
            base = wid * ROWS_PER_TILE + c * G_CHUNK
            pltpu.sync_copy(src.at[pl.ds(base, G_CHUNK)], idx_v)
            pltpu.async_copy(mem_k.at[idx_v], buf, sem).wait()
            pltpu.sync_copy(buf, out_k.at[pl.ds(base, G_CHUNK)])
            pltpu.async_copy(mem_v.at[idx_v], buf, sem).wait()
            pltpu.sync_copy(buf, out_v.at[pl.ds(base, G_CHUNK)])

        plsc.subcore_barrier()

        pltpu.sync_copy(cnts.at[pl.ds(wid * 16, 16)], cntv)
        ncv = cntv[...][0]

        def sbody(c, carry):
            soff = (wid * S_NCHUNK + c) * S_CHUNK
            pltpu.sync_copy(jl.at[pl.ds(soff, S_CHUNK)], jv)
            pltpu.sync_copy(plst.at[pl.ds(soff, S_CHUNK)], pv)
            sb = buf.at[pl.ds(0, S_CHUNK)]
            pltpu.async_copy(new_k.at[jv], sb, sem).wait()
            pltpu.async_copy(sb, out_k.at[pv], sem).wait()
            pltpu.async_copy(new_v.at[jv], sb, sem).wait()
            pltpu.async_copy(sb, out_v.at[pv], sem).wait()
            return carry

        lax.fori_loop(0, ncv, sbody, 0)

    return k(mem_k2, mem_v2, new_k2, new_v2, msrc, jl_l, pl_l, cnt_l)


def _zero_tail(out_k2, out_v2):
    zb = 256
    nblk = (TCAP - KEEP) // zb

    def body(ik, iv, ok, ov):
        ok[...] = jnp.zeros_like(ok)
        ov[...] = jnp.zeros_like(ov)

    return pl.pallas_call(
        body,
        grid=(nblk,),
        in_specs=[
            pl.BlockSpec(memory_space=pl.ANY),
            pl.BlockSpec(memory_space=pl.ANY),
        ],
        out_specs=[
            pl.BlockSpec((zb, D), lambda b: (KEEP // zb + b, 0)),
            pl.BlockSpec((zb, D), lambda b: (KEEP // zb + b, 0)),
        ],
        out_shape=[
            jax.ShapeDtypeStruct((TCAP, D), jnp.float32),
            jax.ShapeDtypeStruct((TCAP, D), jnp.float32),
        ],
        input_output_aliases={0: 0, 1: 1},
    )(out_k2, out_v2)


def _build_core_lists(p, surv, core):
    if core == 0:
        mask = surv & (p < CORE_SPLIT)
    else:
        mask = surv & (p >= CORE_SPLIT)
    order = jnp.argsort(~mask, stable=True)
    cnt = mask.sum().astype(jnp.int32)
    per = (cnt + 15) // 16
    s = jnp.arange(16, dtype=jnp.int32)[:, None]
    l = jnp.arange(S_NCHUNK * S_CHUNK, dtype=jnp.int32)[None, :]
    g = s * per + l
    valid = (l < per) & (g < cnt)
    j_g = order[jnp.clip(g, 0, order.shape[0] - 1)].astype(jnp.int32)
    jl = jnp.where(valid, j_g, 0)
    tile_id = core * 16 + s
    dump = KEEP + tile_id * (S_NCHUNK * S_CHUNK) + l
    pt = jnp.where(valid, p[j_g], dump).astype(jnp.int32)
    ntile = jnp.clip(cnt - s[:, 0] * per, 0, per)
    nch = (ntile + S_CHUNK - 1) // S_CHUNK
    return jl.reshape(-1), pt.reshape(-1), nch.astype(jnp.int32)


def kernel(mem_k, mem_v, idx, new_k, new_v, scores):
    B = mem_k.shape[0]
    mem_k2 = mem_k.reshape(TCAP, D)
    mem_v2 = mem_v.reshape(TCAP, D)
    new_k2 = new_k.reshape(RECENT, D)
    new_v2 = new_v.reshape(RECENT, D)

    cand = scores[0, SINK:OLD_END]
    _, top_local = lax.top_k(cand, TOP_C)
    sel = jnp.sort(top_local).astype(jnp.int32) + SINK

    msrc = jnp.concatenate([
        jnp.arange(0, SINK, dtype=jnp.int32),
        sel,
        jnp.arange(OLD_END, TCAP, dtype=jnp.int32),
    ])

    idx32 = idx.astype(jnp.int32)
    last = jnp.concatenate([idx32[1:] != idx32[:-1],
                            jnp.ones((1,), dtype=bool)])
    q = jnp.clip(jnp.searchsorted(sel, idx32), 0, TOP_C - 1)
    in_sel = sel[q] == idx32
    p = jnp.where(idx32 < SINK, idx32,
                  jnp.where(idx32 >= OLD_END,
                            idx32 - OLD_END + SINK + TOP_C,
                            jnp.where(in_sel, SINK + q, -1)))
    surv = last & (p >= 0)

    jl0, pl0, nch0 = _build_core_lists(p, surv, 0)
    jl1, pl1, nch1 = _build_core_lists(p, surv, 1)
    jl = jnp.concatenate([jl0, jl1])
    plst = jnp.concatenate([pl0, pl1])
    nch = jnp.concatenate([nch0, nch1])
    cnts = jnp.broadcast_to(nch[:, None], (32, 16)).reshape(-1)

    out_k2, out_v2 = _sc_compact(mem_k2, mem_v2, new_k2, new_v2,
                                 msrc, jl, plst, cnts)
    out_k2, out_v2 = _zero_tail(out_k2, out_v2)

    out_k = out_k2.reshape(B, TCAP, 16, 128)
    out_v = out_v2.reshape(B, TCAP, 16, 128)

    pos = jnp.arange(TCAP)
    protected_mask = ((pos >= SINK) & (pos < SINK + TOP_C))[None, :]
    protected_len = protected_mask.sum(axis=1).astype(jnp.int64)
    return out_k, out_v, protected_mask, protected_len

# --- scband reference (transcript-rebuilt; emitter-appended) ---
"""Pipeline reference for scband-causal-wan-self-attention-45140106281746 (READ-ONLY COPY).

The authoritative reference and input builder live on the scoring server;
editing this copy changes nothing except your own understanding.
"""

import jax, jax.numpy as jnp
import numpy as np

SINK = 256
RECENT = 4096
TOP_C = 2048
T = 32768


def setup_inputs(seed: int = 0) -> dict:
    key = jax.random.key(seed)
    k1, k2, k3, k4, k5, k6 = jax.random.split(key, 6)
    mem_k = jax.random.normal(k1, (1, 32768, 16, 128), dtype=jnp.float32)
    mem_v = jax.random.normal(k2, (1, 32768, 16, 128), dtype=jnp.float32)
    idx = jnp.sort(jax.random.randint(k3, (4096,), 0, 32768, dtype=jnp.int64))
    new_k = jax.random.normal(k4, (1, 4096, 16, 128), dtype=jnp.float32)
    new_v = jax.random.normal(k5, (1, 4096, 16, 128), dtype=jnp.float32)
    scores = jax.random.uniform(k6, (1, 32768), dtype=jnp.float32)
    return {"mem_k": mem_k, "mem_v": mem_v, "idx": idx, "new_k": new_k,
            "new_v": new_v, "scores": scores}


def reference(mem_k, mem_v, idx, new_k, new_v, scores):
    # Faithful jax translation of the KV-cache prune/compact memory op
    # in _mkv_prune_cache / _mkv_select_indices:
    # 1) scatter-overwrite: write new_k/new_v into the cache at positions idx
    # 2) select keep set: sink tokens + top_c scored old tokens + recent window
    # 3) gather-compact kept entries to the front, zero the tail.
    B, Tcap, H, D = mem_k.shape

    # --- step 1: scatter write of fresh KV entries (overwrite) ---
    mem_k = mem_k.at[:, idx].set(new_k)
    mem_v = mem_v.at[:, idx].set(new_v)

    # --- step 2: build keep indices (static sizes for jit-friendliness) ---
    old_end = Tcap - RECENT
    recent_idx = jnp.arange(old_end, Tcap, dtype=jnp.int64)
    sink_idx = jnp.arange(0, SINK, dtype=jnp.int64)
    cand_scores = scores[:, SINK:old_end]  # [B, cand_len]
    # top_c over candidate region per batch
    _, top_local = jax.lax.top_k(cand_scores, TOP_C)  # [B, TOP_C]
    selected = jnp.sort(top_local.astype(jnp.int64) + SINK, axis=1)  # [B, TOP_C]

    keep_len = SINK + TOP_C + RECENT
    keep = jnp.concatenate([
        jnp.broadcast_to(sink_idx[None, :], (B, SINK)),
        selected,
        jnp.broadcast_to(recent_idx[None, :], (B, RECENT)),
    ], axis=1)  # [B, keep_len], already sorted by construction

    # --- step 3: gather-compact to the front of the buffer ---
    newK = jnp.take_along_axis(mem_k, keep[:, :, None, None], axis=1)
    newV = jnp.take_along_axis(mem_v, keep[:, :, None, None], axis=1)

    out_k = jnp.zeros_like(mem_k).at[:, :keep_len].set(newK)
    out_v = jnp.zeros_like(mem_v).at[:, :keep_len].set(newV)

    # protected mask: positions (within compacted buffer) of top_c selected
    positions = jnp.searchsorted(keep[0], selected[0]) if B == 1 else None
    protected_mask = jnp.zeros((B, Tcap), dtype=jnp.bool_)
    if B == 1:
        protected_mask = protected_mask.at[0, positions].set(True)
    else:
        for b in range(B):
            pos_b = jnp.searchsorted(keep[b], selected[b])
            protected_mask = protected_mask.at[b, pos_b].set(True)
    protected_len = protected_mask.sum(axis=1).astype(jnp.int64)

    return out_k, out_v, protected_mask, protected_len

if __name__ == "__main__":
    import jax
    _d = setup_inputs()
    print(jax.jit(kernel)(*tuple(_d.values())))

</pallas_src>

<mosaic_0001>
#map = affine_map<(d0, d1) -> (0, 0)>
#map1 = affine_map<(d0, d1) -> (0)>
module attributes {stable_mosaic.version = 14 : i64} {
  func.func @k(%arg0: i32, %arg1: i32, %arg2: memref<32768x2048xf32, #tpu.memory_space<hbm>>, %arg3: memref<32768x2048xf32, #tpu.memory_space<hbm>>, %arg4: memref<4096x2048xf32, #tpu.memory_space<hbm>>, %arg5: memref<4096x2048xf32, #tpu.memory_space<hbm>>, %arg6: memref<6400xi32, #tpu.memory_space<hbm>>, %arg7: memref<8192xi32, #tpu.memory_space<hbm>>, %arg8: memref<8192xi32, #tpu.memory_space<hbm>>, %arg9: memref<512xi32, #tpu.memory_space<hbm>>, %arg10: memref<32768x2048xf32, #tpu.memory_space<hbm>>, %arg11: memref<32768x2048xf32, #tpu.memory_space<hbm>>, %arg12: memref<40xi32, #tpu.memory_space<vmem>>, %arg13: memref<40x2048xf32, #tpu.memory_space<vmem>>, %arg14: memref<32xi32, #tpu.memory_space<vmem>>, %arg15: memref<32xi32, #tpu.memory_space<vmem>>, %arg16: memref<16xi32, #tpu.memory_space<vmem>>, %arg17: memref<!tpu.dma_semaphore, #tpu.memory_space<semaphore_mem>>) attributes {dimension_semantics = [#tpu.dimension_semantics<core_parallel>, #tpu.dimension_semantics<subcore_parallel>], iteration_bounds = array<i64: 2, 16>, scalar_prefetch = 0 : i64, scratch_operands = 6 : i64, tpu.core_type = #tpu.core_type<sc_vector_subcore>, window_params = [{transform_indices = #map}, {transform_indices = #map}, {transform_indices = #map}, {transform_indices = #map}, {transform_indices = #map1}, {transform_indices = #map1}, {transform_indices = #map1}, {transform_indices = #map1}, {transform_indices = #map}, {transform_indices = #map}]} {
    %mul3A = arith.constant 16 : i32
    %mul3A_0 = arith.muli %arg0, %mul3A : i32
    %add3A = arith.addi %mul3A_0, %arg1 : i32
    %mul3A_1 = arith.constant 200 : i32
    %mul3A_2 = arith.muli %add3A, %mul3A_1 : i32
    %add3A_3 = arith.constant 0 : i32
    %add3A_4 = arith.addi %mul3A_2, %add3A_3 : i32
    "tpu.region"() ({
      %run_scoped3A = tpu.sem_alloc : memref<!tpu.dma_semaphore, #tpu.memory_space<semaphore_mem>>
      %dma_start3A_92 = tpu.memref_slice %arg6[%add3A_4] : memref<6400xi32, #tpu.memory_space<hbm>> -> memref<40xi32, #tpu.memory_space<hbm>>
      %dma_start3A_93 = tpu.memref_slice %arg6[%add3A_4] : memref<6400xi32, #tpu.memory_space<hbm>> -> memref<40xi32, #tpu.memory_space<hbm>>
      tpu.enqueue_dma source(%dma_start3A_93 : memref<40xi32, #tpu.memory_space<hbm>>) target(%arg12 : memref<40xi32, #tpu.memory_space<vmem>>) target_semaphore(%run_scoped3A : memref<!tpu.dma_semaphore, #tpu.memory_space<semaphore_mem>>)
      %dma_wait3A_94 = tpu.memref_slice %arg6[%add3A_4] : memref<6400xi32, #tpu.memory_space<hbm>> -> memref<40xi32, #tpu.memory_space<hbm>>
      %dma_wait3A_95 = tpu.memref_slice %arg6[%add3A_4] : memref<6400xi32, #tpu.memory_space<hbm>> -> memref<40xi32, #tpu.memory_space<hbm>>
      tpu.wait_dma2 semaphore(%run_scoped3A : memref<!tpu.dma_semaphore, #tpu.memory_space<semaphore_mem>>) src(%dma_wait3A_95 : memref<40xi32, #tpu.memory_space<hbm>>) dst(%arg12 : memref<40xi32, #tpu.memory_space<vmem>>)
      tpu.yield
    }) : () -> ()
    %dma_start3A = arith.constant 0 : i32
    %dma_start3A_5 = arith.constant 0 : i32
    %dma_start3A_6 = tpu.memref_slice %arg2[%dma_start3A, %dma_start3A_5] : memref<32768x2048xf32, #tpu.memory_space<hbm>> -> memref<32768x2048xf32, #tpu.memory_space<hbm>>
    tpu.enqueue_indirect_dma source(%dma_start3A_6 : memref<32768x2048xf32, #tpu.memory_space<hbm>>) target(%arg13 : memref<40x2048xf32, #tpu.memory_space<vmem>>) offsets(%arg12 : memref<40xi32, #tpu.memory_space<vmem>>) semaphore(%arg17 : memref<!tpu.dma_semaphore, #tpu.memory_space<semaphore_mem>>)
    %dma_wait3A = arith.constant 0 : i32
    %dma_wait3A_7 = arith.constant 0 : i32
    %dma_wait3A_8 = tpu.memref_slice %arg2[%dma_wait3A, %dma_wait3A_7] : memref<32768x2048xf32, #tpu.memory_space<hbm>> -> memref<32768x2048xf32, #tpu.memory_space<hbm>>
    tpu.wait_indirect_dma semaphore(%arg17 : memref<!tpu.dma_semaphore, #tpu.memory_space<semaphore_mem>>) src(%dma_wait3A_8 : memref<32768x2048xf32, #tpu.memory_space<hbm>>) dst(%arg13 : memref<40x2048xf32, #tpu.memory_space<vmem>>)
    "tpu.region"() ({
      %run_scoped3A = tpu.sem_alloc : memref<!tpu.dma_semaphore, #tpu.memory_space<semaphore_mem>>
      %dma_start3A_92 = arith.constant 0 : i32
      %dma_start3A_93 = tpu.memref_slice %arg10[%add3A_4, %dma_start3A_92] : memref<32768x2048xf32, #tpu.memory_space<hbm>> -> memref<40x2048xf32, #tpu.memory_space<hbm>>
      %dma_start3A_94 = arith.constant 0 : i32
      %dma_start3A_95 = tpu.memref_slice %arg10[%add3A_4, %dma_start3A_94] : memref<32768x2048xf32, #tpu.memory_space<hbm>> -> memref<40x2048xf32, #tpu.memory_space<hbm>>
      tpu.enqueue_dma source(%arg13 : memref<40x2048xf32, #tpu.memory_space<vmem>>) target(%dma_start3A_95 : memref<40x2048xf32, #tpu.memory_space<hbm>>) target_semaphore(%run_scoped3A : memref<!tpu.dma_semaphore, #tpu.memory_space<semaphore_mem>>)
      %dma_wait3A_96 = arith.constant 0 : i32
      %dma_wait3A_97 = tpu.memref_slice %arg10[%add3A_4, %dma_wait3A_96] : memref<32768x2048xf32, #tpu.memory_space<hbm>> -> memref<40x2048xf32, #tpu.memory_space<hbm>>
      %dma_wait3A_98 = arith.constant 0 : i32
      %dma_wait3A_99 = tpu.memref_slice %arg10[%add3A_4, %dma_wait3A_98] : memref<32768x2048xf32, #tpu.memory_space<hbm>> -> memref<40x2048xf32, #tpu.memory_space<hbm>>
      tpu.wait_dma2 semaphore(%run_scoped3A : memref<!tpu.dma_semaphore, #tpu.memory_space<semaphore_mem>>) src(%arg13 : memref<40x2048xf32, #tpu.memory_space<vmem>>) dst(%dma_wait3A_99 : memref<40x2048xf32, #tpu.memory_space<hbm>>)
      tpu.yield
    }) : () -> ()
    %dma_start3A_9 = arith.constant 0 : i32
    %dma_start3A_10 = arith.constant 0 : i32
    %dma_start3A_11 = tpu.memref_slice %arg3[%dma_start3A_9, %dma_start3A_10] : memref<32768x2048xf32, #tpu.memory_space<hbm>> -> memref<32768x2048xf32, #tpu.memory_space<hbm>>
    tpu.enqueue_indirect_dma source(%dma_start3A_11 : memref<32768x2048xf32, #tpu.memory_space<hbm>>) target(%arg13 : memref<40x2048xf32, #tpu.memory_space<vmem>>) offsets(%arg12 : memref<40xi32, #tpu.memory_space<vmem>>) semaphore(%arg17 : memref<!tpu.dma_semaphore, #tpu.memory_space<semaphore_mem>>)
    %dma_wait3A_12 = arith.constant 0 : i32
    %dma_wait3A_13 = arith.constant 0 : i32
    %dma_wait3A_14 = tpu.memref_slice %arg3[%dma_wait3A_12, %dma_wait3A_13] : memref<32768x2048xf32, #tpu.memory_space<hbm>> -> memref<32768x2048xf32, #tpu.memory_space<hbm>>
    tpu.wait_indirect_dma semaphore(%arg17 : memref<!tpu.dma_semaphore, #tpu.memory_space<semaphore_mem>>) src(%dma_wait3A_14 : memref<32768x2048xf32, #tpu.memory_space<hbm>>) dst(%arg13 : memref<40x2048xf32, #tpu.memory_space<vmem>>)
    "tpu.region"() ({
      %run_scoped3A = tpu.sem_alloc : memref<!tpu.dma_semaphore, #tpu.memory_space<semaphore_mem>>
      %dma_start3A_92 = arith.constant 0 : i32
      %dma_start3A_93 = tpu.memref_slice %arg11[%add3A_4, %dma_start3A_92] : memref<32768x2048xf32, #tpu.memory_space<hbm>> -> memref<40x2048xf32, #tpu.memory_space<hbm>>
      %dma_start3A_94 = arith.constant 0 : i32
      %dma_start3A_95 = tpu.memref_slice %arg11[%add3A_4, %dma_start3A_94] : memref<32768x2048xf32, #tpu.memory_space<hbm>> -> memref<40x2048xf32, #tpu.memory_space<hbm>>
      tpu.enqueue_dma source(%arg13 : memref<40x2048xf32, #tpu.memory_space<vmem>>) target(%dma_start3A_95 : memref<40x2048xf32, #tpu.memory_space<hbm>>) target_semaphore(%run_scoped3A : memref<!tpu.dma_semaphore, #tpu.memory_space<semaphore_mem>>)
      %dma_wait3A_96 = arith.constant 0 : i32
      %dma_wait3A_97 = tpu.memref_slice %arg11[%add3A_4, %dma_wait3A_96] : memref<32768x2048xf32, #tpu.memory_space<hbm>> -> memref<40x2048xf32, #tpu.memory_space<hbm>>
      %dma_wait3A_98 = arith.constant 0 : i32
      %dma_wait3A_99 = tpu.memref_slice %arg11[%add3A_4, %dma_wait3A_98] : memref<32768x2048xf32, #tpu.memory_space<hbm>> -> memref<40x2048xf32, #tpu.memory_space<hbm>>
      tpu.wait_dma2 semaphore(%run_scoped3A : memref<!tpu.dma_semaphore, #tpu.memory_space<semaphore_mem>>) src(%arg13 : memref<40x2048xf32, #tpu.memory_space<vmem>>) dst(%dma_wait3A_99 : memref<40x2048xf32, #tpu.memory_space<hbm>>)
      tpu.yield
    }) : () -> ()
    %mul3A_15 = arith.constant 200 : i32
    %mul3A_16 = arith.muli %add3A, %mul3A_15 : i32
    %add3A_17 = arith.constant 40 : i32
    %add3A_18 = arith.addi %mul3A_16, %add3A_17 : i32
    "tpu.region"() ({
      %run_scoped3A = tpu.sem_alloc : memref<!tpu.dma_semaphore, #tpu.memory_space<semaphore_mem>>
      %dma_start3A_92 = tpu.memref_slice %arg6[%add3A_18] : memref<6400xi32, #tpu.memory_space<hbm>> -> memref<40xi32, #tpu.memory_space<hbm>>
      %dma_start3A_93 = tpu.memref_slice %arg6[%add3A_18] : memref<6400xi32, #tpu.memory_space<hbm>> -> memref<40xi32, #tpu.memory_space<hbm>>
      tpu.enqueue_dma source(%dma_start3A_93 : memref<40xi32, #tpu.memory_space<hbm>>) target(%arg12 : memref<40xi32, #tpu.memory_space<vmem>>) target_semaphore(%run_scoped3A : memref<!tpu.dma_semaphore, #tpu.memory_space<semaphore_mem>>)
      %dma_wait3A_94 = tpu.memref_slice %arg6[%add3A_18] : memref<6400xi32, #tpu.memory_space<hbm>> -> memref<40xi32, #tpu.memory_space<hbm>>
      %dma_wait3A_95 = tpu.memref_slice %arg6[%add3A_18] : memref<6400xi32, #tpu.memory_space<hbm>> -> memref<40xi32, #tpu.memory_space<hbm>>
      tpu.wait_dma2 semaphore(%run_scoped3A : memref<!tpu.dma_semaphore, #tpu.memory_space<semaphore_mem>>) src(%dma_wait3A_95 : memref<40xi32, #tpu.memory_space<hbm>>) dst(%arg12 : memref<40xi32, #tpu.memory_space<vmem>>)
      tpu.yield
    }) : () -> ()
    %dma_start3A_19 = arith.constant 0 : i32
    %dma_start3A_20 = arith.constant 0 : i32
    %dma_start3A_21 = tpu.memref_slice %arg2[%dma_start3A_19, %dma_start3A_20] : memref<32768x2048xf32, #tpu.memory_space<hbm>> -> memref<32768x2048xf32, #tpu.memory_space<hbm>>
    tpu.enqueue_indirect_dma source(%dma_start3A_21 : memref<32768x2048xf32, #tpu.memory_space<hbm>>) target(%arg13 : memref<40x2048xf32, #tpu.memory_space<vmem>>) offsets(%arg12 : memref<40xi32, #tpu.memory_space<vmem>>) semaphore(%arg17 : memref<!tpu.dma_semaphore, #tpu.memory_space<semaphore_mem>>)
    %dma_wait3A_22 = arith.constant 0 : i32
    %dma_wait3A_23 = arith.constant 0 : i32
    %dma_wait3A_24 = tpu.memref_slice %arg2[%dma_wait3A_22, %dma_wait3A_23] : memref<32768x2048xf32, #tpu.memory_space<hbm>> -> memref<32768x2048xf32, #tpu.memory_space<hbm>>
    tpu.wait_indirect_dma semaphore(%arg17 : memref<!tpu.dma_semaphore, #tpu.memory_space<semaphore_mem>>) src(%dma_wait3A_24 : memref<32768x2048xf32, #tpu.memory_space<hbm>>) dst(%arg13 : memref<40x2048xf32, #tpu.memory_space<vmem>>)
    "tpu.region"() ({
      %run_scoped3A = tpu.sem_alloc : memref<!tpu.dma_semaphore, #tpu.memory_space<semaphore_mem>>
      %dma_start3A_92 = arith.constant 0 : i32
      %dma_start3A_93 = tpu.memref_slice %arg10[%add3A_18, %dma_start3A_92] : memref<32768x2048xf32, #tpu.memory_space<hbm>> -> memref<40x2048xf32, #tpu.memory_space<hbm>>
      %dma_start3A_94 = arith.constant 0 : i32
      %dma_start3A_95 = tpu.memref_slice %arg10[%add3A_18, %dma_start3A_94] : memref<32768x2048xf32, #tpu.memory_space<hbm>> -> memref<40x2048xf32, #tpu.memory_space<hbm>>
      tpu.enqueue_dma source(%arg13 : memref<40x2048xf32, #tpu.memory_space<vmem>>) target(%dma_start3A_95 : memref<40x2048xf32, #tpu.memory_space<hbm>>) target_semaphore(%run_scoped3A : memref<!tpu.dma_semaphore, #tpu.memory_space<semaphore_mem>>)
      %dma_wait3A_96 = arith.constant 0 : i32
      %dma_wait3A_97 = tpu.memref_slice %arg10[%add3A_18, %dma_wait3A_96] : memref<32768x2048xf32, #tpu.memory_space<hbm>> -> memref<40x2048xf32, #tpu.memory_space<hbm>>
      %dma_wait3A_98 = arith.constant 0 : i32
      %dma_wait3A_99 = tpu.memref_slice %arg10[%add3A_18, %dma_wait3A_98] : memref<32768x2048xf32, #tpu.memory_space<hbm>> -> memref<40x2048xf32, #tpu.memory_space<hbm>>
      tpu.wait_dma2 semaphore(%run_scoped3A : memref<!tpu.dma_semaphore, #tpu.memory_space<semaphore_mem>>) src(%arg13 : memref<40x2048xf32, #tpu.memory_space<vmem>>) dst(%dma_wait3A_99 : memref<40x2048xf32, #tpu.memory_space<hbm>>)
      tpu.yield
    }) : () -> ()
    %dma_start3A_25 = arith.constant 0 : i32
    %dma_start3A_26 = arith.constant 0 : i32
    %dma_start3A_27 = tpu.memref_slice %arg3[%dma_start3A_25, %dma_start3A_26] : memref<32768x2048xf32, #tpu.memory_space<hbm>> -> memref<32768x2048xf32, #tpu.memory_space<hbm>>
    tpu.enqueue_indirect_dma source(%dma_start3A_27 : memref<32768x2048xf32, #tpu.memory_space<hbm>>) target(%arg13 : memref<40x2048xf32, #tpu.memory_space<vmem>>) offsets(%arg12 : memref<40xi32, #tpu.memory_space<vmem>>) semaphore(%arg17 : memref<!tpu.dma_semaphore, #tpu.memory_space<semaphore_mem>>)
    %dma_wait3A_28 = arith.constant 0 : i32
    %dma_wait3A_29 = arith.constant 0 : i32
    %dma_wait3A_30 = tpu.memref_slice %arg3[%dma_wait3A_28, %dma_wait3A_29] : memref<32768x2048xf32, #tpu.memory_space<hbm>> -> memref<32768x2048xf32, #tpu.memory_space<hbm>>
    tpu.wait_indirect_dma semaphore(%arg17 : memref<!tpu.dma_semaphore, #tpu.memory_space<semaphore_mem>>) src(%dma_wait3A_30 : memref<32768x2048xf32, #tpu.memory_space<hbm>>) dst(%arg13 : memref<40x2048xf32, #tpu.memory_space<vmem>>)
    "tpu.region"() ({
      %run_scoped3A = tpu.sem_alloc : memref<!tpu.dma_semaphore, #tpu.memory_space<semaphore_mem>>
      %dma_start3A_92 = arith.constant 0 : i32
      %dma_start3A_93 = tpu.memref_slice %arg11[%add3A_18, %dma_start3A_92] : memref<32768x2048xf32, #tpu.memory_space<hbm>> -> memref<40x2048xf32, #tpu.memory_space<hbm>>
      %dma_start3A_94 = arith.constant 0 : i32
      %dma_start3A_95 = tpu.memref_slice %arg11[%add3A_18, %dma_start3A_94] : memref<32768x2048xf32, #tpu.memory_space<hbm>> -> memref<40x2048xf32, #tpu.memory_space<hbm>>
      tpu.enqueue_dma source(%arg13 : memref<40x2048xf32, #tpu.memory_space<vmem>>) target(%dma_start3A_95 : memref<40x2048xf32, #tpu.memory_space<hbm>>) target_semaphore(%run_scoped3A : memref<!tpu.dma_semaphore, #tpu.memory_space<semaphore_mem>>)
      %dma_wait3A_96 = arith.constant 0 : i32
      %dma_wait3A_97 = tpu.memref_slice %arg11[%add3A_18, %dma_wait3A_96] : memref<32768x2048xf32, #tpu.memory_space<hbm>> -> memref<40x2048xf32, #tpu.memory_space<hbm>>
      %dma_wait3A_98 = arith.constant 0 : i32
      %dma_wait3A_99 = tpu.memref_slice %arg11[%add3A_18, %dma_wait3A_98] : memref<32768x2048xf32, #tpu.memory_space<hbm>> -> memref<40x2048xf32, #tpu.memory_space<hbm>>
      tpu.wait_dma2 semaphore(%run_scoped3A : memref<!tpu.dma_semaphore, #tpu.memory_space<semaphore_mem>>) src(%arg13 : memref<40x2048xf32, #tpu.memory_space<vmem>>) dst(%dma_wait3A_99 : memref<40x2048xf32, #tpu.memory_space<hbm>>)
      tpu.yield
    }) : () -> ()
    %mul3A_31 = arith.constant 200 : i32
    %mul3A_32 = arith.muli %add3A, %mul3A_31 : i32
    %add3A_33 = arith.constant 80 : i32
    %add3A_34 = arith.addi %mul3A_32, %add3A_33 : i32
    "tpu.region"() ({
      %run_scoped3A = tpu.sem_alloc : memref<!tpu.dma_semaphore, #tpu.memory_space<semaphore_mem>>
      %dma_start3A_92 = tpu.memref_slice %arg6[%add3A_34] : memref<6400xi32, #tpu.memory_space<hbm>> -> memref<40xi32, #tpu.memory_space<hbm>>
      %dma_start3A_93 = tpu.memref_slice %arg6[%add3A_34] : memref<6400xi32, #tpu.memory_space<hbm>> -> memref<40xi32, #tpu.memory_space<hbm>>
      tpu.enqueue_dma source(%dma_start3A_93 : memref<40xi32, #tpu.memory_space<hbm>>) target(%arg12 : memref<40xi32, #tpu.memory_space<vmem>>) target_semaphore(%run_scoped3A : memref<!tpu.dma_semaphore, #tpu.memory_space<semaphore_mem>>)
      %dma_wait3A_94 = tpu.memref_slice %arg6[%add3A_34] : memref<6400xi32, #tpu.memory_space<hbm>> -> memref<40xi32, #tpu.memory_space<hbm>>
      %dma_wait3A_95 = tpu.memref_slice %arg6[%add3A_34] : memref<6400xi32, #tpu.memory_space<hbm>> -> memref<40xi32, #tpu.memory_space<hbm>>
      tpu.wait_dma2 semaphore(%run_scoped3A : memref<!tpu.dma_semaphore, #tpu.memory_space<semaphore_mem>>) src(%dma_wait3A_95 : memref<40xi32, #tpu.memory_space<hbm>>) dst(%arg12 : memref<40xi32, #tpu.memory_space<vmem>>)
      tpu.yield
    }) : () -> ()
    %dma_start3A_35 = arith.constant 0 : i32
    %dma_start3A_36 = arith.constant 0 : i32
    %dma_start3A_37 = tpu.memref_slice %arg2[%dma_start3A_35, %dma_start3A_36] : memref<32768x2048xf32, #tpu.memory_space<hbm>> -> memref<32768x2048xf32, #tpu.memory_space<hbm>>
    tpu.enqueue_indirect_dma source(%dma_start3A_37 : memref<32768x2048xf32, #tpu.memory_space<hbm>>) target(%arg13 : memref<40x2048xf32, #tpu.memory_space<vmem>>) offsets(%arg12 : memref<40xi32, #tpu.memory_space<vmem>>) semaphore(%arg17 : memref<!tpu.dma_semaphore, #tpu.memory_space<semaphore_mem>>)
    %dma_wait3A_38 = arith.constant 0 : i32
    %dma_wait3A_39 = arith.constant 0 : i32
    %dma_wait3A_40 = tpu.memref_slice %arg2[%dma_wait3A_38, %dma_wait3A_39] : memref<32768x2048xf32, #tpu.memory_space<hbm>> -> memref<32768x2048xf32, #tpu.memory_space<hbm>>
    tpu.wait_indirect_dma semaphore(%arg17 : memref<!tpu.dma_semaphore, #tpu.memory_space<semaphore_mem>>) src(%dma_wait3A_40 : memref<32768x2048xf32, #tpu.memory_space<hbm>>) dst(%arg13 : memref<40x2048xf32, #tpu.memory_space<vmem>>)
    "tpu.region"() ({
      %run_scoped3A = tpu.sem_alloc : memref<!tpu.dma_semaphore, #tpu.memory_space<semaphore_mem>>
      %dma_start3A_92 = arith.constant 0 : i32
      %dma_start3A_93 = tpu.memref_slice %arg10[%add3A_34, %dma_start3A_92] : memref<32768x2048xf32, #tpu.memory_space<hbm>> -> memref<40x2048xf32, #tpu.memory_space<hbm>>
      %dma_start3A_94 = arith.constant 0 : i32
      %dma_start3A_95 = tpu.memref_slice %arg10[%add3A_34, %dma_start3A_94] : memref<32768x2048xf32, #tpu.memory_space<hbm>> -> memref<40x2048xf32, #tpu.memory_space<hbm>>
      tpu.enqueue_dma source(%arg13 : memref<40x2048xf32, #tpu.memory_space<vmem>>) target(%dma_start3A_95 : memref<40x2048xf32, #tpu.memory_space<hbm>>) target_semaphore(%run_scoped3A : memref<!tpu.dma_semaphore, #tpu.memory_space<semaphore_mem>>)
      %dma_wait3A_96 = arith.constant 0 : i32
      %dma_wait3A_97 = tpu.memref_slice %arg10[%add3A_34, %dma_wait3A_96] : memref<32768x2048xf32, #tpu.memory_space<hbm>> -> memref<40x2048xf32, #tpu.memory_space<hbm>>
      %dma_wait3A_98 = arith.constant 0 : i32
      %dma_wait3A_99 = tpu.memref_slice %arg10[%add3A_34, %dma_wait3A_98] : memref<32768x2048xf32, #tpu.memory_space<hbm>> -> memref<40x2048xf32, #tpu.memory_space<hbm>>
      tpu.wait_dma2 semaphore(%run_scoped3A : memref<!tpu.dma_semaphore, #tpu.memory_space<semaphore_mem>>) src(%arg13 : memref<40x2048xf32, #tpu.memory_space<vmem>>) dst(%dma_wait3A_99 : memref<40x2048xf32, #tpu.memory_space<hbm>>)
      tpu.yield
    }) : () -> ()
    %dma_start3A_41 = arith.constant 0 : i32
    %dma_start3A_42 = arith.constant 0 : i32
    %dma_start3A_43 = tpu.memref_slice %arg3[%dma_start3A_41, %dma_start3A_42] : memref<32768x2048xf32, #tpu.memory_space<hbm>> -> memref<32768x2048xf32, #tpu.memory_space<hbm>>
    tpu.enqueue_indirect_dma source(%dma_start3A_43 : memref<32768x2048xf32, #tpu.memory_space<hbm>>) target(%arg13 : memref<40x2048xf32, #tpu.memory_space<vmem>>) offsets(%arg12 : memref<40xi32, #tpu.memory_space<vmem>>) semaphore(%arg17 : memref<!tpu.dma_semaphore, #tpu.memory_space<semaphore_mem>>)
    %dma_wait3A_44 = arith.constant 0 : i32
    %dma_wait3A_45 = arith.constant 0 : i32
    %dma_wait3A_46 = tpu.memref_slice %arg3[%dma_wait3A_44, %dma_wait3A_45] : memref<32768x2048xf32, #tpu.memory_space<hbm>> -> memref<32768x2048xf32, #tpu.memory_space<hbm>>
    tpu.wait_indirect_dma semaphore(%arg17 : memref<!tpu.dma_semaphore, #tpu.memory_space<semaphore_mem>>) src(%dma_wait3A_46 : memref<32768x2048xf32, #tpu.memory_space<hbm>>) dst(%arg13 : memref<40x2048xf32, #tpu.memory_space<vmem>>)
    "tpu.region"() ({
      %run_scoped3A = tpu.sem_alloc : memref<!tpu.dma_semaphore, #tpu.memory_space<semaphore_mem>>
      %dma_start3A_92 = arith.constant 0 : i32
      %dma_start3A_93 = tpu.memref_slice %arg11[%add3A_34, %dma_start3A_92] : memref<32768x2048xf32, #tpu.memory_space<hbm>> -> memref<40x2048xf32, #tpu.memory_space<hbm>>
      %dma_start3A_94 = arith.constant 0 : i32
      %dma_start3A_95 = tpu.memref_slice %arg11[%add3A_34, %dma_start3A_94] : memref<32768x2048xf32, #tpu.memory_space<hbm>> -> memref<40x2048xf32, #tpu.memory_space<hbm>>
      tpu.enqueue_dma source(%arg13 : memref<40x2048xf32, #tpu.memory_space<vmem>>) target(%dma_start3A_95 : memref<40x2048xf32, #tpu.memory_space<hbm>>) target_semaphore(%run_scoped3A : memref<!tpu.dma_semaphore, #tpu.memory_space<semaphore_mem>>)
      %dma_wait3A_96 = arith.constant 0 : i32
      %dma_wait3A_97 = tpu.memref_slice %arg11[%add3A_34, %dma_wait3A_96] : memref<32768x2048xf32, #tpu.memory_space<hbm>> -> memref<40x2048xf32, #tpu.memory_space<hbm>>
      %dma_wait3A_98 = arith.constant 0 : i32
      %dma_wait3A_99 = tpu.memref_slice %arg11[%add3A_34, %dma_wait3A_98] : memref<32768x2048xf32, #tpu.memory_space<hbm>> -> memref<40x2048xf32, #tpu.memory_space<hbm>>
      tpu.wait_dma2 semaphore(%run_scoped3A : memref<!tpu.dma_semaphore, #tpu.memory_space<semaphore_mem>>) src(%arg13 : memref<40x2048xf32, #tpu.memory_space<vmem>>) dst(%dma_wait3A_99 : memref<40x2048xf32, #tpu.memory_space<hbm>>)
      tpu.yield
    }) : () -> ()
    %mul3A_47 = arith.constant 200 : i32
    %mul3A_48 = arith.muli %add3A, %mul3A_47 : i32
    %add3A_49 = arith.constant 120 : i32
    %add3A_50 = arith.addi %mul3A_48, %add3A_49 : i32
    "tpu.region"() ({
      %run_scoped3A = tpu.sem_alloc : memref<!tpu.dma_semaphore, #tpu.memory_space<semaphore_mem>>
      %dma_start3A_92 = tpu.memref_slice %arg6[%add3A_50] : memref<6400xi32, #tpu.memory_space<hbm>> -> memref<40xi32, #tpu.memory_space<hbm>>
      %dma_start3A_93 = tpu.memref_slice %arg6[%add3A_50] : memref<6400xi32, #tpu.memory_space<hbm>> -> memref<40xi32, #tpu.memory_space<hbm>>
      tpu.enqueue_dma source(%dma_start3A_93 : memref<40xi32, #tpu.memory_space<hbm>>) target(%arg12 : memref<40xi32, #tpu.memory_space<vmem>>) target_semaphore(%run_scoped3A : memref<!tpu.dma_semaphore, #tpu.memory_space<semaphore_mem>>)
      %dma_wait3A_94 = tpu.memref_slice %arg6[%add3A_50] : memref<6400xi32, #tpu.memory_space<hbm>> -> memref<40xi32, #tpu.memory_space<hbm>>
      %dma_wait3A_95 = tpu.memref_slice %arg6[%add3A_50] : memref<6400xi32, #tpu.memory_space<hbm>> -> memref<40xi32, #tpu.memory_space<hbm>>
      tpu.wait_dma2 semaphore(%run_scoped3A : memref<!tpu.dma_semaphore, #tpu.memory_space<semaphore_mem>>) src(%dma_wait3A_95 : memref<40xi32, #tpu.memory_space<hbm>>) dst(%arg12 : memref<40xi32, #tpu.memory_space<vmem>>)
      tpu.yield
    }) : () -> ()
    %dma_start3A_51 = arith.constant 0 : i32
    %dma_start3A_52 = arith.constant 0 : i32
    %dma_start3A_53 = tpu.memref_slice %arg2[%dma_start3A_51, %dma_start3A_52] : memref<32768x2048xf32, #tpu.memory_space<hbm>> -> memref<32768x2048xf32, #tpu.memory_space<hbm>>
    tpu.enqueue_indirect_dma source(%dma_start3A_53 : memref<32768x2048xf32, #tpu.memory_space<hbm>>) target(%arg13 : memref<40x2048xf32, #tpu.memory_space<vmem>>) offsets(%arg12 : memref<40xi32, #tpu.memory_space<vmem>>) semaphore(%arg17 : memref<!tpu.dma_semaphore, #tpu.memory_space<semaphore_mem>>)
    %dma_wait3A_54 = arith.constant 0 : i32
    %dma_wait3A_55 = arith.constant 0 : i32
    %dma_wait3A_56 = tpu.memref_slice %arg2[%dma_wait3A_54, %dma_wait3A_55] : memref<32768x2048xf32, #tpu.memory_space<hbm>> -> memref<32768x2048xf32, #tpu.memory_space<hbm>>
    tpu.wait_indirect_dma semaphore(%arg17 : memref<!tpu.dma_semaphore, #tpu.memory_space<semaphore_mem>>) src(%dma_wait3A_56 : memref<32768x2048xf32, #tpu.memory_space<hbm>>) dst(%arg13 : memref<40x2048xf32, #tpu.memory_space<vmem>>)
    "tpu.region"() ({
      %run_scoped3A = tpu.sem_alloc : memref<!tpu.dma_semaphore, #tpu.memory_space<semaphore_mem>>
      %dma_start3A_92 = arith.constant 0 : i32
      %dma_start3A_93 = tpu.memref_slice %arg10[%add3A_50, %dma_start3A_92] : memref<32768x2048xf32, #tpu.memory_space<hbm>> -> memref<40x2048xf32, #tpu.memory_space<hbm>>
      %dma_start3A_94 = arith.constant 0 : i32
      %dma_start3A_95 = tpu.memref_slice %arg10[%add3A_50, %dma_start3A_94] : memref<32768x2048xf32, #tpu.memory_space<hbm>> -> memref<40x2048xf32, #tpu.memory_space<hbm>>
      tpu.enqueue_dma source(%arg13 : memref<40x2048xf32, #tpu.memory_space<vmem>>) target(%dma_start3A_95 : memref<40x2048xf32, #tpu.memory_space<hbm>>) target_semaphore(%run_scoped3A : memref<!tpu.dma_semaphore, #tpu.memory_space<semaphore_mem>>)
      %dma_wait3A_96 = arith.constant 0 : i32
      %dma_wait3A_97 = tpu.memref_slice %arg10[%add3A_50, %dma_wait3A_96] : memref<32768x2048xf32, #tpu.memory_space<hbm>> -> memref<40x2048xf32, #tpu.memory_space<hbm>>
      %dma_wait3A_98 = arith.constant 0 : i32
      %dma_wait3A_99 = tpu.memref_slice %arg10[%add3A_50, %dma_wait3A_98] : memref<32768x2048xf32, #tpu.memory_space<hbm>> -> memref<40x2048xf32, #tpu.memory_space<hbm>>
      tpu.wait_dma2 semaphore(%run_scoped3A : memref<!tpu.dma_semaphore, #tpu.memory_space<semaphore_mem>>) src(%arg13 : memref<40x2048xf32, #tpu.memory_space<vmem>>) dst(%dma_wait3A_99 : memref<40x2048xf32, #tpu.memory_space<hbm>>)
      tpu.yield
    }) : () -> ()
    %dma_start3A_57 = arith.constant 0 : i32
    %dma_start3A_58 = arith.constant 0 : i32
    %dma_start3A_59 = tpu.memref_slice %arg3[%dma_start3A_57, %dma_start3A_58] : memref<32768x2048xf32, #tpu.memory_space<hbm>> -> memref<32768x2048xf32, #tpu.memory_space<hbm>>
    tpu.enqueue_indirect_dma source(%dma_start3A_59 : memref<32768x2048xf32, #tpu.memory_space<hbm>>) target(%arg13 : memref<40x2048xf32, #tpu.memory_space<vmem>>) offsets(%arg12 : memref<40xi32, #tpu.memory_space<vmem>>) semaphore(%arg17 : memref<!tpu.dma_semaphore, #tpu.memory_space<semaphore_mem>>)
    %dma_wait3A_60 = arith.constant 0 : i32
    %dma_wait3A_61 = arith.constant 0 : i32
    %dma_wait3A_62 = tpu.memref_slice %arg3[%dma_wait3A_60, %dma_wait3A_61] : memref<32768x2048xf32, #tpu.memory_space<hbm>> -> memref<32768x2048xf32, #tpu.memory_space<hbm>>
    tpu.wait_indirect_dma semaphore(%arg17 : memref<!tpu.dma_semaphore, #tpu.memory_space<semaphore_mem>>) src(%dma_wait3A_62 : memref<32768x2048xf32, #tpu.memory_space<hbm>>) dst(%arg13 : memref<40x2048xf32, #tpu.memory_space<vmem>>)
    "tpu.region"() ({
      %run_scoped3A = tpu.sem_alloc : memref<!tpu.dma_semaphore, #tpu.memory_space<semaphore_mem>>
      %dma_start3A_92 = arith.constant 0 : i32
      %dma_start3A_93 = tpu.memref_slice %arg11[%add3A_50, %dma_start3A_92] : memref<32768x2048xf32, #tpu.memory_space<hbm>> -> memref<40x2048xf32, #tpu.memory_space<hbm>>
      %dma_start3A_94 = arith.constant 0 : i32
      %dma_start3A_95 = tpu.memref_slice %arg11[%add3A_50, %dma_start3A_94] : memref<32768x2048xf32, #tpu.memory_space<hbm>> -> memref<40x2048xf32, #tpu.memory_space<hbm>>
      tpu.enqueue_dma source(%arg13 : memref<40x2048xf32, #tpu.memory_space<vmem>>) target(%dma_start3A_95 : memref<40x2048xf32, #tpu.memory_space<hbm>>) target_semaphore(%run_scoped3A : memref<!tpu.dma_semaphore, #tpu.memory_space<semaphore_mem>>)
      %dma_wait3A_96 = arith.constant 0 : i32
      %dma_wait3A_97 = tpu.memref_slice %arg11[%add3A_50, %dma_wait3A_96] : memref<32768x2048xf32, #tpu.memory_space<hbm>> -> memref<40x2048xf32, #tpu.memory_space<hbm>>
      %dma_wait3A_98 = arith.constant 0 : i32
      %dma_wait3A_99 = tpu.memref_slice %arg11[%add3A_50, %dma_wait3A_98] : memref<32768x2048xf32, #tpu.memory_space<hbm>> -> memref<40x2048xf32, #tpu.memory_space<hbm>>
      tpu.wait_dma2 semaphore(%run_scoped3A : memref<!tpu.dma_semaphore, #tpu.memory_space<semaphore_mem>>) src(%arg13 : memref<40x2048xf32, #tpu.memory_space<vmem>>) dst(%dma_wait3A_99 : memref<40x2048xf32, #tpu.memory_space<hbm>>)
      tpu.yield
    }) : () -> ()
    %mul3A_63 = arith.constant 200 : i32
    %mul3A_64 = arith.muli %add3A, %mul3A_63 : i32
    %add3A_65 = arith.constant 160 : i32
    %add3A_66 = arith.addi %mul3A_64, %add3A_65 : i32
    "tpu.region"() ({
      %run_scoped3A = tpu.sem_alloc : memref<!tpu.dma_semaphore, #tpu.memory_space<semaphore_mem>>
      %dma_start3A_92 = tpu.memref_slice %arg6[%add3A_66] : memref<6400xi32, #tpu.memory_space<hbm>> -> memref<40xi32, #tpu.memory_space<hbm>>
      %dma_start3A_93 = tpu.memref_slice %arg6[%add3A_66] : memref<6400xi32, #tpu.memory_space<hbm>> -> memref<40xi32, #tpu.memory_space<hbm>>
      tpu.enqueue_dma source(%dma_start3A_93 : memref<40xi32, #tpu.memory_space<hbm>>) target(%arg12 : memref<40xi32, #tpu.memory_space<vmem>>) target_semaphore(%run_scoped3A : memref<!tpu.dma_semaphore, #tpu.memory_space<semaphore_mem>>)
      %dma_wait3A_94 = tpu.memref_slice %arg6[%add3A_66] : memref<6400xi32, #tpu.memory_space<hbm>> -> memref<40xi32, #tpu.memory_space<hbm>>
      %dma_wait3A_95 = tpu.memref_slice %arg6[%add3A_66] : memref<6400xi32, #tpu.memory_space<hbm>> -> memref<40xi32, #tpu.memory_space<hbm>>
      tpu.wait_dma2 semaphore(%run_scoped3A : memref<!tpu.dma_semaphore, #tpu.memory_space<semaphore_mem>>) src(%dma_wait3A_95 : memref<40xi32, #tpu.memory_space<hbm>>) dst(%arg12 : memref<40xi32, #tpu.memory_space<vmem>>)
      tpu.yield
    }) : () -> ()
    %dma_start3A_67 = arith.constant 0 : i32
    %dma_start3A_68 = arith.constant 0 : i32
    %dma_start3A_69 = tpu.memref_slice %arg2[%dma_start3A_67, %dma_start3A_68] : memref<32768x2048xf32, #tpu.memory_space<hbm>> -> memref<32768x2048xf32, #tpu.memory_space<hbm>>
    tpu.enqueue_indirect_dma source(%dma_start3A_69 : memref<32768x2048xf32, #tpu.memory_space<hbm>>) target(%arg13 : memref<40x2048xf32, #tpu.memory_space<vmem>>) offsets(%arg12 : memref<40xi32, #tpu.memory_space<vmem>>) semaphore(%arg17 : memref<!tpu.dma_semaphore, #tpu.memory_space<semaphore_mem>>)
    %dma_wait3A_70 = arith.constant 0 : i32
    %dma_wait3A_71 = arith.constant 0 : i32
    %dma_wait3A_72 = tpu.memref_slice %arg2[%dma_wait3A_70, %dma_wait3A_71] : memref<32768x2048xf32, #tpu.memory_space<hbm>> -> memref<32768x2048xf32, #tpu.memory_space<hbm>>
    tpu.wait_indirect_dma semaphore(%arg17 : memref<!tpu.dma_semaphore, #tpu.memory_space<semaphore_mem>>) src(%dma_wait3A_72 : memref<32768x2048xf32, #tpu.memory_space<hbm>>) dst(%arg13 : memref<40x2048xf32, #tpu.memory_space<vmem>>)
    "tpu.region"() ({
      %run_scoped3A = tpu.sem_alloc : memref<!tpu.dma_semaphore, #tpu.memory_space<semaphore_mem>>
      %dma_start3A_92 = arith.constant 0 : i32
      %dma_start3A_93 = tpu.memref_slice %arg10[%add3A_66, %dma_start3A_92] : memref<32768x2048xf32, #tpu.memory_space<hbm>> -> memref<40x2048xf32, #tpu.memory_space<hbm>>
      %dma_start3A_94 = arith.constant 0 : i32
      %dma_start3A_95 = tpu.memref_slice %arg10[%add3A_66, %dma_start3A_94] : memref<32768x2048xf32, #tpu.memory_space<hbm>> -> memref<40x2048xf32, #tpu.memory_space<hbm>>
      tpu.enqueue_dma source(%arg13 : memref<40x2048xf32, #tpu.memory_space<vmem>>) target(%dma_start3A_95 : memref<40x2048xf32, #tpu.memory_space<hbm>>) target_semaphore(%run_scoped3A : memref<!tpu.dma_semaphore, #tpu.memory_space<semaphore_mem>>)
      %dma_wait3A_96 = arith.constant 0 : i32
      %dma_wait3A_97 = tpu.memref_slice %arg10[%add3A_66, %dma_wait3A_96] : memref<32768x2048xf32, #tpu.memory_space<hbm>> -> memref<40x2048xf32, #tpu.memory_space<hbm>>
      %dma_wait3A_98 = arith.constant 0 : i32
      %dma_wait3A_99 = tpu.memref_slice %arg10[%add3A_66, %dma_wait3A_98] : memref<32768x2048xf32, #tpu.memory_space<hbm>> -> memref<40x2048xf32, #tpu.memory_space<hbm>>
      tpu.wait_dma2 semaphore(%run_scoped3A : memref<!tpu.dma_semaphore, #tpu.memory_space<semaphore_mem>>) src(%arg13 : memref<40x2048xf32, #tpu.memory_space<vmem>>) dst(%dma_wait3A_99 : memref<40x2048xf32, #tpu.memory_space<hbm>>)
      tpu.yield
    }) : () -> ()
    %dma_start3A_73 = arith.constant 0 : i32
    %dma_start3A_74 = arith.constant 0 : i32
    %dma_start3A_75 = tpu.memref_slice %arg3[%dma_start3A_73, %dma_start3A_74] : memref<32768x2048xf32, #tpu.memory_space<hbm>> -> memref<32768x2048xf32, #tpu.memory_space<hbm>>
    tpu.enqueue_indirect_dma source(%dma_start3A_75 : memref<32768x2048xf32, #tpu.memory_space<hbm>>) target(%arg13 : memref<40x2048xf32, #tpu.memory_space<vmem>>) offsets(%arg12 : memref<40xi32, #tpu.memory_space<vmem>>) semaphore(%arg17 : memref<!tpu.dma_semaphore, #tpu.memory_space<semaphore_mem>>)
    %dma_wait3A_76 = arith.constant 0 : i32
    %dma_wait3A_77 = arith.constant 0 : i32
    %dma_wait3A_78 = tpu.memref_slice %arg3[%dma_wait3A_76, %dma_wait3A_77] : memref<32768x2048xf32, #tpu.memory_space<hbm>> -> memref<32768x2048xf32, #tpu.memory_space<hbm>>
    tpu.wait_indirect_dma semaphore(%arg17 : memref<!tpu.dma_semaphore, #tpu.memory_space<semaphore_mem>>) src(%dma_wait3A_78 : memref<32768x2048xf32, #tpu.memory_space<hbm>>) dst(%arg13 : memref<40x2048xf32, #tpu.memory_space<vmem>>)
    "tpu.region"() ({
      %run_scoped3A = tpu.sem_alloc : memref<!tpu.dma_semaphore, #tpu.memory_space<semaphore_mem>>
      %dma_start3A_92 = arith.constant 0 : i32
      %dma_start3A_93 = tpu.memref_slice %arg11[%add3A_66, %dma_start3A_92] : memref<32768x2048xf32, #tpu.memory_space<hbm>> -> memref<40x2048xf32, #tpu.memory_space<hbm>>
      %dma_start3A_94 = arith.constant 0 : i32
      %dma_start3A_95 = tpu.memref_slice %arg11[%add3A_66, %dma_start3A_94] : memref<32768x2048xf32, #tpu.memory_space<hbm>> -> memref<40x2048xf32, #tpu.memory_space<hbm>>
      tpu.enqueue_dma source(%arg13 : memref<40x2048xf32, #tpu.memory_space<vmem>>) target(%dma_start3A_95 : memref<40x2048xf32, #tpu.memory_space<hbm>>) target_semaphore(%run_scoped3A : memref<!tpu.dma_semaphore, #tpu.memory_space<semaphore_mem>>)
      %dma_wait3A_96 = arith.constant 0 : i32
      %dma_wait3A_97 = tpu.memref_slice %arg11[%add3A_66, %dma_wait3A_96] : memref<32768x2048xf32, #tpu.memory_space<hbm>> -> memref<40x2048xf32, #tpu.memory_space<hbm>>
      %dma_wait3A_98 = arith.constant 0 : i32
      %dma_wait3A_99 = tpu.memref_slice %arg11[%add3A_66, %dma_wait3A_98] : memref<32768x2048xf32, #tpu.memory_space<hbm>> -> memref<40x2048xf32, #tpu.memory_space<hbm>>
      tpu.wait_dma2 semaphore(%run_scoped3A : memref<!tpu.dma_semaphore, #tpu.memory_space<semaphore_mem>>) src(%arg13 : memref<40x2048xf32, #tpu.memory_space<vmem>>) dst(%dma_wait3A_99 : memref<40x2048xf32, #tpu.memory_space<hbm>>)
      tpu.yield
    }) : () -> ()
    %barrier3A = arith.constant 0 : index
    tpu.barrier barrier_id(%barrier3A)
    %mul3A_79 = arith.constant 16 : i32
    %mul3A_80 = arith.muli %add3A, %mul3A_79 : i32
    "tpu.region"() ({
      %run_scoped3A = tpu.sem_alloc : memref<!tpu.dma_semaphore, #tpu.memory_space<semaphore_mem>>
      %dma_start3A_92 = tpu.memref_slice %arg9[%mul3A_80] : memref<512xi32, #tpu.memory_space<hbm>> -> memref<16xi32, #tpu.memory_space<hbm>>
      %dma_start3A_93 = tpu.memref_slice %arg9[%mul3A_80] : memref<512xi32, #tpu.memory_space<hbm>> -> memref<16xi32, #tpu.memory_space<hbm>>
      tpu.enqueue_dma source(%dma_start3A_93 : memref<16xi32, #tpu.memory_space<hbm>>) target(%arg16 : memref<16xi32, #tpu.memory_space<vmem>>) target_semaphore(%run_scoped3A : memref<!tpu.dma_semaphore, #tpu.memory_space<semaphore_mem>>)
      %dma_wait3A_94 = tpu.memref_slice %arg9[%mul3A_80] : memref<512xi32, #tpu.memory_space<hbm>> -> memref<16xi32, #tpu.memory_space<hbm>>
      %dma_wait3A_95 = tpu.memref_slice %arg9[%mul3A_80] : memref<512xi32, #tpu.memory_space<hbm>> -> memref<16xi32, #tpu.memory_space<hbm>>
      tpu.wait_dma2 semaphore(%run_scoped3A : memref<!tpu.dma_semaphore, #tpu.memory_space<semaphore_mem>>) src(%dma_wait3A_95 : memref<16xi32, #tpu.memory_space<hbm>>) dst(%arg16 : memref<16xi32, #tpu.memory_space<vmem>>)
      tpu.yield
    }) : () -> ()
    %get3A = arith.constant 0 : index
    %get3A_81 = tpu.vector_load %arg16[%get3A] {strides = array<i32>} : memref<16xi32, #tpu.memory_space<vmem>>, vector<16xi32>,
    %get3A_82 = vector.shape_cast %get3A_81 : vector<16xi32> to vector<16xi32>
    %slice3A = vector.extract_strided_slice %get3A_82 {offsets = [0], sizes = [1], strides = [1]} : vector<16xi32> to vector<1xi32>
    %squeeze3A = vector.extract %slice3A[0] : i32 from vector<1xi32>
    %while3A = arith.constant 0 : i32
    %while3A_83 = arith.constant 0 : i32
    %while3A_84 = arith.subi %squeeze3A, %while3A_83 : i32
    %while3A_85 = arith.addi %while3A_83, %while3A_84 : i32
    %while3A_86 = arith.constant 1 : i32
    %while3A_87 = arith.divsi %while3A_84, %while3A_86 : i32
    %while3A_88 = arith.muli %while3A_87, %while3A_86 : i32
    %while3A_89 = arith.addi %while3A_83, %while3A_88 : i32
    %while3A_90 = arith.constant 1 : i32
    scf.for %while3A_92 = %while3A_83 to %while3A_89 step %while3A_90  : i32 {
      %mul3A_93 = arith.constant 8 : i32
      %mul3A_94 = arith.muli %add3A, %mul3A_93 : i32
      %add3A_95 = arith.addi %mul3A_94, %while3A_92 : i32
      %mul3A_96 = arith.constant 32 : i32
      %mul3A_97 = arith.muli %add3A_95, %mul3A_96 : i32
      "tpu.region"() ({
        %run_scoped3A = tpu.sem_alloc : memref<!tpu.dma_semaphore, #tpu.memory_space<semaphore_mem>>
        %dma_start3A_146 = tpu.memref_slice %arg7[%mul3A_97] : memref<8192xi32, #tpu.memory_space<hbm>> -> memref<32xi32, #tpu.memory_space<hbm>>
        %dma_start3A_147 = tpu.memref_slice %arg7[%mul3A_97] : memref<8192xi32, #tpu.memory_space<hbm>> -> memref<32xi32, #tpu.memory_space<hbm>>
        tpu.enqueue_dma source(%dma_start3A_147 : memref<32xi32, #tpu.memory_space<hbm>>) target(%arg14 : memref<32xi32, #tpu.memory_space<vmem>>) target_semaphore(%run_scoped3A : memref<!tpu.dma_semaphore, #tpu.memory_space<semaphore_mem>>)
        %dma_wait3A_148 = tpu.memref_slice %arg7[%mul3A_97] : memref<8192xi32, #tpu.memory_space<hbm>> -> memref<32xi32, #tpu.memory_space<hbm>>
        %dma_wait3A_149 = tpu.memref_slice %arg7[%mul3A_97] : memref<8192xi32, #tpu.memory_space<hbm>> -> memref<32xi32, #tpu.memory_space<hbm>>
        tpu.wait_dma2 semaphore(%run_scoped3A : memref<!tpu.dma_semaphore, #tpu.memory_space<semaphore_mem>>) src(%dma_wait3A_149 : memref<32xi32, #tpu.memory_space<hbm>>) dst(%arg14 : memref<32xi32, #tpu.memory_space<vmem>>)
        tpu.yield
      }) : () -> ()
      "tpu.region"() ({
        %run_scoped3A = tpu.sem_alloc : memref<!tpu.dma_semaphore, #tpu.memory_space<semaphore_mem>>
        %dma_start3A_146 = tpu.memref_slice %arg8[%mul3A_97] : memref<8192xi32, #tpu.memory_space<hbm>> -> memref<32xi32, #tpu.memory_space<hbm>>
        %dma_start3A_147 = tpu.memref_slice %arg8[%mul3A_97] : memref<8192xi32, #tpu.memory_space<hbm>> -> memref<32xi32, #tpu.memory_space<hbm>>
        tpu.enqueue_dma source(%dma_start3A_147 : memref<32xi32, #tpu.memory_space<hbm>>) target(%arg15 : memref<32xi32, #tpu.memory_space<vmem>>) target_semaphore(%run_scoped3A : memref<!tpu.dma_semaphore, #tpu.memory_space<semaphore_mem>>)
        %dma_wait3A_148 = tpu.memref_slice %arg8[%mul3A_97] : memref<8192xi32, #tpu.memory_space<hbm>> -> memref<32xi32, #tpu.memory_space<hbm>>
        %dma_wait3A_149 = tpu.memref_slice %arg8[%mul3A_97] : memref<8192xi32, #tpu.memory_space<hbm>> -> memref<32xi32, #tpu.memory_space<hbm>>
        tpu.wait_dma2 semaphore(%run_scoped3A : memref<!tpu.dma_semaphore, #tpu.memory_space<semaphore_mem>>) src(%dma_wait3A_149 : memref<32xi32, #tpu.memory_space<hbm>>) dst(%arg15 : memref<32xi32, #tpu.memory_space<vmem>>)
        tpu.yield
      }) : () -> ()
      %dma_start3A_98 = arith.constant 0 : i32
      %dma_start3A_99 = arith.constant 0 : i32
      %dma_start3A_100 = tpu.memref_slice %arg13[%dma_start3A_98, %dma_start3A_99] : memref<40x2048xf32, #tpu.memory_space<vmem>> -> memref<32x2048xf32, #tpu.memory_space<vmem>>
      %dma_start3A_101 = arith.constant 0 : i32
      %dma_start3A_102 = arith.constant 0 : i32
      %dma_start3A_103 = tpu.memref_slice %arg4[%dma_start3A_101, %dma_start3A_102] : memref<4096x2048xf32, #tpu.memory_space<hbm>> -> memref<4096x2048xf32, #tpu.memory_space<hbm>>
      tpu.enqueue_indirect_dma source(%dma_start3A_103 : memref<4096x2048xf32, #tpu.memory_space<hbm>>) target(%dma_start3A_100 : memref<32x2048xf32, #tpu.memory_space<vmem>>) offsets(%arg14 : memref<32xi32, #tpu.memory_space<vmem>>) semaphore(%arg17 : memref<!tpu.dma_semaphore, #tpu.memory_space<semaphore_mem>>)
      %dma_wait3A_104 = arith.constant 0 : i32
      %dma_wait3A_105 = arith.constant 0 : i32
      %dma_wait3A_106 = tpu.memref_slice %arg13[%dma_wait3A_104, %dma_wait3A_105] : memref<40x2048xf32, #tpu.memory_space<vmem>> -> memref<32x2048xf32, #tpu.memory_space<vmem>>
      %dma_wait3A_107 = arith.constant 0 : i32
      %dma_wait3A_108 = arith.constant 0 : i32
      %dma_wait3A_109 = tpu.memref_slice %arg4[%dma_wait3A_107, %dma_wait3A_108] : memref<4096x2048xf32, #tpu.memory_space<hbm>> -> memref<4096x2048xf32, #tpu.memory_space<hbm>>
      tpu.wait_indirect_dma semaphore(%arg17 : memref<!tpu.dma_semaphore, #tpu.memory_space<semaphore_mem>>) src(%dma_wait3A_109 : memref<4096x2048xf32, #tpu.memory_space<hbm>>) dst(%dma_wait3A_106 : memref<32x2048xf32, #tpu.memory_space<vmem>>)
      %dma_start3A_110 = arith.constant 0 : i32
      %dma_start3A_111 = arith.constant 0 : i32
      %dma_start3A_112 = tpu.memref_slice %arg13[%dma_start3A_110, %dma_start3A_111] : memref<40x2048xf32, #tpu.memory_space<vmem>> -> memref<32x2048xf32, #tpu.memory_space<vmem>>
      %dma_start3A_113 = arith.constant 0 : i32
      %dma_start3A_114 = arith.constant 0 : i32
      %dma_start3A_115 = tpu.memref_slice %arg10[%dma_start3A_113, %dma_start3A_114] : memref<32768x2048xf32, #tpu.memory_space<hbm>> -> memref<32768x2048xf32, #tpu.memory_space<hbm>>
      tpu.enqueue_indirect_dma source(%dma_start3A_112 : memref<32x2048xf32, #tpu.memory_space<vmem>>) target(%dma_start3A_115 : memref<32768x2048xf32, #tpu.memory_space<hbm>>) offsets(%arg15 : memref<32xi32, #tpu.memory_space<vmem>>) semaphore(%arg17 : memref<!tpu.dma_semaphore, #tpu.memory_space<semaphore_mem>>)
      %dma_wait3A_116 = arith.constant 0 : i32
      %dma_wait3A_117 = arith.constant 0 : i32
      %dma_wait3A_118 = tpu.memref_slice %arg13[%dma_wait3A_116, %dma_wait3A_117] : memref<40x2048xf32, #tpu.memory_space<vmem>> -> memref<32x2048xf32, #tpu.memory_space<vmem>>
      %dma_wait3A_119 = arith.constant 0 : i32
      %dma_wait3A_120 = arith.constant 0 : i32
      %dma_wait3A_121 = tpu.memref_slice %arg10[%dma_wait3A_119, %dma_wait3A_120] : memref<32768x2048xf32, #tpu.memory_space<hbm>> -> memref<32768x2048xf32, #tpu.memory_space<hbm>>
      tpu.wait_indirect_dma semaphore(%arg17 : memref<!tpu.dma_semaphore, #tpu.memory_space<semaphore_mem>>) src(%dma_wait3A_118 : memref<32x2048xf32, #tpu.memory_space<vmem>>) dst(%dma_wait3A_121 : memref<32768x2048xf32, #tpu.memory_space<hbm>>)
      %dma_start3A_122 = arith.constant 0 : i32
      %dma_start3A_123 = arith.constant 0 : i32
      %dma_start3A_124 = tpu.memref_slice %arg13[%dma_start3A_122, %dma_start3A_123] : memref<40x2048xf32, #tpu.memory_space<vmem>> -> memref<32x2048xf32, #tpu.memory_space<vmem>>
      %dma_start3A_125 = arith.constant 0 : i32
      %dma_start3A_126 = arith.constant 0 : i32
      %dma_start3A_127 = tpu.memref_slice %arg5[%dma_start3A_125, %dma_start3A_126] : memref<4096x2048xf32, #tpu.memory_space<hbm>> -> memref<4096x2048xf32, #tpu.memory_space<hbm>>
      tpu.enqueue_indirect_dma source(%dma_start3A_127 : memref<4096x2048xf32, #tpu.memory_space<hbm>>) target(%dma_start3A_124 : memref<32x2048xf32, #tpu.memory_space<vmem>>) offsets(%arg14 : memref<32xi32, #tpu.memory_space<vmem>>) semaphore(%arg17 : memref<!tpu.dma_semaphore, #tpu.memory_space<semaphore_mem>>)
      %dma_wait3A_128 = arith.constant 0 : i32
      %dma_wait3A_129 = arith.constant 0 : i32
      %dma_wait3A_130 = tpu.memref_slice %arg13[%dma_wait3A_128, %dma_wait3A_129] : memref<40x2048xf32, #tpu.memory_space<vmem>> -> memref<32x2048xf32, #tpu.memory_space<vmem>>
      %dma_wait3A_131 = arith.constant 0 : i32
      %dma_wait3A_132 = arith.constant 0 : i32
      %dma_wait3A_133 = tpu.memref_slice %arg5[%dma_wait3A_131, %dma_wait3A_132] : memref<4096x2048xf32, #tpu.memory_space<hbm>> -> memref<4096x2048xf32, #tpu.memory_space<hbm>>
      tpu.wait_indirect_dma semaphore(%arg17 : memref<!tpu.dma_semaphore, #tpu.memory_space<semaphore_mem>>) src(%dma_wait3A_133 : memref<4096x2048xf32, #tpu.memory_space<hbm>>) dst(%dma_wait3A_130 : memref<32x2048xf32, #tpu.memory_space<vmem>>)
      %dma_start3A_134 = arith.constant 0 : i32
      %dma_start3A_135 = arith.constant 0 : i32
      %dma_start3A_136 = tpu.memref_slice %arg13[%dma_start3A_134, %dma_start3A_135] : memref<40x2048xf32, #tpu.memory_space<vmem>> -> memref<32x2048xf32, #tpu.memory_space<vmem>>
      %dma_start3A_137 = arith.constant 0 : i32
      %dma_start3A_138 = arith.constant 0 : i32
      %dma_start3A_139 = tpu.memref_slice %arg11[%dma_start3A_137, %dma_start3A_138] : memref<32768x2048xf32, #tpu.memory_space<hbm>> -> memref<32768x2048xf32, #tpu.memory_space<hbm>>
      tpu.enqueue_indirect_dma source(%dma_start3A_136 : memref<32x2048xf32, #tpu.memory_space<vmem>>) target(%dma_start3A_139 : memref<32768x2048xf32, #tpu.memory_space<hbm>>) offsets(%arg15 : memref<32xi32, #tpu.memory_space<vmem>>) semaphore(%arg17 : memref<!tpu.dma_semaphore, #tpu.memory_space<semaphore_mem>>)
      %dma_wait3A_140 = arith.constant 0 : i32
      %dma_wait3A_141 = arith.constant 0 : i32
      %dma_wait3A_142 = tpu.memref_slice %arg13[%dma_wait3A_140, %dma_wait3A_141] : memref<40x2048xf32, #tpu.memory_space<vmem>> -> memref<32x2048xf32, #tpu.memory_space<vmem>>
      %dma_wait3A_143 = arith.constant 0 : i32
      %dma_wait3A_144 = arith.constant 0 : i32
      %dma_wait3A_145 = tpu.memref_slice %arg11[%dma_wait3A_143, %dma_wait3A_144] : memref<32768x2048xf32, #tpu.memory_space<hbm>> -> memref<32768x2048xf32, #tpu.memory_space<hbm>>
      tpu.wait_indirect_dma semaphore(%arg17 : memref<!tpu.dma_semaphore, #tpu.memory_space<semaphore_mem>>) src(%dma_wait3A_142 : memref<32x2048xf32, #tpu.memory_space<vmem>>) dst(%dma_wait3A_145 : memref<32768x2048xf32, #tpu.memory_space<hbm>>)
    }
    %while3A_91 = arith.constant 1 : i32
    scf.for %while3A_92 = %while3A_89 to %while3A_85 step %while3A_91  : i32 {
      %mul3A_93 = arith.constant 8 : i32
      %mul3A_94 = arith.muli %add3A, %mul3A_93 : i32
      %add3A_95 = arith.addi %mul3A_94, %while3A_92 : i32
      %mul3A_96 = arith.constant 32 : i32
      %mul3A_97 = arith.muli %add3A_95, %mul3A_96 : i32
      "tpu.region"() ({
        %run_scoped3A = tpu.sem_alloc : memref<!tpu.dma_semaphore, #tpu.memory_space<semaphore_mem>>
        %dma_start3A_146 = tpu.memref_slice %arg7[%mul3A_97] : memref<8192xi32, #tpu.memory_space<hbm>> -> memref<32xi32, #tpu.memory_space<hbm>>
        %dma_start3A_147 = tpu.memref_slice %arg7[%mul3A_97] : memref<8192xi32, #tpu.memory_space<hbm>> -> memref<32xi32, #tpu.memory_space<hbm>>
        tpu.enqueue_dma source(%dma_start3A_147 : memref<32xi32, #tpu.memory_space<hbm>>) target(%arg14 : memref<32xi32, #tpu.memory_space<vmem>>) target_semaphore(%run_scoped3A : memref<!tpu.dma_semaphore, #tpu.memory_space<semaphore_mem>>)
        %dma_wait3A_148 = tpu.memref_slice %arg7[%mul3A_97] : memref<8192xi32, #tpu.memory_space<hbm>> -> memref<32xi32, #tpu.memory_space<hbm>>
        %dma_wait3A_149 = tpu.memref_slice %arg7[%mul3A_97] : memref<8192xi32, #tpu.memory_space<hbm>> -> memref<32xi32, #tpu.memory_space<hbm>>
        tpu.wait_dma2 semaphore(%run_scoped3A : memref<!tpu.dma_semaphore, #tpu.memory_space<semaphore_mem>>) src(%dma_wait3A_149 : memref<32xi32, #tpu.memory_space<hbm>>) dst(%arg14 : memref<32xi32, #tpu.memory_space<vmem>>)
        tpu.yield
      }) : () -> ()
      "tpu.region"() ({
        %run_scoped3A = tpu.sem_alloc : memref<!tpu.dma_semaphore, #tpu.memory_space<semaphore_mem>>
        %dma_start3A_146 = tpu.memref_slice %arg8[%mul3A_97] : memref<8192xi32, #tpu.memory_space<hbm>> -> memref<32xi32, #tpu.memory_space<hbm>>
        %dma_start3A_147 = tpu.memref_slice %arg8[%mul3A_97] : memref<8192xi32, #tpu.memory_space<hbm>> -> memref<32xi32, #tpu.memory_space<hbm>>
        tpu.enqueue_dma source(%dma_start3A_147 : memref<32xi32, #tpu.memory_space<hbm>>) target(%arg15 : memref<32xi32, #tpu.memory_space<vmem>>) target_semaphore(%run_scoped3A : memref<!tpu.dma_semaphore, #tpu.memory_space<semaphore_mem>>)
        %dma_wait3A_148 = tpu.memref_slice %arg8[%mul3A_97] : memref<8192xi32, #tpu.memory_space<hbm>> -> memref<32xi32, #tpu.memory_space<hbm>>
        %dma_wait3A_149 = tpu.memref_slice %arg8[%mul3A_97] : memref<8192xi32, #tpu.memory_space<hbm>> -> memref<32xi32, #tpu.memory_space<hbm>>
        tpu.wait_dma2 semaphore(%run_scoped3A : memref<!tpu.dma_semaphore, #tpu.memory_space<semaphore_mem>>) src(%dma_wait3A_149 : memref<32xi32, #tpu.memory_space<hbm>>) dst(%arg15 : memref<32xi32, #tpu.memory_space<vmem>>)
        tpu.yield
      }) : () -> ()
      %dma_start3A_98 = arith.constant 0 : i32
      %dma_start3A_99 = arith.constant 0 : i32
      %dma_start3A_100 = tpu.memref_slice %arg13[%dma_start3A_98, %dma_start3A_99] : memref<40x2048xf32, #tpu.memory_space<vmem>> -> memref<32x2048xf32, #tpu.memory_space<vmem>>
      %dma_start3A_101 = arith.constant 0 : i32
      %dma_start3A_102 = arith.constant 0 : i32
      %dma_start3A_103 = tpu.memref_slice %arg4[%dma_start3A_101, %dma_start3A_102] : memref<4096x2048xf32, #tpu.memory_space<hbm>> -> memref<4096x2048xf32, #tpu.memory_space<hbm>>
      tpu.enqueue_indirect_dma source(%dma_start3A_103 : memref<4096x2048xf32, #tpu.memory_space<hbm>>) target(%dma_start3A_100 : memref<32x2048xf32, #tpu.memory_space<vmem>>) offsets(%arg14 : memref<32xi32, #tpu.memory_space<vmem>>) semaphore(%arg17 : memref<!tpu.dma_semaphore, #tpu.memory_space<semaphore_mem>>)
      %dma_wait3A_104 = arith.constant 0 : i32
      %dma_wait3A_105 = arith.constant 0 : i32
      %dma_wait3A_106 = tpu.memref_slice %arg13[%dma_wait3A_104, %dma_wait3A_105] : memref<40x2048xf32, #tpu.memory_space<vmem>> -> memref<32x2048xf32, #tpu.memory_space<vmem>>
      %dma_wait3A_107 = arith.constant 0 : i32
      %dma_wait3A_108 = arith.constant 0 : i32
      %dma_wait3A_109 = tpu.memref_slice %arg4[%dma_wait3A_107, %dma_wait3A_108] : memref<4096x2048xf32, #tpu.memory_space<hbm>> -> memref<4096x2048xf32, #tpu.memory_space<hbm>>
      tpu.wait_indirect_dma semaphore(%arg17 : memref<!tpu.dma_semaphore, #tpu.memory_space<semaphore_mem>>) src(%dma_wait3A_109 : memref<4096x2048xf32, #tpu.memory_space<hbm>>) dst(%dma_wait3A_106 : memref<32x2048xf32, #tpu.memory_space<vmem>>)
      %dma_start3A_110 = arith.constant 0 : i32
      %dma_start3A_111 = arith.constant 0 : i32
      %dma_start3A_112 = tpu.memref_slice %arg13[%dma_start3A_110, %dma_start3A_111] : memref<40x2048xf32, #tpu.memory_space<vmem>> -> memref<32x2048xf32, #tpu.memory_space<vmem>>
      %dma_start3A_113 = arith.constant 0 : i32
      %dma_start3A_114 = arith.constant 0 : i32
      %dma_start3A_115 = tpu.memref_slice %arg10[%dma_start3A_113, %dma_start3A_114] : memref<32768x2048xf32, #tpu.memory_space<hbm>> -> memref<32768x2048xf32, #tpu.memory_space<hbm>>
      tpu.enqueue_indirect_dma source(%dma_start3A_112 : memref<32x2048xf32, #tpu.memory_space<vmem>>) target(%dma_start3A_115 : memref<32768x2048xf32, #tpu.memory_space<hbm>>) offsets(%arg15 : memref<32xi32, #tpu.memory_space<vmem>>) semaphore(%arg17 : memref<!tpu.dma_semaphore, #tpu.memory_space<semaphore_mem>>)
      %dma_wait3A_116 = arith.constant 0 : i32
      %dma_wait3A_117 = arith.constant 0 : i32
      %dma_wait3A_118 = tpu.memref_slice %arg13[%dma_wait3A_116, %dma_wait3A_117] : memref<40x2048xf32, #tpu.memory_space<vmem>> -> memref<32x2048xf32, #tpu.memory_space<vmem>>
      %dma_wait3A_119 = arith.constant 0 : i32
      %dma_wait3A_120 = arith.constant 0 : i32
      %dma_wait3A_121 = tpu.memref_slice %arg10[%dma_wait3A_119, %dma_wait3A_120] : memref<32768x2048xf32, #tpu.memory_space<hbm>> -> memref<32768x2048xf32, #tpu.memory_space<hbm>>
      tpu.wait_indirect_dma semaphore(%arg17 : memref<!tpu.dma_semaphore, #tpu.memory_space<semaphore_mem>>) src(%dma_wait3A_118 : memref<32x2048xf32, #tpu.memory_space<vmem>>) dst(%dma_wait3A_121 : memref<32768x2048xf32, #tpu.memory_space<hbm>>)
      %dma_start3A_122 = arith.constant 0 : i32
      %dma_start3A_123 = arith.constant 0 : i32
      %dma_start3A_124 = tpu.memref_slice %arg13[%dma_start3A_122, %dma_start3A_123] : memref<40x2048xf32, #tpu.memory_space<vmem>> -> memref<32x2048xf32, #tpu.memory_space<vmem>>
      %dma_start3A_125 = arith.constant 0 : i32
      %dma_start3A_126 = arith.constant 0 : i32
      %dma_start3A_127 = tpu.memref_slice %arg5[%dma_start3A_125, %dma_start3A_126] : memref<4096x2048xf32, #tpu.memory_space<hbm>> -> memref<4096x2048xf32, #tpu.memory_space<hbm>>
      tpu.enqueue_indirect_dma source(%dma_start3A_127 : memref<4096x2048xf32, #tpu.memory_space<hbm>>) target(%dma_start3A_124 : memref<32x2048xf32, #tpu.memory_space<vmem>>) offsets(%arg14 : memref<32xi32, #tpu.memory_space<vmem>>) semaphore(%arg17 : memref<!tpu.dma_semaphore, #tpu.memory_space<semaphore_mem>>)
      %dma_wait3A_128 = arith.constant 0 : i32
      %dma_wait3A_129 = arith.constant 0 : i32
      %dma_wait3A_130 = tpu.memref_slice %arg13[%dma_wait3A_128, %dma_wait3A_129] : memref<40x2048xf32, #tpu.memory_space<vmem>> -> memref<32x2048xf32, #tpu.memory_space<vmem>>
      %dma_wait3A_131 = arith.constant 0 : i32
      %dma_wait3A_132 = arith.constant 0 : i32
      %dma_wait3A_133 = tpu.memref_slice %arg5[%dma_wait3A_131, %dma_wait3A_132] : memref<4096x2048xf32, #tpu.memory_space<hbm>> -> memref<4096x2048xf32, #tpu.memory_space<hbm>>
      tpu.wait_indirect_dma semaphore(%arg17 : memref<!tpu.dma_semaphore, #tpu.memory_space<semaphore_mem>>) src(%dma_wait3A_133 : memref<4096x2048xf32, #tpu.memory_space<hbm>>) dst(%dma_wait3A_130 : memref<32x2048xf32, #tpu.memory_space<vmem>>)
      %dma_start3A_134 = arith.constant 0 : i32
      %dma_start3A_135 = arith.constant 0 : i32
      %dma_start3A_136 = tpu.memref_slice %arg13[%dma_start3A_134, %dma_start3A_135] : memref<40x2048xf32, #tpu.memory_space<vmem>> -> memref<32x2048xf32, #tpu.memory_space<vmem>>
      %dma_start3A_137 = arith.constant 0 : i32
      %dma_start3A_138 = arith.constant 0 : i32
      %dma_start3A_139 = tpu.memref_slice %arg11[%dma_start3A_137, %dma_start3A_138] : memref<32768x2048xf32, #tpu.memory_space<hbm>> -> memref<32768x2048xf32, #tpu.memory_space<hbm>>
      tpu.enqueue_indirect_dma source(%dma_start3A_136 : memref<32x2048xf32, #tpu.memory_space<vmem>>) target(%dma_start3A_139 : memref<32768x2048xf32, #tpu.memory_space<hbm>>) offsets(%arg15 : memref<32xi32, #tpu.memory_space<vmem>>) semaphore(%arg17 : memref<!tpu.dma_semaphore, #tpu.memory_space<semaphore_mem>>)
      %dma_wait3A_140 = arith.constant 0 : i32
      %dma_wait3A_141 = arith.constant 0 : i32
      %dma_wait3A_142 = tpu.memref_slice %arg13[%dma_wait3A_140, %dma_wait3A_141] : memref<40x2048xf32, #tpu.memory_space<vmem>> -> memref<32x2048xf32, #tpu.memory_space<vmem>>
      %dma_wait3A_143 = arith.constant 0 : i32
      %dma_wait3A_144 = arith.constant 0 : i32
      %dma_wait3A_145 = tpu.memref_slice %arg11[%dma_wait3A_143, %dma_wait3A_144] : memref<32768x2048xf32, #tpu.memory_space<hbm>> -> memref<32768x2048xf32, #tpu.memory_space<hbm>>
      tpu.wait_indirect_dma semaphore(%arg17 : memref<!tpu.dma_semaphore, #tpu.memory_space<semaphore_mem>>) src(%dma_wait3A_142 : memref<32x2048xf32, #tpu.memory_space<vmem>>) dst(%dma_wait3A_145 : memref<32768x2048xf32, #tpu.memory_space<hbm>>)
    }
    return
  }
}

module attributes {stable_mosaic.version = 14 : i64} {
  func.func @body(%arg0: i32, %arg1: memref<32768x2048xf32, #tpu.memory_space<any>>, %arg2: memref<32768x2048xf32, #tpu.memory_space<any>>, %arg3: memref<256x2048xf32, #tpu.memory_space<vmem>>, %arg4: memref<256x2048xf32, #tpu.memory_space<vmem>>) attributes {dimension_semantics = [#tpu.dimension_semantics<arbitrary>], iteration_bounds = array<i64: 103>, scalar_prefetch = 0 : i64, scratch_operands = 0 : i64, tpu.core_type = #tpu.core_type<tc>, window_params = [{}, {}, {transform_indices = @transform_2, window_bounds = array<i64: 256, 2048>}, {transform_indices = @transform_3, window_bounds = array<i64: 256, 2048>}]} {
    %broadcast_in_dim3A = arith.constant 0.000000e+00 : f32
    %broadcast_in_dim3A_0 = vector.broadcast %broadcast_in_dim3A : f32 to vector<256x2048xf32>
    %swap3A = arith.constant 0 : index
    %swap3A_1 = arith.constant 0 : index
    %swap3A_2 = vector.load %arg3[%swap3A, %swap3A_1] : memref<256x2048xf32, #tpu.memory_space<vmem>>, vector<256x2048xf32>
    tpu.vector_store %arg3[%swap3A, %swap3A_1], %broadcast_in_dim3A_0 {strides = array<i32>} : memref<256x2048xf32, #tpu.memory_space<vmem>>, vector<256x2048xf32>,
    %broadcast_in_dim3A_3 = arith.constant 0.000000e+00 : f32
    %broadcast_in_dim3A_4 = vector.broadcast %broadcast_in_dim3A_3 : f32 to vector<256x2048xf32>
    %swap3A_5 = arith.constant 0 : index
    %swap3A_6 = arith.constant 0 : index
    %swap3A_7 = vector.load %arg4[%swap3A_5, %swap3A_6] : memref<256x2048xf32, #tpu.memory_space<vmem>>, vector<256x2048xf32>
    tpu.vector_store %arg4[%swap3A_5, %swap3A_6], %broadcast_in_dim3A_4 {strides = array<i32>} : memref<256x2048xf32, #tpu.memory_space<vmem>>, vector<256x2048xf32>,
    return
  }
  func.func @transform_2(%arg0: i32) -> (i32, i32) {
    %add3A = arith.constant 25 : i32
    %add3A_0 = arith.addi %add3A, %arg0 : i32
    %c0_i32 = arith.constant 0 : i32
    %c0_i32_1 = arith.constant 0 : i32
    return %add3A_0, %c0_i32 : i32, i32
  }
  func.func @transform_3(%arg0: i32) -> (i32, i32) {
    %add3A = arith.constant 25 : i32
    %add3A_0 = arith.addi %add3A, %arg0 : i32
    %c0_i32 = arith.constant 0 : i32
    %c0_i32_1 = arith.constant 0 : i32
    return %add3A_0, %c0_i32 : i32, i32
  }
}

</mosaic_0001>

<sc_bundles>
// kernel: gather_offload_async_start.1
scs
__scs_entry_jumppad:
0x0: {  	(pc) =	sbr.rel $0x88, $3  }
0x1: {  	(tag) =	ssettag $0x0;
	lr =	simm.s32 $0x1  }
0x2: {  	[smem:$0x3F9B] =	sst lr;
	_ =	strace $0xD0000000  }
0x3: {  	_ = 	snop  }
0x4: {  	_ = 	snop  }
0x5: {  	_ = 	snop  }
0x6: {  	_ = 	snop  }
0x7: {  	_ = 	snop  }
__scs_overlays_trampoline_lowered:
0x8: {  	[smem:$0x3FAA] =	sst s0  }
0x9: {  	[smem:$0x3FAB] =	sst s1  }
0xa: {  	[smem:$0x3FAC] =	sst s2  }
0xb: {  	[smem:$0x3FAD] =	sst s3  }
0xc: {  	[smem:$0x3FAE] =	sst s4  }
0xd: {  	[smem:$0x3FAF] =	sst s5  }
0xe: {  	[smem:$0x3FB0] =	sst s6  }
0xf: {  	[smem:$0x3FB1] =	sst s7  }
0x10: {  	[smem:$0x3FB2] =	sst s8  }
0x11: {  	[smem:$0x3FB3] =	sst s9;
	s0 =	simm.s32 @!p0 $0x0  }
0x12: {  	s1 =	sld [smem:$0x3F99];
	s0 =	simm.s32 @p0 $0x1  }
0x13: {  	[smem:$0x3FB4] =	sst s0;
	s0 =	simm.s32 @!p1 $0x0  }
0x14: {  	s2 =	sld [smem:$0x3F98];
	s0 =	simm.s32 @p1 $0x1  }
0x15: {  	[smem:$0x3FB5] =	sst s0;
	s0 =	simm.s32 @!p2 $0x0  }
0x16: {  	s3 =	sld [smem:$0x3FDB];
	s0 =	simm.s32 @p2 $0x1  }
0x17: {  	s4 =	simm.s32 $0x1BF5;
	[smem:$0x3FB7] =	sst s0  }
0x18: {  	s0 =	sld [smem:$0x3F9A];
	_ =	swait.ge [sflag:s4], $0x0  }
0x19: {  	s7 =	sld [smem:$0x3F9B]  }
0x1a: {  	s8 =	sadd.s32 $0xFFFFE003, lr  }
0x1b: {  	s9 =	sadd.s32 $0xFFFFFEF7, lr;
	s5 =	simm.s32 $0xFFFFFFFF;
	p2 =	slt.u32 s8, $0xFFFFF086  }
0x1c: {  	p1 =	slt.u32 s9, $0xF7A;
	s5 =	simm.s32 @!p2 $0x0  }
0x1d: {  	s5 =	simm.s32 @p1 $0x1;
	p0 =	seq.s32 s7, s2  }
0x1e: {  	s7 =	smul.u32 @!p0 $0xF7A, s2;
	p2 =	seq.s32 @!p0 s5, $0x0  }
0x1f: {  	s9 =	smul.u32 $0xF7A, s1;
	s8 =	simm.s32 @!p0 $0x1BF5;
	p2 =	por !p2, p0  }
0x20: {  	[sflag:s8] =	ssyncset.s32 @!p0 $0xFFFFF086;
	s6 =	sadd.s32 @!p0 s3, s7;
	s7 =	simm.s32 @!p0 $0x108  }
0x21: {  	s3 =	sadd.s32 s3, s9;
	s6 =	sadd.s32 @!p0 $0x88, s6;
	s7 =	simm.s32 @p2 $0x1082  }
0x22: {  	[simem:s7], [sflag:s8] =	dma.local @!p0 [hbm:s6], $0xF7A  }
0x23: {  	s9 =	sor.u32 $0xD0000000, s2;
	s6 =	simm.s32 $0x108;
	_ =	swait.ge @!p0 [sflag:s8], $0x0  }
0x24: {  	s3 =	sadd.s32 $0x88, s3;
	s6 =	simm.s32 @!p1 $0x1082;
	[sflag:s4] =	ssyncset.s32 $0xFFFFF086  }
0x25: {  	[simem:s6], [sflag:s4] =	dma.local [hbm:s3], $0xF7A  }
0x26: {  	[smem:$0x3F9B] =	sst s1;
	(tag) =	ssettag s2;
	_ =	strace s9  }
0x27: {  	s1 =	sld [smem:$0x3FAB]  }
0x28: {  	s2 =	sld [smem:$0x3FAC]  }
0x29: {  	s4 =	sld [smem:$0x3FAE]  }
0x2a: {  	p0 =	seq.s32 s5, $0x0;
	s5 =	sld [smem:$0x3FAF]  }
0x2b: {  	s6 =	sld [smem:$0x3FB0]  }
0x2c: {  	s7 =	sld [smem:$0x3FB1]  }
0x2d: {  	s3 =	simm.s32 $0x108;
	s8 =	sld [smem:$0x3FB2]  }
0x2e: {  	s3 =	simm.s32 @!p0 $0x1082;
	s9 =	sld [smem:$0x3FB3]  }
0x2f: {  	lr =	sadd.s32 s0, s3;
	s0 =	sld [smem:$0x3FAA]  }
0x30: {  	s3 =	sld [smem:$0x3FAD]  }
0x31: {  	[smem:$0x3FB6] =	sst s10  }
0x32: {  	s10 =	sld [smem:$0x3FB4];
	_ =	sdelay $0x3  }
0x33: {  	p0 =	seq.s32 s10, $0x1;
	s10 =	sld [smem:$0x3FB6];
	_ =	sdelay $0x3  }
0x34: {  	[smem:$0x3FB6] =	sst s10  }
0x35: {  	s10 =	sld [smem:$0x3FB5];
	_ =	sdelay $0x3  }
0x36: {  	p1 =	seq.s32 s10, $0x1;
	s10 =	sld [smem:$0x3FB6];
	_ =	sdelay $0x3  }
0x37: {  	[smem:$0x3FB6] =	sst s10  }
0x38: {  	s10 =	sld [smem:$0x3FB7]  }
0x39: {  	_ = 	snop;
	(pc) =	sbr.ind lr, $3  }
0x3a: {  	_ = 	snop  }
0x3b: {  	_ = 	snop  }
0x3c: {  	p2 =	seq.s32 s10, $0x1;
	s10 =	sld [smem:$0x3FB6]  }
0x3d: {  	_ =	shalt  }
0x3e: {  	_ =	shalt  }
0x3f: {  	_ =	shalt  }
0x40: {  	_ =	shalt  }
0x41: {  	_ =	shalt  }
0x42: {  	_ =	shalt  }
0x43: {  	_ =	shalt  }
0x44: {  	_ =	shalt  }
0x45: {  	_ =	shalt  }
0x46: {  	_ =	shalt  }
0x47: {  	_ =	shalt  }
0x48: {  	_ =	shalt  }
0x49: {  	_ =	shalt  }
0x4a: {  	_ =	shalt  }
0x4b: {  	_ =	shalt  }
0x4c: {  	_ =	shalt  }
0x4d: {  	_ =	shalt  }
0x4e: {  	_ =	shalt  }
0x4f: {  	_ =	shalt  }
0x50: {  	_ =	shalt  }
0x51: {  	_ =	shalt  }
0x52: {  	_ =	shalt  }
0x53: {  	_ =	shalt  }
0x54: {  	_ =	shalt  }
0x55: {  	_ =	shalt  }
0x56: {  	_ =	shalt  }
0x57: {  	_ =	shalt  }
0x58: {  	_ =	shalt  }
0x59: {  	_ =	shalt  }
0x5a: {  	_ =	shalt  }
0x5b: {  	_ =	shalt  }
0x5c: {  	_ =	shalt  }
0x5d: {  	_ =	shalt  }
0x5e: {  	_ =	shalt  }
0x5f: {  	_ =	shalt  }
0x60: {  	_ =	shalt  }
0x61: {  	_ =	shalt  }
0x62: {  	_ =	shalt  }
0x63: {  	_ =	shalt  }
0x64: {  	_ =	shalt  }
0x65: {  	_ =	shalt  }
0x66: {  	_ =	shalt  }
0x67: {  	_ =	shalt  }
0x68: {  	_ =	shalt  }
0x69: {  	_ =	shalt  }
0x6a: {  	_ =	shalt  }
0x6b: {  	_ =	shalt  }
0x6c: {  	_ =	shalt  }
0x6d: {  	_ =	shalt  }
0x6e: {  	_ =	shalt  }
0x6f: {  	_ =	shalt  }
0x70: {  	_ =	shalt  }
0x71: {  	_ =	shalt  }
0x72: {  	_ =	shalt  }
0x73: {  	_ =	shalt  }
0x74: {  	_ =	shalt  }
0x75: {  	_ =	shalt  }
0x76: {  	_ =	shalt  }
0x77: {  	_ =	shalt  }
0x78: {  	_ =	shalt  }
0x79: {  	_ =	shalt  }
0x7a: {  	_ =	shalt  }
0x7b: {  	_ =	shalt  }
0x7c: {  	_ =	shalt  }
0x7d: {  	_ =	shalt  }
0x7e: {  	_ =	shalt  }
0x7f: {  	_ =	shalt  }
0x80: {  	_ =	shalt  }
0x81: {  	_ =	shalt  }
0x82: {  	_ =	shalt  }
0x83: {  	_ =	shalt  }
0x84: {  	_ =	shalt  }
0x85: {  	_ =	shalt  }
0x86: {  	_ =	shalt  }
0x87: {  	_ =	shalt  }
.Lfunc_end0:
.L_simem_size_0:
called_computation.3_lowered:
.L_overlay_start_0:
0x88: {  	s2 =	sld [smem:$0x3FD9]  }
0x89: {  	s3 =	sld [smem:$0x3FFE];
	_ =	sdelay $0x1  }
0x8a: {  	s1 =	srdreg.scid  }
0x8b: {  	s0 =	sand.u32 $0x1, s1  }
0x8c: {  	s14 =	sshll.u32 s0, $0xA;
	s2 =	sadd.s32 s3, s2  }
0x8d: {  	s2 =	sadd.s32 s2, s14  }
0x8e: {  	[smem:$0x3FC2] =	sst s2  }
0x8f: {  	_ = 	snop  }
0x90: {  	s2 =	sld [smem:$0x3FD0];
	_ =	sdelay $0x2  }
0x91: {  	s15 =	simm.s32 $0xB;
	s4 =	simm.s32 $0x10  }
0x92: {  	[smem:s4], [sflag:s15] =	dma.local [hbm:s2], $0x1  }
0x93: {  	_ =	swait.eq [sflag:s15], $0x1  }
0x94: {  	[sflag:s15] =	ssyncset.done $0x0  }
0x95: {  	[sflag:s15] =	ssyncadd.s32 $0xFFFFFFFF  }
0x96: {  	s16 =	sld [smem:$0x12];
	(tm) =	ssettm $0x1  }
0x97: {  	s17 =	sld [smem:$0x3FFB];
	_ =	sdelay $0x3  }
0x98: {  	_ =	strace s17  }
0x99: {  	s3 =	sld [smem:$0x3FFC];
	_ =	sdelay $0x3  }
0x9a: {  	_ =	strace s3  }
0x9b: {  	s3 =	sld [smem:$0x3FFD];
	_ =	sdelay $0x3  }
0x9c: {  	_ =	strace s3  }
0x9d: {  	_ =	strace $0x8FFFFFFF  }
0x9e: {  	s18 =	sld [smem:$0x3FDB];
	_ =	sdelay $0x1  }
0x9f: {  	s19 =	simm.s32 $_scs_section_size  }
0xa0: {  	s5 =	simm.s32 $_size__tile_overlayer_lowered;
	s6 =	simm.s32 $_tile_overlayer_lowered  }
0xa1: {  	s22 =	simm.s32 $0x1BFF;
	s21 =	sshll.u32 s6, $0x1;
	s3 =	sadd.s32 s19, s18  }
0xa2: {  	s7 =	simm.s32 $0x0;
	s20 =	sshll.u32 s5, $0x1;
	s5 =	sadd.s32 s21, s3  }
0xa3: {  	[timem:s7], [sflag:s22] =	dma.local [hbm:s5], s20  }
0xa4: {  	_ =	swait.ge [sflag:s22], s20  }
0xa5: {  	s4 =	ssub.s32 $0x0, s20;
	[sflag:s22] =	ssyncset.done $0x0  }
0xa6: {  	[sflag:s22] =	ssyncadd.s32 s4;
	_ =	sdelay $0x1  }
0xa7: {  	s23 =	simm.s32 $0x1B8B  }
0xa8: {  	_ =	swait.ge [sflag:s23], $0x1  }
0xa9: {  	[sflag:s23] =	ssyncset.done $0x0  }
0xaa: {  	s25 =	simm.s32 $0x1B8E;
	s24 =	sld [smem:$0x3FFE];
	[sflag:s23] =	ssyncadd.s32 $0xFFFFFFFF  }
0xab: {  	s26 =	simm.s32 $execute0_lowered;
	[smem:$0x3FD2] =	sst s25  }
0xac: {  	s5 =	sshll.u32 s26, $0x1;
	_ =	strace $0x8000004F;
	[dreg:$0x1] =	wrdreg $0xFFFFFFFF  }
0xad: {  	s28 =	simm.s32 $_size_execute0_lowered;
	s3 =	sadd.s32 s3, s5;
	[dreg:$0x0] =	wrdreg $0x0  }
0xae: {  	s5 =	sshll.u32 s28, $0x1;
	[dreg:$0x2] =	wrdreg s3  }
0xaf: {  	[dreg:$0x3] =	wrdreg s5  }
0xb0: {  	[dreg:$0x4] =	wrdreg $0xC0  }
0xb1: {  	_ =	task [dreg:s7], $0x5FFFF  }
0xb2: {  	[dreg:$0x1] =	wrdreg $0xFFFFFFFF  }
0xb3: {  	[dreg:$0x0] =	wrdreg $0x60  }
0xb4: {  	[dreg:$0x2] =	wrdreg s16  }
0xb5: {  	[dreg:$0x3] =	wrdreg s24  }
0xb6: {  	[dreg:$0x4] =	wrdreg $0x9  }
0xb7: {  	_ =	task.clear_ibuf [dreg:s7], $0x5FFFF;
	_ =	strace $0x9000004F  }
0xb8: {  	s29 =	simm.s32 $0x9;
	_ =	strace $0x80000051  }
0xb9: {  	_ =	swait.ge [sflag:s29], $0x1  }
0xba: {  	[sflag:s29] =	ssyncadd.s32 $0xFFFFFFFF  }
0xbb: {  	_ =	strace $0x90000051  }
0xbc: {  	_ =	sfence  }
0xbd: {  	s30 =	sld [smem:$0x0];
	_ =	sdelay $0x2  }
0xbe: {  	s31 =	sshll.u32 s1, $0xD;
	s1 =	sshrl.u32 s1, $0x2  }
0xbf: {  	s3 =	sand.u32 $0x4000, s31;
	s1 =	sadd.s32 s1, s30  }
0xc0: {  	s0 =	sor.u32 s3, s0;
	s1 =	sshll.u32 s1, $0x11  }
0xc1: {  	s0 =	sor.u32 s1, s0  }
0xc2: {  	s0 =	sadd.s32 $0x8F2B, s0  }
0xc3: {  	[sflag:s0] =	ssyncadd.remote.s32 $0x1  }
0xc4: {  	_ =	sfence.sel $0xFFFF  }
0xc5: {  	[dreg:$0x0] =	wrdreg $0xFFFFFFFF;
	(pc) =	sbr.abs _section_cstart, $3  }
0xc6: {  	[dreg:$0x1] =	wrdreg $0xFFFFFFFF  }
0xc7: {  	_ =	task.clear_ibuf [dreg:s7], $0x2FFFF;
	_ =	strace $0x9FFFFFFF  }
0xc8: {  	(tm) =	ssettm $0x7FFFFFFF  }
0xc9: {  	_ =	shalt  }
tec
execute0_lowered:
.L_overlay_start_1:
0x0: {  	(tag) =	ssettag $0x1  }
0x1: {  	s1 =	srdreg.scid;
	s2 =	rddreg [dreg:$0x0]  }
0x2: {  	s0 =	stileid.u32;
	s5 =	rddreg [dreg:$0x1];
	s6 =	simm.s32 $0x1  }
0x3: {  	s9 =	simm.s32 $0x1;
	s10 =	simm.s32 $0x3;
	s1 =	sshll.u32 s1, $0x6  }
0x4: {  	s13 =	simm.s32 $0x0;
	s3 =	sshll.u32 s0, $0x7;
	s4 =	sand.u32 $0x40, s1  }
0x5: {  	s12 =	simm.s32 $0x0;
	s1 =	rddreg [dreg:$0x2];
	s3 =	sor.u32 s3, s4  }
0x6: {  	_ =	strace $0x80000050;
	s4 =	sadd.s32 $0x1000, s5;
	s8 =	ssub.s32 $0x1000, s3  }
.Ltmp0:
0x7: {  	s5 =	sadd.s32 $0xE00, s5;
	s7 =	sand.u32 $0x7C0, s8;
	(pc) =	sbr.rel .LBB2_1-.Ltmp0, $4  }
0x8: {  	[sflag:s6] =	ssyncpa.u1 $0x0;
	s11 =	smov.u32 s3;
	p0 =	sne.s32 s7, $0x0  }
0x9: {  	s8 =	sshrl.u32 s8, $0xB;
	s7 =	simm.s32 $0x2;
	s9 =	simm.s32 @!p0 $0x0  }
0xa: {  	[sflag:s7] =	ssyncpa.u1 $0x0;
	p0 =	por $0x0, $0x0;
	s8 =	sadd.s32 s9, s8  }
0xb: {  	vm0 =	vmmov $0xffff;
	[sflag:s10] =	ssyncpa.u1 $0x0;
	s10 =	simm.s32 $0x0;
	s9 =	sadd.s32 $0x1, s8  }
.LBB2_4:
0xc: {  	v2 =	vnsel vm1, $0x0, v2  }
0xd: {  	vm1 =	vgt.s32 v0, $0x0;
	v2 =	vmin.u32 v2, $0xFFF  }
0xe: {  	v0 =	vnsel vm1, $0x0, v0  }
0xf: {  	v0 =	vmin.u32 v0, $0xFFF  }
0x10: {  	[tilespmem:s15], [sflag:$0x1] =	stream.indirect_vreg.gather [hbm4b:s2+s10], $0x1, v1, vm0, $0x4038;
	[tilespmem:$0x100] =	vst v63  }
0x11: {  	(ifvalue) =	ssetifvalue $0x7FFFFFFF  }
0x12: {  	[tilespmem:s16], [sflag:$0x1] =	stream.indirect_vreg.gather [hbm4b:s2+s10], $0x1, v2, vm0, $0x4038;
	[tilespmem:$0x100] =	vst v63  }
0x13: {  	s29 =	sadd.s32 $0x10, s16;
	(ifvalue) =	ssetifvalue $0x7FFFFFFF  }
0x14: {  	[tilespmem:s29], [sflag:$0x1] =	stream.indirect_vreg.gather [hbm4b:s2+s10], $0x1, v0, vm0, $0x4038;
	[tilespmem:$0x100] =	vst v63  }
0x15: {  	_ =	swait.ge [sflag:s6], $0x40  }
0x16: {  	s30 =	sshrl.u32 s13, $0x3;
	[sflag:s6] =	ssyncset.done $0x0  }
0x17: {  	s31 =	sand.u32 $0x7, s13;
	s15 =	sadd.s32 s5, s30;
	[sflag:s6] =	ssyncadd.s32 $0xFFFFFFC0  }
0x18: {  	[hbm4b:s15+s31] =	stream.linear.scatter [tilespmem:s14], [sflag:$0x3], $0x40, $0x38;
	[tilespmem:$0x100] =	vst v63  }
.LBB2_5:
0x19: {  	s15 =	sadd.s32 $0x800, s11  }
0x1a: {  	p2 =	sgt.s32 s15, $0xFFF  }
0x1b: {  	s15 =	smov.u32 @p2 s3;
	p2 =	sne.s32 s12, s9  }
.Ltmp1:
0x1c: {  	p1 =	slt.u32 s12, $0x2;
	(pc) =	sbr.rel @!p2 .LBB2_6-.Ltmp1, $4  }
0x1d: {  	s14 =	simm.s32 @!p1 $0x3  }
0x1e: {  	s16 =	sadd.s32 $0x1, s12;
	_ =	swait.ge @!p1 [sflag:s14], $0x40  }
0x1f: {  	s13 =	smov.u32 s11;
	p0 =	por !p0, !p0;
	[sflag:s14] =	ssyncset.done @!p1 $0x0  }
0x20: {  	s12 =	smov.u32 s16;
	s11 =	smov.u32 s15;
	[sflag:s14] =	ssyncadd.s32 @!p1 $0xFFFFFFC0  }
.LBB2_1:
0x21: {  	p1 =	sge.u32 s12, s8  }
0x22: {  	s14 =	sxor.u32 @!p1 $0xFFFFFFFF, s12  }
0x23: {  	s31 =	sadd.s32 $0xFFFFFFFF, s12;
	s15 =	sshrl.u32 @!p1 s11, $0x3;
	s14 =	sshll.u32 @!p1 s14, $0x6  }
0x24: {  	s16 =	sand.u32 @!p1 $0x7, s11;
	s15 =	sadd.s32 @!p1 s4, s15;
	s14 =	sand.u32 @!p1 $0x40, s14  }
0x25: {  	[tilespmem:s14], [sflag:$0x2] =	stream.linear.gather @!p1 [hbm4b:s15+s16], $0x40, $0x38;
	[tilespmem:$0x100] =	vst v63  }
0x26: {  	p1 =	sge.u32 s31, s8  }
.Ltmp2:
0x27: {  	_ = 	snop;
	(pc) =	sbr.rel @p1 .LBB2_5-.Ltmp2, $1  }
0x28: {  	_ =	sdelay $0x3  }
0x29: {  	s14 =	simm.s32 $0x1  }
0x2a: {  	_ =	swait.ge [sflag:s7], $0x40;
	s14 =	simm.s32 @!p0 $0x0  }
0x2b: {  	[sflag:s7] =	ssyncset.done $0x0;
	s14 =	sshll.u32 s14, $0x6  }
0x2c: {  	[sflag:s7] =	ssyncadd.s32 $0xFFFFFFC0;
	(ifvalue) =	ssetifvalue $0x7FFFFFFF;
	v0 =	vld.msk [tilespmem:s14+$0x0 ss:$0x1], $0xffff;
	_ =	sdelay $0x4  }
0x2d: {  	s15 =	sadd.s32 $0x10, s14;
	vm1 =	vgt.s32 v0, $0x0  }
0x2e: {  	v2 =	vld.msk [tilespmem:s15+$0x0 ss:$0x1], $0xffff;
	v1 =	vnsel vm1, $0x0, v0  }
0x2f: {  	v1 =	vmin.u32 v1, $0xFFF;
	_ =	sdelay $0x1  }
0x30: {  	s16 =	sshll.u32 s12, $0x6;
	s18 =	simm.s32 $0x20  }
0x31: {  	s16 =	sand.u32 $0x40, s16;
	s17 =	sadd.s32 $0x10, s15;
	s15 =	sor.u32 $0x80, s14  }
0x32: {  	s14 =	sor.u32 $0x80, s16;
	s16 =	sadd.s32 $0x10, s15;
	v0 =	vld.msk [tilespmem:s17+$0x0 ss:$0x1], $0xffff;
	vm1 =	vgt.s32 v2, $0x0;
	(ifvalue) =	ssetifvalue $0x7FFFFFFF  }
.LBB2_3:
0x33: {  	[tilespmem:s15], [sflag:$0x1] =	stream.indirect_vreg.gather [hbm4b:s2+s10], $0x1, v1, vm0, $0x4038;
	[tilespmem:$0x100] =	vst v63  }
0x34: {  	s18 =	sadd.s32 $0x10, s18  }
0x35: {  	v2 =	vnsel vm1, $0x0, v2;
	p1 =	slt.u32 s18, $0x30  }
.Ltmp3:
0x36: {  	s15 =	smov.u32 s16;
	v1 =	vmin.u32 v2, $0xFFF;
	(pc) =	sbr.rel @p1 .LBB2_3-.Ltmp3, $3  }
0x37: {  	_ =	sdelay $0x1  }
0x38: {  	s17 =	sadd.s32 $0x10, s17  }
0x39: {  	vm1 =	vgt.s32 v0, $0x0;
	s16 =	sadd.s32 $0x10, s16;
	v2 =	vmov v0;
	(ifvalue) =	ssetifvalue $0x7FFFFFFF;
	v0 =	vld.msk [tilespmem:s17+$0x0 ss:$0x1], $0xffff  }
.Ltmp4:
0x3a: {  	_ = 	snop;
	(pc) =	sbr.rel .LBB2_4-.Ltmp4, $1  }
0x3b: {  	_ =	sdelay $0x3  }
.LBB2_6:
0x3c: {  	_ =	sfence.sel $0x180000  }
0x3d: {  	s2 =	simm.s32 $0x2;
	[bflag:$0x0] =	sbarrier.arrive $0xFFFF  }
0x3e: {  	s30 =	simm.s32 $0x3;
	[sflag:s2] =	ssyncpa.u1 $0x1  }
0x3f: {  	s31 =	simm.s32 $0x1;
	[sflag:s30] =	ssyncpa.u1 $0x1  }
0x40: {  	[sflag:s31] =	ssyncpa.u1 $0x1  }
0x41: {  	p0 =	sne.s32 s0, $0x0;
	_ =	strace $0x90000050  }
0x42: {  	s0 =	sadd.s32 @!p0 $0x100000, s1;
	[bflag:$0x2] =	sbarrier.arrive $0xFFFF  }
0x43: {  	[sflag:s0] =	ssyncadd.tile.s32 @!p0 $0x1;
	_ =	shalt  }
.Lfunc_end2:
_tile_overlayer_lowered:
.L_overlay_start_2:
0x44: {  	(tag) =	ssettag $0x2  }
0x45: {  	s0 =	rddreg [dreg:$0x0];
	s2 =	stileid.u32  }
0x46: {  	s1 =	rddreg [dreg:$0x1];
	p0 =	sne.s32 s2, $0x0  }
0x47: {  	s3 =	rddreg [dreg:$0x2];
	[bflag:$0x3] =	sbarrier.arrive $0xFFFF;
	s2 =	simm.s32 @!p0 $0x1C01  }
0x48: {  	[timem:s3], [sflag:s2] =	dma.local @!p0 [hbm:s0], s1  }
0x49: {  	s0 =	simm.s32 @!p0 $0x1  }
0x4a: {  	_ =	swait.ge @!p0 [sflag:s0], s1  }
0x4b: {  	s1 =	ssub.s32 @!p0 $0x0, s1;
	[sflag:s0] =	ssyncset.done @!p0 $0x0  }
0x4c: {  	[sflag:s0] =	ssyncadd.s32 @!p0 s1  }
0x4d: {  	[bflag:$0x3] =	sbarrier.arrive $0xFFFF  }
0x4e: {  	_ =	shalt  }

// kernel: gather_offload_async_start.2
scs
__scs_entry_jumppad:
0x0: {  	(pc) =	sbr.rel $0x88, $3  }
0x1: {  	(tag) =	ssettag $0x0;
	lr =	simm.s32 $0x1  }
0x2: {  	[smem:$0x3F9B] =	sst lr;
	_ =	strace $0xD0000000  }
0x3: {  	_ = 	snop  }
0x4: {  	_ = 	snop  }
0x5: {  	_ = 	snop  }
0x6: {  	_ = 	snop  }
0x7: {  	_ = 	snop  }
__scs_overlays_trampoline_lowered:
0x8: {  	[smem:$0x3FAA] =	sst s0  }
0x9: {  	[smem:$0x3FAB] =	sst s1  }
0xa: {  	[smem:$0x3FAC] =	sst s2  }
0xb: {  	[smem:$0x3FAD] =	sst s3  }
0xc: {  	[smem:$0x3FAE] =	sst s4  }
0xd: {  	[smem:$0x3FAF] =	sst s5  }
0xe: {  	[smem:$0x3FB0] =	sst s6  }
0xf: {  	[smem:$0x3FB1] =	sst s7  }
0x10: {  	[smem:$0x3FB2] =	sst s8  }
0x11: {  	[smem:$0x3FB3] =	sst s9;
	s0 =	simm.s32 @!p0 $0x0  }
0x12: {  	s1 =	sld [smem:$0x3F99];
	s0 =	simm.s32 @p0 $0x1  }
0x13: {  	[smem:$0x3FB4] =	sst s0;
	s0 =	simm.s32 @!p1 $0x0  }
0x14: {  	s2 =	sld [smem:$0x3F98];
	s0 =	simm.s32 @p1 $0x1  }
0x15: {  	[smem:$0x3FB5] =	sst s0;
	s0 =	simm.s32 @!p2 $0x0  }
0x16: {  	s3 =	sld [smem:$0x3FDB];
	s0 =	simm.s32 @p2 $0x1  }
0x17: {  	s4 =	simm.s32 $0x1BF5;
	[smem:$0x3FB7] =	sst s0  }
0x18: {  	s0 =	sld [smem:$0x3F9A];
	_ =	swait.ge [sflag:s4], $0x0  }
0x19: {  	s7 =	sld [smem:$0x3F9B]  }
0x1a: {  	s8 =	sadd.s32 $0xFFFFE003, lr  }
0x1b: {  	s9 =	sadd.s32 $0xFFFFFEF7, lr;
	s5 =	simm.s32 $0xFFFFFFFF;
	p2 =	slt.u32 s8, $0xFFFFF086  }
0x1c: {  	p1 =	slt.u32 s9, $0xF7A;
	s5 =	simm.s32 @!p2 $0x0  }
0x1d: {  	s5 =	simm.s32 @p1 $0x1;
	p0 =	seq.s32 s7, s2  }
0x1e: {  	s7 =	smul.u32 @!p0 $0xF7A, s2;
	p2 =	seq.s32 @!p0 s5, $0x0  }
0x1f: {  	s9 =	smul.u32 $0xF7A, s1;
	s8 =	simm.s32 @!p0 $0x1BF5;
	p2 =	por !p2, p0  }
0x20: {  	[sflag:s8] =	ssyncset.s32 @!p0 $0xFFFFF086;
	s6 =	sadd.s32 @!p0 s3, s7;
	s7 =	simm.s32 @!p0 $0x108  }
0x21: {  	s3 =	sadd.s32 s3, s9;
	s6 =	sadd.s32 @!p0 $0x88, s6;
	s7 =	simm.s32 @p2 $0x1082  }
0x22: {  	[simem:s7], [sflag:s8] =	dma.local @!p0 [hbm:s6], $0xF7A  }
0x23: {  	s9 =	sor.u32 $0xD0000000, s2;
	s6 =	simm.s32 $0x108;
	_ =	swait.ge @!p0 [sflag:s8], $0x0  }
0x24: {  	s3 =	sadd.s32 $0x88, s3;
	s6 =	simm.s32 @!p1 $0x1082;
	[sflag:s4] =	ssyncset.s32 $0xFFFFF086  }
0x25: {  	[simem:s6], [sflag:s4] =	dma.local [hbm:s3], $0xF7A  }
0x26: {  	[smem:$0x3F9B] =	sst s1;
	(tag) =	ssettag s2;
	_ =	strace s9  }
0x27: {  	s1 =	sld [smem:$0x3FAB]  }
0x28: {  	s2 =	sld [smem:$0x3FAC]  }
0x29: {  	s4 =	sld [smem:$0x3FAE]  }
0x2a: {  	p0 =	seq.s32 s5, $0x0;
	s5 =	sld [smem:$0x3FAF]  }
0x2b: {  	s6 =	sld [smem:$0x3FB0]  }
0x2c: {  	s7 =	sld [smem:$0x3FB1]  }
0x2d: {  	s3 =	simm.s32 $0x108;
	s8 =	sld [smem:$0x3FB2]  }
0x2e: {  	s3 =	simm.s32 @!p0 $0x1082;
	s9 =	sld [smem:$0x3FB3]  }
0x2f: {  	lr =	sadd.s32 s0, s3;
	s0 =	sld [smem:$0x3FAA]  }
0x30: {  	s3 =	sld [smem:$0x3FAD]  }
0x31: {  	[smem:$0x3FB6] =	sst s10  }
0x32: {  	s10 =	sld [smem:$0x3FB4];
	_ =	sdelay $0x3  }
0x33: {  	p0 =	seq.s32 s10, $0x1;
	s10 =	sld [smem:$0x3FB6];
	_ =	sdelay $0x3  }
0x34: {  	[smem:$0x3FB6] =	sst s10  }
0x35: {  	s10 =	sld [smem:$0x3FB5];
	_ =	sdelay $0x3  }
0x36: {  	p1 =	seq.s32 s10, $0x1;
	s10 =	sld [smem:$0x3FB6];
	_ =	sdelay $0x3  }
0x37: {  	[smem:$0x3FB6] =	sst s10  }
0x38: {  	s10 =	sld [smem:$0x3FB7]  }
0x39: {  	_ = 	snop;
	(pc) =	sbr.ind lr, $3  }
0x3a: {  	_ = 	snop  }
0x3b: {  	_ = 	snop  }
0x3c: {  	p2 =	seq.s32 s10, $0x1;
	s10 =	sld [smem:$0x3FB6]  }
0x3d: {  	_ =	shalt  }
0x3e: {  	_ =	shalt  }
0x3f: {  	_ =	shalt  }
0x40: {  	_ =	shalt  }
0x41: {  	_ =	shalt  }
0x42: {  	_ =	shalt  }
0x43: {  	_ =	shalt  }
0x44: {  	_ =	shalt  }
0x45: {  	_ =	shalt  }
0x46: {  	_ =	shalt  }
0x47: {  	_ =	shalt  }
0x48: {  	_ =	shalt  }
0x49: {  	_ =	shalt  }
0x4a: {  	_ =	shalt  }
0x4b: {  	_ =	shalt  }
0x4c: {  	_ =	shalt  }
0x4d: {  	_ =	shalt  }
0x4e: {  	_ =	shalt  }
0x4f: {  	_ =	shalt  }
0x50: {  	_ =	shalt  }
0x51: {  	_ =	shalt  }
0x52: {  	_ =	shalt  }
0x53: {  	_ =	shalt  }
0x54: {  	_ =	shalt  }
0x55: {  	_ =	shalt  }
0x56: {  	_ =	shalt  }
0x57: {  	_ =	shalt  }
0x58: {  	_ =	shalt  }
0x59: {  	_ =	shalt  }
0x5a: {  	_ =	shalt  }
0x5b: {  	_ =	shalt  }
0x5c: {  	_ =	shalt  }
0x5d: {  	_ =	shalt  }
0x5e: {  	_ =	shalt  }
0x5f: {  	_ =	shalt  }
0x60: {  	_ =	shalt  }
0x61: {  	_ =	shalt  }
0x62: {  	_ =	shalt  }
0x63: {  	_ =	shalt  }
0x64: {  	_ =	shalt  }
0x65: {  	_ =	shalt  }
0x66: {  	_ =	shalt  }
0x67: {  	_ =	shalt  }
0x68: {  	_ =	shalt  }
0x69: {  	_ =	shalt  }
0x6a: {  	_ =	shalt  }
0x6b: {  	_ =	shalt  }
0x6c: {  	_ =	shalt  }
0x6d: {  	_ =	shalt  }
0x6e: {  	_ =	shalt  }
0x6f: {  	_ =	shalt  }
0x70: {  	_ =	shalt  }
0x71: {  	_ =	shalt  }
0x72: {  	_ =	shalt  }
0x73: {  	_ =	shalt  }
0x74: {  	_ =	shalt  }
0x75: {  	_ =	shalt  }
0x76: {  	_ =	shalt  }
0x77: {  	_ =	shalt  }
0x78: {  	_ =	shalt  }
0x79: {  	_ =	shalt  }
0x7a: {  	_ =	shalt  }
0x7b: {  	_ =	shalt  }
0x7c: {  	_ =	shalt  }
0x7d: {  	_ =	shalt  }
0x7e: {  	_ =	shalt  }
0x7f: {  	_ =	shalt  }
0x80: {  	_ =	shalt  }
0x81: {  	_ =	shalt  }
0x82: {  	_ =	shalt  }
0x83: {  	_ =	shalt  }
0x84: {  	_ =	shalt  }
0x85: {  	_ =	shalt  }
0x86: {  	_ =	shalt  }
0x87: {  	_ =	shalt  }
.Lfunc_end0:
.L_simem_size_0:
called_computation.4_lowered:
.L_overlay_start_0:
0x88: {  	s2 =	sld [smem:$0x3FD9]  }
0x89: {  	s3 =	sld [smem:$0x3FFE];
	_ =	sdelay $0x1  }
0x8a: {  	s1 =	srdreg.scid  }
0x8b: {  	s0 =	sand.u32 $0x1, s1  }
0x8c: {  	s16 =	sshll.u32 s0, $0xA;
	s2 =	sadd.s32 s3, s2  }
0x8d: {  	s2 =	sadd.s32 s2, s16  }
0x8e: {  	[smem:$0x3FC2] =	sst s2  }
0x8f: {  	_ = 	snop  }
0x90: {  	(tm) =	ssettm $0x1  }
0x91: {  	s17 =	sld [smem:$0x3FFB];
	_ =	sdelay $0x3  }
0x92: {  	_ =	strace s17  }
0x93: {  	s2 =	sld [smem:$0x3FFC];
	_ =	sdelay $0x3  }
0x94: {  	_ =	strace s2  }
0x95: {  	s2 =	sld [smem:$0x3FFD];
	_ =	sdelay $0x3  }
0x96: {  	_ =	strace s2  }
0x97: {  	_ =	strace $0x8FFFFFFF  }
0x98: {  	s18 =	sld [smem:$0x3FDB];
	_ =	sdelay $0x1  }
0x99: {  	s19 =	simm.s32 $_scs_section_size  }
0x9a: {  	s4 =	simm.s32 $_size__tile_overlayer_lowered;
	s5 =	simm.s32 $_tile_overlayer_lowered  }
0x9b: {  	s22 =	simm.s32 $0x1BFF;
	s21 =	sshll.u32 s5, $0x1;
	s2 =	sadd.s32 s19, s18  }
0x9c: {  	s6 =	simm.s32 $0x0;
	s20 =	sshll.u32 s4, $0x1;
	s4 =	sadd.s32 s21, s2  }
0x9d: {  	[timem:s6], [sflag:s22] =	dma.local [hbm:s4], s20  }
0x9e: {  	_ =	swait.ge [sflag:s22], s20  }
0x9f: {  	s3 =	ssub.s32 $0x0, s20;
	[sflag:s22] =	ssyncset.done $0x0  }
0xa0: {  	[sflag:s22] =	ssyncadd.s32 s3;
	_ =	sdelay $0x1  }
0xa1: {  	s23 =	simm.s32 $0x1B8B  }
0xa2: {  	_ =	swait.ge [sflag:s23], $0x1  }
0xa3: {  	[sflag:s23] =	ssyncset.done $0x0  }
0xa4: {  	s25 =	simm.s32 $0x1B8E;
	s24 =	sld [smem:$0x3FFE];
	[sflag:s23] =	ssyncadd.s32 $0xFFFFFFFF  }
0xa5: {  	s26 =	simm.s32 $execute0_lowered;
	[smem:$0x3FD2] =	sst s25  }
0xa6: {  	s4 =	sshll.u32 s26, $0x1;
	_ =	strace $0x80000046;
	[dreg:$0x1] =	wrdreg $0xFFFFFFFF  }
0xa7: {  	s28 =	simm.s32 $_size_execute0_lowered;
	s2 =	sadd.s32 s2, s4;
	[dreg:$0x0] =	wrdreg $0x0  }
0xa8: {  	s4 =	sshll.u32 s28, $0x1;
	[dreg:$0x2] =	wrdreg s2  }
0xa9: {  	[dreg:$0x3] =	wrdreg s4  }
0xaa: {  	[dreg:$0x4] =	wrdreg $0xC0  }
0xab: {  	_ =	task [dreg:s6], $0x5FFFF  }
0xac: {  	[dreg:$0x1] =	wrdreg $0xFFFFFFFF  }
0xad: {  	[dreg:$0x0] =	wrdreg $0x60  }
0xae: {  	[dreg:$0x2] =	wrdreg s24  }
0xaf: {  	[dreg:$0x3] =	wrdreg $0x9  }
0xb0: {  	_ =	task.clear_ibuf [dreg:s6], $0x4FFFF;
	_ =	strace $0x90000046  }
0xb1: {  	s29 =	simm.s32 $0x9;
	_ =	strace $0x80000048  }
0xb2: {  	_ =	swait.ge [sflag:s29], $0x1  }
0xb3: {  	[sflag:s29] =	ssyncadd.s32 $0xFFFFFFFF  }
0xb4: {  	_ =	strace $0x90000048  }
0xb5: {  	_ =	sfence  }
0xb6: {  	s30 =	sld [smem:$0x0];
	_ =	sdelay $0x2  }
0xb7: {  	s31 =	sshll.u32 s1, $0xD;
	s1 =	sshrl.u32 s1, $0x2  }
0xb8: {  	s3 =	sand.u32 $0x4000, s31;
	s1 =	sadd.s32 s1, s30  }
0xb9: {  	s0 =	sor.u32 s3, s0;
	s1 =	sshll.u32 s1, $0x11  }
0xba: {  	s0 =	sor.u32 s1, s0  }
0xbb: {  	s0 =	sadd.s32 $0x8F2B, s0  }
0xbc: {  	[sflag:s0] =	ssyncadd.remote.s32 $0x1  }
0xbd: {  	_ =	sfence.sel $0xFFFF  }
0xbe: {  	[dreg:$0x0] =	wrdreg $0xFFFFFFFF;
	(pc) =	sbr.abs _section_cstart, $3  }
0xbf: {  	[dreg:$0x1] =	wrdreg $0xFFFFFFFF  }
0xc0: {  	_ =	task.clear_ibuf [dreg:s6], $0x2FFFF;
	_ =	strace $0x9FFFFFFF  }
0xc1: {  	(tm) =	ssettm $0x7FFFFFFF  }
tec
execute0_lowered:
.L_overlay_start_1:
0x0: {  	(tag) =	ssettag $0x1  }
0x1: {  	s0 =	srdreg.scid;
	s5 =	rddreg [dreg:$0x0]  }
0x2: {  	s1 =	stileid.u32;
	s6 =	simm.s32 $0x1;
	s9 =	simm.s32 $0x1  }
0x3: {  	s10 =	simm.s32 $0x3;
	s13 =	simm.s32 $0x0;
	s2 =	sshll.u32 s0, $0x6  }
0x4: {  	s12 =	simm.s32 $0x0;
	s3 =	sshll.u32 s1, $0x7;
	s2 =	sand.u32 $0x40, s2  }
0x5: {  	s0 =	rddreg [dreg:$0x1];
	_ =	strace $0x80000047;
	s2 =	sor.u32 s3, s2  }
0x6: {  	s4 =	sadd.s32 $0xE00, s5;
	[sflag:s6] =	ssyncpa.u1 $0x0;
	s8 =	ssub.s32 $0x1000, s2  }
.Ltmp0:
0x7: {  	s3 =	sadd.s32 $0x1400, s5;
	s7 =	sand.u32 $0x7C0, s8;
	(pc) =	sbr.rel .LBB2_1-.Ltmp0, $4  }
0x8: {  	s5 =	sadd.s32 $0x1C00, s5;
	s11 =	smov.u32 s2;
	p0 =	sne.s32 s7, $0x0  }
0x9: {  	s8 =	sshrl.u32 s8, $0xB;
	s7 =	simm.s32 $0x2;
	s9 =	simm.s32 @!p0 $0x0  }
0xa: {  	[sflag:s7] =	ssyncpa.u1 $0x0;
	p0 =	por $0x0, $0x0;
	s8 =	sadd.s32 s9, s8  }
0xb: {  	vm0 =	vmmov $0xffff;
	[sflag:s10] =	ssyncpa.u1 $0x0;
	s10 =	simm.s32 $0x0;
	s9 =	sadd.s32 $0x1, s8  }
.LBB2_4:
0xc: {  	v2 =	vnsel vm1, $0x0, v2  }
0xd: {  	vm1 =	vgt.s32 v0, $0x0;
	v2 =	vmin.u32 v2, $0xFFF  }
0xe: {  	v0 =	vnsel vm1, $0x0, v0  }
0xf: {  	v0 =	vmin.u32 v0, $0xFFF  }
0x10: {  	[tilespmem:s15], [sflag:$0x1] =	stream.indirect_vreg.gather [hbm4b:s3+s10], $0x1, v1, vm0, $0x4038;
	[tilespmem:$0x100] =	vst v63  }
0x11: {  	(ifvalue) =	ssetifvalue $0x7FFFFFFF  }
0x12: {  	[tilespmem:s16], [sflag:$0x1] =	stream.indirect_vreg.gather [hbm4b:s3+s10], $0x1, v2, vm0, $0x4038;
	[tilespmem:$0x100] =	vst v63  }
0x13: {  	s29 =	sadd.s32 $0x10, s16;
	(ifvalue) =	ssetifvalue $0x7FFFFFFF  }
0x14: {  	[tilespmem:s29], [sflag:$0x1] =	stream.indirect_vreg.gather [hbm4b:s3+s10], $0x1, v0, vm0, $0x4038;
	[tilespmem:$0x100] =	vst v63  }
0x15: {  	_ =	swait.ge [sflag:s6], $0x40  }
0x16: {  	s30 =	sshrl.u32 s13, $0x3;
	[sflag:s6] =	ssyncset.done $0x0  }
0x17: {  	s31 =	sand.u32 $0x7, s13;
	s15 =	sadd.s32 s5, s30;
	[sflag:s6] =	ssyncadd.s32 $0xFFFFFFC0  }
0x18: {  	[hbm4b:s15+s31] =	stream.linear.scatter [tilespmem:s14], [sflag:$0x3], $0x40, $0x38;
	[tilespmem:$0x100] =	vst v63  }
.LBB2_5:
0x19: {  	s15 =	sadd.s32 $0x800, s11  }
0x1a: {  	p2 =	sgt.s32 s15, $0xFFF  }
0x1b: {  	s15 =	smov.u32 @p2 s2;
	p2 =	sne.s32 s12, s9  }
.Ltmp1:
0x1c: {  	p1 =	slt.u32 s12, $0x2;
	(pc) =	sbr.rel @!p2 .LBB2_6-.Ltmp1, $4  }
0x1d: {  	s14 =	simm.s32 @!p1 $0x3  }
0x1e: {  	s16 =	sadd.s32 $0x1, s12;
	_ =	swait.ge @!p1 [sflag:s14], $0x40  }
0x1f: {  	s13 =	smov.u32 s11;
	p0 =	por !p0, !p0;
	[sflag:s14] =	ssyncset.done @!p1 $0x0  }
0x20: {  	s12 =	smov.u32 s16;
	s11 =	smov.u32 s15;
	[sflag:s14] =	ssyncadd.s32 @!p1 $0xFFFFFFC0  }
.LBB2_1:
0x21: {  	p1 =	sge.u32 s12, s8  }
0x22: {  	s14 =	sxor.u32 @!p1 $0xFFFFFFFF, s12  }
0x23: {  	s31 =	sadd.s32 $0xFFFFFFFF, s12;
	s15 =	sshrl.u32 @!p1 s11, $0x3;
	s14 =	sshll.u32 @!p1 s14, $0x6  }
0x24: {  	s16 =	sand.u32 @!p1 $0x7, s11;
	s15 =	sadd.s32 @!p1 s4, s15;
	s14 =	sand.u32 @!p1 $0x40, s14  }
0x25: {  	[tilespmem:s14], [sflag:$0x2] =	stream.linear.gather @!p1 [hbm4b:s15+s16], $0x40, $0x38;
	[tilespmem:$0x100] =	vst v63  }
0x26: {  	p1 =	sge.u32 s31, s8  }
.Ltmp2:
0x27: {  	_ = 	snop;
	(pc) =	sbr.rel @p1 .LBB2_5-.Ltmp2, $1  }
0x28: {  	_ =	sdelay $0x3  }
0x29: {  	s14 =	simm.s32 $0x1  }
0x2a: {  	_ =	swait.ge [sflag:s7], $0x40;
	s14 =	simm.s32 @!p0 $0x0  }
0x2b: {  	[sflag:s7] =	ssyncset.done $0x0;
	s14 =	sshll.u32 s14, $0x6  }
0x2c: {  	[sflag:s7] =	ssyncadd.s32 $0xFFFFFFC0;
	(ifvalue) =	ssetifvalue $0x7FFFFFFF;
	v0 =	vld.msk [tilespmem:s14+$0x0 ss:$0x1], $0xffff;
	_ =	sdelay $0x4  }
0x2d: {  	s15 =	sadd.s32 $0x10, s14;
	vm1 =	vgt.s32 v0, $0x0  }
0x2e: {  	v2 =	vld.msk [tilespmem:s15+$0x0 ss:$0x1], $0xffff;
	v1 =	vnsel vm1, $0x0, v0  }
0x2f: {  	v1 =	vmin.u32 v1, $0xFFF;
	_ =	sdelay $0x1  }
0x30: {  	s16 =	sshll.u32 s12, $0x6;
	s18 =	simm.s32 $0x20  }
0x31: {  	s16 =	sand.u32 $0x40, s16;
	s17 =	sadd.s32 $0x10, s15;
	s15 =	sor.u32 $0x80, s14  }
0x32: {  	s14 =	sor.u32 $0x80, s16;
	s16 =	sadd.s32 $0x10, s15;
	v0 =	vld.msk [tilespmem:s17+$0x0 ss:$0x1], $0xffff;
	vm1 =	vgt.s32 v2, $0x0;
	(ifvalue) =	ssetifvalue $0x7FFFFFFF  }
.LBB2_3:
0x33: {  	[tilespmem:s15], [sflag:$0x1] =	stream.indirect_vreg.gather [hbm4b:s3+s10], $0x1, v1, vm0, $0x4038;
	[tilespmem:$0x100] =	vst v63  }
0x34: {  	s18 =	sadd.s32 $0x10, s18  }
0x35: {  	v2 =	vnsel vm1, $0x0, v2;
	p1 =	slt.u32 s18, $0x30  }
.Ltmp3:
0x36: {  	s15 =	smov.u32 s16;
	v1 =	vmin.u32 v2, $0xFFF;
	(pc) =	sbr.rel @p1 .LBB2_3-.Ltmp3, $3  }
0x37: {  	_ =	sdelay $0x1  }
0x38: {  	s17 =	sadd.s32 $0x10, s17  }
0x39: {  	vm1 =	vgt.s32 v0, $0x0;
	s16 =	sadd.s32 $0x10, s16;
	v2 =	vmov v0;
	(ifvalue) =	ssetifvalue $0x7FFFFFFF;
	v0 =	vld.msk [tilespmem:s17+$0x0 ss:$0x1], $0xffff  }
.Ltmp4:
0x3a: {  	_ = 	snop;
	(pc) =	sbr.rel .LBB2_4-.Ltmp4, $1  }
0x3b: {  	_ =	sdelay $0x3  }
.LBB2_6:
0x3c: {  	_ =	sfence.sel $0x180000  }
0x3d: {  	s2 =	simm.s32 $0x2;
	[bflag:$0x0] =	sbarrier.arrive $0xFFFF  }
0x3e: {  	s30 =	simm.s32 $0x3;
	[sflag:s2] =	ssyncpa.u1 $0x1  }
0x3f: {  	s31 =	simm.s32 $0x1;
	[sflag:s30] =	ssyncpa.u1 $0x1  }
0x40: {  	[sflag:s31] =	ssyncpa.u1 $0x1  }
0x41: {  	p0 =	sne.s32 s1, $0x0;
	_ =	strace $0x90000047  }
0x42: {  	s0 =	sadd.s32 @!p0 $0x100000, s0;
	[bflag:$0x2] =	sbarrier.arrive $0xFFFF  }
0x43: {  	[sflag:s0] =	ssyncadd.tile.s32 @!p0 $0x1;
	_ =	shalt  }
.Lfunc_end2:
_tile_overlayer_lowered:
.L_overlay_start_2:
0x44: {  	(tag) =	ssettag $0x2  }
0x45: {  	s0 =	rddreg [dreg:$0x0];
	s2 =	stileid.u32  }
0x46: {  	s1 =	rddreg [dreg:$0x1];
	p0 =	sne.s32 s2, $0x0  }
0x47: {  	s3 =	rddreg [dreg:$0x2];
	[bflag:$0x3] =	sbarrier.arrive $0xFFFF;
	s2 =	simm.s32 @!p0 $0x1C01  }
0x48: {  	[timem:s3], [sflag:s2] =	dma.local @!p0 [hbm:s0], s1  }
0x49: {  	s0 =	simm.s32 @!p0 $0x1  }
0x4a: {  	_ =	swait.ge @!p0 [sflag:s0], s1  }
0x4b: {  	s1 =	ssub.s32 @!p0 $0x0, s1;
	[sflag:s0] =	ssyncset.done @!p0 $0x0  }
0x4c: {  	[sflag:s0] =	ssyncadd.s32 @!p0 s1  }
0x4d: {  	[bflag:$0x3] =	sbarrier.arrive $0xFFFF  }
0x4e: {  	_ =	shalt  }

// kernel: gather_offload_async_start.3
scs
__scs_entry_jumppad:
0x0: {  	(pc) =	sbr.rel $0x88, $3  }
0x1: {  	(tag) =	ssettag $0x0;
	lr =	simm.s32 $0x1  }
0x2: {  	[smem:$0x3F9B] =	sst lr;
	_ =	strace $0xD0000000  }
0x3: {  	_ = 	snop  }
0x4: {  	_ = 	snop  }
0x5: {  	_ = 	snop  }
0x6: {  	_ = 	snop  }
0x7: {  	_ = 	snop  }
__scs_overlays_trampoline_lowered:
0x8: {  	[smem:$0x3FAA] =	sst s0  }
0x9: {  	[smem:$0x3FAB] =	sst s1  }
0xa: {  	[smem:$0x3FAC] =	sst s2  }
0xb: {  	[smem:$0x3FAD] =	sst s3  }
0xc: {  	[smem:$0x3FAE] =	sst s4  }
0xd: {  	[smem:$0x3FAF] =	sst s5  }
0xe: {  	[smem:$0x3FB0] =	sst s6  }
0xf: {  	[smem:$0x3FB1] =	sst s7  }
0x10: {  	[smem:$0x3FB2] =	sst s8  }
0x11: {  	[smem:$0x3FB3] =	sst s9;
	s0 =	simm.s32 @!p0 $0x0  }
0x12: {  	s1 =	sld [smem:$0x3F99];
	s0 =	simm.s32 @p0 $0x1  }
0x13: {  	[smem:$0x3FB4] =	sst s0;
	s0 =	simm.s32 @!p1 $0x0  }
0x14: {  	s2 =	sld [smem:$0x3F98];
	s0 =	simm.s32 @p1 $0x1  }
0x15: {  	[smem:$0x3FB5] =	sst s0;
	s0 =	simm.s32 @!p2 $0x0  }
0x16: {  	s3 =	sld [smem:$0x3FDB];
	s0 =	simm.s32 @p2 $0x1  }
0x17: {  	s4 =	simm.s32 $0x1BF5;
	[smem:$0x3FB7] =	sst s0  }
0x18: {  	s0 =	sld [smem:$0x3F9A];
	_ =	swait.ge [sflag:s4], $0x0  }
0x19: {  	s7 =	sld [smem:$0x3F9B]  }
0x1a: {  	s8 =	sadd.s32 $0xFFFFE003, lr  }
0x1b: {  	s9 =	sadd.s32 $0xFFFFFEF7, lr;
	s5 =	simm.s32 $0xFFFFFFFF;
	p2 =	slt.u32 s8, $0xFFFFF086  }
0x1c: {  	p1 =	slt.u32 s9, $0xF7A;
	s5 =	simm.s32 @!p2 $0x0  }
0x1d: {  	s5 =	simm.s32 @p1 $0x1;
	p0 =	seq.s32 s7, s2  }
0x1e: {  	s7 =	smul.u32 @!p0 $0xF7A, s2;
	p2 =	seq.s32 @!p0 s5, $0x0  }
0x1f: {  	s9 =	smul.u32 $0xF7A, s1;
	s8 =	simm.s32 @!p0 $0x1BF5;
	p2 =	por !p2, p0  }
0x20: {  	[sflag:s8] =	ssyncset.s32 @!p0 $0xFFFFF086;
	s6 =	sadd.s32 @!p0 s3, s7;
	s7 =	simm.s32 @!p0 $0x108  }
0x21: {  	s3 =	sadd.s32 s3, s9;
	s6 =	sadd.s32 @!p0 $0x88, s6;
	s7 =	simm.s32 @p2 $0x1082  }
0x22: {  	[simem:s7], [sflag:s8] =	dma.local @!p0 [hbm:s6], $0xF7A  }
0x23: {  	s9 =	sor.u32 $0xD0000000, s2;
	s6 =	simm.s32 $0x108;
	_ =	swait.ge @!p0 [sflag:s8], $0x0  }
0x24: {  	s3 =	sadd.s32 $0x88, s3;
	s6 =	simm.s32 @!p1 $0x1082;
	[sflag:s4] =	ssyncset.s32 $0xFFFFF086  }
0x25: {  	[simem:s6], [sflag:s4] =	dma.local [hbm:s3], $0xF7A  }
0x26: {  	[smem:$0x3F9B] =	sst s1;
	(tag) =	ssettag s2;
	_ =	strace s9  }
0x27: {  	s1 =	sld [smem:$0x3FAB]  }
0x28: {  	s2 =	sld [smem:$0x3FAC]  }
0x29: {  	s4 =	sld [smem:$0x3FAE]  }
0x2a: {  	p0 =	seq.s32 s5, $0x0;
	s5 =	sld [smem:$0x3FAF]  }
0x2b: {  	s6 =	sld [smem:$0x3FB0]  }
0x2c: {  	s7 =	sld [smem:$0x3FB1]  }
0x2d: {  	s3 =	simm.s32 $0x108;
	s8 =	sld [smem:$0x3FB2]  }
0x2e: {  	s3 =	simm.s32 @!p0 $0x1082;
	s9 =	sld [smem:$0x3FB3]  }
0x2f: {  	lr =	sadd.s32 s0, s3;
	s0 =	sld [smem:$0x3FAA]  }
0x30: {  	s3 =	sld [smem:$0x3FAD]  }
0x31: {  	[smem:$0x3FB6] =	sst s10  }
0x32: {  	s10 =	sld [smem:$0x3FB4];
	_ =	sdelay $0x3  }
0x33: {  	p0 =	seq.s32 s10, $0x1;
	s10 =	sld [smem:$0x3FB6];
	_ =	sdelay $0x3  }
0x34: {  	[smem:$0x3FB6] =	sst s10  }
0x35: {  	s10 =	sld [smem:$0x3FB5];
	_ =	sdelay $0x3  }
0x36: {  	p1 =	seq.s32 s10, $0x1;
	s10 =	sld [smem:$0x3FB6];
	_ =	sdelay $0x3  }
0x37: {  	[smem:$0x3FB6] =	sst s10  }
0x38: {  	s10 =	sld [smem:$0x3FB7]  }
0x39: {  	_ = 	snop;
	(pc) =	sbr.ind lr, $3  }
0x3a: {  	_ = 	snop  }
0x3b: {  	_ = 	snop  }
0x3c: {  	p2 =	seq.s32 s10, $0x1;
	s10 =	sld [smem:$0x3FB6]  }
0x3d: {  	_ =	shalt  }
0x3e: {  	_ =	shalt  }
0x3f: {  	_ =	shalt  }
0x40: {  	_ =	shalt  }
0x41: {  	_ =	shalt  }
0x42: {  	_ =	shalt  }
0x43: {  	_ =	shalt  }
0x44: {  	_ =	shalt  }
0x45: {  	_ =	shalt  }
0x46: {  	_ =	shalt  }
0x47: {  	_ =	shalt  }
0x48: {  	_ =	shalt  }
0x49: {  	_ =	shalt  }
0x4a: {  	_ =	shalt  }
0x4b: {  	_ =	shalt  }
0x4c: {  	_ =	shalt  }
0x4d: {  	_ =	shalt  }
0x4e: {  	_ =	shalt  }
0x4f: {  	_ =	shalt  }
0x50: {  	_ =	shalt  }
0x51: {  	_ =	shalt  }
0x52: {  	_ =	shalt  }
0x53: {  	_ =	shalt  }
0x54: {  	_ =	shalt  }
0x55: {  	_ =	shalt  }
0x56: {  	_ =	shalt  }
0x57: {  	_ =	shalt  }
0x58: {  	_ =	shalt  }
0x59: {  	_ =	shalt  }
0x5a: {  	_ =	shalt  }
0x5b: {  	_ =	shalt  }
0x5c: {  	_ =	shalt  }
0x5d: {  	_ =	shalt  }
0x5e: {  	_ =	shalt  }
0x5f: {  	_ =	shalt  }
0x60: {  	_ =	shalt  }
0x61: {  	_ =	shalt  }
0x62: {  	_ =	shalt  }
0x63: {  	_ =	shalt  }
0x64: {  	_ =	shalt  }
0x65: {  	_ =	shalt  }
0x66: {  	_ =	shalt  }
0x67: {  	_ =	shalt  }
0x68: {  	_ =	shalt  }
0x69: {  	_ =	shalt  }
0x6a: {  	_ =	shalt  }
0x6b: {  	_ =	shalt  }
0x6c: {  	_ =	shalt  }
0x6d: {  	_ =	shalt  }
0x6e: {  	_ =	shalt  }
0x6f: {  	_ =	shalt  }
0x70: {  	_ =	shalt  }
0x71: {  	_ =	shalt  }
0x72: {  	_ =	shalt  }
0x73: {  	_ =	shalt  }
0x74: {  	_ =	shalt  }
0x75: {  	_ =	shalt  }
0x76: {  	_ =	shalt  }
0x77: {  	_ =	shalt  }
0x78: {  	_ =	shalt  }
0x79: {  	_ =	shalt  }
0x7a: {  	_ =	shalt  }
0x7b: {  	_ =	shalt  }
0x7c: {  	_ =	shalt  }
0x7d: {  	_ =	shalt  }
0x7e: {  	_ =	shalt  }
0x7f: {  	_ =	shalt  }
0x80: {  	_ =	shalt  }
0x81: {  	_ =	shalt  }
0x82: {  	_ =	shalt  }
0x83: {  	_ =	shalt  }
0x84: {  	_ =	shalt  }
0x85: {  	_ =	shalt  }
0x86: {  	_ =	shalt  }
0x87: {  	_ =	shalt  }
.Lfunc_end0:
.L_simem_size_0:
called_computation.5_lowered:
.L_overlay_start_0:
0x88: {  	s2 =	sld [smem:$0x3FD9]  }
0x89: {  	s3 =	sld [smem:$0x3FFE];
	_ =	sdelay $0x1  }
0x8a: {  	s1 =	srdreg.scid  }
0x8b: {  	s0 =	sand.u32 $0x1, s1  }
0x8c: {  	s14 =	sshll.u32 s0, $0xA;
	s2 =	sadd.s32 s3, s2  }
0x8d: {  	s2 =	sadd.s32 s2, s14  }
0x8e: {  	[smem:$0x3FC2] =	sst s2  }
0x8f: {  	_ = 	snop  }
0x90: {  	s2 =	sld [smem:$0x3FD0];
	_ =	sdelay $0x2  }
0x91: {  	s15 =	simm.s32 $0xB;
	s4 =	simm.s32 $0x10  }
0x92: {  	[smem:s4], [sflag:s15] =	dma.local [hbm:s2], $0x1  }
0x93: {  	_ =	swait.eq [sflag:s15], $0x1  }
0x94: {  	[sflag:s15] =	ssyncset.done $0x0  }
0x95: {  	[sflag:s15] =	ssyncadd.s32 $0xFFFFFFFF  }
0x96: {  	s16 =	sld [smem:$0x12];
	(tm) =	ssettm $0x1  }
0x97: {  	s17 =	sld [smem:$0x3FFB];
	_ =	sdelay $0x3  }
0x98: {  	_ =	strace s17  }
0x99: {  	s3 =	sld [smem:$0x3FFC];
	_ =	sdelay $0x3  }
0x9a: {  	_ =	strace s3  }
0x9b: {  	s3 =	sld [smem:$0x3FFD];
	_ =	sdelay $0x3  }
0x9c: {  	_ =	strace s3  }
0x9d: {  	_ =	strace $0x8FFFFFFF  }
0x9e: {  	s18 =	sld [smem:$0x3FDB];
	_ =	sdelay $0x1  }
0x9f: {  	s19 =	simm.s32 $_scs_section_size  }
0xa0: {  	s5 =	simm.s32 $_size__tile_overlayer_lowered;
	s6 =	simm.s32 $_tile_overlayer_lowered  }
0xa1: {  	s22 =	simm.s32 $0x1BFF;
	s21 =	sshll.u32 s6, $0x1;
	s3 =	sadd.s32 s19, s18  }
0xa2: {  	s7 =	simm.s32 $0x0;
	s20 =	sshll.u32 s5, $0x1;
	s5 =	sadd.s32 s21, s3  }
0xa3: {  	[timem:s7], [sflag:s22] =	dma.local [hbm:s5], s20  }
0xa4: {  	_ =	swait.ge [sflag:s22], s20  }
0xa5: {  	s4 =	ssub.s32 $0x0, s20;
	[sflag:s22] =	ssyncset.done $0x0  }
0xa6: {  	[sflag:s22] =	ssyncadd.s32 s4;
	_ =	sdelay $0x1  }
0xa7: {  	s23 =	simm.s32 $0x1B8B  }
0xa8: {  	_ =	swait.ge [sflag:s23], $0x1  }
0xa9: {  	[sflag:s23] =	ssyncset.done $0x0  }
0xaa: {  	s25 =	simm.s32 $0x1B8E;
	s24 =	sld [smem:$0x3FFE];
	[sflag:s23] =	ssyncadd.s32 $0xFFFFFFFF  }
0xab: {  	s26 =	simm.s32 $execute0_lowered;
	[smem:$0x3FD2] =	sst s25  }
0xac: {  	s5 =	sshll.u32 s26, $0x1;
	_ =	strace $0x8000004C;
	[dreg:$0x1] =	wrdreg $0xFFFFFFFF  }
0xad: {  	s28 =	simm.s32 $_size_execute0_lowered;
	s3 =	sadd.s32 s3, s5;
	[dreg:$0x0] =	wrdreg $0x0  }
0xae: {  	s5 =	sshll.u32 s28, $0x1;
	[dreg:$0x2] =	wrdreg s3  }
0xaf: {  	[dreg:$0x3] =	wrdreg s5  }
0xb0: {  	[dreg:$0x4] =	wrdreg $0xC0  }
0xb1: {  	_ =	task [dreg:s7], $0x5FFFF  }
0xb2: {  	[dreg:$0x1] =	wrdreg $0xFFFFFFFF  }
0xb3: {  	[dreg:$0x0] =	wrdreg $0x60  }
0xb4: {  	[dreg:$0x2] =	wrdreg s16  }
0xb5: {  	[dreg:$0x3] =	wrdreg s24  }
0xb6: {  	[dreg:$0x4] =	wrdreg $0x9  }
0xb7: {  	_ =	task.clear_ibuf [dreg:s7], $0x5FFFF;
	_ =	strace $0x9000004C  }
0xb8: {  	s29 =	simm.s32 $0x9;
	_ =	strace $0x8000004E  }
0xb9: {  	_ =	swait.ge [sflag:s29], $0x1  }
0xba: {  	[sflag:s29] =	ssyncadd.s32 $0xFFFFFFFF  }
0xbb: {  	_ =	strace $0x9000004E  }
0xbc: {  	_ =	sfence  }
0xbd: {  	s30 =	sld [smem:$0x0];
	_ =	sdelay $0x2  }
0xbe: {  	s31 =	sshll.u32 s1, $0xD;
	s1 =	sshrl.u32 s1, $0x2  }
0xbf: {  	s3 =	sand.u32 $0x4000, s31;
	s1 =	sadd.s32 s1, s30  }
0xc0: {  	s0 =	sor.u32 s3, s0;
	s1 =	sshll.u32 s1, $0x11  }
0xc1: {  	s0 =	sor.u32 s1, s0  }
0xc2: {  	s0 =	sadd.s32 $0x8F2B, s0  }
0xc3: {  	[sflag:s0] =	ssyncadd.remote.s32 $0x1  }
0xc4: {  	_ =	sfence.sel $0xFFFF  }
0xc5: {  	[dreg:$0x0] =	wrdreg $0xFFFFFFFF;
	(pc) =	sbr.abs _section_cstart, $3  }
0xc6: {  	[dreg:$0x1] =	wrdreg $0xFFFFFFFF  }
0xc7: {  	_ =	task.clear_ibuf [dreg:s7], $0x2FFFF;
	_ =	strace $0x9FFFFFFF  }
0xc8: {  	(tm) =	ssettm $0x7FFFFFFF  }
0xc9: {  	_ =	shalt  }
tec
execute0_lowered:
.L_overlay_start_1:
0x0: {  	(tag) =	ssettag $0x1  }
0x1: {  	s1 =	srdreg.scid;
	s2 =	rddreg [dreg:$0x0]  }
0x2: {  	s0 =	stileid.u32;
	s5 =	rddreg [dreg:$0x1];
	s6 =	simm.s32 $0x1  }
0x3: {  	s9 =	simm.s32 $0x1;
	s10 =	simm.s32 $0x3;
	s1 =	sshll.u32 s1, $0x6  }
0x4: {  	s13 =	simm.s32 $0x0;
	s3 =	sshll.u32 s0, $0x7;
	s4 =	sand.u32 $0x40, s1  }
0x5: {  	s12 =	simm.s32 $0x0;
	s1 =	rddreg [dreg:$0x2];
	s3 =	sor.u32 s3, s4  }
0x6: {  	_ =	strace $0x8000004D;
	s4 =	sadd.s32 $0x1400, s5;
	s8 =	ssub.s32 $0x1000, s3  }
.Ltmp0:
0x7: {  	s5 =	sadd.s32 $0x1600, s5;
	s7 =	sand.u32 $0x7C0, s8;
	(pc) =	sbr.rel .LBB2_1-.Ltmp0, $4  }
0x8: {  	[sflag:s6] =	ssyncpa.u1 $0x0;
	s11 =	smov.u32 s3;
	p0 =	sne.s32 s7, $0x0  }
0x9: {  	s8 =	sshrl.u32 s8, $0xB;
	s7 =	simm.s32 $0x2;
	s9 =	simm.s32 @!p0 $0x0  }
0xa: {  	[sflag:s7] =	ssyncpa.u1 $0x0;
	p0 =	por $0x0, $0x0;
	s8 =	sadd.s32 s9, s8  }
0xb: {  	vm0 =	vmmov $0xffff;
	[sflag:s10] =	ssyncpa.u1 $0x0;
	s10 =	simm.s32 $0x0;
	s9 =	sadd.s32 $0x1, s8  }
.LBB2_4:
0xc: {  	v2 =	vnsel vm1, $0x0, v2  }
0xd: {  	vm1 =	vgt.s32 v0, $0x0;
	v2 =	vmin.u32 v2, $0xFFF  }
0xe: {  	v0 =	vnsel vm1, $0x0, v0  }
0xf: {  	v0 =	vmin.u32 v0, $0xFFF  }
0x10: {  	[tilespmem:s15], [sflag:$0x1] =	stream.indirect_vreg.gather [hbm4b:s2+s10], $0x1, v1, vm0, $0x4038;
	[tilespmem:$0x100] =	vst v63  }
0x11: {  	(ifvalue) =	ssetifvalue $0x7FFFFFFF  }
0x12: {  	[tilespmem:s16], [sflag:$0x1] =	stream.indirect_vreg.gather [hbm4b:s2+s10], $0x1, v2, vm0, $0x4038;
	[tilespmem:$0x100] =	vst v63  }
0x13: {  	s29 =	sadd.s32 $0x10, s16;
	(ifvalue) =	ssetifvalue $0x7FFFFFFF  }
0x14: {  	[tilespmem:s29], [sflag:$0x1] =	stream.indirect_vreg.gather [hbm4b:s2+s10], $0x1, v0, vm0, $0x4038;
	[tilespmem:$0x100] =	vst v63  }
0x15: {  	_ =	swait.ge [sflag:s6], $0x40  }
0x16: {  	s30 =	sshrl.u32 s13, $0x3;
	[sflag:s6] =	ssyncset.done $0x0  }
0x17: {  	s31 =	sand.u32 $0x7, s13;
	s15 =	sadd.s32 s5, s30;
	[sflag:s6] =	ssyncadd.s32 $0xFFFFFFC0  }
0x18: {  	[hbm4b:s15+s31] =	stream.linear.scatter [tilespmem:s14], [sflag:$0x3], $0x40, $0x38;
	[tilespmem:$0x100] =	vst v63  }
.LBB2_5:
0x19: {  	s15 =	sadd.s32 $0x800, s11  }
0x1a: {  	p2 =	sgt.s32 s15, $0xFFF  }
0x1b: {  	s15 =	smov.u32 @p2 s3;
	p2 =	sne.s32 s12, s9  }
.Ltmp1:
0x1c: {  	p1 =	slt.u32 s12, $0x2;
	(pc) =	sbr.rel @!p2 .LBB2_6-.Ltmp1, $4  }
0x1d: {  	s14 =	simm.s32 @!p1 $0x3  }
0x1e: {  	s16 =	sadd.s32 $0x1, s12;
	_ =	swait.ge @!p1 [sflag:s14], $0x40  }
0x1f: {  	s13 =	smov.u32 s11;
	p0 =	por !p0, !p0;
	[sflag:s14] =	ssyncset.done @!p1 $0x0  }
0x20: {  	s12 =	smov.u32 s16;
	s11 =	smov.u32 s15;
	[sflag:s14] =	ssyncadd.s32 @!p1 $0xFFFFFFC0  }
.LBB2_1:
0x21: {  	p1 =	sge.u32 s12, s8  }
0x22: {  	s14 =	sxor.u32 @!p1 $0xFFFFFFFF, s12  }
0x23: {  	s31 =	sadd.s32 $0xFFFFFFFF, s12;
	s15 =	sshrl.u32 @!p1 s11, $0x3;
	s14 =	sshll.u32 @!p1 s14, $0x6  }
0x24: {  	s16 =	sand.u32 @!p1 $0x7, s11;
	s15 =	sadd.s32 @!p1 s4, s15;
	s14 =	sand.u32 @!p1 $0x40, s14  }
0x25: {  	[tilespmem:s14], [sflag:$0x2] =	stream.linear.gather @!p1 [hbm4b:s15+s16], $0x40, $0x38;
	[tilespmem:$0x100] =	vst v63  }
0x26: {  	p1 =	sge.u32 s31, s8  }
.Ltmp2:
0x27: {  	_ = 	snop;
	(pc) =	sbr.rel @p1 .LBB2_5-.Ltmp2, $1  }
0x28: {  	_ =	sdelay $0x3  }
0x29: {  	s14 =	simm.s32 $0x1  }
0x2a: {  	_ =	swait.ge [sflag:s7], $0x40;
	s14 =	simm.s32 @!p0 $0x0  }
0x2b: {  	[sflag:s7] =	ssyncset.done $0x0;
	s14 =	sshll.u32 s14, $0x6  }
0x2c: {  	[sflag:s7] =	ssyncadd.s32 $0xFFFFFFC0;
	(ifvalue) =	ssetifvalue $0x7FFFFFFF;
	v0 =	vld.msk [tilespmem:s14+$0x0 ss:$0x1], $0xffff;
	_ =	sdelay $0x4  }
0x2d: {  	s15 =	sadd.s32 $0x10, s14;
	vm1 =	vgt.s32 v0, $0x0  }
0x2e: {  	v2 =	vld.msk [tilespmem:s15+$0x0 ss:$0x1], $0xffff;
	v1 =	vnsel vm1, $0x0, v0  }
0x2f: {  	v1 =	vmin.u32 v1, $0xFFF;
	_ =	sdelay $0x1  }
0x30: {  	s16 =	sshll.u32 s12, $0x6;
	s18 =	simm.s32 $0x20  }
0x31: {  	s16 =	sand.u32 $0x40, s16;
	s17 =	sadd.s32 $0x10, s15;
	s15 =	sor.u32 $0x80, s14  }
0x32: {  	s14 =	sor.u32 $0x80, s16;
	s16 =	sadd.s32 $0x10, s15;
	v0 =	vld.msk [tilespmem:s17+$0x0 ss:$0x1], $0xffff;
	vm1 =	vgt.s32 v2, $0x0;
	(ifvalue) =	ssetifvalue $0x7FFFFFFF  }
.LBB2_3:
0x33: {  	[tilespmem:s15], [sflag:$0x1] =	stream.indirect_vreg.gather [hbm4b:s2+s10], $0x1, v1, vm0, $0x4038;
	[tilespmem:$0x100] =	vst v63  }
0x34: {  	s18 =	sadd.s32 $0x10, s18  }
0x35: {  	v2 =	vnsel vm1, $0x0, v2;
	p1 =	slt.u32 s18, $0x30  }
.Ltmp3:
0x36: {  	s15 =	smov.u32 s16;
	v1 =	vmin.u32 v2, $0xFFF;
	(pc) =	sbr.rel @p1 .LBB2_3-.Ltmp3, $3  }
0x37: {  	_ =	sdelay $0x1  }
0x38: {  	s17 =	sadd.s32 $0x10, s17  }
0x39: {  	vm1 =	vgt.s32 v0, $0x0;
	s16 =	sadd.s32 $0x10, s16;
	v2 =	vmov v0;
	(ifvalue) =	ssetifvalue $0x7FFFFFFF;
	v0 =	vld.msk [tilespmem:s17+$0x0 ss:$0x1], $0xffff  }
.Ltmp4:
0x3a: {  	_ = 	snop;
	(pc) =	sbr.rel .LBB2_4-.Ltmp4, $1  }
0x3b: {  	_ =	sdelay $0x3  }
.LBB2_6:
0x3c: {  	_ =	sfence.sel $0x180000  }
0x3d: {  	s2 =	simm.s32 $0x2;
	[bflag:$0x0] =	sbarrier.arrive $0xFFFF  }
0x3e: {  	s30 =	simm.s32 $0x3;
	[sflag:s2] =	ssyncpa.u1 $0x1  }
0x3f: {  	s31 =	simm.s32 $0x1;
	[sflag:s30] =	ssyncpa.u1 $0x1  }
0x40: {  	[sflag:s31] =	ssyncpa.u1 $0x1  }
0x41: {  	p0 =	sne.s32 s0, $0x0;
	_ =	strace $0x9000004D  }
0x42: {  	s0 =	sadd.s32 @!p0 $0x100000, s1;
	[bflag:$0x2] =	sbarrier.arrive $0xFFFF  }
0x43: {  	[sflag:s0] =	ssyncadd.tile.s32 @!p0 $0x1;
	_ =	shalt  }
.Lfunc_end2:
_tile_overlayer_lowered:
.L_overlay_start_2:
0x44: {  	(tag) =	ssettag $0x2  }
0x45: {  	s0 =	rddreg [dreg:$0x0];
	s2 =	stileid.u32  }
0x46: {  	s1 =	rddreg [dreg:$0x1];
	p0 =	sne.s32 s2, $0x0  }
0x47: {  	s3 =	rddreg [dreg:$0x2];
	[bflag:$0x3] =	sbarrier.arrive $0xFFFF;
	s2 =	simm.s32 @!p0 $0x1C01  }
0x48: {  	[timem:s3], [sflag:s2] =	dma.local @!p0 [hbm:s0], s1  }
0x49: {  	s0 =	simm.s32 @!p0 $0x1  }
0x4a: {  	_ =	swait.ge @!p0 [sflag:s0], s1  }
0x4b: {  	s1 =	ssub.s32 @!p0 $0x0, s1;
	[sflag:s0] =	ssyncset.done @!p0 $0x0  }
0x4c: {  	[sflag:s0] =	ssyncadd.s32 @!p0 s1  }
0x4d: {  	[bflag:$0x3] =	sbarrier.arrive $0xFFFF  }
0x4e: {  	_ =	shalt  }

// kernel: gather_offload_async_start
scs
__scs_entry_jumppad:
0x0: {  	(pc) =	sbr.rel $0x88, $3  }
0x1: {  	(tag) =	ssettag $0x0;
	lr =	simm.s32 $0x1  }
0x2: {  	[smem:$0x3F9B] =	sst lr;
	_ =	strace $0xD0000000  }
0x3: {  	_ = 	snop  }
0x4: {  	_ = 	snop  }
0x5: {  	_ = 	snop  }
0x6: {  	_ = 	snop  }
0x7: {  	_ = 	snop  }
__scs_overlays_trampoline_lowered:
0x8: {  	[smem:$0x3FAA] =	sst s0  }
0x9: {  	[smem:$0x3FAB] =	sst s1  }
0xa: {  	[smem:$0x3FAC] =	sst s2  }
0xb: {  	[smem:$0x3FAD] =	sst s3  }
0xc: {  	[smem:$0x3FAE] =	sst s4  }
0xd: {  	[smem:$0x3FAF] =	sst s5  }
0xe: {  	[smem:$0x3FB0] =	sst s6  }
0xf: {  	[smem:$0x3FB1] =	sst s7  }
0x10: {  	[smem:$0x3FB2] =	sst s8  }
0x11: {  	[smem:$0x3FB3] =	sst s9;
	s0 =	simm.s32 @!p0 $0x0  }
0x12: {  	s1 =	sld [smem:$0x3F99];
	s0 =	simm.s32 @p0 $0x1  }
0x13: {  	[smem:$0x3FB4] =	sst s0;
	s0 =	simm.s32 @!p1 $0x0  }
0x14: {  	s2 =	sld [smem:$0x3F98];
	s0 =	simm.s32 @p1 $0x1  }
0x15: {  	[smem:$0x3FB5] =	sst s0;
	s0 =	simm.s32 @!p2 $0x0  }
0x16: {  	s3 =	sld [smem:$0x3FDB];
	s0 =	simm.s32 @p2 $0x1  }
0x17: {  	s4 =	simm.s32 $0x1BF5;
	[smem:$0x3FB7] =	sst s0  }
0x18: {  	s0 =	sld [smem:$0x3F9A];
	_ =	swait.ge [sflag:s4], $0x0  }
0x19: {  	s7 =	sld [smem:$0x3F9B]  }
0x1a: {  	s8 =	sadd.s32 $0xFFFFE003, lr  }
0x1b: {  	s9 =	sadd.s32 $0xFFFFFEF7, lr;
	s5 =	simm.s32 $0xFFFFFFFF;
	p2 =	slt.u32 s8, $0xFFFFF086  }
0x1c: {  	p1 =	slt.u32 s9, $0xF7A;
	s5 =	simm.s32 @!p2 $0x0  }
0x1d: {  	s5 =	simm.s32 @p1 $0x1;
	p0 =	seq.s32 s7, s2  }
0x1e: {  	s7 =	smul.u32 @!p0 $0xF7A, s2;
	p2 =	seq.s32 @!p0 s5, $0x0  }
0x1f: {  	s9 =	smul.u32 $0xF7A, s1;
	s8 =	simm.s32 @!p0 $0x1BF5;
	p2 =	por !p2, p0  }
0x20: {  	[sflag:s8] =	ssyncset.s32 @!p0 $0xFFFFF086;
	s6 =	sadd.s32 @!p0 s3, s7;
	s7 =	simm.s32 @!p0 $0x108  }
0x21: {  	s3 =	sadd.s32 s3, s9;
	s6 =	sadd.s32 @!p0 $0x88, s6;
	s7 =	simm.s32 @p2 $0x1082  }
0x22: {  	[simem:s7], [sflag:s8] =	dma.local @!p0 [hbm:s6], $0xF7A  }
0x23: {  	s9 =	sor.u32 $0xD0000000, s2;
	s6 =	simm.s32 $0x108;
	_ =	swait.ge @!p0 [sflag:s8], $0x0  }
0x24: {  	s3 =	sadd.s32 $0x88, s3;
	s6 =	simm.s32 @!p1 $0x1082;
	[sflag:s4] =	ssyncset.s32 $0xFFFFF086  }
0x25: {  	[simem:s6], [sflag:s4] =	dma.local [hbm:s3], $0xF7A  }
0x26: {  	[smem:$0x3F9B] =	sst s1;
	(tag) =	ssettag s2;
	_ =	strace s9  }
0x27: {  	s1 =	sld [smem:$0x3FAB]  }
0x28: {  	s2 =	sld [smem:$0x3FAC]  }
0x29: {  	s4 =	sld [smem:$0x3FAE]  }
0x2a: {  	p0 =	seq.s32 s5, $0x0;
	s5 =	sld [smem:$0x3FAF]  }
0x2b: {  	s6 =	sld [smem:$0x3FB0]  }
0x2c: {  	s7 =	sld [smem:$0x3FB1]  }
0x2d: {  	s3 =	simm.s32 $0x108;
	s8 =	sld [smem:$0x3FB2]  }
0x2e: {  	s3 =	simm.s32 @!p0 $0x1082;
	s9 =	sld [smem:$0x3FB3]  }
0x2f: {  	lr =	sadd.s32 s0, s3;
	s0 =	sld [smem:$0x3FAA]  }
0x30: {  	s3 =	sld [smem:$0x3FAD]  }
0x31: {  	[smem:$0x3FB6] =	sst s10  }
0x32: {  	s10 =	sld [smem:$0x3FB4];
	_ =	sdelay $0x3  }
0x33: {  	p0 =	seq.s32 s10, $0x1;
	s10 =	sld [smem:$0x3FB6];
	_ =	sdelay $0x3  }
0x34: {  	[smem:$0x3FB6] =	sst s10  }
0x35: {  	s10 =	sld [smem:$0x3FB5];
	_ =	sdelay $0x3  }
0x36: {  	p1 =	seq.s32 s10, $0x1;
	s10 =	sld [smem:$0x3FB6];
	_ =	sdelay $0x3  }
0x37: {  	[smem:$0x3FB6] =	sst s10  }
0x38: {  	s10 =	sld [smem:$0x3FB7]  }
0x39: {  	_ = 	snop;
	(pc) =	sbr.ind lr, $3  }
0x3a: {  	_ = 	snop  }
0x3b: {  	_ = 	snop  }
0x3c: {  	p2 =	seq.s32 s10, $0x1;
	s10 =	sld [smem:$0x3FB6]  }
0x3d: {  	_ =	shalt  }
0x3e: {  	_ =	shalt  }
0x3f: {  	_ =	shalt  }
0x40: {  	_ =	shalt  }
0x41: {  	_ =	shalt  }
0x42: {  	_ =	shalt  }
0x43: {  	_ =	shalt  }
0x44: {  	_ =	shalt  }
0x45: {  	_ =	shalt  }
0x46: {  	_ =	shalt  }
0x47: {  	_ =	shalt  }
0x48: {  	_ =	shalt  }
0x49: {  	_ =	shalt  }
0x4a: {  	_ =	shalt  }
0x4b: {  	_ =	shalt  }
0x4c: {  	_ =	shalt  }
0x4d: {  	_ =	shalt  }
0x4e: {  	_ =	shalt  }
0x4f: {  	_ =	shalt  }
0x50: {  	_ =	shalt  }
0x51: {  	_ =	shalt  }
0x52: {  	_ =	shalt  }
0x53: {  	_ =	shalt  }
0x54: {  	_ =	shalt  }
0x55: {  	_ =	shalt  }
0x56: {  	_ =	shalt  }
0x57: {  	_ =	shalt  }
0x58: {  	_ =	shalt  }
0x59: {  	_ =	shalt  }
0x5a: {  	_ =	shalt  }
0x5b: {  	_ =	shalt  }
0x5c: {  	_ =	shalt  }
0x5d: {  	_ =	shalt  }
0x5e: {  	_ =	shalt  }
0x5f: {  	_ =	shalt  }
0x60: {  	_ =	shalt  }
0x61: {  	_ =	shalt  }
0x62: {  	_ =	shalt  }
0x63: {  	_ =	shalt  }
0x64: {  	_ =	shalt  }
0x65: {  	_ =	shalt  }
0x66: {  	_ =	shalt  }
0x67: {  	_ =	shalt  }
0x68: {  	_ =	shalt  }
0x69: {  	_ =	shalt  }
0x6a: {  	_ =	shalt  }
0x6b: {  	_ =	shalt  }
0x6c: {  	_ =	shalt  }
0x6d: {  	_ =	shalt  }
0x6e: {  	_ =	shalt  }
0x6f: {  	_ =	shalt  }
0x70: {  	_ =	shalt  }
0x71: {  	_ =	shalt  }
0x72: {  	_ =	shalt  }
0x73: {  	_ =	shalt  }
0x74: {  	_ =	shalt  }
0x75: {  	_ =	shalt  }
0x76: {  	_ =	shalt  }
0x77: {  	_ =	shalt  }
0x78: {  	_ =	shalt  }
0x79: {  	_ =	shalt  }
0x7a: {  	_ =	shalt  }
0x7b: {  	_ =	shalt  }
0x7c: {  	_ =	shalt  }
0x7d: {  	_ =	shalt  }
0x7e: {  	_ =	shalt  }
0x7f: {  	_ =	shalt  }
0x80: {  	_ =	shalt  }
0x81: {  	_ =	shalt  }
0x82: {  	_ =	shalt  }
0x83: {  	_ =	shalt  }
0x84: {  	_ =	shalt  }
0x85: {  	_ =	shalt  }
0x86: {  	_ =	shalt  }
0x87: {  	_ =	shalt  }
.Lfunc_end0:
.L_simem_size_0:
called_computation.2_lowered:
.L_overlay_start_0:
0x88: {  	s2 =	sld [smem:$0x3FD9]  }
0x89: {  	s3 =	sld [smem:$0x3FFE];
	_ =	sdelay $0x1  }
0x8a: {  	s1 =	srdreg.scid  }
0x8b: {  	s0 =	sand.u32 $0x1, s1  }
0x8c: {  	s16 =	sshll.u32 s0, $0xA;
	s2 =	sadd.s32 s3, s2  }
0x8d: {  	s2 =	sadd.s32 s2, s16  }
0x8e: {  	[smem:$0x3FC2] =	sst s2  }
0x8f: {  	_ = 	snop  }
0x90: {  	(tm) =	ssettm $0x1  }
0x91: {  	s17 =	sld [smem:$0x3FFB];
	_ =	sdelay $0x3  }
0x92: {  	_ =	strace s17  }
0x93: {  	s2 =	sld [smem:$0x3FFC];
	_ =	sdelay $0x3  }
0x94: {  	_ =	strace s2  }
0x95: {  	s2 =	sld [smem:$0x3FFD];
	_ =	sdelay $0x3  }
0x96: {  	_ =	strace s2  }
0x97: {  	_ =	strace $0x8FFFFFFF  }
0x98: {  	s18 =	sld [smem:$0x3FDB];
	_ =	sdelay $0x1  }
0x99: {  	s19 =	simm.s32 $_scs_section_size  }
0x9a: {  	s4 =	simm.s32 $_size__tile_overlayer_lowered;
	s5 =	simm.s32 $_tile_overlayer_lowered  }
0x9b: {  	s22 =	simm.s32 $0x1BFF;
	s21 =	sshll.u32 s5, $0x1;
	s2 =	sadd.s32 s19, s18  }
0x9c: {  	s6 =	simm.s32 $0x0;
	s20 =	sshll.u32 s4, $0x1;
	s4 =	sadd.s32 s21, s2  }
0x9d: {  	[timem:s6], [sflag:s22] =	dma.local [hbm:s4], s20  }
0x9e: {  	_ =	swait.ge [sflag:s22], s20  }
0x9f: {  	s3 =	ssub.s32 $0x0, s20;
	[sflag:s22] =	ssyncset.done $0x0  }
0xa0: {  	[sflag:s22] =	ssyncadd.s32 s3;
	_ =	sdelay $0x1  }
0xa1: {  	s23 =	simm.s32 $0x1B8B  }
0xa2: {  	_ =	swait.ge [sflag:s23], $0x1  }
0xa3: {  	[sflag:s23] =	ssyncset.done $0x0  }
0xa4: {  	s25 =	simm.s32 $0x1B8E;
	s24 =	sld [smem:$0x3FFE];
	[sflag:s23] =	ssyncadd.s32 $0xFFFFFFFF  }
0xa5: {  	s26 =	simm.s32 $execute0_lowered;
	[smem:$0x3FD2] =	sst s25  }
0xa6: {  	s4 =	sshll.u32 s26, $0x1;
	_ =	strace $0x80000049;
	[dreg:$0x1] =	wrdreg $0xFFFFFFFF  }
0xa7: {  	s28 =	simm.s32 $_size_execute0_lowered;
	s2 =	sadd.s32 s2, s4;
	[dreg:$0x0] =	wrdreg $0x0  }
0xa8: {  	s4 =	sshll.u32 s28, $0x1;
	[dreg:$0x2] =	wrdreg s2  }
0xa9: {  	[dreg:$0x3] =	wrdreg s4  }
0xaa: {  	[dreg:$0x4] =	wrdreg $0xC0  }
0xab: {  	_ =	task [dreg:s6], $0x5FFFF  }
0xac: {  	[dreg:$0x1] =	wrdreg $0xFFFFFFFF  }
0xad: {  	[dreg:$0x0] =	wrdreg $0x60  }
0xae: {  	[dreg:$0x2] =	wrdreg s24  }
0xaf: {  	[dreg:$0x3] =	wrdreg $0x9  }
0xb0: {  	_ =	task.clear_ibuf [dreg:s6], $0x4FFFF;
	_ =	strace $0x90000049  }
0xb1: {  	s29 =	simm.s32 $0x9;
	_ =	strace $0x8000004B  }
0xb2: {  	_ =	swait.ge [sflag:s29], $0x1  }
0xb3: {  	[sflag:s29] =	ssyncadd.s32 $0xFFFFFFFF  }
0xb4: {  	_ =	strace $0x9000004B  }
0xb5: {  	_ =	sfence  }
0xb6: {  	s30 =	sld [smem:$0x0];
	_ =	sdelay $0x2  }
0xb7: {  	s31 =	sshll.u32 s1, $0xD;
	s1 =	sshrl.u32 s1, $0x2  }
0xb8: {  	s3 =	sand.u32 $0x4000, s31;
	s1 =	sadd.s32 s1, s30  }
0xb9: {  	s0 =	sor.u32 s3, s0;
	s1 =	sshll.u32 s1, $0x11  }
0xba: {  	s0 =	sor.u32 s1, s0  }
0xbb: {  	s0 =	sadd.s32 $0x8F2B, s0  }
0xbc: {  	[sflag:s0] =	ssyncadd.remote.s32 $0x1  }
0xbd: {  	_ =	sfence.sel $0xFFFF  }
0xbe: {  	[dreg:$0x0] =	wrdreg $0xFFFFFFFF;
	(pc) =	sbr.abs _section_cstart, $3  }
0xbf: {  	[dreg:$0x1] =	wrdreg $0xFFFFFFFF  }
0xc0: {  	_ =	task.clear_ibuf [dreg:s6], $0x2FFFF;
	_ =	strace $0x9FFFFFFF  }
0xc1: {  	(tm) =	ssettm $0x7FFFFFFF  }
tec
execute0_lowered:
.L_overlay_start_1:
0x0: {  	(tag) =	ssettag $0x1  }
0x1: {  	s0 =	srdreg.scid;
	s5 =	rddreg [dreg:$0x0]  }
0x2: {  	s1 =	stileid.u32;
	s6 =	simm.s32 $0x1;
	s9 =	simm.s32 $0x1  }
0x3: {  	s10 =	simm.s32 $0x3;
	s13 =	simm.s32 $0x0;
	s2 =	sshll.u32 s0, $0x6  }
0x4: {  	s12 =	simm.s32 $0x0;
	s3 =	sshll.u32 s1, $0x7;
	s2 =	sand.u32 $0x40, s2  }
0x5: {  	s0 =	rddreg [dreg:$0x1];
	_ =	strace $0x8000004A;
	s2 =	sor.u32 s3, s2  }
0x6: {  	s4 =	sadd.s32 $0x1000, s5;
	[sflag:s6] =	ssyncpa.u1 $0x0;
	s8 =	ssub.s32 $0x1000, s2  }
.Ltmp0:
0x7: {  	s3 =	sadd.s32 $0x1600, s5;
	s7 =	sand.u32 $0x7C0, s8;
	(pc) =	sbr.rel .LBB2_1-.Ltmp0, $4  }
0x8: {  	s5 =	sadd.s32 $0xE00, s5;
	s11 =	smov.u32 s2;
	p0 =	sne.s32 s7, $0x0  }
0x9: {  	s8 =	sshrl.u32 s8, $0xB;
	s7 =	simm.s32 $0x2;
	s9 =	simm.s32 @!p0 $0x0  }
0xa: {  	[sflag:s7] =	ssyncpa.u1 $0x0;
	p0 =	por $0x0, $0x0;
	s8 =	sadd.s32 s9, s8  }
0xb: {  	vm0 =	vmmov $0xffff;
	[sflag:s10] =	ssyncpa.u1 $0x0;
	s10 =	simm.s32 $0x0;
	s9 =	sadd.s32 $0x1, s8  }
.LBB2_4:
0xc: {  	v2 =	vnsel vm1, $0x0, v2  }
0xd: {  	vm1 =	vgt.s32 v0, $0x0;
	v2 =	vmin.u32 v2, $0xFFF  }
0xe: {  	v0 =	vnsel vm1, $0x0, v0  }
0xf: {  	v0 =	vmin.u32 v0, $0xFFF  }
0x10: {  	[tilespmem:s15], [sflag:$0x1] =	stream.indirect_vreg.gather [hbm4b:s3+s10], $0x1, v1, vm0, $0x4038;
	[tilespmem:$0x100] =	vst v63  }
0x11: {  	(ifvalue) =	ssetifvalue $0x7FFFFFFF  }
0x12: {  	[tilespmem:s16], [sflag:$0x1] =	stream.indirect_vreg.gather [hbm4b:s3+s10], $0x1, v2, vm0, $0x4038;
	[tilespmem:$0x100] =	vst v63  }
0x13: {  	s29 =	sadd.s32 $0x10, s16;
	(ifvalue) =	ssetifvalue $0x7FFFFFFF  }
0x14: {  	[tilespmem:s29], [sflag:$0x1] =	stream.indirect_vreg.gather [hbm4b:s3+s10], $0x1, v0, vm0, $0x4038;
	[tilespmem:$0x100] =	vst v63  }
0x15: {  	_ =	swait.ge [sflag:s6], $0x40  }
0x16: {  	s30 =	sshrl.u32 s13, $0x3;
	[sflag:s6] =	ssyncset.done $0x0  }
0x17: {  	s31 =	sand.u32 $0x7, s13;
	s15 =	sadd.s32 s5, s30;
	[sflag:s6] =	ssyncadd.s32 $0xFFFFFFC0  }
0x18: {  	[hbm4b:s15+s31] =	stream.linear.scatter [tilespmem:s14], [sflag:$0x3], $0x40, $0x38;
	[tilespmem:$0x100] =	vst v63  }
.LBB2_5:
0x19: {  	s15 =	sadd.s32 $0x800, s11  }
0x1a: {  	p2 =	sgt.s32 s15, $0xFFF  }
0x1b: {  	s15 =	smov.u32 @p2 s2;
	p2 =	sne.s32 s12, s9  }
.Ltmp1:
0x1c: {  	p1 =	slt.u32 s12, $0x2;
	(pc) =	sbr.rel @!p2 .LBB2_6-.Ltmp1, $4  }
0x1d: {  	s14 =	simm.s32 @!p1 $0x3  }
0x1e: {  	s16 =	sadd.s32 $0x1, s12;
	_ =	swait.ge @!p1 [sflag:s14], $0x40  }
0x1f: {  	s13 =	smov.u32 s11;
	p0 =	por !p0, !p0;
	[sflag:s14] =	ssyncset.done @!p1 $0x0  }
0x20: {  	s12 =	smov.u32 s16;
	s11 =	smov.u32 s15;
	[sflag:s14] =	ssyncadd.s32 @!p1 $0xFFFFFFC0  }
.LBB2_1:
0x21: {  	p1 =	sge.u32 s12, s8  }
0x22: {  	s14 =	sxor.u32 @!p1 $0xFFFFFFFF, s12  }
0x23: {  	s31 =	sadd.s32 $0xFFFFFFFF, s12;
	s15 =	sshrl.u32 @!p1 s11, $0x3;
	s14 =	sshll.u32 @!p1 s14, $0x6  }
0x24: {  	s16 =	sand.u32 @!p1 $0x7, s11;
	s15 =	sadd.s32 @!p1 s4, s15;
	s14 =	sand.u32 @!p1 $0x40, s14  }
0x25: {  	[tilespmem:s14], [sflag:$0x2] =	stream.linear.gather @!p1 [hbm4b:s15+s16], $0x40, $0x38;
	[tilespmem:$0x100] =	vst v63  }
0x26: {  	p1 =	sge.u32 s31, s8  }
.Ltmp2:
0x27: {  	_ = 	snop;
	(pc) =	sbr.rel @p1 .LBB2_5-.Ltmp2, $1  }
0x28: {  	_ =	sdelay $0x3  }
0x29: {  	s14 =	simm.s32 $0x1  }
0x2a: {  	_ =	swait.ge [sflag:s7], $0x40;
	s14 =	simm.s32 @!p0 $0x0  }
0x2b: {  	[sflag:s7] =	ssyncset.done $0x0;
	s14 =	sshll.u32 s14, $0x6  }
0x2c: {  	[sflag:s7] =	ssyncadd.s32 $0xFFFFFFC0;
	(ifvalue) =	ssetifvalue $0x7FFFFFFF;
	v0 =	vld.msk [tilespmem:s14+$0x0 ss:$0x1], $0xffff;
	_ =	sdelay $0x4  }
0x2d: {  	s15 =	sadd.s32 $0x10, s14;
	vm1 =	vgt.s32 v0, $0x0  }
0x2e: {  	v2 =	vld.msk [tilespmem:s15+$0x0 ss:$0x1], $0xffff;
	v1 =	vnsel vm1, $0x0, v0  }
0x2f: {  	v1 =	vmin.u32 v1, $0xFFF;
	_ =	sdelay $0x1  }
0x30: {  	s16 =	sshll.u32 s12, $0x6;
	s18 =	simm.s32 $0x20  }
0x31: {  	s16 =	sand.u32 $0x40, s16;
	s17 =	sadd.s32 $0x10, s15;
	s15 =	sor.u32 $0x80, s14  }
0x32: {  	s14 =	sor.u32 $0x80, s16;
	s16 =	sadd.s32 $0x10, s15;
	v0 =	vld.msk [tilespmem:s17+$0x0 ss:$0x1], $0xffff;
	vm1 =	vgt.s32 v2, $0x0;
	(ifvalue) =	ssetifvalue $0x7FFFFFFF  }
.LBB2_3:
0x33: {  	[tilespmem:s15], [sflag:$0x1] =	stream.indirect_vreg.gather [hbm4b:s3+s10], $0x1, v1, vm0, $0x4038;
	[tilespmem:$0x100] =	vst v63  }
0x34: {  	s18 =	sadd.s32 $0x10, s18  }
0x35: {  	v2 =	vnsel vm1, $0x0, v2;
	p1 =	slt.u32 s18, $0x30  }
.Ltmp3:
0x36: {  	s15 =	smov.u32 s16;
	v1 =	vmin.u32 v2, $0xFFF;
	(pc) =	sbr.rel @p1 .LBB2_3-.Ltmp3, $3  }
0x37: {  	_ =	sdelay $0x1  }
0x38: {  	s17 =	sadd.s32 $0x10, s17  }
0x39: {  	vm1 =	vgt.s32 v0, $0x0;
	s16 =	sadd.s32 $0x10, s16;
	v2 =	vmov v0;
	(ifvalue) =	ssetifvalue $0x7FFFFFFF;
	v0 =	vld.msk [tilespmem:s17+$0x0 ss:$0x1], $0xffff  }
.Ltmp4:
0x3a: {  	_ = 	snop;
	(pc) =	sbr.rel .LBB2_4-.Ltmp4, $1  }
0x3b: {  	_ =	sdelay $0x3  }
.LBB2_6:
0x3c: {  	_ =	sfence.sel $0x180000  }
0x3d: {  	s2 =	simm.s32 $0x2;
	[bflag:$0x0] =	sbarrier.arrive $0xFFFF  }
0x3e: {  	s30 =	simm.s32 $0x3;
	[sflag:s2] =	ssyncpa.u1 $0x1  }
0x3f: {  	s31 =	simm.s32 $0x1;
	[sflag:s30] =	ssyncpa.u1 $0x1  }
0x40: {  	[sflag:s31] =	ssyncpa.u1 $0x1  }
0x41: {  	p0 =	sne.s32 s1, $0x0;
	_ =	strace $0x9000004A  }
0x42: {  	s0 =	sadd.s32 @!p0 $0x100000, s0;
	[bflag:$0x2] =	sbarrier.arrive $0xFFFF  }
0x43: {  	[sflag:s0] =	ssyncadd.tile.s32 @!p0 $0x1;
	_ =	shalt  }
.Lfunc_end2:
_tile_overlayer_lowered:
.L_overlay_start_2:
0x44: {  	(tag) =	ssettag $0x2  }
0x45: {  	s0 =	rddreg [dreg:$0x0];
	s2 =	stileid.u32  }
0x46: {  	s1 =	rddreg [dreg:$0x1];
	p0 =	sne.s32 s2, $0x0  }
0x47: {  	s3 =	rddreg [dreg:$0x2];
	[bflag:$0x3] =	sbarrier.arrive $0xFFFF;
	s2 =	simm.s32 @!p0 $0x1C01  }
0x48: {  	[timem:s3], [sflag:s2] =	dma.local @!p0 [hbm:s0], s1  }
0x49: {  	s0 =	simm.s32 @!p0 $0x1  }
0x4a: {  	_ =	swait.ge @!p0 [sflag:s0], s1  }
0x4b: {  	s1 =	ssub.s32 @!p0 $0x0, s1;
	[sflag:s0] =	ssyncset.done @!p0 $0x0  }
0x4c: {  	[sflag:s0] =	ssyncadd.s32 @!p0 s1  }
0x4d: {  	[bflag:$0x3] =	sbarrier.arrive $0xFFFF  }
0x4e: {  	_ =	shalt  }

// kernel: kernel.4.cloned.1.call-start
scs
__scs_entry_jumppad:
0x0: {  	(pc) =	sbr.rel $0x88, $3  }
0x1: {  	(tag) =	ssettag $0x0;
	lr =	simm.s32 $0x1  }
0x2: {  	[smem:$0x3F9B] =	sst lr;
	_ =	strace $0xD0000000  }
0x3: {  	_ = 	snop  }
0x4: {  	_ = 	snop  }
0x5: {  	_ = 	snop  }
0x6: {  	_ = 	snop  }
0x7: {  	_ = 	snop  }
__scs_overlays_trampoline_lowered:
0x8: {  	[smem:$0x3FAA] =	sst s0  }
0x9: {  	[smem:$0x3FAB] =	sst s1  }
0xa: {  	[smem:$0x3FAC] =	sst s2  }
0xb: {  	[smem:$0x3FAD] =	sst s3  }
0xc: {  	[smem:$0x3FAE] =	sst s4  }
0xd: {  	[smem:$0x3FAF] =	sst s5  }
0xe: {  	[smem:$0x3FB0] =	sst s6  }
0xf: {  	[smem:$0x3FB1] =	sst s7  }
0x10: {  	[smem:$0x3FB2] =	sst s8  }
0x11: {  	[smem:$0x3FB3] =	sst s9;
	s0 =	simm.s32 @!p0 $0x0  }
0x12: {  	s1 =	sld [smem:$0x3F99];
	s0 =	simm.s32 @p0 $0x1  }
0x13: {  	[smem:$0x3FB4] =	sst s0;
	s0 =	simm.s32 @!p1 $0x0  }
0x14: {  	s2 =	sld [smem:$0x3F98];
	s0 =	simm.s32 @p1 $0x1  }
0x15: {  	[smem:$0x3FB5] =	sst s0;
	s0 =	simm.s32 @!p2 $0x0  }
0x16: {  	s3 =	sld [smem:$0x3FDB];
	s0 =	simm.s32 @p2 $0x1  }
0x17: {  	s4 =	simm.s32 $0x1BF5;
	[smem:$0x3FB7] =	sst s0  }
0x18: {  	s0 =	sld [smem:$0x3F9A];
	_ =	swait.ge [sflag:s4], $0x0  }
0x19: {  	s7 =	sld [smem:$0x3F9B]  }
0x1a: {  	s8 =	sadd.s32 $0xFFFFE003, lr  }
0x1b: {  	s9 =	sadd.s32 $0xFFFFFEF7, lr;
	s5 =	simm.s32 $0xFFFFFFFF;
	p2 =	slt.u32 s8, $0xFFFFF086  }
0x1c: {  	p1 =	slt.u32 s9, $0xF7A;
	s5 =	simm.s32 @!p2 $0x0  }
0x1d: {  	s5 =	simm.s32 @p1 $0x1;
	p0 =	seq.s32 s7, s2  }
0x1e: {  	s7 =	smul.u32 @!p0 $0xF7A, s2;
	p2 =	seq.s32 @!p0 s5, $0x0  }
0x1f: {  	s9 =	smul.u32 $0xF7A, s1;
	s8 =	simm.s32 @!p0 $0x1BF5;
	p2 =	por !p2, p0  }
0x20: {  	[sflag:s8] =	ssyncset.s32 @!p0 $0xFFFFF086;
	s6 =	sadd.s32 @!p0 s3, s7;
	s7 =	simm.s32 @!p0 $0x108  }
0x21: {  	s3 =	sadd.s32 s3, s9;
	s6 =	sadd.s32 @!p0 $0x88, s6;
	s7 =	simm.s32 @p2 $0x1082  }
0x22: {  	[simem:s7], [sflag:s8] =	dma.local @!p0 [hbm:s6], $0xF7A  }
0x23: {  	s9 =	sor.u32 $0xD0000000, s2;
	s6 =	simm.s32 $0x108;
	_ =	swait.ge @!p0 [sflag:s8], $0x0  }
0x24: {  	s3 =	sadd.s32 $0x88, s3;
	s6 =	simm.s32 @!p1 $0x1082;
	[sflag:s4] =	ssyncset.s32 $0xFFFFF086  }
0x25: {  	[simem:s6], [sflag:s4] =	dma.local [hbm:s3], $0xF7A  }
0x26: {  	[smem:$0x3F9B] =	sst s1;
	(tag) =	ssettag s2;
	_ =	strace s9  }
0x27: {  	s1 =	sld [smem:$0x3FAB]  }
0x28: {  	s2 =	sld [smem:$0x3FAC]  }
0x29: {  	s4 =	sld [smem:$0x3FAE]  }
0x2a: {  	p0 =	seq.s32 s5, $0x0;
	s5 =	sld [smem:$0x3FAF]  }
0x2b: {  	s6 =	sld [smem:$0x3FB0]  }
0x2c: {  	s7 =	sld [smem:$0x3FB1]  }
0x2d: {  	s3 =	simm.s32 $0x108;
	s8 =	sld [smem:$0x3FB2]  }
0x2e: {  	s3 =	simm.s32 @!p0 $0x1082;
	s9 =	sld [smem:$0x3FB3]  }
0x2f: {  	lr =	sadd.s32 s0, s3;
	s0 =	sld [smem:$0x3FAA]  }
0x30: {  	s3 =	sld [smem:$0x3FAD]  }
0x31: {  	[smem:$0x3FB6] =	sst s10  }
0x32: {  	s10 =	sld [smem:$0x3FB4];
	_ =	sdelay $0x3  }
0x33: {  	p0 =	seq.s32 s10, $0x1;
	s10 =	sld [smem:$0x3FB6];
	_ =	sdelay $0x3  }
0x34: {  	[smem:$0x3FB6] =	sst s10  }
0x35: {  	s10 =	sld [smem:$0x3FB5];
	_ =	sdelay $0x3  }
0x36: {  	p1 =	seq.s32 s10, $0x1;
	s10 =	sld [smem:$0x3FB6];
	_ =	sdelay $0x3  }
0x37: {  	[smem:$0x3FB6] =	sst s10  }
0x38: {  	s10 =	sld [smem:$0x3FB7]  }
0x39: {  	_ = 	snop;
	(pc) =	sbr.ind lr, $3  }
0x3a: {  	_ = 	snop  }
0x3b: {  	_ = 	snop  }
0x3c: {  	p2 =	seq.s32 s10, $0x1;
	s10 =	sld [smem:$0x3FB6]  }
0x3d: {  	_ =	shalt  }
0x3e: {  	_ =	shalt  }
0x3f: {  	_ =	shalt  }
0x40: {  	_ =	shalt  }
0x41: {  	_ =	shalt  }
0x42: {  	_ =	shalt  }
0x43: {  	_ =	shalt  }
0x44: {  	_ =	shalt  }
0x45: {  	_ =	shalt  }
0x46: {  	_ =	shalt  }
0x47: {  	_ =	shalt  }
0x48: {  	_ =	shalt  }
0x49: {  	_ =	shalt  }
0x4a: {  	_ =	shalt  }
0x4b: {  	_ =	shalt  }
0x4c: {  	_ =	shalt  }
0x4d: {  	_ =	shalt  }
0x4e: {  	_ =	shalt  }
0x4f: {  	_ =	shalt  }
0x50: {  	_ =	shalt  }
0x51: {  	_ =	shalt  }
0x52: {  	_ =	shalt  }
0x53: {  	_ =	shalt  }
0x54: {  	_ =	shalt  }
0x55: {  	_ =	shalt  }
0x56: {  	_ =	shalt  }
0x57: {  	_ =	shalt  }
0x58: {  	_ =	shalt  }
0x59: {  	_ =	shalt  }
0x5a: {  	_ =	shalt  }
0x5b: {  	_ =	shalt  }
0x5c: {  	_ =	shalt  }
0x5d: {  	_ =	shalt  }
0x5e: {  	_ =	shalt  }
0x5f: {  	_ =	shalt  }
0x60: {  	_ =	shalt  }
0x61: {  	_ =	shalt  }
0x62: {  	_ =	shalt  }
0x63: {  	_ =	shalt  }
0x64: {  	_ =	shalt  }
0x65: {  	_ =	shalt  }
0x66: {  	_ =	shalt  }
0x67: {  	_ =	shalt  }
0x68: {  	_ =	shalt  }
0x69: {  	_ =	shalt  }
0x6a: {  	_ =	shalt  }
0x6b: {  	_ =	shalt  }
0x6c: {  	_ =	shalt  }
0x6d: {  	_ =	shalt  }
0x6e: {  	_ =	shalt  }
0x6f: {  	_ =	shalt  }
0x70: {  	_ =	shalt  }
0x71: {  	_ =	shalt  }
0x72: {  	_ =	shalt  }
0x73: {  	_ =	shalt  }
0x74: {  	_ =	shalt  }
0x75: {  	_ =	shalt  }
0x76: {  	_ =	shalt  }
0x77: {  	_ =	shalt  }
0x78: {  	_ =	shalt  }
0x79: {  	_ =	shalt  }
0x7a: {  	_ =	shalt  }
0x7b: {  	_ =	shalt  }
0x7c: {  	_ =	shalt  }
0x7d: {  	_ =	shalt  }
0x7e: {  	_ =	shalt  }
0x7f: {  	_ =	shalt  }
0x80: {  	_ =	shalt  }
0x81: {  	_ =	shalt  }
0x82: {  	_ =	shalt  }
0x83: {  	_ =	shalt  }
0x84: {  	_ =	shalt  }
0x85: {  	_ =	shalt  }
0x86: {  	_ =	shalt  }
0x87: {  	_ =	shalt  }
.Lfunc_end0:
.L_simem_size_0:
called_computation.6_lowered:
.L_overlay_start_0:
0x88: {  	s2 =	sld [smem:$0x3FD9]  }
0x89: {  	s3 =	sld [smem:$0x3FFE];
	_ =	sdelay $0x1  }
0x8a: {  	s1 =	srdreg.scid  }
0x8b: {  	s0 =	sand.u32 $0x1, s1  }
0x8c: {  	s14 =	sshll.u32 s0, $0xA;
	s2 =	sadd.s32 s3, s2  }
0x8d: {  	s2 =	sadd.s32 s2, s14  }
0x8e: {  	[smem:$0x3FC2] =	sst s2  }
0x8f: {  	_ = 	snop  }
0x90: {  	s2 =	sld [smem:$0x3FD0];
	_ =	sdelay $0x2  }
0x91: {  	s15 =	simm.s32 $0xB;
	s4 =	simm.s32 $0x10  }
0x92: {  	[smem:s4], [sflag:s15] =	dma.local [hbm:s2], $0x1  }
0x93: {  	_ =	swait.eq [sflag:s15], $0x1  }
0x94: {  	s16 =	sld [smem:$0x10];
	[sflag:s15] =	ssyncset.done $0x0  }
0x95: {  	s17 =	sld [smem:$0x11];
	[sflag:s15] =	ssyncadd.s32 $0xFFFFFFFF  }
0x96: {  	s18 =	sld [smem:$0x12];
	(tm) =	ssettm $0x1  }
0x97: {  	s5 =	sld [smem:$0x3FFB];
	_ =	sdelay $0x3  }
0x98: {  	_ =	strace s5  }
0x99: {  	s5 =	sld [smem:$0x3FFC];
	_ =	sdelay $0x3  }
0x9a: {  	_ =	strace s5  }
0x9b: {  	s5 =	sld [smem:$0x3FFD];
	_ =	sdelay $0x3  }
0x9c: {  	_ =	strace s5  }
0x9d: {  	_ =	strace $0x8FFFFFFF  }
0x9e: {  	s19 =	sld [smem:$0x3FDB];
	_ =	sdelay $0x1  }
0x9f: {  	s6 =	simm.s32 $_scs_section_size  }
0xa0: {  	s7 =	simm.s32 $_size__tile_overlayer_lowered;
	s8 =	simm.s32 $_tile_overlayer_lowered  }
0xa1: {  	s22 =	simm.s32 $0x1BFF;
	s21 =	sshll.u32 s8, $0x1;
	s5 =	sadd.s32 s6, s19  }
0xa2: {  	s9 =	simm.s32 $0x0;
	s20 =	sshll.u32 s7, $0x1;
	s7 =	sadd.s32 s21, s5  }
0xa3: {  	[timem:s9], [sflag:s22] =	dma.local [hbm:s7], s20  }
0xa4: {  	_ =	swait.ge [sflag:s22], s20  }
0xa5: {  	s6 =	ssub.s32 $0x0, s20;
	[sflag:s22] =	ssyncset.done $0x0  }
0xa6: {  	[sflag:s22] =	ssyncadd.s32 s6;
	_ =	sdelay $0x1  }
0xa7: {  	s23 =	simm.s32 $0x1B8B  }
0xa8: {  	_ =	swait.ge [sflag:s23], $0x1  }
0xa9: {  	[sflag:s23] =	ssyncset.done $0x0  }
0xaa: {  	s25 =	simm.s32 $0x1B8E;
	s24 =	sld [smem:$0x3FFE];
	[sflag:s23] =	ssyncadd.s32 $0xFFFFFFFF  }
0xab: {  	s26 =	simm.s32 $execute0_lowered;
	[smem:$0x3FD2] =	sst s25  }
0xac: {  	s7 =	sshll.u32 s26, $0x1;
	_ =	strace $0x80000052;
	[dreg:$0x1] =	wrdreg $0xFFFFFFFF  }
0xad: {  	s28 =	simm.s32 $_size_execute0_lowered;
	s5 =	sadd.s32 s5, s7;
	[dreg:$0x0] =	wrdreg $0x0  }
0xae: {  	s7 =	sshll.u32 s28, $0x1;
	[dreg:$0x2] =	wrdreg s5  }
0xaf: {  	[dreg:$0x3] =	wrdreg s7  }
0xb0: {  	[dreg:$0x4] =	wrdreg $0xC0  }
0xb1: {  	_ =	task [dreg:s9], $0x5FFFF  }
0xb2: {  	[dreg:$0x1] =	wrdreg $0xFFFFFFFF  }
0xb3: {  	[dreg:$0x0] =	wrdreg $0x60  }
0xb4: {  	[dreg:$0x2] =	wrdreg s17  }
0xb5: {  	[dreg:$0x3] =	wrdreg s16  }
0xb6: {  	[dreg:$0x4] =	wrdreg s24  }
0xb7: {  	[dreg:$0x5] =	wrdreg s18  }
0xb8: {  	[dreg:$0x6] =	wrdreg $0x9  }
0xb9: {  	_ =	task.clear_ibuf [dreg:s9], $0x7FFFF;
	_ =	strace $0x90000052  }
0xba: {  	s29 =	simm.s32 $0x9;
	_ =	strace $0x80000054  }
0xbb: {  	_ =	swait.ge [sflag:s29], $0x1  }
0xbc: {  	[sflag:s29] =	ssyncadd.s32 $0xFFFFFFFF  }
0xbd: {  	_ =	strace $0x90000054  }
0xbe: {  	_ =	sfence  }
0xbf: {  	s30 =	sld [smem:$0x0];
	_ =	sdelay $0x2  }
0xc0: {  	s31 =	sshll.u32 s1, $0xD;
	s1 =	sshrl.u32 s1, $0x2  }
0xc1: {  	s3 =	sand.u32 $0x4000, s31;
	s1 =	sadd.s32 s1, s30  }
0xc2: {  	s0 =	sor.u32 s3, s0;
	s1 =	sshll.u32 s1, $0x11  }
0xc3: {  	s0 =	sor.u32 s1, s0  }
0xc4: {  	s0 =	sadd.s32 $0x8F2B, s0  }
0xc5: {  	[sflag:s0] =	ssyncadd.remote.s32 $0x1  }
0xc6: {  	_ =	sfence.sel $0xFFFF  }
0xc7: {  	[dreg:$0x0] =	wrdreg $0xFFFFFFFF;
	(pc) =	sbr.abs _section_cstart, $3  }
0xc8: {  	[dreg:$0x1] =	wrdreg $0xFFFFFFFF  }
0xc9: {  	_ =	task.clear_ibuf [dreg:s9], $0x2FFFF;
	_ =	strace $0x9FFFFFFF  }
0xca: {  	(tm) =	ssettm $0x7FFFFFFF  }
0xcb: {  	_ =	shalt  }
tec
execute0_lowered:
.L_overlay_start_1:
0x0: {  	(tag) =	ssettag $0x1  }
0x1: {  	s22 =	rddreg [dreg:$0x0]  }
0x2: {  	s23 =	rddreg [dreg:$0x1]  }
0x3: {  	s6 =	rddreg [dreg:$0x2]  }
0x4: {  	s0 =	rddreg [dreg:$0x3]  }
0x5: {  	s3 =	simm.s32 $0x0;
	s24 =	srdreg.scid;
	[dreg:$0x5] =	wrdreg s0  }
0x6: {  	s12 =	stileid.u32;
	s19 =	simm.s32 $0x14080;
	[smem:$0x7FF] =	sst s3  }
0x7: {  	s0 =	sand.u32 $0x1, s24;
	s2 =	sadd.s32 $0x101E00, s6;
	s25 =	sadd.s32 $0x1E00, s6  }
0x8: {  	s26 =	sadd.s32 $0x1800, s6;
	_ =	strace $0x80000053;
	[smem:$0x7DA] =	sst s2  }
0x9: {  	s4 =	sadd.s32 $0x1400, s6;
	s16 =	sadd.s32 $0x201E00, s6;
	[smem:$0x7DB] =	sst s25  }
0xa: {  	s21 =	sadd.s32 $0xA01E00, s6;
	s18 =	sshll.u32 s12, $0x8;
	[dreg:$0x6] =	wrdreg s4  }
0xb: {  	s24 =	simm.s32 $0x14100;
	s1 =	sshll.u32 s0, $0x4;
	[dreg:$0x7] =	wrdreg s19  }
0xc: {  	s7 =	ssub.s32 $0x2, s0;
	s0 =	sshll.u32 s0, $0xC;
	[dreg:$0x8] =	wrdreg s24  }
0xd: {  	[smem:$0x7E4] =	sst s16;
	s24 =	sadd.s32 $0x202000, s6;
	s1 =	sor.u32 s12, s1  }
0xe: {  	s8 =	sshrl.u32 s7, $0x1;
	s0 =	sor.u32 s18, s0;
	[smem:$0x7E9] =	sst s24  }
0xf: {  	s12 =	sadd.s32 $0x102400, s6;
	s18 =	sadd.s32 $0x202200, s6;
	[dreg:$0x10] =	wrdreg s0  }
0x10: {  	s24 =	sadd.s32 $0x300, s23;
	s28 =	smul.u32 $0xC8, s1;
	[smem:$0x7E1] =	sst s12  }
0x11: {  	s5 =	sshll.u32 s1, $0x1;
	s1 =	smul.u32 $0xC800, s1;
	[smem:$0x7E6] =	sst s18  }
0x12: {  	s7 =	ssub.s32 s7, s8;
	s12 =	sadd.s32 $0xA02400, s6;
	[smem:$0x7F9] =	sst s24  }
0x13: {  	s18 =	sadd.s32 $0x500, s22;
	s4 =	sadd.s32 s5, s6;
	[smem:$0x7EE] =	sst s12  }
0x14: {  	[smem:$0x7F4] =	sst s18;
	s9 =	sshrl.u32 s28, $0x3;
	s10 =	sadd.s32 s16, s1  }
0x15: {  	s31 =	sadd.s32 $0x28, s28;
	s1 =	sadd.s32 s21, s1;
	[dreg:$0xa] =	wrdreg s10  }
0x16: {  	s30 =	sadd.s32 s26, s9;
	[dreg:$0xb] =	wrdreg s1;
	s11 =	sshrl.u32 s31, $0x3  }
0x17: {  	s8 =	sshll.u32 s31, $0x8;
	s31 =	sadd.s32 $0x1200, s4;
	[dreg:$0x9] =	wrdreg s30  }
0x18: {  	s13 =	sadd.s32 $0x50, s28;
	s4 =	sadd.s32 $0x102000, s6;
	[dreg:$0x15] =	wrdreg s31  }
0x19: {  	s5 =	sadd.s32 $0xA0, s28;
	s9 =	sadd.s32 $0x102100, s6;
	[smem:$0x7DD] =	sst s4  }
0x1a: {  	s10 =	sshrl.u32 s13, $0x3;
	s1 =	sadd.s32 s26, s11;
	[smem:$0x7DE] =	sst s9  }
0x1b: {  	s17 =	sshrl.u32 s5, $0x3;
	s10 =	sadd.s32 s26, s10;
	[dreg:$0xc] =	wrdreg s1  }
0x1c: {  	s2 =	sadd.s32 s26, s17;
	[dreg:$0xd] =	wrdreg s10  }
0x1d: {  	s14 =	sadd.s32 $0x78, s28;
	s20 =	sadd.s32 s16, s8;
	[dreg:$0xf] =	wrdreg s2  }
0x1e: {  	s11 =	sshrl.u32 s14, $0x3;
	s25 =	sadd.s32 s21, s8;
	[dreg:$0x11] =	wrdreg s20  }
0x1f: {  	s30 =	sshll.u32 s14, $0x8;
	s14 =	sadd.s32 $0x102500, s6;
	[dreg:$0x12] =	wrdreg s25  }
0x20: {  	s17 =	sadd.s32 $0x202100, s6;
	[smem:$0x7E2] =	sst s14  }
0x21: {  	s31 =	sadd.s32 $0x2100, s6;
	[smem:$0x7E5] =	sst s17  }
0x22: {  	s4 =	sadd.s32 $0x2200, s6;
	[smem:$0x7ED] =	sst s31  }
0x23: {  	s9 =	sadd.s32 $0xA02200, s6;
	[dreg:$0x1b] =	wrdreg s4  }
0x24: {  	s15 =	sadd.s32 s26, s11;
	[dreg:$0x1d] =	wrdreg s9  }
0x25: {  	s2 =	sadd.s32 $0x101F00, s6;
	[dreg:$0xe] =	wrdreg s15  }
0x26: {  	s8 =	sadd.s32 s16, s30;
	[smem:$0x7DC] =	sst s2  }
0x27: {  	s10 =	sadd.s32 $0x102200, s6;
	[dreg:$0x16] =	wrdreg s8  }
0x28: {  	s0 =	sadd.s32 s21, s30;
	[smem:$0x7DF] =	sst s10  }
0x29: {  	s11 =	sadd.s32 $0x102300, s6;
	[dreg:$0x17] =	wrdreg s0  }
0x2a: {  	s20 =	sadd.s32 $0x202300, s6;
	[smem:$0x7E0] =	sst s11  }
0x2b: {  	s30 =	sadd.s32 $0x2000, s6;
	[smem:$0x7E7] =	sst s20  }
0x2c: {  	s14 =	sadd.s32 $0x100, s22;
	[smem:$0x7EC] =	sst s30  }
0x2d: {  	s17 =	sadd.s32 $0x400, s22;
	[smem:$0x7F0] =	sst s14  }
0x2e: {  	s1 =	sshll.u32 s13, $0x8;
	s31 =	sadd.s32 $0x700, s23;
	[smem:$0x7F3] =	sst s17  }
0x2f: {  	s26 =	sadd.s32 s16, s1;
	[smem:$0x7FD] =	sst s31  }
0x30: {  	s28 =	sadd.s32 s21, s1;
	[dreg:$0x13] =	wrdreg s26  }
0x31: {  	s13 =	sshll.u32 s5, $0x8;
	s15 =	sadd.s32 $0x201F00, s6;
	[dreg:$0x14] =	wrdreg s28  }
0x32: {  	s16 =	sadd.s32 s16, s13;
	[smem:$0x7E3] =	sst s15  }
0x33: {  	s19 =	sadd.s32 s21, s13;
	[dreg:$0x18] =	wrdreg s16  }
0x34: {  	s25 =	smov.u32 s21;
	s21 =	sadd.s32 $0x202400, s6;
	[dreg:$0x19] =	wrdreg s19  }
0x35: {  	s1 =	sadd.s32 $0xA02000, s6;
	[smem:$0x7E8] =	sst s21  }
0x36: {  	s8 =	sadd.s32 $0xA02100, s6;
	[dreg:$0x1a] =	wrdreg s1  }
0x37: {  	s10 =	sadd.s32 $0x2400, s6;
	[dreg:$0x1c] =	wrdreg s8  }
0x38: {  	s11 =	sadd.s32 $0xA02300, s6;
	[dreg:$0x1e] =	wrdreg s10  }
0x39: {  	s13 =	smax.u32 s7, $0x1;
	[dreg:$0x1f] =	wrdreg s11  }
0x3a: {  	s20 =	sadd.s32 $0x700, s22;
	[smem:$0x7EF] =	sst s13  }
0x3b: {  	s30 =	sadd.s32 $0x600, s23;
	[smem:$0x7F6] =	sst s20  }
0x3c: {  	s26 =	sadd.s32 $0x202500, s6;
	[smem:$0x7FC] =	sst s30  }
0x3d: {  	s28 =	sadd.s32 $0x1F00, s6;
	[smem:$0x7EA] =	sst s26  }
0x3e: {  	s29 =	sadd.s32 $0xA01F00, s6;
	s15 =	sadd.s32 $0x200, s22;
	[smem:$0x7EB] =	sst s28  }
0x3f: {  	s5 =	sadd.s32 $0x2500, s6;
	s16 =	sadd.s32 $0x300, s22;
	[smem:$0x7F1] =	sst s15  }
0x40: {  	s2 =	sadd.s32 $0x2300, s6;
	s19 =	sadd.s32 $0x600, s22;
	[smem:$0x7F2] =	sst s16  }
.Ltmp0:
0x41: {  	s21 =	sadd.s32 $0x100, s23;
	[smem:$0x7F5] =	sst s19;
	(pc) =	sbr.rel .LBB2_1-.Ltmp0, $4  }
0x42: {  	s7 =	simm.s32 $0x2;
	s22 =	sadd.s32 $0x200, s23;
	[smem:$0x7F7] =	sst s21  }
0x43: {  	v2 =	vlaneseq.u32;
	s6 =	sadd.s32 $0xA02500, s6;
	[smem:$0x7F8] =	sst s22;
	s26 =	sadd.s32 $0x400, s23  }
0x44: {  	vm0 =	vmmov $0xffff;
	v1 =	vshrl.u32 v2, $0x3;
	s28 =	sadd.s32 $0x500, s23;
	s23 =	simm.s32 $0x880;
	[smem:$0x7FA] =	sst s26  }
0x45: {  	v0 =	vand.u32 $0x7, v2;
	v2 =	vor.u32 $0x8, v2;
	v1 =	vmul.u32 $0x8, v1;
	s22 =	simm.s32 $0x0;
	[smem:$0x7FB] =	sst s28;
	s26 =	simm.s32 $0x80  }
.LBB2_3:
0x46: {  	s22 =	sld [smem:$0x7D9]  }
0x47: {  	s0 =	sld [smem:$0x7EF];
	_ =	sdelay $0x1  }
0x48: {  	s22 =	sadd.s32 $0x1, s22  }
0x49: {  	p0 =	sne.s32 s22, s0  }
.Ltmp1:
0x4a: {  	_ = 	snop;
	(pc) =	sbr.rel @!p0 .LBB2_4-.Ltmp1, $2  }
0x4b: {  	_ =	sdelay $0x2  }
0x4c: {  	s7 =	simm.s32 $0x2;
	s23 =	simm.s32 $0x880  }
.LBB2_1:
0x4d: {  	[smem:$0x7D9] =	sst s22  }
0x4e: {  	s0 =	rddreg [dreg:$0x9]  }
0x4f: {  	[tilespmem:s3], [sflag:$0x2] =	stream.linear.gather [hbm4b:s0+s3], $0x28, $0x38;
	[tilespmem:$0x14200] =	vst v63  }
0x50: {  	_ =	swait.ge [sflag:s7], $0x28  }
0x51: {  	[sflag:s7] =	ssyncset.done $0x0  }
0x52: {  	[sflag:s7] =	ssyncadd.s32 $0xFFFFFFD8  }
0x53: {  	v3 =	vld [tilespmem:$0x0];
	_ =	sdelay $0x4  }
0x54: {  	v4 =	vshll.u32 v3, $0x4  }
0x55: {  	v3 =	vand.u32 $0x7, v3;
	v4 =	vand.u32 $0xFFFFFF80, v4  }
0x56: {  	v3 =	vor.u32 v3, v4  }
0x57: {  	v4 =	vperm.xlane v3, v0;
	_ =	sdelay $0x1  }
0x58: {  	v4 =	vadd.s32 v1, v4;
	_ =	sdelay $0x2  }
0x59: {  	s28 =	sld [smem:$0x7F0]  }
0x5a: {  	s1 =	rddreg [dreg:$0x0]  }
0x5b: {  	[tilespmem:s26], [sflag:$0x1] =	stream.indirect_vreg.gather [hbm4b:s1+s3], $0x80, v4, vm0, $0xb8;
	[tilespmem:$0x14200] =	vst v63  }
0x5c: {  	s26 =	sld [smem:$0x7F1]  }
0x5d: {  	[tilespmem:s23], [sflag:$0x1] =	stream.indirect_vreg.gather [hbm4b:s28+s3], $0x80, v4, vm0, $0xb8;
	[tilespmem:$0x14200] =	vst v63  }
0x5e: {  	s20 =	simm.s32 $0x1080;
	s18 =	sld [smem:$0x7F2]  }
0x5f: {  	[tilespmem:s20], [sflag:$0x1] =	stream.indirect_vreg.gather [hbm4b:s26+s3], $0x80, v4, vm0, $0xb8;
	[tilespmem:$0x14200] =	vst v63  }
0x60: {  	s21 =	simm.s32 $0x1880;
	s17 =	sld [smem:$0x7F3]  }
0x61: {  	[tilespmem:s21], [sflag:$0x1] =	stream.indirect_vreg.gather [hbm4b:s18+s3], $0x80, v4, vm0, $0xb8;
	[tilespmem:$0x14200] =	vst v63  }
0x62: {  	s22 =	simm.s32 $0x2080;
	s15 =	sld [smem:$0x7F4]  }
0x63: {  	[tilespmem:s22], [sflag:$0x1] =	stream.indirect_vreg.gather [hbm4b:s17+s3], $0x80, v4, vm0, $0xb8;
	[tilespmem:$0x14200] =	vst v63  }
0x64: {  	s30 =	sld [smem:$0x7F5];
	v3 =	vperm.xlane v3, v2;
	s23 =	simm.s32 $0x2880  }
0x65: {  	[tilespmem:s23], [sflag:$0x1] =	stream.indirect_vreg.gather [hbm4b:s15+s3], $0x80, v4, vm0, $0xb8;
	[tilespmem:$0x14200] =	vst v63  }
0x66: {  	s24 =	simm.s32 $0x3080;
	s8 =	sld [smem:$0x7F6];
	v3 =	vadd.s32 v1, v3  }
0x67: {  	[tilespmem:s24], [sflag:$0x1] =	stream.indirect_vreg.gather [hbm4b:s30+s3], $0x80, v4, vm0, $0xb8;
	[tilespmem:$0x14200] =	vst v63  }
0x68: {  	s7 =	simm.s32 $0x3880  }
0x69: {  	[tilespmem:s7], [sflag:$0x1] =	stream.indirect_vreg.gather [hbm4b:s8+s3], $0x80, v4, vm0, $0xb8;
	[tilespmem:$0x14200] =	vst v63  }
0x6a: {  	s9 =	simm.s32 $0x4080  }
0x6b: {  	[tilespmem:s9], [sflag:$0x1] =	stream.indirect_vreg.gather [hbm4b:s1+s3], $0x80, v3, vm0, $0xb8;
	[tilespmem:$0x14200] =	vst v63  }
0x6c: {  	s10 =	simm.s32 $0x4880  }
0x6d: {  	[tilespmem:s10], [sflag:$0x1] =	stream.indirect_vreg.gather [hbm4b:s28+s3], $0x80, v3, vm0, $0xb8;
	[tilespmem:$0x14200] =	vst v63  }
0x6e: {  	s13 =	simm.s32 $0x5080  }
0x6f: {  	[tilespmem:s13], [sflag:$0x1] =	stream.indirect_vreg.gather [hbm4b:s26+s3], $0x80, v3, vm0, $0xb8;
	[tilespmem:$0x14200] =	vst v63  }
0x70: {  	s14 =	simm.s32 $0x5880  }
0x71: {  	[tilespmem:s14], [sflag:$0x1] =	stream.indirect_vreg.gather [hbm4b:s18+s3], $0x80, v3, vm0, $0xb8;
	[tilespmem:$0x14200] =	vst v63  }
0x72: {  	s22 =	simm.s32 $0x6080  }
0x73: {  	[tilespmem:s22], [sflag:$0x1] =	stream.indirect_vreg.gather [hbm4b:s17+s3], $0x80, v3, vm0, $0xb8;
	[tilespmem:$0x14200] =	vst v63  }
0x74: {  	s23 =	simm.s32 $0x6880  }
0x75: {  	[tilespmem:s23], [sflag:$0x1] =	stream.indirect_vreg.gather [hbm4b:s15+s3], $0x80, v3, vm0, $0xb8;
	[tilespmem:$0x14200] =	vst v63  }
0x76: {  	s7 =	simm.s32 $0x7080  }
0x77: {  	[tilespmem:s7], [sflag:$0x1] =	stream.indirect_vreg.gather [hbm4b:s30+s3], $0x80, v3, vm0, $0xb8;
	[tilespmem:$0x14200] =	vst v63  }
0x78: {  	s9 =	simm.s32 $0x7880  }
0x79: {  	[tilespmem:s9], [sflag:$0x1] =	stream.indirect_vreg.gather [hbm4b:s8+s3], $0x80, v3, vm0, $0xb8;
	[tilespmem:$0x14200] =	vst v63  }
0x7a: {  	v3 =	vld [tilespmem:$0x10];
	_ =	sdelay $0x4  }
0x7b: {  	v35 =	vshll.u32 v3, $0x4  }
0x7c: {  	v3 =	vand.u32 $0x7, v3;
	v4 =	vand.u32 $0xFFFFFF80, v35  }
0x7d: {  	v3 =	vor.u32 v3, v4  }
0x7e: {  	v4 =	vperm.xlane v3, v0;
	_ =	sdelay $0x1  }
0x7f: {  	v4 =	vadd.s32 v1, v4;
	_ =	sdelay $0x3  }
0x80: {  	s10 =	simm.s32 $0x8080  }
0x81: {  	[tilespmem:s10], [sflag:$0x1] =	stream.indirect_vreg.gather [hbm4b:s1+s3], $0x80, v4, vm0, $0xb8;
	[tilespmem:$0x14200] =	vst v63  }
0x82: {  	s13 =	simm.s32 $0x8880  }
0x83: {  	[tilespmem:s13], [sflag:$0x1] =	stream.indirect_vreg.gather [hbm4b:s28+s3], $0x80, v4, vm0, $0xb8;
	[tilespmem:$0x14200] =	vst v63  }
0x84: {  	s14 =	simm.s32 $0x9080  }
0x85: {  	[tilespmem:s14], [sflag:$0x1] =	stream.indirect_vreg.gather [hbm4b:s26+s3], $0x80, v4, vm0, $0xb8;
	[tilespmem:$0x14200] =	vst v63  }
0x86: {  	s22 =	simm.s32 $0x9880  }
0x87: {  	[tilespmem:s22], [sflag:$0x1] =	stream.indirect_vreg.gather [hbm4b:s18+s3], $0x80, v4, vm0, $0xb8;
	[tilespmem:$0x14200] =	vst v63  }
0x88: {  	s23 =	simm.s32 $0xA080  }
0x89: {  	[tilespmem:s23], [sflag:$0x1] =	stream.indirect_vreg.gather [hbm4b:s17+s3], $0x80, v4, vm0, $0xb8;
	[tilespmem:$0x14200] =	vst v63  }
0x8a: {  	s7 =	simm.s32 $0xA880;
	v3 =	vperm.xlane v3, v2  }
0x8b: {  	[tilespmem:s7], [sflag:$0x1] =	stream.indirect_vreg.gather [hbm4b:s15+s3], $0x80, v4, vm0, $0xb8;
	[tilespmem:$0x14200] =	vst v63  }
0x8c: {  	s9 =	simm.s32 $0xB080;
	v3 =	vadd.s32 v1, v3  }
0x8d: {  	[tilespmem:s9], [sflag:$0x1] =	stream.indirect_vreg.gather [hbm4b:s30+s3], $0x80, v4, vm0, $0xb8;
	[tilespmem:$0x14200] =	vst v63  }
0x8e: {  	s10 =	simm.s32 $0xB880  }
0x8f: {  	[tilespmem:s10], [sflag:$0x1] =	stream.indirect_vreg.gather [hbm4b:s8+s3], $0x80, v4, vm0, $0xb8;
	[tilespmem:$0x14200] =	vst v63  }
0x90: {  	s13 =	simm.s32 $0xC080  }
0x91: {  	[tilespmem:s13], [sflag:$0x1] =	stream.indirect_vreg.gather [hbm4b:s1+s3], $0x80, v3, vm0, $0xb8;
	[tilespmem:$0x14200] =	vst v63  }
0x92: {  	s14 =	simm.s32 $0xC880  }
0x93: {  	[tilespmem:s14], [sflag:$0x1] =	stream.indirect_vreg.gather [hbm4b:s28+s3], $0x80, v3, vm0, $0xb8;
	[tilespmem:$0x14200] =	vst v63  }
0x94: {  	s22 =	simm.s32 $0xD080  }
0x95: {  	[tilespmem:s22], [sflag:$0x1] =	stream.indirect_vreg.gather [hbm4b:s26+s3], $0x80, v3, vm0, $0xb8;
	[tilespmem:$0x14200] =	vst v63  }
0x96: {  	s23 =	simm.s32 $0xD880  }
0x97: {  	[tilespmem:s23], [sflag:$0x1] =	stream.indirect_vreg.gather [hbm4b:s18+s3], $0x80, v3, vm0, $0xb8;
	[tilespmem:$0x14200] =	vst v63  }
0x98: {  	s7 =	simm.s32 $0xE080  }
0x99: {  	[tilespmem:s7], [sflag:$0x1] =	stream.indirect_vreg.gather [hbm4b:s17+s3], $0x80, v3, vm0, $0xb8;
	[tilespmem:$0x14200] =	vst v63  }
0x9a: {  	s9 =	simm.s32 $0xE880  }
0x9b: {  	[tilespmem:s9], [sflag:$0x1] =	stream.indirect_vreg.gather [hbm4b:s15+s3], $0x80, v3, vm0, $0xb8;
	[tilespmem:$0x14200] =	vst v63  }
0x9c: {  	s10 =	simm.s32 $0xF080  }
0x9d: {  	[tilespmem:s10], [sflag:$0x1] =	stream.indirect_vreg.gather [hbm4b:s30+s3], $0x80, v3, vm0, $0xb8;
	[tilespmem:$0x14200] =	vst v63  }
0x9e: {  	s13 =	simm.s32 $0xF880  }
0x9f: {  	[tilespmem:s13], [sflag:$0x1] =	stream.indirect_vreg.gather [hbm4b:s8+s3], $0x80, v3, vm0, $0xb8;
	[tilespmem:$0x14200] =	vst v63  }
0xa0: {  	v3 =	vld.msk [tilespmem:$0x20], $0xff;
	_ =	sdelay $0x4  }
0xa1: {  	v36 =	vshll.u32 v3, $0x4  }
0xa2: {  	v3 =	vand.u32 $0x7, v3;
	v4 =	vand.u32 $0xFFFFFF80, v36  }
0xa3: {  	v3 =	vor.u32 v3, v4  }
0xa4: {  	v3 =	vperm.xlane v3, v0;
	_ =	sdelay $0x1  }
0xa5: {  	v3 =	vadd.s32 v1, v3;
	_ =	sdelay $0x3  }
0xa6: {  	s14 =	simm.s32 $0x10080  }
0xa7: {  	[tilespmem:s14], [sflag:$0x1] =	stream.indirect_vreg.gather [hbm4b:s1+s3], $0x80, v3, vm0, $0xb8;
	[tilespmem:$0x14200] =	vst v63  }
0xa8: {  	s22 =	simm.s32 $0x10880  }
0xa9: {  	[tilespmem:s22], [sflag:$0x1] =	stream.indirect_vreg.gather [hbm4b:s28+s3], $0x80, v3, vm0, $0xb8;
	[tilespmem:$0x14200] =	vst v63  }
0xaa: {  	s23 =	simm.s32 $0x11080  }
0xab: {  	[tilespmem:s23], [sflag:$0x1] =	stream.indirect_vreg.gather [hbm4b:s26+s3], $0x80, v3, vm0, $0xb8;
	[tilespmem:$0x14200] =	vst v63  }
0xac: {  	s9 =	simm.s32 $0x11880  }
0xad: {  	[tilespmem:s9], [sflag:$0x1] =	stream.indirect_vreg.gather [hbm4b:s18+s3], $0x80, v3, vm0, $0xb8;
	[tilespmem:$0x14200] =	vst v63  }
0xae: {  	s10 =	simm.s32 $0x12080  }
0xaf: {  	[tilespmem:s10], [sflag:$0x1] =	stream.indirect_vreg.gather [hbm4b:s17+s3], $0x80, v3, vm0, $0xb8;
	[tilespmem:$0x14200] =	vst v63  }
0xb0: {  	s13 =	simm.s32 $0x12880  }
0xb1: {  	[tilespmem:s13], [sflag:$0x1] =	stream.indirect_vreg.gather [hbm4b:s15+s3], $0x80, v3, vm0, $0xb8;
	[tilespmem:$0x14200] =	vst v63  }
0xb2: {  	s14 =	simm.s32 $0x13080  }
0xb3: {  	[tilespmem:s14], [sflag:$0x1] =	stream.indirect_vreg.gather [hbm4b:s30+s3], $0x80, v3, vm0, $0xb8;
	[tilespmem:$0x14200] =	vst v63  }
0xb4: {  	s22 =	simm.s32 $0x13880;
	s23 =	simm.s32 $0x1  }
0xb5: {  	[tilespmem:s22], [sflag:$0x1] =	stream.indirect_vreg.gather [hbm4b:s8+s3], $0x80, v3, vm0, $0xb8;
	[tilespmem:$0x14200] =	vst v63  }
0xb6: {  	_ =	swait.ge [sflag:s23], $0x14000  }
0xb7: {  	s31 =	simm.s32 $0x2;
	[sflag:s23] =	ssyncset.done $0x0  }
0xb8: {  	s10 =	simm.s32 $0x80;
	s9 =	rddreg [dreg:$0xa];
	[sflag:s23] =	ssyncadd.s32 $0xFFFEC000  }
0xb9: {  	[hbm4b:s9+s3] =	stream.linear.scatter [tilespmem:s10], [sflag:$0x2], $0x14000, $0x38;
	[tilespmem:$0x14200] =	vst v63  }
0xba: {  	_ =	swait.ge [sflag:s31], $0x14000  }
0xbb: {  	[sflag:s31] =	ssyncset.done $0x0  }
0xbc: {  	[sflag:s31] =	ssyncadd.s32 $0xFFFEC000  }
0xbd: {  	v3 =	vld [tilespmem:$0x0];
	_ =	sdelay $0x4  }
0xbe: {  	v37 =	vshll.u32 v3, $0x4  }
0xbf: {  	v3 =	vand.u32 $0x7, v3;
	v4 =	vand.u32 $0xFFFFFF80, v37  }
0xc0: {  	v3 =	vor.u32 v3, v4  }
0xc1: {  	v4 =	vperm.xlane v3, v0;
	_ =	sdelay $0x1  }
0xc2: {  	v4 =	vadd.s32 v1, v4;
	_ =	sdelay $0x3  }
0xc3: {  	s14 =	simm.s32 $0x80;
	s13 =	rddreg [dreg:$0x1]  }
0xc4: {  	[tilespmem:s14], [sflag:$0x1] =	stream.indirect_vreg.gather [hbm4b:s13+s3], $0x80, v4, vm0, $0xb8;
	[tilespmem:$0x14200] =	vst v63  }
0xc5: {  	s14 =	sld [smem:$0x7F7];
	_ =	sdelay $0x1  }
0xc6: {  	s10 =	simm.s32 $0x880;
	s0 =	smov.u32 s13;
	s13 =	sld [smem:$0x7F8]  }
0xc7: {  	[tilespmem:s10], [sflag:$0x1] =	stream.indirect_vreg.gather [hbm4b:s14+s3], $0x80, v4, vm0, $0xb8;
	[tilespmem:$0x14200] =	vst v63  }
0xc8: {  	s11 =	simm.s32 $0x1080;
	s9 =	sld [smem:$0x7F9]  }
0xc9: {  	[tilespmem:s11], [sflag:$0x1] =	stream.indirect_vreg.gather [hbm4b:s13+s3], $0x80, v4, vm0, $0xb8;
	[tilespmem:$0x14200] =	vst v63  }
0xca: {  	s12 =	simm.s32 $0x1880;
	s10 =	sld [smem:$0x7FA]  }
0xcb: {  	[tilespmem:s12], [sflag:$0x1] =	stream.indirect_vreg.gather [hbm4b:s9+s3], $0x80, v4, vm0, $0xb8;
	[tilespmem:$0x14200] =	vst v63  }
0xcc: {  	s16 =	simm.s32 $0x2080;
	s12 =	smov.u32 s9;
	s9 =	sld [smem:$0x7FB]  }
0xcd: {  	[tilespmem:s16], [sflag:$0x1] =	stream.indirect_vreg.gather [hbm4b:s10+s3], $0x80, v4, vm0, $0xb8;
	[tilespmem:$0x14200] =	vst v63  }
0xce: {  	s4 =	simm.s32 $0x2880;
	s22 =	sld [smem:$0x7FC];
	v3 =	vperm.xlane v3, v2  }
0xcf: {  	[tilespmem:s4], [sflag:$0x1] =	stream.indirect_vreg.gather [hbm4b:s9+s3], $0x80, v4, vm0, $0xb8;
	[tilespmem:$0x14200] =	vst v63  }
0xd0: {  	s19 =	simm.s32 $0x3080;
	s23 =	sld [smem:$0x7FD];
	v3 =	vadd.s32 v1, v3  }
0xd1: {  	[tilespmem:s19], [sflag:$0x1] =	stream.indirect_vreg.gather [hbm4b:s22+s3], $0x80, v4, vm0, $0xb8;
	[tilespmem:$0x14200] =	vst v63  }
0xd2: {  	s20 =	simm.s32 $0x3880  }
0xd3: {  	[tilespmem:s20], [sflag:$0x1] =	stream.indirect_vreg.gather [hbm4b:s23+s3], $0x80, v4, vm0, $0xb8;
	[tilespmem:$0x14200] =	vst v63  }
0xd4: {  	s21 =	simm.s32 $0x4080  }
0xd5: {  	[tilespmem:s21], [sflag:$0x1] =	stream.indirect_vreg.gather [hbm4b:s0+s3], $0x80, v3, vm0, $0xb8;
	[tilespmem:$0x14200] =	vst v63  }
0xd6: {  	s24 =	simm.s32 $0x4880  }
0xd7: {  	[tilespmem:s24], [sflag:$0x1] =	stream.indirect_vreg.gather [hbm4b:s14+s3], $0x80, v3, vm0, $0xb8;
	[tilespmem:$0x14200] =	vst v63  }
0xd8: {  	s19 =	simm.s32 $0x5080  }
0xd9: {  	[tilespmem:s19], [sflag:$0x1] =	stream.indirect_vreg.gather [hbm4b:s13+s3], $0x80, v3, vm0, $0xb8;
	[tilespmem:$0x14200] =	vst v63  }
0xda: {  	s20 =	simm.s32 $0x5880  }
0xdb: {  	[tilespmem:s20], [sflag:$0x1] =	stream.indirect_vreg.gather [hbm4b:s12+s3], $0x80, v3, vm0, $0xb8;
	[tilespmem:$0x14200] =	vst v63  }
0xdc: {  	s21 =	simm.s32 $0x6080  }
0xdd: {  	[tilespmem:s21], [sflag:$0x1] =	stream.indirect_vreg.gather [hbm4b:s10+s3], $0x80, v3, vm0, $0xb8;
	[tilespmem:$0x14200] =	vst v63  }
0xde: {  	s24 =	simm.s32 $0x6880  }
0xdf: {  	[tilespmem:s24], [sflag:$0x1] =	stream.indirect_vreg.gather [hbm4b:s9+s3], $0x80, v3, vm0, $0xb8;
	[tilespmem:$0x14200] =	vst v63  }
0xe0: {  	s11 =	simm.s32 $0x7080  }
0xe1: {  	[tilespmem:s11], [sflag:$0x1] =	stream.indirect_vreg.gather [hbm4b:s22+s3], $0x80, v3, vm0, $0xb8;
	[tilespmem:$0x14200] =	vst v63  }
0xe2: {  	s16 =	simm.s32 $0x7880  }
0xe3: {  	[tilespmem:s16], [sflag:$0x1] =	stream.indirect_vreg.gather [hbm4b:s23+s3], $0x80, v3, vm0, $0xb8;
	[tilespmem:$0x14200] =	vst v63  }
0xe4: {  	v3 =	vld [tilespmem:$0x10];
	_ =	sdelay $0x4  }
0xe5: {  	v38 =	vshll.u32 v3, $0x4  }
0xe6: {  	v3 =	vand.u32 $0x7, v3;
	v4 =	vand.u32 $0xFFFFFF80, v38  }
0xe7: {  	v3 =	vor.u32 v3, v4  }
0xe8: {  	v4 =	vperm.xlane v3, v0;
	_ =	sdelay $0x1  }
0xe9: {  	v4 =	vadd.s32 v1, v4;
	_ =	sdelay $0x3  }
0xea: {  	s19 =	simm.s32 $0x8080  }
0xeb: {  	[tilespmem:s19], [sflag:$0x1] =	stream.indirect_vreg.gather [hbm4b:s0+s3], $0x80, v4, vm0, $0xb8;
	[tilespmem:$0x14200] =	vst v63  }
0xec: {  	s20 =	simm.s32 $0x8880  }
0xed: {  	[tilespmem:s20], [sflag:$0x1] =	stream.indirect_vreg.gather [hbm4b:s14+s3], $0x80, v4, vm0, $0xb8;
	[tilespmem:$0x14200] =	vst v63  }
0xee: {  	s21 =	simm.s32 $0x9080  }
0xef: {  	[tilespmem:s21], [sflag:$0x1] =	stream.indirect_vreg.gather [hbm4b:s13+s3], $0x80, v4, vm0, $0xb8;
	[tilespmem:$0x14200] =	vst v63  }
0xf0: {  	s24 =	simm.s32 $0x9880  }
0xf1: {  	[tilespmem:s24], [sflag:$0x1] =	stream.indirect_vreg.gather [hbm4b:s12+s3], $0x80, v4, vm0, $0xb8;
	[tilespmem:$0x14200] =	vst v63  }
0xf2: {  	s11 =	simm.s32 $0xA080  }
0xf3: {  	[tilespmem:s11], [sflag:$0x1] =	stream.indirect_vreg.gather [hbm4b:s10+s3], $0x80, v4, vm0, $0xb8;
	[tilespmem:$0x14200] =	vst v63  }
0xf4: {  	s16 =	simm.s32 $0xA880;
	v3 =	vperm.xlane v3, v2  }
0xf5: {  	[tilespmem:s16], [sflag:$0x1] =	stream.indirect_vreg.gather [hbm4b:s9+s3], $0x80, v4, vm0, $0xb8;
	[tilespmem:$0x14200] =	vst v63  }
0xf6: {  	v3 =	vadd.s32 v1, v3;
	s19 =	simm.s32 $0xB080  }
0xf7: {  	[tilespmem:s19], [sflag:$0x1] =	stream.indirect_vreg.gather [hbm4b:s22+s3], $0x80, v4, vm0, $0xb8;
	[tilespmem:$0x14200] =	vst v63  }
0xf8: {  	s20 =	simm.s32 $0xB880  }
0xf9: {  	[tilespmem:s20], [sflag:$0x1] =	stream.indirect_vreg.gather [hbm4b:s23+s3], $0x80, v4, vm0, $0xb8;
	[tilespmem:$0x14200] =	vst v63  }
0xfa: {  	s21 =	simm.s32 $0xC080  }
0xfb: {  	[tilespmem:s21], [sflag:$0x1] =	stream.indirect_vreg.gather [hbm4b:s0+s3], $0x80, v3, vm0, $0xb8;
	[tilespmem:$0x14200] =	vst v63  }
0xfc: {  	s24 =	simm.s32 $0xC880  }
0xfd: {  	[tilespmem:s24], [sflag:$0x1] =	stream.indirect_vreg.gather [hbm4b:s14+s3], $0x80, v3, vm0, $0xb8;
	[tilespmem:$0x14200] =	vst v63  }
0xfe: {  	s11 =	simm.s32 $0xD080  }
0xff: {  	[tilespmem:s11], [sflag:$0x1] =	stream.indirect_vreg.gather [hbm4b:s13+s3], $0x80, v3, vm0, $0xb8;
	[tilespmem:$0x14200] =	vst v63  }
0x100: {  	s16 =	simm.s32 $0xD880  }
0x101: {  	[tilespmem:s16], [sflag:$0x1] =	stream.indirect_vreg.gather [hbm4b:s12+s3], $0x80, v3, vm0, $0xb8;
	[tilespmem:$0x14200] =	vst v63  }
0x102: {  	s19 =	simm.s32 $0xE080  }
0x103: {  	[tilespmem:s19], [sflag:$0x1] =	stream.indirect_vreg.gather [hbm4b:s10+s3], $0x80, v3, vm0, $0xb8;
	[tilespmem:$0x14200] =	vst v63  }
0x104: {  	s20 =	simm.s32 $0xE880  }
0x105: {  	[tilespmem:s20], [sflag:$0x1] =	stream.indirect_vreg.gather [hbm4b:s9+s3], $0x80, v3, vm0, $0xb8;
	[tilespmem:$0x14200] =	vst v63  }
0x106: {  	s21 =	simm.s32 $0xF080  }
0x107: {  	[tilespmem:s21], [sflag:$0x1] =	stream.indirect_vreg.gather [hbm4b:s22+s3], $0x80, v3, vm0, $0xb8;
	[tilespmem:$0x14200] =	vst v63  }
0x108: {  	s7 =	simm.s32 $0xF880  }
0x109: {  	[tilespmem:s7], [sflag:$0x1] =	stream.indirect_vreg.gather [hbm4b:s23+s3], $0x80, v3, vm0, $0xb8;
	[tilespmem:$0x14200] =	vst v63  }
0x10a: {  	v3 =	vld.msk [tilespmem:$0x20], $0xff;
	_ =	sdelay $0x4  }
0x10b: {  	v39 =	vshll.u32 v3, $0x4  }
0x10c: {  	v3 =	vand.u32 $0x7, v3;
	v4 =	vand.u32 $0xFFFFFF80, v39  }
0x10d: {  	v3 =	vor.u32 v3, v4  }
0x10e: {  	v3 =	vperm.xlane v3, v0;
	_ =	sdelay $0x1  }
0x10f: {  	v3 =	vadd.s32 v1, v3;
	_ =	sdelay $0x3  }
0x110: {  	s24 =	simm.s32 $0x10080  }
0x111: {  	[tilespmem:s24], [sflag:$0x1] =	stream.indirect_vreg.gather [hbm4b:s0+s3], $0x80, v3, vm0, $0xb8;
	[tilespmem:$0x14200] =	vst v63  }
0x112: {  	s7 =	simm.s32 $0x10880  }
0x113: {  	[tilespmem:s7], [sflag:$0x1] =	stream.indirect_vreg.gather [hbm4b:s14+s3], $0x80, v3, vm0, $0xb8;
	[tilespmem:$0x14200] =	vst v63  }
0x114: {  	s11 =	simm.s32 $0x11080  }
0x115: {  	[tilespmem:s11], [sflag:$0x1] =	stream.indirect_vreg.gather [hbm4b:s13+s3], $0x80, v3, vm0, $0xb8;
	[tilespmem:$0x14200] =	vst v63  }
0x116: {  	s16 =	simm.s32 $0x11880  }
0x117: {  	[tilespmem:s16], [sflag:$0x1] =	stream.indirect_vreg.gather [hbm4b:s12+s3], $0x80, v3, vm0, $0xb8;
	[tilespmem:$0x14200] =	vst v63  }
0x118: {  	s19 =	simm.s32 $0x12080  }
0x119: {  	[tilespmem:s19], [sflag:$0x1] =	stream.indirect_vreg.gather [hbm4b:s10+s3], $0x80, v3, vm0, $0xb8;
	[tilespmem:$0x14200] =	vst v63  }
0x11a: {  	s20 =	simm.s32 $0x12880  }
0x11b: {  	[tilespmem:s20], [sflag:$0x1] =	stream.indirect_vreg.gather [hbm4b:s9+s3], $0x80, v3, vm0, $0xb8;
	[tilespmem:$0x14200] =	vst v63  }
0x11c: {  	s21 =	simm.s32 $0x13080  }
0x11d: {  	[tilespmem:s21], [sflag:$0x1] =	stream.indirect_vreg.gather [hbm4b:s22+s3], $0x80, v3, vm0, $0xb8;
	[tilespmem:$0x14200] =	vst v63  }
0x11e: {  	s7 =	simm.s32 $0x13880;
	s20 =	simm.s32 $0x1  }
0x11f: {  	[tilespmem:s7], [sflag:$0x1] =	stream.indirect_vreg.gather [hbm4b:s23+s3], $0x80, v3, vm0, $0xb8;
	[tilespmem:$0x14200] =	vst v63  }
0x120: {  	_ =	swait.ge [sflag:s20], $0x14000  }
0x121: {  	[sflag:s20] =	ssyncset.done $0x0  }
0x122: {  	s7 =	simm.s32 $0x80;
	s0 =	rddreg [dreg:$0xb];
	[sflag:s20] =	ssyncadd.s32 $0xFFFEC000  }
0x123: {  	[hbm4b:s0+s3] =	stream.linear.scatter [tilespmem:s7], [sflag:$0x2], $0x14000, $0x38;
	[tilespmem:$0x14200] =	vst v63  }
0x124: {  	_ =	swait.ge [sflag:s31], $0x14000  }
0x125: {  	[sflag:s31] =	ssyncset.done $0x0  }
0x126: {  	s7 =	rddreg [dreg:$0xc];
	[sflag:s31] =	ssyncadd.s32 $0xFFFEC000  }
0x127: {  	[tilespmem:s3], [sflag:$0x2] =	stream.linear.gather [hbm4b:s7+s3], $0x28, $0x38;
	[tilespmem:$0x14200] =	vst v63  }
0x128: {  	_ =	swait.ge [sflag:s31], $0x28  }
0x129: {  	[sflag:s31] =	ssyncset.done $0x0  }
0x12a: {  	[sflag:s31] =	ssyncadd.s32 $0xFFFFFFD8  }
0x12b: {  	v3 =	vld [tilespmem:$0x0];
	_ =	sdelay $0x4  }
0x12c: {  	v40 =	vshll.u32 v3, $0x4  }
0x12d: {  	v3 =	vand.u32 $0x7, v3;
	v4 =	vand.u32 $0xFFFFFF80, v40  }
0x12e: {  	v3 =	vor.u32 v3, v4  }
0x12f: {  	v4 =	vperm.xlane v3, v0;
	_ =	sdelay $0x1  }
0x130: {  	v4 =	vadd.s32 v1, v4;
	_ =	sdelay $0x3  }
0x131: {  	s7 =	simm.s32 $0x80  }
0x132: {  	[tilespmem:s7], [sflag:$0x1] =	stream.indirect_vreg.gather [hbm4b:s1+s3], $0x80, v4, vm0, $0xb8;
	[tilespmem:$0x14200] =	vst v63  }
0x133: {  	s7 =	simm.s32 $0x880  }
0x134: {  	[tilespmem:s7], [sflag:$0x1] =	stream.indirect_vreg.gather [hbm4b:s28+s3], $0x80, v4, vm0, $0xb8;
	[tilespmem:$0x14200] =	vst v63  }
0x135: {  	s7 =	simm.s32 $0x1080  }
0x136: {  	[tilespmem:s7], [sflag:$0x1] =	stream.indirect_vreg.gather [hbm4b:s26+s3], $0x80, v4, vm0, $0xb8;
	[tilespmem:$0x14200] =	vst v63  }
0x137: {  	s7 =	simm.s32 $0x1880  }
0x138: {  	[tilespmem:s7], [sflag:$0x1] =	stream.indirect_vreg.gather [hbm4b:s18+s3], $0x80, v4, vm0, $0xb8;
	[tilespmem:$0x14200] =	vst v63  }
0x139: {  	s7 =	simm.s32 $0x2080  }
0x13a: {  	[tilespmem:s7], [sflag:$0x1] =	stream.indirect_vreg.gather [hbm4b:s17+s3], $0x80, v4, vm0, $0xb8;
	[tilespmem:$0x14200] =	vst v63  }
0x13b: {  	v3 =	vperm.xlane v3, v2;
	s7 =	simm.s32 $0x2880  }
0x13c: {  	[tilespmem:s7], [sflag:$0x1] =	stream.indirect_vreg.gather [hbm4b:s15+s3], $0x80, v4, vm0, $0xb8;
	[tilespmem:$0x14200] =	vst v63  }
0x13d: {  	v3 =	vadd.s32 v1, v3;
	s7 =	simm.s32 $0x3080  }
0x13e: {  	[tilespmem:s7], [sflag:$0x1] =	stream.indirect_vreg.gather [hbm4b:s30+s3], $0x80, v4, vm0, $0xb8;
	[tilespmem:$0x14200] =	vst v63  }
0x13f: {  	s7 =	simm.s32 $0x3880  }
0x140: {  	[tilespmem:s7], [sflag:$0x1] =	stream.indirect_vreg.gather [hbm4b:s8+s3], $0x80, v4, vm0, $0xb8;
	[tilespmem:$0x14200] =	vst v63  }
0x141: {  	s7 =	simm.s32 $0x4080  }
0x142: {  	[tilespmem:s7], [sflag:$0x1] =	stream.indirect_vreg.gather [hbm4b:s1+s3], $0x80, v3, vm0, $0xb8;
	[tilespmem:$0x14200] =	vst v63  }
0x143: {  	s7 =	simm.s32 $0x4880  }
0x144: {  	[tilespmem:s7], [sflag:$0x1] =	stream.indirect_vreg.gather [hbm4b:s28+s3], $0x80, v3, vm0, $0xb8;
	[tilespmem:$0x14200] =	vst v63  }
0x145: {  	s7 =	simm.s32 $0x5080  }
0x146: {  	[tilespmem:s7], [sflag:$0x1] =	stream.indirect_vreg.gather [hbm4b:s26+s3], $0x80, v3, vm0, $0xb8;
	[tilespmem:$0x14200] =	vst v63  }
0x147: {  	s7 =	simm.s32 $0x5880  }
0x148: {  	[tilespmem:s7], [sflag:$0x1] =	stream.indirect_vreg.gather [hbm4b:s18+s3], $0x80, v3, vm0, $0xb8;
	[tilespmem:$0x14200] =	vst v63  }
0x149: {  	s7 =	simm.s32 $0x6080  }
0x14a: {  	[tilespmem:s7], [sflag:$0x1] =	stream.indirect_vreg.gather [hbm4b:s17+s3], $0x80, v3, vm0, $0xb8;
	[tilespmem:$0x14200] =	vst v63  }
0x14b: {  	s7 =	simm.s32 $0x6880  }
0x14c: {  	[tilespmem:s7], [sflag:$0x1] =	stream.indirect_vreg.gather [hbm4b:s15+s3], $0x80, v3, vm0, $0xb8;
	[tilespmem:$0x14200] =	vst v63  }
0x14d: {  	s7 =	simm.s32 $0x7080  }
0x14e: {  	[tilespmem:s7], [sflag:$0x1] =	stream.indirect_vreg.gather [hbm4b:s30+s3], $0x80, v3, vm0, $0xb8;
	[tilespmem:$0x14200] =	vst v63  }
0x14f: {  	s7 =	simm.s32 $0x7880  }
0x150: {  	[tilespmem:s7], [sflag:$0x1] =	stream.indirect_vreg.gather [hbm4b:s8+s3], $0x80, v3, vm0, $0xb8;
	[tilespmem:$0x14200] =	vst v63  }
0x151: {  	v3 =	vld [tilespmem:$0x10];
	_ =	sdelay $0x4  }
0x152: {  	v41 =	vshll.u32 v3, $0x4  }
0x153: {  	v3 =	vand.u32 $0x7, v3;
	v4 =	vand.u32 $0xFFFFFF80, v41  }
0x154: {  	v3 =	vor.u32 v3, v4  }
0x155: {  	v4 =	vperm.xlane v3, v0;
	_ =	sdelay $0x1  }
0x156: {  	v4 =	vadd.s32 v1, v4;
	_ =	sdelay $0x3  }
0x157: {  	s7 =	simm.s32 $0x8080  }
0x158: {  	[tilespmem:s7], [sflag:$0x1] =	stream.indirect_vreg.gather [hbm4b:s1+s3], $0x80, v4, vm0, $0xb8;
	[tilespmem:$0x14200] =	vst v63  }
0x159: {  	s7 =	simm.s32 $0x8880  }
0x15a: {  	[tilespmem:s7], [sflag:$0x1] =	stream.indirect_vreg.gather [hbm4b:s28+s3], $0x80, v4, vm0, $0xb8;
	[tilespmem:$0x14200] =	vst v63  }
0x15b: {  	s7 =	simm.s32 $0x9080  }
0x15c: {  	[tilespmem:s7], [sflag:$0x1] =	stream.indirect_vreg.gather [hbm4b:s26+s3], $0x80, v4, vm0, $0xb8;
	[tilespmem:$0x14200] =	vst v63  }
0x15d: {  	s7 =	simm.s32 $0x9880  }
0x15e: {  	[tilespmem:s7], [sflag:$0x1] =	stream.indirect_vreg.gather [hbm4b:s18+s3], $0x80, v4, vm0, $0xb8;
	[tilespmem:$0x14200] =	vst v63  }
0x15f: {  	s7 =	simm.s32 $0xA080  }
0x160: {  	[tilespmem:s7], [sflag:$0x1] =	stream.indirect_vreg.gather [hbm4b:s17+s3], $0x80, v4, vm0, $0xb8;
	[tilespmem:$0x14200] =	vst v63  }
0x161: {  	v3 =	vperm.xlane v3, v2;
	s7 =	simm.s32 $0xA880  }
0x162: {  	[tilespmem:s7], [sflag:$0x1] =	stream.indirect_vreg.gather [hbm4b:s15+s3], $0x80, v4, vm0, $0xb8;
	[tilespmem:$0x14200] =	vst v63  }
0x163: {  	v3 =	vadd.s32 v1, v3;
	s7 =	simm.s32 $0xB080  }
0x164: {  	[tilespmem:s7], [sflag:$0x1] =	stream.indirect_vreg.gather [hbm4b:s30+s3], $0x80, v4, vm0, $0xb8;
	[tilespmem:$0x14200] =	vst v63  }
0x165: {  	s7 =	simm.s32 $0xB880  }
0x166: {  	[tilespmem:s7], [sflag:$0x1] =	stream.indirect_vreg.gather [hbm4b:s8+s3], $0x80, v4, vm0, $0xb8;
	[tilespmem:$0x14200] =	vst v63  }
0x167: {  	s7 =	simm.s32 $0xC080  }
0x168: {  	[tilespmem:s7], [sflag:$0x1] =	stream.indirect_vreg.gather [hbm4b:s1+s3], $0x80, v3, vm0, $0xb8;
	[tilespmem:$0x14200] =	vst v63  }
0x169: {  	s7 =	simm.s32 $0xC880  }
0x16a: {  	[tilespmem:s7], [sflag:$0x1] =	stream.indirect_vreg.gather [hbm4b:s28+s3], $0x80, v3, vm0, $0xb8;
	[tilespmem:$0x14200] =	vst v63  }
0x16b: {  	s7 =	simm.s32 $0xD080  }
0x16c: {  	[tilespmem:s7], [sflag:$0x1] =	stream.indirect_vreg.gather [hbm4b:s26+s3], $0x80, v3, vm0, $0xb8;
	[tilespmem:$0x14200] =	vst v63  }
0x16d: {  	s7 =	simm.s32 $0xD880  }
0x16e: {  	[tilespmem:s7], [sflag:$0x1] =	stream.indirect_vreg.gather [hbm4b:s18+s3], $0x80, v3, vm0, $0xb8;
	[tilespmem:$0x14200] =	vst v63  }
0x16f: {  	s7 =	simm.s32 $0xE080  }
0x170: {  	[tilespmem:s7], [sflag:$0x1] =	stream.indirect_vreg.gather [hbm4b:s17+s3], $0x80, v3, vm0, $0xb8;
	[tilespmem:$0x14200] =	vst v63  }
0x171: {  	s7 =	simm.s32 $0xE880  }
0x172: {  	[tilespmem:s7], [sflag:$0x1] =	stream.indirect_vreg.gather [hbm4b:s15+s3], $0x80, v3, vm0, $0xb8;
	[tilespmem:$0x14200] =	vst v63  }
0x173: {  	s7 =	simm.s32 $0xF080  }
0x174: {  	[tilespmem:s7], [sflag:$0x1] =	stream.indirect_vreg.gather [hbm4b:s30+s3], $0x80, v3, vm0, $0xb8;
	[tilespmem:$0x14200] =	vst v63  }
0x175: {  	s7 =	simm.s32 $0xF880  }
0x176: {  	[tilespmem:s7], [sflag:$0x1] =	stream.indirect_vreg.gather [hbm4b:s8+s3], $0x80, v3, vm0, $0xb8;
	[tilespmem:$0x14200] =	vst v63  }
0x177: {  	v3 =	vld.msk [tilespmem:$0x20], $0xff;
	_ =	sdelay $0x4  }
0x178: {  	v42 =	vshll.u32 v3, $0x4  }
0x179: {  	v3 =	vand.u32 $0x7, v3;
	v4 =	vand.u32 $0xFFFFFF80, v42  }
0x17a: {  	v3 =	vor.u32 v3, v4  }
0x17b: {  	v3 =	vperm.xlane v3, v0;
	_ =	sdelay $0x1  }
0x17c: {  	v3 =	vadd.s32 v1, v3;
	_ =	sdelay $0x3  }
0x17d: {  	s7 =	simm.s32 $0x10080  }
0x17e: {  	[tilespmem:s7], [sflag:$0x1] =	stream.indirect_vreg.gather [hbm4b:s1+s3], $0x80, v3, vm0, $0xb8;
	[tilespmem:$0x14200] =	vst v63  }
0x17f: {  	s4 =	simm.s32 $0x10880  }
0x180: {  	[tilespmem:s4], [sflag:$0x1] =	stream.indirect_vreg.gather [hbm4b:s28+s3], $0x80, v3, vm0, $0xb8;
	[tilespmem:$0x14200] =	vst v63  }
0x181: {  	s24 =	simm.s32 $0x11080  }
0x182: {  	[tilespmem:s24], [sflag:$0x1] =	stream.indirect_vreg.gather [hbm4b:s26+s3], $0x80, v3, vm0, $0xb8;
	[tilespmem:$0x14200] =	vst v63  }
0x183: {  	s4 =	simm.s32 $0x11880  }
0x184: {  	[tilespmem:s4], [sflag:$0x1] =	stream.indirect_vreg.gather [hbm4b:s18+s3], $0x80, v3, vm0, $0xb8;
	[tilespmem:$0x14200] =	vst v63  }
0x185: {  	s11 =	simm.s32 $0x12080  }
0x186: {  	[tilespmem:s11], [sflag:$0x1] =	stream.indirect_vreg.gather [hbm4b:s17+s3], $0x80, v3, vm0, $0xb8;
	[tilespmem:$0x14200] =	vst v63  }
0x187: {  	s16 =	simm.s32 $0x12880  }
0x188: {  	[tilespmem:s16], [sflag:$0x1] =	stream.indirect_vreg.gather [hbm4b:s15+s3], $0x80, v3, vm0, $0xb8;
	[tilespmem:$0x14200] =	vst v63  }
0x189: {  	s19 =	simm.s32 $0x13080  }
0x18a: {  	[tilespmem:s19], [sflag:$0x1] =	stream.indirect_vreg.gather [hbm4b:s30+s3], $0x80, v3, vm0, $0xb8;
	[tilespmem:$0x14200] =	vst v63  }
0x18b: {  	s21 =	simm.s32 $0x13880;
	s20 =	simm.s32 $0x1  }
0x18c: {  	[tilespmem:s21], [sflag:$0x1] =	stream.indirect_vreg.gather [hbm4b:s8+s3], $0x80, v3, vm0, $0xb8;
	[tilespmem:$0x14200] =	vst v63  }
0x18d: {  	_ =	swait.ge [sflag:s20], $0x14000  }
0x18e: {  	[sflag:s20] =	ssyncset.done $0x0  }
0x18f: {  	s4 =	simm.s32 $0x80;
	s7 =	rddreg [dreg:$0x11];
	[sflag:s20] =	ssyncadd.s32 $0xFFFEC000  }
0x190: {  	[hbm4b:s7+s3] =	stream.linear.scatter [tilespmem:s4], [sflag:$0x2], $0x14000, $0x38;
	[tilespmem:$0x14200] =	vst v63  }
0x191: {  	_ =	swait.ge [sflag:s31], $0x14000  }
0x192: {  	[sflag:s31] =	ssyncset.done $0x0  }
0x193: {  	[sflag:s31] =	ssyncadd.s32 $0xFFFEC000  }
0x194: {  	v3 =	vld [tilespmem:$0x0];
	_ =	sdelay $0x4  }
0x195: {  	v43 =	vshll.u32 v3, $0x4  }
0x196: {  	v3 =	vand.u32 $0x7, v3;
	v4 =	vand.u32 $0xFFFFFF80, v43  }
0x197: {  	v3 =	vor.u32 v3, v4  }
0x198: {  	v4 =	vperm.xlane v3, v0;
	_ =	sdelay $0x1  }
0x199: {  	v4 =	vadd.s32 v1, v4;
	_ =	sdelay $0x3  }
0x19a: {  	s7 =	simm.s32 $0x80;
	s4 =	rddreg [dreg:$0x1]  }
0x19b: {  	[tilespmem:s7], [sflag:$0x1] =	stream.indirect_vreg.gather [hbm4b:s4+s3], $0x80, v4, vm0, $0xb8;
	[tilespmem:$0x14200] =	vst v63  }
0x19c: {  	s7 =	simm.s32 $0x880  }
0x19d: {  	[tilespmem:s7], [sflag:$0x1] =	stream.indirect_vreg.gather [hbm4b:s14+s3], $0x80, v4, vm0, $0xb8;
	[tilespmem:$0x14200] =	vst v63  }
0x19e: {  	s7 =	simm.s32 $0x1080  }
0x19f: {  	[tilespmem:s7], [sflag:$0x1] =	stream.indirect_vreg.gather [hbm4b:s13+s3], $0x80, v4, vm0, $0xb8;
	[tilespmem:$0x14200] =	vst v63  }
0x1a0: {  	s7 =	simm.s32 $0x1880  }
0x1a1: {  	[tilespmem:s7], [sflag:$0x1] =	stream.indirect_vreg.gather [hbm4b:s12+s3], $0x80, v4, vm0, $0xb8;
	[tilespmem:$0x14200] =	vst v63  }
0x1a2: {  	s7 =	simm.s32 $0x2080  }
0x1a3: {  	[tilespmem:s7], [sflag:$0x1] =	stream.indirect_vreg.gather [hbm4b:s10+s3], $0x80, v4, vm0, $0xb8;
	[tilespmem:$0x14200] =	vst v63  }
0x1a4: {  	v3 =	vperm.xlane v3, v2;
	s7 =	simm.s32 $0x2880  }
0x1a5: {  	[tilespmem:s7], [sflag:$0x1] =	stream.indirect_vreg.gather [hbm4b:s9+s3], $0x80, v4, vm0, $0xb8;
	[tilespmem:$0x14200] =	vst v63  }
0x1a6: {  	v3 =	vadd.s32 v1, v3;
	s7 =	simm.s32 $0x3080  }
0x1a7: {  	[tilespmem:s7], [sflag:$0x1] =	stream.indirect_vreg.gather [hbm4b:s22+s3], $0x80, v4, vm0, $0xb8;
	[tilespmem:$0x14200] =	vst v63  }
0x1a8: {  	s7 =	simm.s32 $0x3880  }
0x1a9: {  	[tilespmem:s7], [sflag:$0x1] =	stream.indirect_vreg.gather [hbm4b:s23+s3], $0x80, v4, vm0, $0xb8;
	[tilespmem:$0x14200] =	vst v63  }
0x1aa: {  	s7 =	simm.s32 $0x4080  }
0x1ab: {  	[tilespmem:s7], [sflag:$0x1] =	stream.indirect_vreg.gather [hbm4b:s4+s3], $0x80, v3, vm0, $0xb8;
	[tilespmem:$0x14200] =	vst v63  }
0x1ac: {  	s7 =	simm.s32 $0x4880  }
0x1ad: {  	[tilespmem:s7], [sflag:$0x1] =	stream.indirect_vreg.gather [hbm4b:s14+s3], $0x80, v3, vm0, $0xb8;
	[tilespmem:$0x14200] =	vst v63  }
0x1ae: {  	s7 =	simm.s32 $0x5080  }
0x1af: {  	[tilespmem:s7], [sflag:$0x1] =	stream.indirect_vreg.gather [hbm4b:s13+s3], $0x80, v3, vm0, $0xb8;
	[tilespmem:$0x14200] =	vst v63  }
0x1b0: {  	s7 =	simm.s32 $0x5880  }
0x1b1: {  	[tilespmem:s7], [sflag:$0x1] =	stream.indirect_vreg.gather [hbm4b:s12+s3], $0x80, v3, vm0, $0xb8;
	[tilespmem:$0x14200] =	vst v63  }
0x1b2: {  	s7 =	simm.s32 $0x6080  }
0x1b3: {  	[tilespmem:s7], [sflag:$0x1] =	stream.indirect_vreg.gather [hbm4b:s10+s3], $0x80, v3, vm0, $0xb8;
	[tilespmem:$0x14200] =	vst v63  }
0x1b4: {  	s7 =	simm.s32 $0x6880  }
0x1b5: {  	[tilespmem:s7], [sflag:$0x1] =	stream.indirect_vreg.gather [hbm4b:s9+s3], $0x80, v3, vm0, $0xb8;
	[tilespmem:$0x14200] =	vst v63  }
0x1b6: {  	s7 =	simm.s32 $0x7080  }
0x1b7: {  	[tilespmem:s7], [sflag:$0x1] =	stream.indirect_vreg.gather [hbm4b:s22+s3], $0x80, v3, vm0, $0xb8;
	[tilespmem:$0x14200] =	vst v63  }
0x1b8: {  	s7 =	simm.s32 $0x7880  }
0x1b9: {  	[tilespmem:s7], [sflag:$0x1] =	stream.indirect_vreg.gather [hbm4b:s23+s3], $0x80, v3, vm0, $0xb8;
	[tilespmem:$0x14200] =	vst v63  }
0x1ba: {  	v3 =	vld [tilespmem:$0x10];
	_ =	sdelay $0x4  }
0x1bb: {  	v44 =	vshll.u32 v3, $0x4  }
0x1bc: {  	v3 =	vand.u32 $0x7, v3;
	v4 =	vand.u32 $0xFFFFFF80, v44  }
0x1bd: {  	v3 =	vor.u32 v3, v4  }
0x1be: {  	v4 =	vperm.xlane v3, v0;
	_ =	sdelay $0x1  }
0x1bf: {  	v4 =	vadd.s32 v1, v4;
	_ =	sdelay $0x3  }
0x1c0: {  	s7 =	simm.s32 $0x8080  }
0x1c1: {  	[tilespmem:s7], [sflag:$0x1] =	stream.indirect_vreg.gather [hbm4b:s4+s3], $0x80, v4, vm0, $0xb8;
	[tilespmem:$0x14200] =	vst v63  }
0x1c2: {  	s7 =	simm.s32 $0x8880  }
0x1c3: {  	[tilespmem:s7], [sflag:$0x1] =	stream.indirect_vreg.gather [hbm4b:s14+s3], $0x80, v4, vm0, $0xb8;
	[tilespmem:$0x14200] =	vst v63  }
0x1c4: {  	s7 =	simm.s32 $0x9080  }
0x1c5: {  	[tilespmem:s7], [sflag:$0x1] =	stream.indirect_vreg.gather [hbm4b:s13+s3], $0x80, v4, vm0, $0xb8;
	[tilespmem:$0x14200] =	vst v63  }
0x1c6: {  	s7 =	simm.s32 $0x9880  }
0x1c7: {  	[tilespmem:s7], [sflag:$0x1] =	stream.indirect_vreg.gather [hbm4b:s12+s3], $0x80, v4, vm0, $0xb8;
	[tilespmem:$0x14200] =	vst v63  }
0x1c8: {  	s7 =	simm.s32 $0xA080  }
0x1c9: {  	[tilespmem:s7], [sflag:$0x1] =	stream.indirect_vreg.gather [hbm4b:s10+s3], $0x80, v4, vm0, $0xb8;
	[tilespmem:$0x14200] =	vst v63  }
0x1ca: {  	v3 =	vperm.xlane v3, v2;
	s7 =	simm.s32 $0xA880  }
0x1cb: {  	[tilespmem:s7], [sflag:$0x1] =	stream.indirect_vreg.gather [hbm4b:s9+s3], $0x80, v4, vm0, $0xb8;
	[tilespmem:$0x14200] =	vst v63  }
0x1cc: {  	v3 =	vadd.s32 v1, v3;
	s7 =	simm.s32 $0xB080  }
0x1cd: {  	[tilespmem:s7], [sflag:$0x1] =	stream.indirect_vreg.gather [hbm4b:s22+s3], $0x80, v4, vm0, $0xb8;
	[tilespmem:$0x14200] =	vst v63  }
0x1ce: {  	s7 =	simm.s32 $0xB880  }
0x1cf: {  	[tilespmem:s7], [sflag:$0x1] =	stream.indirect_vreg.gather [hbm4b:s23+s3], $0x80, v4, vm0, $0xb8;
	[tilespmem:$0x14200] =	vst v63  }
0x1d0: {  	s7 =	simm.s32 $0xC080  }
0x1d1: {  	[tilespmem:s7], [sflag:$0x1] =	stream.indirect_vreg.gather [hbm4b:s4+s3], $0x80, v3, vm0, $0xb8;
	[tilespmem:$0x14200] =	vst v63  }
0x1d2: {  	s7 =	simm.s32 $0xC880  }
0x1d3: {  	[tilespmem:s7], [sflag:$0x1] =	stream.indirect_vreg.gather [hbm4b:s14+s3], $0x80, v3, vm0, $0xb8;
	[tilespmem:$0x14200] =	vst v63  }
0x1d4: {  	s7 =	simm.s32 $0xD080  }
0x1d5: {  	[tilespmem:s7], [sflag:$0x1] =	stream.indirect_vreg.gather [hbm4b:s13+s3], $0x80, v3, vm0, $0xb8;
	[tilespmem:$0x14200] =	vst v63  }
0x1d6: {  	s7 =	simm.s32 $0xD880  }
0x1d7: {  	[tilespmem:s7], [sflag:$0x1] =	stream.indirect_vreg.gather [hbm4b:s12+s3], $0x80, v3, vm0, $0xb8;
	[tilespmem:$0x14200] =	vst v63  }
0x1d8: {  	s7 =	simm.s32 $0xE080  }
0x1d9: {  	[tilespmem:s7], [sflag:$0x1] =	stream.indirect_vreg.gather [hbm4b:s10+s3], $0x80, v3, vm0, $0xb8;
	[tilespmem:$0x14200] =	vst v63  }
0x1da: {  	s7 =	simm.s32 $0xE880  }
0x1db: {  	[tilespmem:s7], [sflag:$0x1] =	stream.indirect_vreg.gather [hbm4b:s9+s3], $0x80, v3, vm0, $0xb8;
	[tilespmem:$0x14200] =	vst v63  }
0x1dc: {  	s7 =	simm.s32 $0xF080  }
0x1dd: {  	[tilespmem:s7], [sflag:$0x1] =	stream.indirect_vreg.gather [hbm4b:s22+s3], $0x80, v3, vm0, $0xb8;
	[tilespmem:$0x14200] =	vst v63  }
0x1de: {  	s7 =	simm.s32 $0xF880  }
0x1df: {  	[tilespmem:s7], [sflag:$0x1] =	stream.indirect_vreg.gather [hbm4b:s23+s3], $0x80, v3, vm0, $0xb8;
	[tilespmem:$0x14200] =	vst v63  }
0x1e0: {  	v3 =	vld.msk [tilespmem:$0x20], $0xff;
	_ =	sdelay $0x4  }
0x1e1: {  	v45 =	vshll.u32 v3, $0x4  }
0x1e2: {  	v3 =	vand.u32 $0x7, v3;
	v4 =	vand.u32 $0xFFFFFF80, v45  }
0x1e3: {  	v3 =	vor.u32 v3, v4  }
0x1e4: {  	v3 =	vperm.xlane v3, v0;
	_ =	sdelay $0x1  }
0x1e5: {  	v3 =	vadd.s32 v1, v3;
	_ =	sdelay $0x3  }
0x1e6: {  	s7 =	simm.s32 $0x10080  }
0x1e7: {  	[tilespmem:s7], [sflag:$0x1] =	stream.indirect_vreg.gather [hbm4b:s4+s3], $0x80, v3, vm0, $0xb8;
	[tilespmem:$0x14200] =	vst v63  }
0x1e8: {  	s7 =	simm.s32 $0x10880  }
0x1e9: {  	[tilespmem:s7], [sflag:$0x1] =	stream.indirect_vreg.gather [hbm4b:s14+s3], $0x80, v3, vm0, $0xb8;
	[tilespmem:$0x14200] =	vst v63  }
0x1ea: {  	s24 =	simm.s32 $0x11080  }
0x1eb: {  	[tilespmem:s24], [sflag:$0x1] =	stream.indirect_vreg.gather [hbm4b:s13+s3], $0x80, v3, vm0, $0xb8;
	[tilespmem:$0x14200] =	vst v63  }
0x1ec: {  	s7 =	simm.s32 $0x11880  }
0x1ed: {  	[tilespmem:s7], [sflag:$0x1] =	stream.indirect_vreg.gather [hbm4b:s12+s3], $0x80, v3, vm0, $0xb8;
	[tilespmem:$0x14200] =	vst v63  }
0x1ee: {  	s11 =	simm.s32 $0x12080  }
0x1ef: {  	[tilespmem:s11], [sflag:$0x1] =	stream.indirect_vreg.gather [hbm4b:s10+s3], $0x80, v3, vm0, $0xb8;
	[tilespmem:$0x14200] =	vst v63  }
0x1f0: {  	s16 =	simm.s32 $0x12880  }
0x1f1: {  	[tilespmem:s16], [sflag:$0x1] =	stream.indirect_vreg.gather [hbm4b:s9+s3], $0x80, v3, vm0, $0xb8;
	[tilespmem:$0x14200] =	vst v63  }
0x1f2: {  	s19 =	simm.s32 $0x13080  }
0x1f3: {  	[tilespmem:s19], [sflag:$0x1] =	stream.indirect_vreg.gather [hbm4b:s22+s3], $0x80, v3, vm0, $0xb8;
	[tilespmem:$0x14200] =	vst v63  }
0x1f4: {  	s21 =	simm.s32 $0x13880  }
0x1f5: {  	[tilespmem:s21], [sflag:$0x1] =	stream.indirect_vreg.gather [hbm4b:s23+s3], $0x80, v3, vm0, $0xb8;
	[tilespmem:$0x14200] =	vst v63  }
0x1f6: {  	_ =	swait.ge [sflag:s20], $0x14000  }
0x1f7: {  	[sflag:s20] =	ssyncset.done $0x0  }
0x1f8: {  	s24 =	simm.s32 $0x80;
	s21 =	rddreg [dreg:$0x12];
	[sflag:s20] =	ssyncadd.s32 $0xFFFEC000  }
0x1f9: {  	[hbm4b:s21+s3] =	stream.linear.scatter [tilespmem:s24], [sflag:$0x2], $0x14000, $0x38;
	[tilespmem:$0x14200] =	vst v63  }
0x1fa: {  	_ =	swait.ge [sflag:s31], $0x14000  }
0x1fb: {  	[sflag:s31] =	ssyncset.done $0x0  }
0x1fc: {  	s11 =	rddreg [dreg:$0xd];
	[sflag:s31] =	ssyncadd.s32 $0xFFFEC000  }
0x1fd: {  	[tilespmem:s3], [sflag:$0x2] =	stream.linear.gather [hbm4b:s11+s3], $0x28, $0x38;
	[tilespmem:$0x14200] =	vst v63  }
0x1fe: {  	_ =	swait.ge [sflag:s31], $0x28  }
0x1ff: {  	[sflag:s31] =	ssyncset.done $0x0  }
0x200: {  	[sflag:s31] =	ssyncadd.s32 $0xFFFFFFD8  }
0x201: {  	v3 =	vld [tilespmem:$0x0];
	_ =	sdelay $0x4  }
0x202: {  	v46 =	vshll.u32 v3, $0x4  }
0x203: {  	v3 =	vand.u32 $0x7, v3;
	v4 =	vand.u32 $0xFFFFFF80, v46  }
0x204: {  	v3 =	vor.u32 v3, v4  }
0x205: {  	v4 =	vperm.xlane v3, v0;
	_ =	sdelay $0x1  }
0x206: {  	v4 =	vadd.s32 v1, v4;
	_ =	sdelay $0x3  }
0x207: {  	s16 =	simm.s32 $0x80  }
0x208: {  	[tilespmem:s16], [sflag:$0x1] =	stream.indirect_vreg.gather [hbm4b:s1+s3], $0x80, v4, vm0, $0xb8;
	[tilespmem:$0x14200] =	vst v63  }
0x209: {  	s19 =	simm.s32 $0x880  }
0x20a: {  	[tilespmem:s19], [sflag:$0x1] =	stream.indirect_vreg.gather [hbm4b:s28+s3], $0x80, v4, vm0, $0xb8;
	[tilespmem:$0x14200] =	vst v63  }
0x20b: {  	s21 =	simm.s32 $0x1080  }
0x20c: {  	[tilespmem:s21], [sflag:$0x1] =	stream.indirect_vreg.gather [hbm4b:s26+s3], $0x80, v4, vm0, $0xb8;
	[tilespmem:$0x14200] =	vst v63  }
0x20d: {  	s24 =	simm.s32 $0x1880  }
0x20e: {  	[tilespmem:s24], [sflag:$0x1] =	stream.indirect_vreg.gather [hbm4b:s18+s3], $0x80, v4, vm0, $0xb8;
	[tilespmem:$0x14200] =	vst v63  }
0x20f: {  	s7 =	simm.s32 $0x2080  }
0x210: {  	[tilespmem:s7], [sflag:$0x1] =	stream.indirect_vreg.gather [hbm4b:s17+s3], $0x80, v4, vm0, $0xb8;
	[tilespmem:$0x14200] =	vst v63  }
0x211: {  	s11 =	simm.s32 $0x2880;
	v3 =	vperm.xlane v3, v2  }
0x212: {  	[tilespmem:s11], [sflag:$0x1] =	stream.indirect_vreg.gather [hbm4b:s15+s3], $0x80, v4, vm0, $0xb8;
	[tilespmem:$0x14200] =	vst v63  }
0x213: {  	v3 =	vadd.s32 v1, v3;
	s16 =	simm.s32 $0x3080  }
0x214: {  	[tilespmem:s16], [sflag:$0x1] =	stream.indirect_vreg.gather [hbm4b:s30+s3], $0x80, v4, vm0, $0xb8;
	[tilespmem:$0x14200] =	vst v63  }
0x215: {  	s19 =	simm.s32 $0x3880  }
0x216: {  	[tilespmem:s19], [sflag:$0x1] =	stream.indirect_vreg.gather [hbm4b:s8+s3], $0x80, v4, vm0, $0xb8;
	[tilespmem:$0x14200] =	vst v63  }
0x217: {  	s21 =	simm.s32 $0x4080  }
0x218: {  	[tilespmem:s21], [sflag:$0x1] =	stream.indirect_vreg.gather [hbm4b:s1+s3], $0x80, v3, vm0, $0xb8;
	[tilespmem:$0x14200] =	vst v63  }
0x219: {  	s24 =	simm.s32 $0x4880  }
0x21a: {  	[tilespmem:s24], [sflag:$0x1] =	stream.indirect_vreg.gather [hbm4b:s28+s3], $0x80, v3, vm0, $0xb8;
	[tilespmem:$0x14200] =	vst v63  }
0x21b: {  	s7 =	simm.s32 $0x5080  }
0x21c: {  	[tilespmem:s7], [sflag:$0x1] =	stream.indirect_vreg.gather [hbm4b:s26+s3], $0x80, v3, vm0, $0xb8;
	[tilespmem:$0x14200] =	vst v63  }
0x21d: {  	s11 =	simm.s32 $0x5880  }
0x21e: {  	[tilespmem:s11], [sflag:$0x1] =	stream.indirect_vreg.gather [hbm4b:s18+s3], $0x80, v3, vm0, $0xb8;
	[tilespmem:$0x14200] =	vst v63  }
0x21f: {  	s16 =	simm.s32 $0x6080  }
0x220: {  	[tilespmem:s16], [sflag:$0x1] =	stream.indirect_vreg.gather [hbm4b:s17+s3], $0x80, v3, vm0, $0xb8;
	[tilespmem:$0x14200] =	vst v63  }
0x221: {  	s19 =	simm.s32 $0x6880  }
0x222: {  	[tilespmem:s19], [sflag:$0x1] =	stream.indirect_vreg.gather [hbm4b:s15+s3], $0x80, v3, vm0, $0xb8;
	[tilespmem:$0x14200] =	vst v63  }
0x223: {  	s21 =	simm.s32 $0x7080  }
0x224: {  	[tilespmem:s21], [sflag:$0x1] =	stream.indirect_vreg.gather [hbm4b:s30+s3], $0x80, v3, vm0, $0xb8;
	[tilespmem:$0x14200] =	vst v63  }
0x225: {  	s24 =	simm.s32 $0x7880  }
0x226: {  	[tilespmem:s24], [sflag:$0x1] =	stream.indirect_vreg.gather [hbm4b:s8+s3], $0x80, v3, vm0, $0xb8;
	[tilespmem:$0x14200] =	vst v63  }
0x227: {  	v3 =	vld [tilespmem:$0x10];
	_ =	sdelay $0x4  }
0x228: {  	v47 =	vshll.u32 v3, $0x4  }
0x229: {  	v3 =	vand.u32 $0x7, v3;
	v4 =	vand.u32 $0xFFFFFF80, v47  }
0x22a: {  	v3 =	vor.u32 v3, v4  }
0x22b: {  	v4 =	vperm.xlane v3, v0;
	_ =	sdelay $0x1  }
0x22c: {  	v4 =	vadd.s32 v1, v4;
	_ =	sdelay $0x3  }
0x22d: {  	s7 =	simm.s32 $0x8080  }
0x22e: {  	[tilespmem:s7], [sflag:$0x1] =	stream.indirect_vreg.gather [hbm4b:s1+s3], $0x80, v4, vm0, $0xb8;
	[tilespmem:$0x14200] =	vst v63  }
0x22f: {  	s11 =	simm.s32 $0x8880  }
0x230: {  	[tilespmem:s11], [sflag:$0x1] =	stream.indirect_vreg.gather [hbm4b:s28+s3], $0x80, v4, vm0, $0xb8;
	[tilespmem:$0x14200] =	vst v63  }
0x231: {  	s16 =	simm.s32 $0x9080  }
0x232: {  	[tilespmem:s16], [sflag:$0x1] =	stream.indirect_vreg.gather [hbm4b:s26+s3], $0x80, v4, vm0, $0xb8;
	[tilespmem:$0x14200] =	vst v63  }
0x233: {  	s19 =	simm.s32 $0x9880  }
0x234: {  	[tilespmem:s19], [sflag:$0x1] =	stream.indirect_vreg.gather [hbm4b:s18+s3], $0x80, v4, vm0, $0xb8;
	[tilespmem:$0x14200] =	vst v63  }
0x235: {  	s21 =	simm.s32 $0xA080  }
0x236: {  	[tilespmem:s21], [sflag:$0x1] =	stream.indirect_vreg.gather [hbm4b:s17+s3], $0x80, v4, vm0, $0xb8;
	[tilespmem:$0x14200] =	vst v63  }
0x237: {  	s24 =	simm.s32 $0xA880;
	v3 =	vperm.xlane v3, v2  }
0x238: {  	[tilespmem:s24], [sflag:$0x1] =	stream.indirect_vreg.gather [hbm4b:s15+s3], $0x80, v4, vm0, $0xb8;
	[tilespmem:$0x14200] =	vst v63  }
0x239: {  	v3 =	vadd.s32 v1, v3;
	s7 =	simm.s32 $0xB080  }
0x23a: {  	[tilespmem:s7], [sflag:$0x1] =	stream.indirect_vreg.gather [hbm4b:s30+s3], $0x80, v4, vm0, $0xb8;
	[tilespmem:$0x14200] =	vst v63  }
0x23b: {  	s11 =	simm.s32 $0xB880  }
0x23c: {  	[tilespmem:s11], [sflag:$0x1] =	stream.indirect_vreg.gather [hbm4b:s8+s3], $0x80, v4, vm0, $0xb8;
	[tilespmem:$0x14200] =	vst v63  }
0x23d: {  	s16 =	simm.s32 $0xC080  }
0x23e: {  	[tilespmem:s16], [sflag:$0x1] =	stream.indirect_vreg.gather [hbm4b:s1+s3], $0x80, v3, vm0, $0xb8;
	[tilespmem:$0x14200] =	vst v63  }
0x23f: {  	s19 =	simm.s32 $0xC880  }
0x240: {  	[tilespmem:s19], [sflag:$0x1] =	stream.indirect_vreg.gather [hbm4b:s28+s3], $0x80, v3, vm0, $0xb8;
	[tilespmem:$0x14200] =	vst v63  }
0x241: {  	s21 =	simm.s32 $0xD080  }
0x242: {  	[tilespmem:s21], [sflag:$0x1] =	stream.indirect_vreg.gather [hbm4b:s26+s3], $0x80, v3, vm0, $0xb8;
	[tilespmem:$0x14200] =	vst v63  }
0x243: {  	s24 =	simm.s32 $0xD880  }
0x244: {  	[tilespmem:s24], [sflag:$0x1] =	stream.indirect_vreg.gather [hbm4b:s18+s3], $0x80, v3, vm0, $0xb8;
	[tilespmem:$0x14200] =	vst v63  }
0x245: {  	s7 =	simm.s32 $0xE080  }
0x246: {  	[tilespmem:s7], [sflag:$0x1] =	stream.indirect_vreg.gather [hbm4b:s17+s3], $0x80, v3, vm0, $0xb8;
	[tilespmem:$0x14200] =	vst v63  }
0x247: {  	s11 =	simm.s32 $0xE880  }
0x248: {  	[tilespmem:s11], [sflag:$0x1] =	stream.indirect_vreg.gather [hbm4b:s15+s3], $0x80, v3, vm0, $0xb8;
	[tilespmem:$0x14200] =	vst v63  }
0x249: {  	s16 =	simm.s32 $0xF080  }
0x24a: {  	[tilespmem:s16], [sflag:$0x1] =	stream.indirect_vreg.gather [hbm4b:s30+s3], $0x80, v3, vm0, $0xb8;
	[tilespmem:$0x14200] =	vst v63  }
0x24b: {  	s19 =	simm.s32 $0xF880  }
0x24c: {  	[tilespmem:s19], [sflag:$0x1] =	stream.indirect_vreg.gather [hbm4b:s8+s3], $0x80, v3, vm0, $0xb8;
	[tilespmem:$0x14200] =	vst v63  }
0x24d: {  	v3 =	vld.msk [tilespmem:$0x20], $0xff;
	_ =	sdelay $0x4  }
0x24e: {  	v48 =	vshll.u32 v3, $0x4  }
0x24f: {  	v3 =	vand.u32 $0x7, v3;
	v4 =	vand.u32 $0xFFFFFF80, v48  }
0x250: {  	v3 =	vor.u32 v3, v4  }
0x251: {  	v3 =	vperm.xlane v3, v0;
	_ =	sdelay $0x1  }
0x252: {  	v3 =	vadd.s32 v1, v3;
	_ =	sdelay $0x3  }
0x253: {  	s21 =	simm.s32 $0x10080  }
0x254: {  	[tilespmem:s21], [sflag:$0x1] =	stream.indirect_vreg.gather [hbm4b:s1+s3], $0x80, v3, vm0, $0xb8;
	[tilespmem:$0x14200] =	vst v63  }
0x255: {  	s16 =	simm.s32 $0x10880  }
0x256: {  	[tilespmem:s16], [sflag:$0x1] =	stream.indirect_vreg.gather [hbm4b:s28+s3], $0x80, v3, vm0, $0xb8;
	[tilespmem:$0x14200] =	vst v63  }
0x257: {  	s24 =	simm.s32 $0x11080  }
0x258: {  	[tilespmem:s24], [sflag:$0x1] =	stream.indirect_vreg.gather [hbm4b:s26+s3], $0x80, v3, vm0, $0xb8;
	[tilespmem:$0x14200] =	vst v63  }
0x259: {  	s11 =	simm.s32 $0x11880  }
0x25a: {  	[tilespmem:s11], [sflag:$0x1] =	stream.indirect_vreg.gather [hbm4b:s18+s3], $0x80, v3, vm0, $0xb8;
	[tilespmem:$0x14200] =	vst v63  }
0x25b: {  	s19 =	simm.s32 $0x12080  }
0x25c: {  	[tilespmem:s19], [sflag:$0x1] =	stream.indirect_vreg.gather [hbm4b:s17+s3], $0x80, v3, vm0, $0xb8;
	[tilespmem:$0x14200] =	vst v63  }
0x25d: {  	s21 =	simm.s32 $0x12880  }
0x25e: {  	[tilespmem:s21], [sflag:$0x1] =	stream.indirect_vreg.gather [hbm4b:s15+s3], $0x80, v3, vm0, $0xb8;
	[tilespmem:$0x14200] =	vst v63  }
0x25f: {  	s24 =	simm.s32 $0x13080  }
0x260: {  	[tilespmem:s24], [sflag:$0x1] =	stream.indirect_vreg.gather [hbm4b:s30+s3], $0x80, v3, vm0, $0xb8;
	[tilespmem:$0x14200] =	vst v63  }
0x261: {  	s7 =	simm.s32 $0x13880  }
0x262: {  	[tilespmem:s7], [sflag:$0x1] =	stream.indirect_vreg.gather [hbm4b:s8+s3], $0x80, v3, vm0, $0xb8;
	[tilespmem:$0x14200] =	vst v63  }
0x263: {  	_ =	swait.ge [sflag:s20], $0x14000  }
0x264: {  	[sflag:s20] =	ssyncset.done $0x0  }
0x265: {  	s7 =	rddreg [dreg:$0x13];
	[sflag:s20] =	ssyncadd.s32 $0xFFFEC000;
	s20 =	simm.s32 $0x80  }
0x266: {  	[hbm4b:s7+s3] =	stream.linear.scatter [tilespmem:s20], [sflag:$0x2], $0x14000, $0x38;
	[tilespmem:$0x14200] =	vst v63  }
0x267: {  	_ =	swait.ge [sflag:s31], $0x14000  }
0x268: {  	[sflag:s31] =	ssyncset.done $0x0  }
0x269: {  	[sflag:s31] =	ssyncadd.s32 $0xFFFEC000  }
0x26a: {  	v3 =	vld [tilespmem:$0x0];
	_ =	sdelay $0x4  }
0x26b: {  	v49 =	vshll.u32 v3, $0x4  }
0x26c: {  	v3 =	vand.u32 $0x7, v3;
	v4 =	vand.u32 $0xFFFFFF80, v49  }
0x26d: {  	v3 =	vor.u32 v3, v4  }
0x26e: {  	v4 =	vperm.xlane v3, v0;
	_ =	sdelay $0x1  }
0x26f: {  	v4 =	vadd.s32 v1, v4;
	_ =	sdelay $0x3  }
0x270: {  	s7 =	simm.s32 $0x80  }
0x271: {  	[tilespmem:s7], [sflag:$0x1] =	stream.indirect_vreg.gather [hbm4b:s4+s3], $0x80, v4, vm0, $0xb8;
	[tilespmem:$0x14200] =	vst v63  }
0x272: {  	s20 =	simm.s32 $0x880  }
0x273: {  	[tilespmem:s20], [sflag:$0x1] =	stream.indirect_vreg.gather [hbm4b:s14+s3], $0x80, v4, vm0, $0xb8;
	[tilespmem:$0x14200] =	vst v63  }
0x274: {  	s7 =	simm.s32 $0x1080  }
0x275: {  	[tilespmem:s7], [sflag:$0x1] =	stream.indirect_vreg.gather [hbm4b:s13+s3], $0x80, v4, vm0, $0xb8;
	[tilespmem:$0x14200] =	vst v63  }
0x276: {  	s20 =	simm.s32 $0x1880  }
0x277: {  	[tilespmem:s20], [sflag:$0x1] =	stream.indirect_vreg.gather [hbm4b:s12+s3], $0x80, v4, vm0, $0xb8;
	[tilespmem:$0x14200] =	vst v63  }
0x278: {  	s7 =	simm.s32 $0x2080  }
0x279: {  	[tilespmem:s7], [sflag:$0x1] =	stream.indirect_vreg.gather [hbm4b:s10+s3], $0x80, v4, vm0, $0xb8;
	[tilespmem:$0x14200] =	vst v63  }
0x27a: {  	v3 =	vperm.xlane v3, v2;
	s20 =	simm.s32 $0x2880  }
0x27b: {  	[tilespmem:s20], [sflag:$0x1] =	stream.indirect_vreg.gather [hbm4b:s9+s3], $0x80, v4, vm0, $0xb8;
	[tilespmem:$0x14200] =	vst v63  }
0x27c: {  	v3 =	vadd.s32 v1, v3;
	s7 =	simm.s32 $0x3080  }
0x27d: {  	[tilespmem:s7], [sflag:$0x1] =	stream.indirect_vreg.gather [hbm4b:s22+s3], $0x80, v4, vm0, $0xb8;
	[tilespmem:$0x14200] =	vst v63  }
0x27e: {  	s20 =	simm.s32 $0x3880  }
0x27f: {  	[tilespmem:s20], [sflag:$0x1] =	stream.indirect_vreg.gather [hbm4b:s23+s3], $0x80, v4, vm0, $0xb8;
	[tilespmem:$0x14200] =	vst v63  }
0x280: {  	s7 =	simm.s32 $0x4080  }
0x281: {  	[tilespmem:s7], [sflag:$0x1] =	stream.indirect_vreg.gather [hbm4b:s4+s3], $0x80, v3, vm0, $0xb8;
	[tilespmem:$0x14200] =	vst v63  }
0x282: {  	s20 =	simm.s32 $0x4880  }
0x283: {  	[tilespmem:s20], [sflag:$0x1] =	stream.indirect_vreg.gather [hbm4b:s14+s3], $0x80, v3, vm0, $0xb8;
	[tilespmem:$0x14200] =	vst v63  }
0x284: {  	s7 =	simm.s32 $0x5080  }
0x285: {  	[tilespmem:s7], [sflag:$0x1] =	stream.indirect_vreg.gather [hbm4b:s13+s3], $0x80, v3, vm0, $0xb8;
	[tilespmem:$0x14200] =	vst v63  }
0x286: {  	s20 =	simm.s32 $0x5880  }
0x287: {  	[tilespmem:s20], [sflag:$0x1] =	stream.indirect_vreg.gather [hbm4b:s12+s3], $0x80, v3, vm0, $0xb8;
	[tilespmem:$0x14200] =	vst v63  }
0x288: {  	s7 =	simm.s32 $0x6080  }
0x289: {  	[tilespmem:s7], [sflag:$0x1] =	stream.indirect_vreg.gather [hbm4b:s10+s3], $0x80, v3, vm0, $0xb8;
	[tilespmem:$0x14200] =	vst v63  }
0x28a: {  	s20 =	simm.s32 $0x6880  }
0x28b: {  	[tilespmem:s20], [sflag:$0x1] =	stream.indirect_vreg.gather [hbm4b:s9+s3], $0x80, v3, vm0, $0xb8;
	[tilespmem:$0x14200] =	vst v63  }
0x28c: {  	s7 =	simm.s32 $0x7080  }
0x28d: {  	[tilespmem:s7], [sflag:$0x1] =	stream.indirect_vreg.gather [hbm4b:s22+s3], $0x80, v3, vm0, $0xb8;
	[tilespmem:$0x14200] =	vst v63  }
0x28e: {  	s20 =	simm.s32 $0x7880  }
0x28f: {  	[tilespmem:s20], [sflag:$0x1] =	stream.indirect_vreg.gather [hbm4b:s23+s3], $0x80, v3, vm0, $0xb8;
	[tilespmem:$0x14200] =	vst v63  }
0x290: {  	v3 =	vld [tilespmem:$0x10];
	_ =	sdelay $0x4  }
0x291: {  	v50 =	vshll.u32 v3, $0x4  }
0x292: {  	v3 =	vand.u32 $0x7, v3;
	v4 =	vand.u32 $0xFFFFFF80, v50  }
0x293: {  	v3 =	vor.u32 v3, v4  }
0x294: {  	v4 =	vperm.xlane v3, v0;
	_ =	sdelay $0x1  }
0x295: {  	v4 =	vadd.s32 v1, v4;
	_ =	sdelay $0x3  }
0x296: {  	s7 =	simm.s32 $0x8080  }
0x297: {  	[tilespmem:s7], [sflag:$0x1] =	stream.indirect_vreg.gather [hbm4b:s4+s3], $0x80, v4, vm0, $0xb8;
	[tilespmem:$0x14200] =	vst v63  }
0x298: {  	s20 =	simm.s32 $0x8880  }
0x299: {  	[tilespmem:s20], [sflag:$0x1] =	stream.indirect_vreg.gather [hbm4b:s14+s3], $0x80, v4, vm0, $0xb8;
	[tilespmem:$0x14200] =	vst v63  }
0x29a: {  	s7 =	simm.s32 $0x9080  }
0x29b: {  	[tilespmem:s7], [sflag:$0x1] =	stream.indirect_vreg.gather [hbm4b:s13+s3], $0x80, v4, vm0, $0xb8;
	[tilespmem:$0x14200] =	vst v63  }
0x29c: {  	s20 =	simm.s32 $0x9880  }
0x29d: {  	[tilespmem:s20], [sflag:$0x1] =	stream.indirect_vreg.gather [hbm4b:s12+s3], $0x80, v4, vm0, $0xb8;
	[tilespmem:$0x14200] =	vst v63  }
0x29e: {  	s7 =	simm.s32 $0xA080  }
0x29f: {  	[tilespmem:s7], [sflag:$0x1] =	stream.indirect_vreg.gather [hbm4b:s10+s3], $0x80, v4, vm0, $0xb8;
	[tilespmem:$0x14200] =	vst v63  }
0x2a0: {  	v3 =	vperm.xlane v3, v2;
	s20 =	simm.s32 $0xA880  }
0x2a1: {  	[tilespmem:s20], [sflag:$0x1] =	stream.indirect_vreg.gather [hbm4b:s9+s3], $0x80, v4, vm0, $0xb8;
	[tilespmem:$0x14200] =	vst v63  }
0x2a2: {  	v3 =	vadd.s32 v1, v3;
	s7 =	simm.s32 $0xB080  }
0x2a3: {  	[tilespmem:s7], [sflag:$0x1] =	stream.indirect_vreg.gather [hbm4b:s22+s3], $0x80, v4, vm0, $0xb8;
	[tilespmem:$0x14200] =	vst v63  }
0x2a4: {  	s20 =	simm.s32 $0xB880  }
0x2a5: {  	[tilespmem:s20], [sflag:$0x1] =	stream.indirect_vreg.gather [hbm4b:s23+s3], $0x80, v4, vm0, $0xb8;
	[tilespmem:$0x14200] =	vst v63  }
0x2a6: {  	s7 =	simm.s32 $0xC080  }
0x2a7: {  	[tilespmem:s7], [sflag:$0x1] =	stream.indirect_vreg.gather [hbm4b:s4+s3], $0x80, v3, vm0, $0xb8;
	[tilespmem:$0x14200] =	vst v63  }
0x2a8: {  	s20 =	simm.s32 $0xC880  }
0x2a9: {  	[tilespmem:s20], [sflag:$0x1] =	stream.indirect_vreg.gather [hbm4b:s14+s3], $0x80, v3, vm0, $0xb8;
	[tilespmem:$0x14200] =	vst v63  }
0x2aa: {  	s7 =	simm.s32 $0xD080  }
0x2ab: {  	[tilespmem:s7], [sflag:$0x1] =	stream.indirect_vreg.gather [hbm4b:s13+s3], $0x80, v3, vm0, $0xb8;
	[tilespmem:$0x14200] =	vst v63  }
0x2ac: {  	s20 =	simm.s32 $0xD880  }
0x2ad: {  	[tilespmem:s20], [sflag:$0x1] =	stream.indirect_vreg.gather [hbm4b:s12+s3], $0x80, v3, vm0, $0xb8;
	[tilespmem:$0x14200] =	vst v63  }
0x2ae: {  	s7 =	simm.s32 $0xE080  }
0x2af: {  	[tilespmem:s7], [sflag:$0x1] =	stream.indirect_vreg.gather [hbm4b:s10+s3], $0x80, v3, vm0, $0xb8;
	[tilespmem:$0x14200] =	vst v63  }
0x2b0: {  	s20 =	simm.s32 $0xE880  }
0x2b1: {  	[tilespmem:s20], [sflag:$0x1] =	stream.indirect_vreg.gather [hbm4b:s9+s3], $0x80, v3, vm0, $0xb8;
	[tilespmem:$0x14200] =	vst v63  }
0x2b2: {  	s7 =	simm.s32 $0xF080  }
0x2b3: {  	[tilespmem:s7], [sflag:$0x1] =	stream.indirect_vreg.gather [hbm4b:s22+s3], $0x80, v3, vm0, $0xb8;
	[tilespmem:$0x14200] =	vst v63  }
0x2b4: {  	s20 =	simm.s32 $0xF880  }
0x2b5: {  	[tilespmem:s20], [sflag:$0x1] =	stream.indirect_vreg.gather [hbm4b:s23+s3], $0x80, v3, vm0, $0xb8;
	[tilespmem:$0x14200] =	vst v63  }
0x2b6: {  	v3 =	vld.msk [tilespmem:$0x20], $0xff;
	_ =	sdelay $0x4  }
0x2b7: {  	v51 =	vshll.u32 v3, $0x4  }
0x2b8: {  	v3 =	vand.u32 $0x7, v3;
	v4 =	vand.u32 $0xFFFFFF80, v51  }
0x2b9: {  	v3 =	vor.u32 v3, v4  }
0x2ba: {  	v3 =	vperm.xlane v3, v0;
	_ =	sdelay $0x1  }
0x2bb: {  	v3 =	vadd.s32 v1, v3;
	_ =	sdelay $0x3  }
0x2bc: {  	s7 =	simm.s32 $0x10080  }
0x2bd: {  	[tilespmem:s7], [sflag:$0x1] =	stream.indirect_vreg.gather [hbm4b:s4+s3], $0x80, v3, vm0, $0xb8;
	[tilespmem:$0x14200] =	vst v63  }
0x2be: {  	_ = 	snop  }
0x2bf: {  	[tilespmem:s16], [sflag:$0x1] =	stream.indirect_vreg.gather [hbm4b:s14+s3], $0x80, v3, vm0, $0xb8;
	[tilespmem:$0x14200] =	vst v63  }
0x2c0: {  	s16 =	simm.s32 $0x11080  }
0x2c1: {  	[tilespmem:s16], [sflag:$0x1] =	stream.indirect_vreg.gather [hbm4b:s13+s3], $0x80, v3, vm0, $0xb8;
	[tilespmem:$0x14200] =	vst v63  }
0x2c2: {  	_ = 	snop  }
0x2c3: {  	[tilespmem:s11], [sflag:$0x1] =	stream.indirect_vreg.gather [hbm4b:s12+s3], $0x80, v3, vm0, $0xb8;
	[tilespmem:$0x14200] =	vst v63  }
0x2c4: {  	_ = 	snop  }
0x2c5: {  	[tilespmem:s19], [sflag:$0x1] =	stream.indirect_vreg.gather [hbm4b:s10+s3], $0x80, v3, vm0, $0xb8;
	[tilespmem:$0x14200] =	vst v63  }
0x2c6: {  	_ = 	snop  }
0x2c7: {  	[tilespmem:s21], [sflag:$0x1] =	stream.indirect_vreg.gather [hbm4b:s9+s3], $0x80, v3, vm0, $0xb8;
	[tilespmem:$0x14200] =	vst v63  }
0x2c8: {  	_ = 	snop  }
0x2c9: {  	[tilespmem:s24], [sflag:$0x1] =	stream.indirect_vreg.gather [hbm4b:s22+s3], $0x80, v3, vm0, $0xb8;
	[tilespmem:$0x14200] =	vst v63  }
0x2ca: {  	s20 =	simm.s32 $0x1;
	s19 =	simm.s32 $0x13880  }
0x2cb: {  	[tilespmem:s19], [sflag:$0x1] =	stream.indirect_vreg.gather [hbm4b:s23+s3], $0x80, v3, vm0, $0xb8;
	[tilespmem:$0x14200] =	vst v63  }
0x2cc: {  	_ =	swait.ge [sflag:s20], $0x14000  }
0x2cd: {  	[sflag:s20] =	ssyncset.done $0x0  }
0x2ce: {  	s24 =	simm.s32 $0x80;
	s21 =	rddreg [dreg:$0x14];
	[sflag:s20] =	ssyncadd.s32 $0xFFFEC000  }
0x2cf: {  	[hbm4b:s21+s3] =	stream.linear.scatter [tilespmem:s24], [sflag:$0x2], $0x14000, $0x38;
	[tilespmem:$0x14200] =	vst v63  }
0x2d0: {  	_ =	swait.ge [sflag:s31], $0x14000  }
0x2d1: {  	[sflag:s31] =	ssyncset.done $0x0  }
0x2d2: {  	s7 =	rddreg [dreg:$0xe];
	[sflag:s31] =	ssyncadd.s32 $0xFFFEC000  }
0x2d3: {  	[tilespmem:s3], [sflag:$0x2] =	stream.linear.gather [hbm4b:s7+s3], $0x28, $0x38;
	[tilespmem:$0x14200] =	vst v63  }
0x2d4: {  	_ =	swait.ge [sflag:s31], $0x28  }
0x2d5: {  	[sflag:s31] =	ssyncset.done $0x0  }
0x2d6: {  	[sflag:s31] =	ssyncadd.s32 $0xFFFFFFD8  }
0x2d7: {  	v3 =	vld [tilespmem:$0x0];
	_ =	sdelay $0x4  }
0x2d8: {  	v52 =	vshll.u32 v3, $0x4  }
0x2d9: {  	v3 =	vand.u32 $0x7, v3;
	v4 =	vand.u32 $0xFFFFFF80, v52  }
0x2da: {  	v3 =	vor.u32 v3, v4  }
0x2db: {  	v4 =	vperm.xlane v3, v0;
	_ =	sdelay $0x1  }
0x2dc: {  	v4 =	vadd.s32 v1, v4;
	_ =	sdelay $0x3  }
0x2dd: {  	s16 =	simm.s32 $0x80  }
0x2de: {  	[tilespmem:s16], [sflag:$0x1] =	stream.indirect_vreg.gather [hbm4b:s1+s3], $0x80, v4, vm0, $0xb8;
	[tilespmem:$0x14200] =	vst v63  }
0x2df: {  	s19 =	simm.s32 $0x880  }
0x2e0: {  	[tilespmem:s19], [sflag:$0x1] =	stream.indirect_vreg.gather [hbm4b:s28+s3], $0x80, v4, vm0, $0xb8;
	[tilespmem:$0x14200] =	vst v63  }
0x2e1: {  	s20 =	simm.s32 $0x1080  }
0x2e2: {  	[tilespmem:s20], [sflag:$0x1] =	stream.indirect_vreg.gather [hbm4b:s26+s3], $0x80, v4, vm0, $0xb8;
	[tilespmem:$0x14200] =	vst v63  }
0x2e3: {  	s21 =	simm.s32 $0x1880  }
0x2e4: {  	[tilespmem:s21], [sflag:$0x1] =	stream.indirect_vreg.gather [hbm4b:s18+s3], $0x80, v4, vm0, $0xb8;
	[tilespmem:$0x14200] =	vst v63  }
0x2e5: {  	s24 =	simm.s32 $0x2080  }
0x2e6: {  	[tilespmem:s24], [sflag:$0x1] =	stream.indirect_vreg.gather [hbm4b:s17+s3], $0x80, v4, vm0, $0xb8;
	[tilespmem:$0x14200] =	vst v63  }
0x2e7: {  	s7 =	simm.s32 $0x2880;
	v3 =	vperm.xlane v3, v2  }
0x2e8: {  	[tilespmem:s7], [sflag:$0x1] =	stream.indirect_vreg.gather [hbm4b:s15+s3], $0x80, v4, vm0, $0xb8;
	[tilespmem:$0x14200] =	vst v63  }
0x2e9: {  	v3 =	vadd.s32 v1, v3;
	s16 =	simm.s32 $0x3080  }
0x2ea: {  	[tilespmem:s16], [sflag:$0x1] =	stream.indirect_vreg.gather [hbm4b:s30+s3], $0x80, v4, vm0, $0xb8;
	[tilespmem:$0x14200] =	vst v63  }
0x2eb: {  	s19 =	simm.s32 $0x3880  }
0x2ec: {  	[tilespmem:s19], [sflag:$0x1] =	stream.indirect_vreg.gather [hbm4b:s8+s3], $0x80, v4, vm0, $0xb8;
	[tilespmem:$0x14200] =	vst v63  }
0x2ed: {  	s20 =	simm.s32 $0x4080  }
0x2ee: {  	[tilespmem:s20], [sflag:$0x1] =	stream.indirect_vreg.gather [hbm4b:s1+s3], $0x80, v3, vm0, $0xb8;
	[tilespmem:$0x14200] =	vst v63  }
0x2ef: {  	s19 =	simm.s32 $0x4880  }
0x2f0: {  	[tilespmem:s19], [sflag:$0x1] =	stream.indirect_vreg.gather [hbm4b:s28+s3], $0x80, v3, vm0, $0xb8;
	[tilespmem:$0x14200] =	vst v63  }
0x2f1: {  	s21 =	simm.s32 $0x5080  }
0x2f2: {  	[tilespmem:s21], [sflag:$0x1] =	stream.indirect_vreg.gather [hbm4b:s26+s3], $0x80, v3, vm0, $0xb8;
	[tilespmem:$0x14200] =	vst v63  }
0x2f3: {  	s24 =	simm.s32 $0x5880  }
0x2f4: {  	[tilespmem:s24], [sflag:$0x1] =	stream.indirect_vreg.gather [hbm4b:s18+s3], $0x80, v3, vm0, $0xb8;
	[tilespmem:$0x14200] =	vst v63  }
0x2f5: {  	s7 =	simm.s32 $0x6080  }
0x2f6: {  	[tilespmem:s7], [sflag:$0x1] =	stream.indirect_vreg.gather [hbm4b:s17+s3], $0x80, v3, vm0, $0xb8;
	[tilespmem:$0x14200] =	vst v63  }
0x2f7: {  	s16 =	simm.s32 $0x6880  }
0x2f8: {  	[tilespmem:s16], [sflag:$0x1] =	stream.indirect_vreg.gather [hbm4b:s15+s3], $0x80, v3, vm0, $0xb8;
	[tilespmem:$0x14200] =	vst v63  }
0x2f9: {  	s21 =	simm.s32 $0x7080  }
0x2fa: {  	[tilespmem:s21], [sflag:$0x1] =	stream.indirect_vreg.gather [hbm4b:s30+s3], $0x80, v3, vm0, $0xb8;
	[tilespmem:$0x14200] =	vst v63  }
0x2fb: {  	s24 =	simm.s32 $0x7880  }
0x2fc: {  	[tilespmem:s24], [sflag:$0x1] =	stream.indirect_vreg.gather [hbm4b:s8+s3], $0x80, v3, vm0, $0xb8;
	[tilespmem:$0x14200] =	vst v63  }
0x2fd: {  	v3 =	vld [tilespmem:$0x10];
	_ =	sdelay $0x4  }
0x2fe: {  	v53 =	vshll.u32 v3, $0x4  }
0x2ff: {  	v3 =	vand.u32 $0x7, v3;
	v4 =	vand.u32 $0xFFFFFF80, v53  }
0x300: {  	v3 =	vor.u32 v3, v4  }
0x301: {  	v4 =	vperm.xlane v3, v0;
	_ =	sdelay $0x1  }
0x302: {  	v4 =	vadd.s32 v1, v4;
	_ =	sdelay $0x3  }
0x303: {  	s21 =	simm.s32 $0x8080  }
0x304: {  	[tilespmem:s21], [sflag:$0x1] =	stream.indirect_vreg.gather [hbm4b:s1+s3], $0x80, v4, vm0, $0xb8;
	[tilespmem:$0x14200] =	vst v63  }
0x305: {  	s24 =	simm.s32 $0x8880  }
0x306: {  	[tilespmem:s24], [sflag:$0x1] =	stream.indirect_vreg.gather [hbm4b:s28+s3], $0x80, v4, vm0, $0xb8;
	[tilespmem:$0x14200] =	vst v63  }
0x307: {  	s7 =	simm.s32 $0x9080  }
0x308: {  	[tilespmem:s7], [sflag:$0x1] =	stream.indirect_vreg.gather [hbm4b:s26+s3], $0x80, v4, vm0, $0xb8;
	[tilespmem:$0x14200] =	vst v63  }
0x309: {  	s16 =	simm.s32 $0x9880  }
0x30a: {  	[tilespmem:s16], [sflag:$0x1] =	stream.indirect_vreg.gather [hbm4b:s18+s3], $0x80, v4, vm0, $0xb8;
	[tilespmem:$0x14200] =	vst v63  }
0x30b: {  	s7 =	simm.s32 $0xA080  }
0x30c: {  	[tilespmem:s7], [sflag:$0x1] =	stream.indirect_vreg.gather [hbm4b:s17+s3], $0x80, v4, vm0, $0xb8;
	[tilespmem:$0x14200] =	vst v63  }
0x30d: {  	v3 =	vperm.xlane v3, v2;
	s16 =	simm.s32 $0xA880  }
0x30e: {  	[tilespmem:s16], [sflag:$0x1] =	stream.indirect_vreg.gather [hbm4b:s15+s3], $0x80, v4, vm0, $0xb8;
	[tilespmem:$0x14200] =	vst v63  }
0x30f: {  	v3 =	vadd.s32 v1, v3;
	s7 =	simm.s32 $0xB080  }
0x310: {  	[tilespmem:s7], [sflag:$0x1] =	stream.indirect_vreg.gather [hbm4b:s30+s3], $0x80, v4, vm0, $0xb8;
	[tilespmem:$0x14200] =	vst v63  }
0x311: {  	s16 =	simm.s32 $0xB880  }
0x312: {  	[tilespmem:s16], [sflag:$0x1] =	stream.indirect_vreg.gather [hbm4b:s8+s3], $0x80, v4, vm0, $0xb8;
	[tilespmem:$0x14200] =	vst v63  }
0x313: {  	s7 =	simm.s32 $0xC080  }
0x314: {  	[tilespmem:s7], [sflag:$0x1] =	stream.indirect_vreg.gather [hbm4b:s1+s3], $0x80, v3, vm0, $0xb8;
	[tilespmem:$0x14200] =	vst v63  }
0x315: {  	s16 =	simm.s32 $0xC880  }
0x316: {  	[tilespmem:s16], [sflag:$0x1] =	stream.indirect_vreg.gather [hbm4b:s28+s3], $0x80, v3, vm0, $0xb8;
	[tilespmem:$0x14200] =	vst v63  }
0x317: {  	s7 =	simm.s32 $0xD080  }
0x318: {  	[tilespmem:s7], [sflag:$0x1] =	stream.indirect_vreg.gather [hbm4b:s26+s3], $0x80, v3, vm0, $0xb8;
	[tilespmem:$0x14200] =	vst v63  }
0x319: {  	s16 =	simm.s32 $0xD880  }
0x31a: {  	[tilespmem:s16], [sflag:$0x1] =	stream.indirect_vreg.gather [hbm4b:s18+s3], $0x80, v3, vm0, $0xb8;
	[tilespmem:$0x14200] =	vst v63  }
0x31b: {  	s7 =	simm.s32 $0xE080  }
0x31c: {  	[tilespmem:s7], [sflag:$0x1] =	stream.indirect_vreg.gather [hbm4b:s17+s3], $0x80, v3, vm0, $0xb8;
	[tilespmem:$0x14200] =	vst v63  }
0x31d: {  	s16 =	simm.s32 $0xE880  }
0x31e: {  	[tilespmem:s16], [sflag:$0x1] =	stream.indirect_vreg.gather [hbm4b:s15+s3], $0x80, v3, vm0, $0xb8;
	[tilespmem:$0x14200] =	vst v63  }
0x31f: {  	s7 =	simm.s32 $0xF080  }
0x320: {  	[tilespmem:s7], [sflag:$0x1] =	stream.indirect_vreg.gather [hbm4b:s30+s3], $0x80, v3, vm0, $0xb8;
	[tilespmem:$0x14200] =	vst v63  }
0x321: {  	s16 =	simm.s32 $0xF880  }
0x322: {  	[tilespmem:s16], [sflag:$0x1] =	stream.indirect_vreg.gather [hbm4b:s8+s3], $0x80, v3, vm0, $0xb8;
	[tilespmem:$0x14200] =	vst v63  }
0x323: {  	v3 =	vld.msk [tilespmem:$0x20], $0xff;
	_ =	sdelay $0x4  }
0x324: {  	v54 =	vshll.u32 v3, $0x4  }
0x325: {  	v3 =	vand.u32 $0x7, v3;
	v4 =	vand.u32 $0xFFFFFF80, v54  }
0x326: {  	v3 =	vor.u32 v3, v4  }
0x327: {  	v3 =	vperm.xlane v3, v0;
	_ =	sdelay $0x1  }
0x328: {  	v3 =	vadd.s32 v1, v3;
	_ =	sdelay $0x3  }
0x329: {  	s16 =	simm.s32 $0x10080  }
0x32a: {  	[tilespmem:s16], [sflag:$0x1] =	stream.indirect_vreg.gather [hbm4b:s1+s3], $0x80, v3, vm0, $0xb8;
	[tilespmem:$0x14200] =	vst v63  }
0x32b: {  	s7 =	simm.s32 $0x10880  }
0x32c: {  	[tilespmem:s7], [sflag:$0x1] =	stream.indirect_vreg.gather [hbm4b:s28+s3], $0x80, v3, vm0, $0xb8;
	[tilespmem:$0x14200] =	vst v63  }
0x32d: {  	s7 =	simm.s32 $0x11080  }
0x32e: {  	[tilespmem:s7], [sflag:$0x1] =	stream.indirect_vreg.gather [hbm4b:s26+s3], $0x80, v3, vm0, $0xb8;
	[tilespmem:$0x14200] =	vst v63  }
0x32f: {  	s7 =	simm.s32 $0x11880  }
0x330: {  	[tilespmem:s7], [sflag:$0x1] =	stream.indirect_vreg.gather [hbm4b:s18+s3], $0x80, v3, vm0, $0xb8;
	[tilespmem:$0x14200] =	vst v63  }
0x331: {  	s7 =	simm.s32 $0x12080  }
0x332: {  	[tilespmem:s7], [sflag:$0x1] =	stream.indirect_vreg.gather [hbm4b:s17+s3], $0x80, v3, vm0, $0xb8;
	[tilespmem:$0x14200] =	vst v63  }
0x333: {  	s7 =	simm.s32 $0x12880  }
0x334: {  	[tilespmem:s7], [sflag:$0x1] =	stream.indirect_vreg.gather [hbm4b:s15+s3], $0x80, v3, vm0, $0xb8;
	[tilespmem:$0x14200] =	vst v63  }
0x335: {  	s7 =	simm.s32 $0x13080  }
0x336: {  	[tilespmem:s7], [sflag:$0x1] =	stream.indirect_vreg.gather [hbm4b:s30+s3], $0x80, v3, vm0, $0xb8;
	[tilespmem:$0x14200] =	vst v63  }
0x337: {  	s11 =	simm.s32 $0x1;
	s7 =	simm.s32 $0x13880  }
0x338: {  	[tilespmem:s7], [sflag:$0x1] =	stream.indirect_vreg.gather [hbm4b:s8+s3], $0x80, v3, vm0, $0xb8;
	[tilespmem:$0x14200] =	vst v63  }
0x339: {  	_ =	swait.ge [sflag:s11], $0x14000  }
0x33a: {  	[sflag:s11] =	ssyncset.done $0x0  }
0x33b: {  	s7 =	rddreg [dreg:$0x16];
	[sflag:s11] =	ssyncadd.s32 $0xFFFEC000;
	s11 =	simm.s32 $0x80  }
0x33c: {  	[hbm4b:s7+s3] =	stream.linear.scatter [tilespmem:s11], [sflag:$0x2], $0x14000, $0x38;
	[tilespmem:$0x14200] =	vst v63  }
0x33d: {  	_ =	swait.ge [sflag:s31], $0x14000  }
0x33e: {  	[sflag:s31] =	ssyncset.done $0x0  }
0x33f: {  	[sflag:s31] =	ssyncadd.s32 $0xFFFEC000  }
0x340: {  	v3 =	vld [tilespmem:$0x0];
	_ =	sdelay $0x4  }
0x341: {  	v55 =	vshll.u32 v3, $0x4  }
0x342: {  	v3 =	vand.u32 $0x7, v3;
	v4 =	vand.u32 $0xFFFFFF80, v55  }
0x343: {  	v3 =	vor.u32 v3, v4  }
0x344: {  	v4 =	vperm.xlane v3, v0;
	_ =	sdelay $0x1  }
0x345: {  	v4 =	vadd.s32 v1, v4;
	_ =	sdelay $0x3  }
0x346: {  	s7 =	simm.s32 $0x80  }
0x347: {  	[tilespmem:s7], [sflag:$0x1] =	stream.indirect_vreg.gather [hbm4b:s4+s3], $0x80, v4, vm0, $0xb8;
	[tilespmem:$0x14200] =	vst v63  }
0x348: {  	s11 =	simm.s32 $0x880  }
0x349: {  	[tilespmem:s11], [sflag:$0x1] =	stream.indirect_vreg.gather [hbm4b:s14+s3], $0x80, v4, vm0, $0xb8;
	[tilespmem:$0x14200] =	vst v63  }
0x34a: {  	s31 =	simm.s32 $0x1080  }
0x34b: {  	[tilespmem:s31], [sflag:$0x1] =	stream.indirect_vreg.gather [hbm4b:s13+s3], $0x80, v4, vm0, $0xb8;
	[tilespmem:$0x14200] =	vst v63  }
0x34c: {  	s7 =	simm.s32 $0x1880  }
0x34d: {  	[tilespmem:s7], [sflag:$0x1] =	stream.indirect_vreg.gather [hbm4b:s12+s3], $0x80, v4, vm0, $0xb8;
	[tilespmem:$0x14200] =	vst v63  }
0x34e: {  	s11 =	simm.s32 $0x2080  }
0x34f: {  	[tilespmem:s11], [sflag:$0x1] =	stream.indirect_vreg.gather [hbm4b:s10+s3], $0x80, v4, vm0, $0xb8;
	[tilespmem:$0x14200] =	vst v63  }
0x350: {  	v3 =	vperm.xlane v3, v2;
	s31 =	simm.s32 $0x2880  }
0x351: {  	[tilespmem:s31], [sflag:$0x1] =	stream.indirect_vreg.gather [hbm4b:s9+s3], $0x80, v4, vm0, $0xb8;
	[tilespmem:$0x14200] =	vst v63  }
0x352: {  	v3 =	vadd.s32 v1, v3;
	s7 =	simm.s32 $0x3080  }
0x353: {  	[tilespmem:s7], [sflag:$0x1] =	stream.indirect_vreg.gather [hbm4b:s22+s3], $0x80, v4, vm0, $0xb8;
	[tilespmem:$0x14200] =	vst v63  }
0x354: {  	s11 =	simm.s32 $0x3880  }
0x355: {  	[tilespmem:s11], [sflag:$0x1] =	stream.indirect_vreg.gather [hbm4b:s23+s3], $0x80, v4, vm0, $0xb8;
	[tilespmem:$0x14200] =	vst v63  }
0x356: {  	s20 =	simm.s32 $0x4080  }
0x357: {  	[tilespmem:s20], [sflag:$0x1] =	stream.indirect_vreg.gather [hbm4b:s4+s3], $0x80, v3, vm0, $0xb8;
	[tilespmem:$0x14200] =	vst v63  }
0x358: {  	_ = 	snop  }
0x359: {  	[tilespmem:s19], [sflag:$0x1] =	stream.indirect_vreg.gather [hbm4b:s14+s3], $0x80, v3, vm0, $0xb8;
	[tilespmem:$0x14200] =	vst v63  }
0x35a: {  	s31 =	simm.s32 $0x5080  }
0x35b: {  	[tilespmem:s31], [sflag:$0x1] =	stream.indirect_vreg.gather [hbm4b:s13+s3], $0x80, v3, vm0, $0xb8;
	[tilespmem:$0x14200] =	vst v63  }
0x35c: {  	s7 =	simm.s32 $0x5880  }
0x35d: {  	[tilespmem:s7], [sflag:$0x1] =	stream.indirect_vreg.gather [hbm4b:s12+s3], $0x80, v3, vm0, $0xb8;
	[tilespmem:$0x14200] =	vst v63  }
0x35e: {  	s11 =	simm.s32 $0x6080  }
0x35f: {  	[tilespmem:s11], [sflag:$0x1] =	stream.indirect_vreg.gather [hbm4b:s10+s3], $0x80, v3, vm0, $0xb8;
	[tilespmem:$0x14200] =	vst v63  }
0x360: {  	s19 =	simm.s32 $0x6880  }
0x361: {  	[tilespmem:s19], [sflag:$0x1] =	stream.indirect_vreg.gather [hbm4b:s9+s3], $0x80, v3, vm0, $0xb8;
	[tilespmem:$0x14200] =	vst v63  }
0x362: {  	s31 =	simm.s32 $0x7080  }
0x363: {  	[tilespmem:s31], [sflag:$0x1] =	stream.indirect_vreg.gather [hbm4b:s22+s3], $0x80, v3, vm0, $0xb8;
	[tilespmem:$0x14200] =	vst v63  }
0x364: {  	s7 =	simm.s32 $0x7880  }
0x365: {  	[tilespmem:s7], [sflag:$0x1] =	stream.indirect_vreg.gather [hbm4b:s23+s3], $0x80, v3, vm0, $0xb8;
	[tilespmem:$0x14200] =	vst v63  }
0x366: {  	v3 =	vld [tilespmem:$0x10];
	_ =	sdelay $0x4  }
0x367: {  	v56 =	vshll.u32 v3, $0x4  }
0x368: {  	v3 =	vand.u32 $0x7, v3;
	v4 =	vand.u32 $0xFFFFFF80, v56  }
0x369: {  	v3 =	vor.u32 v3, v4  }
0x36a: {  	v4 =	vperm.xlane v3, v0;
	_ =	sdelay $0x1  }
0x36b: {  	v4 =	vadd.s32 v1, v4;
	_ =	sdelay $0x4  }
0x36c: {  	[tilespmem:s21], [sflag:$0x1] =	stream.indirect_vreg.gather [hbm4b:s4+s3], $0x80, v4, vm0, $0xb8;
	[tilespmem:$0x14200] =	vst v63  }
0x36d: {  	_ = 	snop  }
0x36e: {  	[tilespmem:s24], [sflag:$0x1] =	stream.indirect_vreg.gather [hbm4b:s14+s3], $0x80, v4, vm0, $0xb8;
	[tilespmem:$0x14200] =	vst v63  }
0x36f: {  	s11 =	simm.s32 $0x9080  }
0x370: {  	[tilespmem:s11], [sflag:$0x1] =	stream.indirect_vreg.gather [hbm4b:s13+s3], $0x80, v4, vm0, $0xb8;
	[tilespmem:$0x14200] =	vst v63  }
0x371: {  	s19 =	simm.s32 $0x9880  }
0x372: {  	[tilespmem:s19], [sflag:$0x1] =	stream.indirect_vreg.gather [hbm4b:s12+s3], $0x80, v4, vm0, $0xb8;
	[tilespmem:$0x14200] =	vst v63  }
0x373: {  	s21 =	simm.s32 $0xA080  }
0x374: {  	[tilespmem:s21], [sflag:$0x1] =	stream.indirect_vreg.gather [hbm4b:s10+s3], $0x80, v4, vm0, $0xb8;
	[tilespmem:$0x14200] =	vst v63  }
0x375: {  	v3 =	vperm.xlane v3, v2;
	s24 =	simm.s32 $0xA880  }
0x376: {  	[tilespmem:s24], [sflag:$0x1] =	stream.indirect_vreg.gather [hbm4b:s9+s3], $0x80, v4, vm0, $0xb8;
	[tilespmem:$0x14200] =	vst v63  }
0x377: {  	s31 =	simm.s32 $0xB080;
	v3 =	vadd.s32 v1, v3  }
0x378: {  	[tilespmem:s31], [sflag:$0x1] =	stream.indirect_vreg.gather [hbm4b:s22+s3], $0x80, v4, vm0, $0xb8;
	[tilespmem:$0x14200] =	vst v63  }
0x379: {  	s7 =	simm.s32 $0xB880  }
0x37a: {  	[tilespmem:s7], [sflag:$0x1] =	stream.indirect_vreg.gather [hbm4b:s23+s3], $0x80, v4, vm0, $0xb8;
	[tilespmem:$0x14200] =	vst v63  }
0x37b: {  	s11 =	simm.s32 $0xC080  }
0x37c: {  	[tilespmem:s11], [sflag:$0x1] =	stream.indirect_vreg.gather [hbm4b:s4+s3], $0x80, v3, vm0, $0xb8;
	[tilespmem:$0x14200] =	vst v63  }
0x37d: {  	s19 =	simm.s32 $0xC880  }
0x37e: {  	[tilespmem:s19], [sflag:$0x1] =	stream.indirect_vreg.gather [hbm4b:s14+s3], $0x80, v3, vm0, $0xb8;
	[tilespmem:$0x14200] =	vst v63  }
0x37f: {  	s21 =	simm.s32 $0xD080  }
0x380: {  	[tilespmem:s21], [sflag:$0x1] =	stream.indirect_vreg.gather [hbm4b:s13+s3], $0x80, v3, vm0, $0xb8;
	[tilespmem:$0x14200] =	vst v63  }
0x381: {  	s24 =	simm.s32 $0xD880  }
0x382: {  	[tilespmem:s24], [sflag:$0x1] =	stream.indirect_vreg.gather [hbm4b:s12+s3], $0x80, v3, vm0, $0xb8;
	[tilespmem:$0x14200] =	vst v63  }
0x383: {  	s31 =	simm.s32 $0xE080  }
0x384: {  	[tilespmem:s31], [sflag:$0x1] =	stream.indirect_vreg.gather [hbm4b:s10+s3], $0x80, v3, vm0, $0xb8;
	[tilespmem:$0x14200] =	vst v63  }
0x385: {  	s7 =	simm.s32 $0xE880  }
0x386: {  	[tilespmem:s7], [sflag:$0x1] =	stream.indirect_vreg.gather [hbm4b:s9+s3], $0x80, v3, vm0, $0xb8;
	[tilespmem:$0x14200] =	vst v63  }
0x387: {  	s11 =	simm.s32 $0xF080  }
0x388: {  	[tilespmem:s11], [sflag:$0x1] =	stream.indirect_vreg.gather [hbm4b:s22+s3], $0x80, v3, vm0, $0xb8;
	[tilespmem:$0x14200] =	vst v63  }
0x389: {  	s19 =	simm.s32 $0xF880  }
0x38a: {  	[tilespmem:s19], [sflag:$0x1] =	stream.indirect_vreg.gather [hbm4b:s23+s3], $0x80, v3, vm0, $0xb8;
	[tilespmem:$0x14200] =	vst v63  }
0x38b: {  	v3 =	vld.msk [tilespmem:$0x20], $0xff;
	_ =	sdelay $0x4  }
0x38c: {  	v57 =	vshll.u32 v3, $0x4  }
0x38d: {  	v3 =	vand.u32 $0x7, v3;
	v4 =	vand.u32 $0xFFFFFF80, v57  }
0x38e: {  	v3 =	vor.u32 v3, v4  }
0x38f: {  	v3 =	vperm.xlane v3, v0;
	_ =	sdelay $0x1  }
0x390: {  	v3 =	vadd.s32 v1, v3;
	_ =	sdelay $0x4  }
0x391: {  	[tilespmem:s16], [sflag:$0x1] =	stream.indirect_vreg.gather [hbm4b:s4+s3], $0x80, v3, vm0, $0xb8;
	[tilespmem:$0x14200] =	vst v63  }
0x392: {  	s21 =	simm.s32 $0x10880  }
0x393: {  	[tilespmem:s21], [sflag:$0x1] =	stream.indirect_vreg.gather [hbm4b:s14+s3], $0x80, v3, vm0, $0xb8;
	[tilespmem:$0x14200] =	vst v63  }
0x394: {  	s24 =	simm.s32 $0x11080  }
0x395: {  	[tilespmem:s24], [sflag:$0x1] =	stream.indirect_vreg.gather [hbm4b:s13+s3], $0x80, v3, vm0, $0xb8;
	[tilespmem:$0x14200] =	vst v63  }
0x396: {  	s31 =	simm.s32 $0x11880  }
0x397: {  	[tilespmem:s31], [sflag:$0x1] =	stream.indirect_vreg.gather [hbm4b:s12+s3], $0x80, v3, vm0, $0xb8;
	[tilespmem:$0x14200] =	vst v63  }
0x398: {  	s20 =	smov.u32 s4;
	s4 =	simm.s32 $0x12080  }
0x399: {  	[tilespmem:s4], [sflag:$0x1] =	stream.indirect_vreg.gather [hbm4b:s10+s3], $0x80, v3, vm0, $0xb8;
	[tilespmem:$0x14200] =	vst v63  }
0x39a: {  	s7 =	simm.s32 $0x12880  }
0x39b: {  	[tilespmem:s7], [sflag:$0x1] =	stream.indirect_vreg.gather [hbm4b:s9+s3], $0x80, v3, vm0, $0xb8;
	[tilespmem:$0x14200] =	vst v63  }
0x39c: {  	s11 =	simm.s32 $0x13080  }
0x39d: {  	[tilespmem:s11], [sflag:$0x1] =	stream.indirect_vreg.gather [hbm4b:s22+s3], $0x80, v3, vm0, $0xb8;
	[tilespmem:$0x14200] =	vst v63  }
0x39e: {  	s19 =	simm.s32 $0x1;
	s16 =	simm.s32 $0x13880  }
0x39f: {  	[tilespmem:s16], [sflag:$0x1] =	stream.indirect_vreg.gather [hbm4b:s23+s3], $0x80, v3, vm0, $0xb8;
	[tilespmem:$0x14200] =	vst v63  }
0x3a0: {  	_ =	swait.ge [sflag:s19], $0x14000  }
0x3a1: {  	s24 =	simm.s32 $0x80;
	[sflag:s19] =	ssyncset.done $0x0  }
0x3a2: {  	s31 =	simm.s32 $0x2;
	s21 =	rddreg [dreg:$0x17];
	[sflag:s19] =	ssyncadd.s32 $0xFFFEC000  }
0x3a3: {  	[hbm4b:s21+s3] =	stream.linear.scatter [tilespmem:s24], [sflag:$0x2], $0x14000, $0x38;
	[tilespmem:$0x14200] =	vst v63  }
0x3a4: {  	_ =	swait.ge [sflag:s31], $0x14000  }
0x3a5: {  	[sflag:s31] =	ssyncset.done $0x0  }
0x3a6: {  	s4 =	rddreg [dreg:$0xf];
	[sflag:s31] =	ssyncadd.s32 $0xFFFEC000  }
0x3a7: {  	[tilespmem:s3], [sflag:$0x2] =	stream.linear.gather [hbm4b:s4+s3], $0x28, $0x38;
	[tilespmem:$0x14200] =	vst v63  }
0x3a8: {  	_ =	swait.ge [sflag:s31], $0x28  }
0x3a9: {  	[sflag:s31] =	ssyncset.done $0x0  }
0x3aa: {  	[sflag:s31] =	ssyncadd.s32 $0xFFFFFFD8  }
0x3ab: {  	v3 =	vld [tilespmem:$0x0];
	_ =	sdelay $0x4  }
0x3ac: {  	v58 =	vshll.u32 v3, $0x4  }
0x3ad: {  	v3 =	vand.u32 $0x7, v3;
	v4 =	vand.u32 $0xFFFFFF80, v58  }
0x3ae: {  	v3 =	vor.u32 v3, v4  }
0x3af: {  	v4 =	vperm.xlane v3, v0;
	_ =	sdelay $0x1  }
0x3b0: {  	v4 =	vadd.s32 v1, v4;
	_ =	sdelay $0x3  }
0x3b1: {  	s7 =	simm.s32 $0x80  }
0x3b2: {  	[tilespmem:s7], [sflag:$0x1] =	stream.indirect_vreg.gather [hbm4b:s1+s3], $0x80, v4, vm0, $0xb8;
	[tilespmem:$0x14200] =	vst v63  }
0x3b3: {  	s11 =	simm.s32 $0x880  }
0x3b4: {  	[tilespmem:s11], [sflag:$0x1] =	stream.indirect_vreg.gather [hbm4b:s28+s3], $0x80, v4, vm0, $0xb8;
	[tilespmem:$0x14200] =	vst v63  }
0x3b5: {  	s16 =	simm.s32 $0x1080  }
0x3b6: {  	[tilespmem:s16], [sflag:$0x1] =	stream.indirect_vreg.gather [hbm4b:s26+s3], $0x80, v4, vm0, $0xb8;
	[tilespmem:$0x14200] =	vst v63  }
0x3b7: {  	s19 =	simm.s32 $0x1880  }
0x3b8: {  	[tilespmem:s19], [sflag:$0x1] =	stream.indirect_vreg.gather [hbm4b:s18+s3], $0x80, v4, vm0, $0xb8;
	[tilespmem:$0x14200] =	vst v63  }
0x3b9: {  	s21 =	simm.s32 $0x2080  }
0x3ba: {  	[tilespmem:s21], [sflag:$0x1] =	stream.indirect_vreg.gather [hbm4b:s17+s3], $0x80, v4, vm0, $0xb8;
	[tilespmem:$0x14200] =	vst v63  }
0x3bb: {  	s24 =	simm.s32 $0x2880;
	v3 =	vperm.xlane v3, v2  }
0x3bc: {  	[tilespmem:s24], [sflag:$0x1] =	stream.indirect_vreg.gather [hbm4b:s15+s3], $0x80, v4, vm0, $0xb8;
	[tilespmem:$0x14200] =	vst v63  }
0x3bd: {  	s4 =	simm.s32 $0x3080;
	v3 =	vadd.s32 v1, v3  }
0x3be: {  	[tilespmem:s4], [sflag:$0x1] =	stream.indirect_vreg.gather [hbm4b:s30+s3], $0x80, v4, vm0, $0xb8;
	[tilespmem:$0x14200] =	vst v63  }
0x3bf: {  	s7 =	simm.s32 $0x3880  }
0x3c0: {  	[tilespmem:s7], [sflag:$0x1] =	stream.indirect_vreg.gather [hbm4b:s8+s3], $0x80, v4, vm0, $0xb8;
	[tilespmem:$0x14200] =	vst v63  }
0x3c1: {  	s11 =	simm.s32 $0x4080  }
0x3c2: {  	[tilespmem:s11], [sflag:$0x1] =	stream.indirect_vreg.gather [hbm4b:s1+s3], $0x80, v3, vm0, $0xb8;
	[tilespmem:$0x14200] =	vst v63  }
0x3c3: {  	s16 =	simm.s32 $0x4880  }
0x3c4: {  	[tilespmem:s16], [sflag:$0x1] =	stream.indirect_vreg.gather [hbm4b:s28+s3], $0x80, v3, vm0, $0xb8;
	[tilespmem:$0x14200] =	vst v63  }
0x3c5: {  	s19 =	simm.s32 $0x5080  }
0x3c6: {  	[tilespmem:s19], [sflag:$0x1] =	stream.indirect_vreg.gather [hbm4b:s26+s3], $0x80, v3, vm0, $0xb8;
	[tilespmem:$0x14200] =	vst v63  }
0x3c7: {  	s21 =	simm.s32 $0x5880  }
0x3c8: {  	[tilespmem:s21], [sflag:$0x1] =	stream.indirect_vreg.gather [hbm4b:s18+s3], $0x80, v3, vm0, $0xb8;
	[tilespmem:$0x14200] =	vst v63  }
0x3c9: {  	s24 =	simm.s32 $0x6080  }
0x3ca: {  	[tilespmem:s24], [sflag:$0x1] =	stream.indirect_vreg.gather [hbm4b:s17+s3], $0x80, v3, vm0, $0xb8;
	[tilespmem:$0x14200] =	vst v63  }
0x3cb: {  	s4 =	simm.s32 $0x6880  }
0x3cc: {  	[tilespmem:s4], [sflag:$0x1] =	stream.indirect_vreg.gather [hbm4b:s15+s3], $0x80, v3, vm0, $0xb8;
	[tilespmem:$0x14200] =	vst v63  }
0x3cd: {  	s7 =	simm.s32 $0x7080  }
0x3ce: {  	[tilespmem:s7], [sflag:$0x1] =	stream.indirect_vreg.gather [hbm4b:s30+s3], $0x80, v3, vm0, $0xb8;
	[tilespmem:$0x14200] =	vst v63  }
0x3cf: {  	s16 =	simm.s32 $0x7880  }
0x3d0: {  	[tilespmem:s16], [sflag:$0x1] =	stream.indirect_vreg.gather [hbm4b:s8+s3], $0x80, v3, vm0, $0xb8;
	[tilespmem:$0x14200] =	vst v63  }
0x3d1: {  	v3 =	vld [tilespmem:$0x10];
	_ =	sdelay $0x4  }
0x3d2: {  	v59 =	vshll.u32 v3, $0x4  }
0x3d3: {  	v3 =	vand.u32 $0x7, v3;
	v4 =	vand.u32 $0xFFFFFF80, v59  }
0x3d4: {  	v3 =	vor.u32 v3, v4  }
0x3d5: {  	v4 =	vperm.xlane v3, v0;
	_ =	sdelay $0x1  }
0x3d6: {  	v4 =	vadd.s32 v1, v4;
	_ =	sdelay $0x3  }
0x3d7: {  	s4 =	simm.s32 $0x8080  }
0x3d8: {  	[tilespmem:s4], [sflag:$0x1] =	stream.indirect_vreg.gather [hbm4b:s1+s3], $0x80, v4, vm0, $0xb8;
	[tilespmem:$0x14200] =	vst v63  }
0x3d9: {  	s7 =	simm.s32 $0x8880  }
0x3da: {  	[tilespmem:s7], [sflag:$0x1] =	stream.indirect_vreg.gather [hbm4b:s28+s3], $0x80, v4, vm0, $0xb8;
	[tilespmem:$0x14200] =	vst v63  }
0x3db: {  	s16 =	simm.s32 $0x9080  }
0x3dc: {  	[tilespmem:s16], [sflag:$0x1] =	stream.indirect_vreg.gather [hbm4b:s26+s3], $0x80, v4, vm0, $0xb8;
	[tilespmem:$0x14200] =	vst v63  }
0x3dd: {  	s4 =	simm.s32 $0x9880  }
0x3de: {  	[tilespmem:s4], [sflag:$0x1] =	stream.indirect_vreg.gather [hbm4b:s18+s3], $0x80, v4, vm0, $0xb8;
	[tilespmem:$0x14200] =	vst v63  }
0x3df: {  	s7 =	simm.s32 $0xA080  }
0x3e0: {  	[tilespmem:s7], [sflag:$0x1] =	stream.indirect_vreg.gather [hbm4b:s17+s3], $0x80, v4, vm0, $0xb8;
	[tilespmem:$0x14200] =	vst v63  }
0x3e1: {  	v3 =	vperm.xlane v3, v2;
	s16 =	simm.s32 $0xA880  }
0x3e2: {  	[tilespmem:s16], [sflag:$0x1] =	stream.indirect_vreg.gather [hbm4b:s15+s3], $0x80, v4, vm0, $0xb8;
	[tilespmem:$0x14200] =	vst v63  }
0x3e3: {  	v3 =	vadd.s32 v1, v3;
	s4 =	simm.s32 $0xB080  }
0x3e4: {  	[tilespmem:s4], [sflag:$0x1] =	stream.indirect_vreg.gather [hbm4b:s30+s3], $0x80, v4, vm0, $0xb8;
	[tilespmem:$0x14200] =	vst v63  }
0x3e5: {  	s7 =	simm.s32 $0xB880  }
0x3e6: {  	[tilespmem:s7], [sflag:$0x1] =	stream.indirect_vreg.gather [hbm4b:s8+s3], $0x80, v4, vm0, $0xb8;
	[tilespmem:$0x14200] =	vst v63  }
0x3e7: {  	s16 =	simm.s32 $0xC080  }
0x3e8: {  	[tilespmem:s16], [sflag:$0x1] =	stream.indirect_vreg.gather [hbm4b:s1+s3], $0x80, v3, vm0, $0xb8;
	[tilespmem:$0x14200] =	vst v63  }
0x3e9: {  	s4 =	simm.s32 $0xC880  }
0x3ea: {  	[tilespmem:s4], [sflag:$0x1] =	stream.indirect_vreg.gather [hbm4b:s28+s3], $0x80, v3, vm0, $0xb8;
	[tilespmem:$0x14200] =	vst v63  }
0x3eb: {  	s7 =	simm.s32 $0xD080  }
0x3ec: {  	[tilespmem:s7], [sflag:$0x1] =	stream.indirect_vreg.gather [hbm4b:s26+s3], $0x80, v3, vm0, $0xb8;
	[tilespmem:$0x14200] =	vst v63  }
0x3ed: {  	s16 =	simm.s32 $0xD880  }
0x3ee: {  	[tilespmem:s16], [sflag:$0x1] =	stream.indirect_vreg.gather [hbm4b:s18+s3], $0x80, v3, vm0, $0xb8;
	[tilespmem:$0x14200] =	vst v63  }
0x3ef: {  	s4 =	simm.s32 $0xE080  }
0x3f0: {  	[tilespmem:s4], [sflag:$0x1] =	stream.indirect_vreg.gather [hbm4b:s17+s3], $0x80, v3, vm0, $0xb8;
	[tilespmem:$0x14200] =	vst v63  }
0x3f1: {  	s7 =	simm.s32 $0xE880  }
0x3f2: {  	[tilespmem:s7], [sflag:$0x1] =	stream.indirect_vreg.gather [hbm4b:s15+s3], $0x80, v3, vm0, $0xb8;
	[tilespmem:$0x14200] =	vst v63  }
0x3f3: {  	s16 =	simm.s32 $0xF080  }
0x3f4: {  	[tilespmem:s16], [sflag:$0x1] =	stream.indirect_vreg.gather [hbm4b:s30+s3], $0x80, v3, vm0, $0xb8;
	[tilespmem:$0x14200] =	vst v63  }
0x3f5: {  	s4 =	simm.s32 $0xF880  }
0x3f6: {  	[tilespmem:s4], [sflag:$0x1] =	stream.indirect_vreg.gather [hbm4b:s8+s3], $0x80, v3, vm0, $0xb8;
	[tilespmem:$0x14200] =	vst v63  }
0x3f7: {  	v3 =	vld.msk [tilespmem:$0x20], $0xff;
	_ =	sdelay $0x4  }
0x3f8: {  	v60 =	vshll.u32 v3, $0x4  }
0x3f9: {  	v3 =	vand.u32 $0x7, v3;
	v4 =	vand.u32 $0xFFFFFF80, v60  }
0x3fa: {  	v3 =	vor.u32 v3, v4  }
0x3fb: {  	v3 =	vperm.xlane v3, v0;
	_ =	sdelay $0x1  }
0x3fc: {  	v3 =	vadd.s32 v1, v3;
	_ =	sdelay $0x3  }
0x3fd: {  	s7 =	simm.s32 $0x10080  }
0x3fe: {  	[tilespmem:s7], [sflag:$0x1] =	stream.indirect_vreg.gather [hbm4b:s1+s3], $0x80, v3, vm0, $0xb8;
	[tilespmem:$0x14200] =	vst v63  }
0x3ff: {  	s4 =	simm.s32 $0x10880  }
0x400: {  	[tilespmem:s4], [sflag:$0x1] =	stream.indirect_vreg.gather [hbm4b:s28+s3], $0x80, v3, vm0, $0xb8;
	[tilespmem:$0x14200] =	vst v63  }
0x401: {  	s1 =	simm.s32 $0x11080  }
0x402: {  	[tilespmem:s1], [sflag:$0x1] =	stream.indirect_vreg.gather [hbm4b:s26+s3], $0x80, v3, vm0, $0xb8;
	[tilespmem:$0x14200] =	vst v63  }
0x403: {  	s28 =	simm.s32 $0x11880  }
0x404: {  	[tilespmem:s28], [sflag:$0x1] =	stream.indirect_vreg.gather [hbm4b:s18+s3], $0x80, v3, vm0, $0xb8;
	[tilespmem:$0x14200] =	vst v63  }
0x405: {  	s18 =	simm.s32 $0x12080  }
0x406: {  	[tilespmem:s18], [sflag:$0x1] =	stream.indirect_vreg.gather [hbm4b:s17+s3], $0x80, v3, vm0, $0xb8;
	[tilespmem:$0x14200] =	vst v63  }
0x407: {  	s17 =	simm.s32 $0x12880  }
0x408: {  	[tilespmem:s17], [sflag:$0x1] =	stream.indirect_vreg.gather [hbm4b:s15+s3], $0x80, v3, vm0, $0xb8;
	[tilespmem:$0x14200] =	vst v63  }
0x409: {  	s15 =	simm.s32 $0x13080  }
0x40a: {  	[tilespmem:s15], [sflag:$0x1] =	stream.indirect_vreg.gather [hbm4b:s30+s3], $0x80, v3, vm0, $0xb8;
	[tilespmem:$0x14200] =	vst v63  }
0x40b: {  	s30 =	simm.s32 $0x13880  }
0x40c: {  	[tilespmem:s30], [sflag:$0x1] =	stream.indirect_vreg.gather [hbm4b:s8+s3], $0x80, v3, vm0, $0xb8;
	[tilespmem:$0x14200] =	vst v63  }
0x40d: {  	s8 =	simm.s32 $0x1  }
0x40e: {  	_ =	swait.ge [sflag:s8], $0x14000  }
0x40f: {  	s31 =	simm.s32 $0x2;
	[sflag:s8] =	ssyncset.done $0x0  }
0x410: {  	s7 =	simm.s32 $0x80;
	s26 =	rddreg [dreg:$0x18];
	[sflag:s8] =	ssyncadd.s32 $0xFFFEC000  }
0x411: {  	[hbm4b:s26+s3] =	stream.linear.scatter [tilespmem:s7], [sflag:$0x2], $0x14000, $0x38;
	[tilespmem:$0x14200] =	vst v63  }
0x412: {  	_ =	swait.ge [sflag:s31], $0x14000  }
0x413: {  	[sflag:s31] =	ssyncset.done $0x0  }
0x414: {  	[sflag:s31] =	ssyncadd.s32 $0xFFFEC000  }
0x415: {  	v3 =	vld [tilespmem:$0x0];
	_ =	sdelay $0x4  }
0x416: {  	v61 =	vshll.u32 v3, $0x4  }
0x417: {  	v3 =	vand.u32 $0x7, v3;
	v4 =	vand.u32 $0xFFFFFF80, v61  }
0x418: {  	v3 =	vor.u32 v3, v4  }
0x419: {  	v4 =	vperm.xlane v3, v0;
	_ =	sdelay $0x1  }
0x41a: {  	v4 =	vadd.s32 v1, v4;
	_ =	sdelay $0x4  }
0x41b: {  	[tilespmem:s7], [sflag:$0x1] =	stream.indirect_vreg.gather [hbm4b:s20+s3], $0x80, v4, vm0, $0xb8;
	[tilespmem:$0x14200] =	vst v63  }
0x41c: {  	s26 =	simm.s32 $0x880  }
0x41d: {  	[tilespmem:s26], [sflag:$0x1] =	stream.indirect_vreg.gather [hbm4b:s14+s3], $0x80, v4, vm0, $0xb8;
	[tilespmem:$0x14200] =	vst v63  }
0x41e: {  	s26 =	simm.s32 $0x1080  }
0x41f: {  	[tilespmem:s26], [sflag:$0x1] =	stream.indirect_vreg.gather [hbm4b:s13+s3], $0x80, v4, vm0, $0xb8;
	[tilespmem:$0x14200] =	vst v63  }
0x420: {  	s26 =	simm.s32 $0x1880  }
0x421: {  	[tilespmem:s26], [sflag:$0x1] =	stream.indirect_vreg.gather [hbm4b:s12+s3], $0x80, v4, vm0, $0xb8;
	[tilespmem:$0x14200] =	vst v63  }
0x422: {  	s26 =	simm.s32 $0x2080  }
0x423: {  	[tilespmem:s26], [sflag:$0x1] =	stream.indirect_vreg.gather [hbm4b:s10+s3], $0x80, v4, vm0, $0xb8;
	[tilespmem:$0x14200] =	vst v63  }
0x424: {  	v3 =	vperm.xlane v3, v2;
	s26 =	simm.s32 $0x2880  }
0x425: {  	[tilespmem:s26], [sflag:$0x1] =	stream.indirect_vreg.gather [hbm4b:s9+s3], $0x80, v4, vm0, $0xb8;
	[tilespmem:$0x14200] =	vst v63  }
0x426: {  	v3 =	vadd.s32 v1, v3;
	s26 =	simm.s32 $0x3080  }
0x427: {  	[tilespmem:s26], [sflag:$0x1] =	stream.indirect_vreg.gather [hbm4b:s22+s3], $0x80, v4, vm0, $0xb8;
	[tilespmem:$0x14200] =	vst v63  }
0x428: {  	s26 =	simm.s32 $0x3880  }
0x429: {  	[tilespmem:s26], [sflag:$0x1] =	stream.indirect_vreg.gather [hbm4b:s23+s3], $0x80, v4, vm0, $0xb8;
	[tilespmem:$0x14200] =	vst v63  }
0x42a: {  	s11 =	simm.s32 $0x4080  }
0x42b: {  	[tilespmem:s11], [sflag:$0x1] =	stream.indirect_vreg.gather [hbm4b:s20+s3], $0x80, v3, vm0, $0xb8;
	[tilespmem:$0x14200] =	vst v63  }
0x42c: {  	s11 =	simm.s32 $0x4880  }
0x42d: {  	[tilespmem:s11], [sflag:$0x1] =	stream.indirect_vreg.gather [hbm4b:s14+s3], $0x80, v3, vm0, $0xb8;
	[tilespmem:$0x14200] =	vst v63  }
0x42e: {  	s26 =	simm.s32 $0x5080  }
0x42f: {  	[tilespmem:s26], [sflag:$0x1] =	stream.indirect_vreg.gather [hbm4b:s13+s3], $0x80, v3, vm0, $0xb8;
	[tilespmem:$0x14200] =	vst v63  }
0x430: {  	s11 =	simm.s32 $0x5880  }
0x431: {  	[tilespmem:s11], [sflag:$0x1] =	stream.indirect_vreg.gather [hbm4b:s12+s3], $0x80, v3, vm0, $0xb8;
	[tilespmem:$0x14200] =	vst v63  }
0x432: {  	s24 =	simm.s32 $0x6080  }
0x433: {  	[tilespmem:s24], [sflag:$0x1] =	stream.indirect_vreg.gather [hbm4b:s10+s3], $0x80, v3, vm0, $0xb8;
	[tilespmem:$0x14200] =	vst v63  }
0x434: {  	s21 =	simm.s32 $0x6880  }
0x435: {  	[tilespmem:s21], [sflag:$0x1] =	stream.indirect_vreg.gather [hbm4b:s9+s3], $0x80, v3, vm0, $0xb8;
	[tilespmem:$0x14200] =	vst v63  }
0x436: {  	s19 =	simm.s32 $0x7080  }
0x437: {  	[tilespmem:s19], [sflag:$0x1] =	stream.indirect_vreg.gather [hbm4b:s22+s3], $0x80, v3, vm0, $0xb8;
	[tilespmem:$0x14200] =	vst v63  }
0x438: {  	s19 =	simm.s32 $0x7880  }
0x439: {  	[tilespmem:s19], [sflag:$0x1] =	stream.indirect_vreg.gather [hbm4b:s23+s3], $0x80, v3, vm0, $0xb8;
	[tilespmem:$0x14200] =	vst v63  }
0x43a: {  	v3 =	vld [tilespmem:$0x10];
	_ =	sdelay $0x4  }
0x43b: {  	v62 =	vshll.u32 v3, $0x4  }
0x43c: {  	v3 =	vand.u32 $0x7, v3;
	v4 =	vand.u32 $0xFFFFFF80, v62  }
0x43d: {  	v3 =	vor.u32 v3, v4  }
0x43e: {  	v4 =	vperm.xlane v3, v0;
	_ =	sdelay $0x1  }
0x43f: {  	v4 =	vadd.s32 v1, v4;
	_ =	sdelay $0x3  }
0x440: {  	s21 =	simm.s32 $0x8080  }
0x441: {  	[tilespmem:s21], [sflag:$0x1] =	stream.indirect_vreg.gather [hbm4b:s20+s3], $0x80, v4, vm0, $0xb8;
	[tilespmem:$0x14200] =	vst v63  }
0x442: {  	s24 =	simm.s32 $0x8880  }
0x443: {  	[tilespmem:s24], [sflag:$0x1] =	stream.indirect_vreg.gather [hbm4b:s14+s3], $0x80, v4, vm0, $0xb8;
	[tilespmem:$0x14200] =	vst v63  }
0x444: {  	s26 =	simm.s32 $0x9080  }
0x445: {  	[tilespmem:s26], [sflag:$0x1] =	stream.indirect_vreg.gather [hbm4b:s13+s3], $0x80, v4, vm0, $0xb8;
	[tilespmem:$0x14200] =	vst v63  }
0x446: {  	s11 =	simm.s32 $0x9880  }
0x447: {  	[tilespmem:s11], [sflag:$0x1] =	stream.indirect_vreg.gather [hbm4b:s12+s3], $0x80, v4, vm0, $0xb8;
	[tilespmem:$0x14200] =	vst v63  }
0x448: {  	s19 =	simm.s32 $0xA080  }
0x449: {  	[tilespmem:s19], [sflag:$0x1] =	stream.indirect_vreg.gather [hbm4b:s10+s3], $0x80, v4, vm0, $0xb8;
	[tilespmem:$0x14200] =	vst v63  }
0x44a: {  	v3 =	vperm.xlane v3, v2;
	s21 =	simm.s32 $0xA880  }
0x44b: {  	[tilespmem:s21], [sflag:$0x1] =	stream.indirect_vreg.gather [hbm4b:s9+s3], $0x80, v4, vm0, $0xb8;
	[tilespmem:$0x14200] =	vst v63  }
0x44c: {  	v3 =	vadd.s32 v1, v3;
	s24 =	simm.s32 $0xB080  }
0x44d: {  	[tilespmem:s24], [sflag:$0x1] =	stream.indirect_vreg.gather [hbm4b:s22+s3], $0x80, v4, vm0, $0xb8;
	[tilespmem:$0x14200] =	vst v63  }
0x44e: {  	s26 =	simm.s32 $0xB880  }
0x44f: {  	[tilespmem:s26], [sflag:$0x1] =	stream.indirect_vreg.gather [hbm4b:s23+s3], $0x80, v4, vm0, $0xb8;
	[tilespmem:$0x14200] =	vst v63  }
0x450: {  	s11 =	simm.s32 $0xC080  }
0x451: {  	[tilespmem:s11], [sflag:$0x1] =	stream.indirect_vreg.gather [hbm4b:s20+s3], $0x80, v3, vm0, $0xb8;
	[tilespmem:$0x14200] =	vst v63  }
0x452: {  	s19 =	simm.s32 $0xC880  }
0x453: {  	[tilespmem:s19], [sflag:$0x1] =	stream.indirect_vreg.gather [hbm4b:s14+s3], $0x80, v3, vm0, $0xb8;
	[tilespmem:$0x14200] =	vst v63  }
0x454: {  	s21 =	simm.s32 $0xD080  }
0x455: {  	[tilespmem:s21], [sflag:$0x1] =	stream.indirect_vreg.gather [hbm4b:s13+s3], $0x80, v3, vm0, $0xb8;
	[tilespmem:$0x14200] =	vst v63  }
0x456: {  	s24 =	simm.s32 $0xD880  }
0x457: {  	[tilespmem:s24], [sflag:$0x1] =	stream.indirect_vreg.gather [hbm4b:s12+s3], $0x80, v3, vm0, $0xb8;
	[tilespmem:$0x14200] =	vst v63  }
0x458: {  	s26 =	simm.s32 $0xE080  }
0x459: {  	[tilespmem:s26], [sflag:$0x1] =	stream.indirect_vreg.gather [hbm4b:s10+s3], $0x80, v3, vm0, $0xb8;
	[tilespmem:$0x14200] =	vst v63  }
0x45a: {  	s11 =	simm.s32 $0xE880  }
0x45b: {  	[tilespmem:s11], [sflag:$0x1] =	stream.indirect_vreg.gather [hbm4b:s9+s3], $0x80, v3, vm0, $0xb8;
	[tilespmem:$0x14200] =	vst v63  }
0x45c: {  	s19 =	simm.s32 $0xF080  }
0x45d: {  	[tilespmem:s19], [sflag:$0x1] =	stream.indirect_vreg.gather [hbm4b:s22+s3], $0x80, v3, vm0, $0xb8;
	[tilespmem:$0x14200] =	vst v63  }
0x45e: {  	s21 =	simm.s32 $0xF880  }
0x45f: {  	[tilespmem:s21], [sflag:$0x1] =	stream.indirect_vreg.gather [hbm4b:s23+s3], $0x80, v3, vm0, $0xb8;
	[tilespmem:$0x14200] =	vst v63  }
0x460: {  	v3 =	vld.msk [tilespmem:$0x20], $0xff;
	_ =	sdelay $0x4  }
0x461: {  	v63 =	vshll.u32 v3, $0x4  }
0x462: {  	v3 =	vand.u32 $0x7, v3;
	v4 =	vand.u32 $0xFFFFFF80, v63  }
0x463: {  	v3 =	vor.u32 v3, v4  }
0x464: {  	v3 =	vperm.xlane v3, v0;
	_ =	sdelay $0x1  }
0x465: {  	v3 =	vadd.s32 v1, v3;
	_ =	sdelay $0x3  }
0x466: {  	s16 =	simm.s32 $0x10080  }
0x467: {  	[tilespmem:s16], [sflag:$0x1] =	stream.indirect_vreg.gather [hbm4b:s20+s3], $0x80, v3, vm0, $0xb8;
	[tilespmem:$0x14200] =	vst v63  }
0x468: {  	_ = 	snop  }
0x469: {  	[tilespmem:s4], [sflag:$0x1] =	stream.indirect_vreg.gather [hbm4b:s14+s3], $0x80, v3, vm0, $0xb8;
	[tilespmem:$0x14200] =	vst v63  }
0x46a: {  	_ = 	snop  }
0x46b: {  	[tilespmem:s1], [sflag:$0x1] =	stream.indirect_vreg.gather [hbm4b:s13+s3], $0x80, v3, vm0, $0xb8;
	[tilespmem:$0x14200] =	vst v63  }
0x46c: {  	_ = 	snop  }
0x46d: {  	[tilespmem:s28], [sflag:$0x1] =	stream.indirect_vreg.gather [hbm4b:s12+s3], $0x80, v3, vm0, $0xb8;
	[tilespmem:$0x14200] =	vst v63  }
0x46e: {  	_ = 	snop  }
0x46f: {  	[tilespmem:s18], [sflag:$0x1] =	stream.indirect_vreg.gather [hbm4b:s10+s3], $0x80, v3, vm0, $0xb8;
	[tilespmem:$0x14200] =	vst v63  }
0x470: {  	_ = 	snop  }
0x471: {  	[tilespmem:s17], [sflag:$0x1] =	stream.indirect_vreg.gather [hbm4b:s9+s3], $0x80, v3, vm0, $0xb8;
	[tilespmem:$0x14200] =	vst v63  }
0x472: {  	_ = 	snop  }
0x473: {  	[tilespmem:s15], [sflag:$0x1] =	stream.indirect_vreg.gather [hbm4b:s22+s3], $0x80, v3, vm0, $0xb8;
	[tilespmem:$0x14200] =	vst v63  }
0x474: {  	s8 =	simm.s32 $0x1  }
0x475: {  	[tilespmem:s30], [sflag:$0x1] =	stream.indirect_vreg.gather [hbm4b:s23+s3], $0x80, v3, vm0, $0xb8;
	[tilespmem:$0x14200] =	vst v63  }
0x476: {  	_ =	swait.ge [sflag:s8], $0x14000  }
0x477: {  	[sflag:s8] =	ssyncset.done $0x0  }
0x478: {  	s24 =	rddreg [dreg:$0x19];
	[sflag:s8] =	ssyncadd.s32 $0xFFFEC000  }
0x479: {  	[hbm4b:s24+s3] =	stream.linear.scatter [tilespmem:s7], [sflag:$0x2], $0x14000, $0x38;
	[tilespmem:$0x14200] =	vst v63  }
0x47a: {  	_ =	swait.ge [sflag:s31], $0x14000  }
0x47b: {  	[sflag:s31] =	ssyncset.done $0x0  }
0x47c: {  	[sflag:s31] =	ssyncadd.s32 $0xFFFEC000  }
0x47d: {  	[bflag:$0x0] =	sbarrier.arrive $0xFFFF  }
0x47e: {  	s30 =	simm.s32 $0x14180;
	s28 =	rddreg [dreg:$0x15]  }
0x47f: {  	[tilespmem:s30], [sflag:$0x2] =	stream.linear.gather [hbm4b:s28+s3], $0x10, $0x38;
	[tilespmem:$0x14200] =	vst v63  }
0x480: {  	_ =	swait.ge [sflag:s31], $0x10  }
0x481: {  	[sflag:s31] =	ssyncset.done $0x0  }
0x482: {  	[sflag:s31] =	ssyncadd.s32 $0xFFFFFFF0  }
0x483: {  	v3 =	vld [tilespmem:$0x14180];
	_ =	sdelay $0x4  }
0x484: {  	(v2sf) =	vpush v3, $0x0;
	_ =	sdelay $0xe  }
0x485: {  	s0 =	spop (v2sf)  }
0x486: {  	p0 =	slt.s32 s0, $0x1  }
.Ltmp2:
0x487: {  	_ = 	snop;
	(pc) =	sbr.rel @p0 .LBB2_3-.Ltmp2, $2  }
0x488: {  	_ =	sdelay $0x2  }
0x489: {  	s26 =	simm.s32 $0x80;
	s23 =	rddreg [dreg:$0x10]  }
.LBB2_2:
0x48a: {  	[smem:$0x7D8] =	sst s0;
	s9 =	smov.u32 s25  }
0x48b: {  	s20 =	rddreg [dreg:$0x5];
	s31 =	smov.u32 s29;
	s29 =	sshrl.u32 s23, $0x3  }
0x48c: {  	s26 =	rddreg [dreg:$0x7];
	s22 =	simm.s32 $0x2;
	s25 =	sadd.s32 s20, s29  }
0x48d: {  	[tilespmem:s26], [sflag:$0x2] =	stream.linear.gather [hbm4b:s25+s3], $0x20, $0x38;
	[tilespmem:$0x14200] =	vst v63  }
0x48e: {  	_ =	swait.ge [sflag:s22], $0x20  }
0x48f: {  	s21 =	rddreg [dreg:$0x6]  }
0x490: {  	s24 =	rddreg [dreg:$0x8]  }
0x491: {  	s0 =	sld [smem:$0x7E4]  }
0x492: {  	s7 =	sld [smem:$0x7DB]  }
0x493: {  	s30 =	sld [smem:$0x7DA]  }
0x494: {  	s10 =	sld [smem:$0x7DC]  }
0x495: {  	s12 =	sld [smem:$0x7DD]  }
0x496: {  	s13 =	sld [smem:$0x7DE]  }
0x497: {  	s14 =	sld [smem:$0x7DF]  }
0x498: {  	s15 =	sld [smem:$0x7E0]  }
0x499: {  	s17 =	sld [smem:$0x7E1]  }
0x49a: {  	s18 =	sld [smem:$0x7E2]  }
0x49b: {  	s19 =	sld [smem:$0x7E3]  }
0x49c: {  	s20 =	sld [smem:$0x7E5]  }
0x49d: {  	s16 =	sld [smem:$0x7E7]  }
0x49e: {  	s28 =	sld [smem:$0x7E9]  }
0x49f: {  	s4 =	sld [smem:$0x7EA]  }
0x4a0: {  	s11 =	sld [smem:$0x7EB]  }
0x4a1: {  	s8 =	smov.u32 s6;
	s6 =	smov.u32 s5;
	s1 =	sld [smem:$0x7EC]  }
0x4a2: {  	s5 =	smov.u32 s2;
	[sflag:s22] =	ssyncset.done $0x0;
	s2 =	sld [smem:$0x7ED]  }
0x4a3: {  	s25 =	sadd.s32 s21, s29;
	[sflag:s22] =	ssyncadd.s32 $0xFFFFFFE0;
	s21 =	sld [smem:$0x7E6]  }
0x4a4: {  	[tilespmem:s24], [sflag:$0x2] =	stream.linear.gather [hbm4b:s25+s3], $0x20, $0x38;
	[tilespmem:$0x14200] =	vst v63  }
0x4a5: {  	s24 =	sld [smem:$0x7E8];
	_ =	swait.ge [sflag:s22], $0x20  }
0x4a6: {  	[sflag:s22] =	ssyncset.done $0x0  }
0x4a7: {  	[sflag:s22] =	ssyncadd.s32 $0xFFFFFFE0  }
0x4a8: {  	v3 =	vld [tilespmem:$0x14080];
	_ =	sdelay $0x4  }
0x4a9: {  	v4 =	vshll.u32 v3, $0x4  }
0x4aa: {  	v3 =	vand.u32 $0x7, v3;
	v4 =	vand.u32 $0xFFFFFF80, v4  }
0x4ab: {  	v3 =	vor.u32 v3, v4  }
0x4ac: {  	v4 =	vperm.xlane v3, v0;
	_ =	sdelay $0x1  }
0x4ad: {  	v4 =	vadd.s32 v1, v4;
	_ =	sdelay $0x3  }
0x4ae: {  	s26 =	simm.s32 $0x80  }
0x4af: {  	[tilespmem:s26], [sflag:$0x1] =	stream.indirect_vreg.gather [hbm4b:s30+s3], $0x80, v4, vm0, $0xb8;
	[tilespmem:$0x14200] =	vst v63  }
0x4b0: {  	s25 =	simm.s32 $0x880  }
0x4b1: {  	[tilespmem:s25], [sflag:$0x1] =	stream.indirect_vreg.gather [hbm4b:s10+s3], $0x80, v4, vm0, $0xb8;
	[tilespmem:$0x14200] =	vst v63  }
0x4b2: {  	s25 =	simm.s32 $0x1080  }
0x4b3: {  	[tilespmem:s25], [sflag:$0x1] =	stream.indirect_vreg.gather [hbm4b:s12+s3], $0x80, v4, vm0, $0xb8;
	[tilespmem:$0x14200] =	vst v63  }
0x4b4: {  	s22 =	simm.s32 $0x1880  }
0x4b5: {  	[tilespmem:s22], [sflag:$0x1] =	stream.indirect_vreg.gather [hbm4b:s13+s3], $0x80, v4, vm0, $0xb8;
	[tilespmem:$0x14200] =	vst v63  }
0x4b6: {  	s22 =	simm.s32 $0x2080  }
0x4b7: {  	[tilespmem:s22], [sflag:$0x1] =	stream.indirect_vreg.gather [hbm4b:s14+s3], $0x80, v4, vm0, $0xb8;
	[tilespmem:$0x14200] =	vst v63  }
0x4b8: {  	v3 =	vperm.xlane v3, v2;
	s22 =	simm.s32 $0x2880  }
0x4b9: {  	[tilespmem:s22], [sflag:$0x1] =	stream.indirect_vreg.gather [hbm4b:s15+s3], $0x80, v4, vm0, $0xb8;
	[tilespmem:$0x14200] =	vst v63  }
0x4ba: {  	v3 =	vadd.s32 v1, v3;
	s22 =	simm.s32 $0x3080  }
0x4bb: {  	[tilespmem:s22], [sflag:$0x1] =	stream.indirect_vreg.gather [hbm4b:s17+s3], $0x80, v4, vm0, $0xb8;
	[tilespmem:$0x14200] =	vst v63  }
0x4bc: {  	s22 =	simm.s32 $0x3880  }
0x4bd: {  	[tilespmem:s22], [sflag:$0x1] =	stream.indirect_vreg.gather [hbm4b:s18+s3], $0x80, v4, vm0, $0xb8;
	[tilespmem:$0x14200] =	vst v63  }
0x4be: {  	s22 =	simm.s32 $0x4080  }
0x4bf: {  	[tilespmem:s22], [sflag:$0x1] =	stream.indirect_vreg.gather [hbm4b:s30+s3], $0x80, v3, vm0, $0xb8;
	[tilespmem:$0x14200] =	vst v63  }
0x4c0: {  	s22 =	simm.s32 $0x4880  }
0x4c1: {  	[tilespmem:s22], [sflag:$0x1] =	stream.indirect_vreg.gather [hbm4b:s10+s3], $0x80, v3, vm0, $0xb8;
	[tilespmem:$0x14200] =	vst v63  }
0x4c2: {  	s22 =	simm.s32 $0x5080  }
0x4c3: {  	[tilespmem:s22], [sflag:$0x1] =	stream.indirect_vreg.gather [hbm4b:s12+s3], $0x80, v3, vm0, $0xb8;
	[tilespmem:$0x14200] =	vst v63  }
0x4c4: {  	s22 =	simm.s32 $0x5880  }
0x4c5: {  	[tilespmem:s22], [sflag:$0x1] =	stream.indirect_vreg.gather [hbm4b:s13+s3], $0x80, v3, vm0, $0xb8;
	[tilespmem:$0x14200] =	vst v63  }
0x4c6: {  	s22 =	simm.s32 $0x6080  }
0x4c7: {  	[tilespmem:s22], [sflag:$0x1] =	stream.indirect_vreg.gather [hbm4b:s14+s3], $0x80, v3, vm0, $0xb8;
	[tilespmem:$0x14200] =	vst v63  }
0x4c8: {  	s22 =	simm.s32 $0x6880  }
0x4c9: {  	[tilespmem:s22], [sflag:$0x1] =	stream.indirect_vreg.gather [hbm4b:s15+s3], $0x80, v3, vm0, $0xb8;
	[tilespmem:$0x14200] =	vst v63  }
0x4ca: {  	s22 =	simm.s32 $0x7080  }
0x4cb: {  	[tilespmem:s22], [sflag:$0x1] =	stream.indirect_vreg.gather [hbm4b:s17+s3], $0x80, v3, vm0, $0xb8;
	[tilespmem:$0x14200] =	vst v63  }
0x4cc: {  	s22 =	simm.s32 $0x7880  }
0x4cd: {  	[tilespmem:s22], [sflag:$0x1] =	stream.indirect_vreg.gather [hbm4b:s18+s3], $0x80, v3, vm0, $0xb8;
	[tilespmem:$0x14200] =	vst v63  }
0x4ce: {  	v3 =	vld [tilespmem:$0x14090];
	_ =	sdelay $0x4  }
0x4cf: {  	v57 =	vshll.u32 v3, $0x4  }
0x4d0: {  	v3 =	vand.u32 $0x7, v3;
	v4 =	vand.u32 $0xFFFFFF80, v57  }
0x4d1: {  	v3 =	vor.u32 v3, v4  }
0x4d2: {  	v4 =	vperm.xlane v3, v0;
	_ =	sdelay $0x1  }
0x4d3: {  	v4 =	vadd.s32 v1, v4;
	_ =	sdelay $0x3  }
0x4d4: {  	s22 =	simm.s32 $0x8080  }
0x4d5: {  	[tilespmem:s22], [sflag:$0x1] =	stream.indirect_vreg.gather [hbm4b:s30+s3], $0x80, v4, vm0, $0xb8;
	[tilespmem:$0x14200] =	vst v63  }
0x4d6: {  	s22 =	simm.s32 $0x8880  }
0x4d7: {  	[tilespmem:s22], [sflag:$0x1] =	stream.indirect_vreg.gather [hbm4b:s10+s3], $0x80, v4, vm0, $0xb8;
	[tilespmem:$0x14200] =	vst v63  }
0x4d8: {  	s22 =	simm.s32 $0x9080  }
0x4d9: {  	[tilespmem:s22], [sflag:$0x1] =	stream.indirect_vreg.gather [hbm4b:s12+s3], $0x80, v4, vm0, $0xb8;
	[tilespmem:$0x14200] =	vst v63  }
0x4da: {  	s22 =	simm.s32 $0x9880  }
0x4db: {  	[tilespmem:s22], [sflag:$0x1] =	stream.indirect_vreg.gather [hbm4b:s13+s3], $0x80, v4, vm0, $0xb8;
	[tilespmem:$0x14200] =	vst v63  }
0x4dc: {  	s22 =	simm.s32 $0xA080  }
0x4dd: {  	[tilespmem:s22], [sflag:$0x1] =	stream.indirect_vreg.gather [hbm4b:s14+s3], $0x80, v4, vm0, $0xb8;
	[tilespmem:$0x14200] =	vst v63  }
0x4de: {  	v3 =	vperm.xlane v3, v2;
	s22 =	simm.s32 $0xA880  }
0x4df: {  	[tilespmem:s22], [sflag:$0x1] =	stream.indirect_vreg.gather [hbm4b:s15+s3], $0x80, v4, vm0, $0xb8;
	[tilespmem:$0x14200] =	vst v63  }
0x4e0: {  	v3 =	vadd.s32 v1, v3;
	s22 =	simm.s32 $0xB080  }
0x4e1: {  	[tilespmem:s22], [sflag:$0x1] =	stream.indirect_vreg.gather [hbm4b:s17+s3], $0x80, v4, vm0, $0xb8;
	[tilespmem:$0x14200] =	vst v63  }
0x4e2: {  	s22 =	simm.s32 $0xB880  }
0x4e3: {  	[tilespmem:s22], [sflag:$0x1] =	stream.indirect_vreg.gather [hbm4b:s18+s3], $0x80, v4, vm0, $0xb8;
	[tilespmem:$0x14200] =	vst v63  }
0x4e4: {  	s22 =	simm.s32 $0xC080  }
0x4e5: {  	[tilespmem:s22], [sflag:$0x1] =	stream.indirect_vreg.gather [hbm4b:s30+s3], $0x80, v3, vm0, $0xb8;
	[tilespmem:$0x14200] =	vst v63  }
0x4e6: {  	s25 =	simm.s32 $0xC880  }
0x4e7: {  	[tilespmem:s25], [sflag:$0x1] =	stream.indirect_vreg.gather [hbm4b:s10+s3], $0x80, v3, vm0, $0xb8;
	[tilespmem:$0x14200] =	vst v63  }
0x4e8: {  	s30 =	simm.s32 $0xD080  }
0x4e9: {  	[tilespmem:s30], [sflag:$0x1] =	stream.indirect_vreg.gather [hbm4b:s12+s3], $0x80, v3, vm0, $0xb8;
	[tilespmem:$0x14200] =	vst v63  }
0x4ea: {  	s22 =	simm.s32 $0xD880  }
0x4eb: {  	[tilespmem:s22], [sflag:$0x1] =	stream.indirect_vreg.gather [hbm4b:s13+s3], $0x80, v3, vm0, $0xb8;
	[tilespmem:$0x14200] =	vst v63  }
0x4ec: {  	s25 =	simm.s32 $0xE080  }
0x4ed: {  	[tilespmem:s25], [sflag:$0x1] =	stream.indirect_vreg.gather [hbm4b:s14+s3], $0x80, v3, vm0, $0xb8;
	[tilespmem:$0x14200] =	vst v63  }
0x4ee: {  	s30 =	simm.s32 $0xE880  }
0x4ef: {  	[tilespmem:s30], [sflag:$0x1] =	stream.indirect_vreg.gather [hbm4b:s15+s3], $0x80, v3, vm0, $0xb8;
	[tilespmem:$0x14200] =	vst v63  }
0x4f0: {  	s12 =	simm.s32 $0xF080  }
0x4f1: {  	[tilespmem:s12], [sflag:$0x1] =	stream.indirect_vreg.gather [hbm4b:s17+s3], $0x80, v3, vm0, $0xb8;
	[tilespmem:$0x14200] =	vst v63  }
0x4f2: {  	s13 =	simm.s32 $0xF880  }
0x4f3: {  	[tilespmem:s13], [sflag:$0x1] =	stream.indirect_vreg.gather [hbm4b:s18+s3], $0x80, v3, vm0, $0xb8;
	[tilespmem:$0x14200] =	vst v63  }
0x4f4: {  	s18 =	simm.s32 $0x1  }
0x4f5: {  	_ =	swait.ge [sflag:s18], $0x10000  }
0x4f6: {  	[sflag:s18] =	ssyncset.done $0x0  }
0x4f7: {  	[sflag:s18] =	ssyncadd.s32 $0xFFFF0000  }
0x4f8: {  	v3 =	vld [tilespmem:$0x14100];
	_ =	sdelay $0x4  }
0x4f9: {  	v58 =	vshll.u32 v3, $0x4  }
0x4fa: {  	v3 =	vand.u32 $0x7, v3;
	v4 =	vand.u32 $0xFFFFFF80, v58  }
0x4fb: {  	v3 =	vor.u32 v3, v4  }
0x4fc: {  	v4 =	vperm.xlane v3, v0;
	_ =	sdelay $0x1  }
0x4fd: {  	v4 =	vadd.s32 v1, v4;
	_ =	sdelay $0x3  }
0x4fe: {  	s26 =	simm.s32 $0x80  }
0x4ff: {  	[hbm4b:s0+s3] =	stream.indirect_vreg.scatter [tilespmem:s26], [sflag:$0x1], $0x80, v4, vm0, $0xb8;
	[tilespmem:$0x14200] =	vst v63  }
0x500: {  	s29 =	simm.s32 $0x880  }
0x501: {  	[hbm4b:s19+s3] =	stream.indirect_vreg.scatter [tilespmem:s29], [sflag:$0x1], $0x80, v4, vm0, $0xb8;
	[tilespmem:$0x14200] =	vst v63  }
0x502: {  	s17 =	simm.s32 $0x1080  }
0x503: {  	[hbm4b:s28+s3] =	stream.indirect_vreg.scatter [tilespmem:s17], [sflag:$0x1], $0x80, v4, vm0, $0xb8;
	[tilespmem:$0x14200] =	vst v63  }
0x504: {  	s15 =	simm.s32 $0x1880  }
0x505: {  	[hbm4b:s20+s3] =	stream.indirect_vreg.scatter [tilespmem:s15], [sflag:$0x1], $0x80, v4, vm0, $0xb8;
	[tilespmem:$0x14200] =	vst v63  }
0x506: {  	s22 =	simm.s32 $0x2080  }
0x507: {  	[hbm4b:s21+s3] =	stream.indirect_vreg.scatter [tilespmem:s22], [sflag:$0x1], $0x80, v4, vm0, $0xb8;
	[tilespmem:$0x14200] =	vst v63  }
0x508: {  	v3 =	vperm.xlane v3, v2;
	s26 =	simm.s32 $0x2880  }
0x509: {  	[hbm4b:s16+s3] =	stream.indirect_vreg.scatter [tilespmem:s26], [sflag:$0x1], $0x80, v4, vm0, $0xb8;
	[tilespmem:$0x14200] =	vst v63  }
0x50a: {  	s14 =	simm.s32 $0x3080;
	v3 =	vadd.s32 v1, v3  }
0x50b: {  	[hbm4b:s24+s3] =	stream.indirect_vreg.scatter [tilespmem:s14], [sflag:$0x1], $0x80, v4, vm0, $0xb8;
	[tilespmem:$0x14200] =	vst v63  }
0x50c: {  	s25 =	simm.s32 $0x3880  }
0x50d: {  	[hbm4b:s4+s3] =	stream.indirect_vreg.scatter [tilespmem:s25], [sflag:$0x1], $0x80, v4, vm0, $0xb8;
	[tilespmem:$0x14200] =	vst v63  }
0x50e: {  	s12 =	simm.s32 $0x4080  }
0x50f: {  	[hbm4b:s0+s3] =	stream.indirect_vreg.scatter [tilespmem:s12], [sflag:$0x1], $0x80, v3, vm0, $0xb8;
	[tilespmem:$0x14200] =	vst v63  }
0x510: {  	s13 =	simm.s32 $0x4880  }
0x511: {  	[hbm4b:s19+s3] =	stream.indirect_vreg.scatter [tilespmem:s13], [sflag:$0x1], $0x80, v3, vm0, $0xb8;
	[tilespmem:$0x14200] =	vst v63  }
0x512: {  	s14 =	simm.s32 $0x5080  }
0x513: {  	[hbm4b:s28+s3] =	stream.indirect_vreg.scatter [tilespmem:s14], [sflag:$0x1], $0x80, v3, vm0, $0xb8;
	[tilespmem:$0x14200] =	vst v63  }
0x514: {  	s25 =	simm.s32 $0x5880  }
0x515: {  	[hbm4b:s20+s3] =	stream.indirect_vreg.scatter [tilespmem:s25], [sflag:$0x1], $0x80, v3, vm0, $0xb8;
	[tilespmem:$0x14200] =	vst v63  }
0x516: {  	s30 =	simm.s32 $0x6080  }
0x517: {  	[hbm4b:s21+s3] =	stream.indirect_vreg.scatter [tilespmem:s30], [sflag:$0x1], $0x80, v3, vm0, $0xb8;
	[tilespmem:$0x14200] =	vst v63  }
0x518: {  	s10 =	simm.s32 $0x6880  }
0x519: {  	[hbm4b:s16+s3] =	stream.indirect_vreg.scatter [tilespmem:s10], [sflag:$0x1], $0x80, v3, vm0, $0xb8;
	[tilespmem:$0x14200] =	vst v63  }
0x51a: {  	s10 =	simm.s32 $0x7080  }
0x51b: {  	[hbm4b:s24+s3] =	stream.indirect_vreg.scatter [tilespmem:s10], [sflag:$0x1], $0x80, v3, vm0, $0xb8;
	[tilespmem:$0x14200] =	vst v63  }
0x51c: {  	s10 =	simm.s32 $0x7880  }
0x51d: {  	[hbm4b:s4+s3] =	stream.indirect_vreg.scatter [tilespmem:s10], [sflag:$0x1], $0x80, v3, vm0, $0xb8;
	[tilespmem:$0x14200] =	vst v63  }
0x51e: {  	v3 =	vld [tilespmem:$0x14110];
	_ =	sdelay $0x4  }
0x51f: {  	v59 =	vshll.u32 v3, $0x4  }
0x520: {  	v3 =	vand.u32 $0x7, v3;
	v4 =	vand.u32 $0xFFFFFF80, v59  }
0x521: {  	v3 =	vor.u32 v3, v4  }
0x522: {  	v4 =	vperm.xlane v3, v0;
	_ =	sdelay $0x1  }
0x523: {  	v4 =	vadd.s32 v1, v4;
	_ =	sdelay $0x3  }
0x524: {  	s10 =	simm.s32 $0x8080  }
0x525: {  	[hbm4b:s0+s3] =	stream.indirect_vreg.scatter [tilespmem:s10], [sflag:$0x1], $0x80, v4, vm0, $0xb8;
	[tilespmem:$0x14200] =	vst v63  }
0x526: {  	s10 =	simm.s32 $0x8880  }
0x527: {  	[hbm4b:s19+s3] =	stream.indirect_vreg.scatter [tilespmem:s10], [sflag:$0x1], $0x80, v4, vm0, $0xb8;
	[tilespmem:$0x14200] =	vst v63  }
0x528: {  	s10 =	simm.s32 $0x9080  }
0x529: {  	[hbm4b:s28+s3] =	stream.indirect_vreg.scatter [tilespmem:s10], [sflag:$0x1], $0x80, v4, vm0, $0xb8;
	[tilespmem:$0x14200] =	vst v63  }
0x52a: {  	s10 =	simm.s32 $0x9880  }
0x52b: {  	[hbm4b:s20+s3] =	stream.indirect_vreg.scatter [tilespmem:s10], [sflag:$0x1], $0x80, v4, vm0, $0xb8;
	[tilespmem:$0x14200] =	vst v63  }
0x52c: {  	s10 =	simm.s32 $0xA080  }
0x52d: {  	[hbm4b:s21+s3] =	stream.indirect_vreg.scatter [tilespmem:s10], [sflag:$0x1], $0x80, v4, vm0, $0xb8;
	[tilespmem:$0x14200] =	vst v63  }
0x52e: {  	v3 =	vperm.xlane v3, v2;
	s10 =	simm.s32 $0xA880  }
0x52f: {  	[hbm4b:s16+s3] =	stream.indirect_vreg.scatter [tilespmem:s10], [sflag:$0x1], $0x80, v4, vm0, $0xb8;
	[tilespmem:$0x14200] =	vst v63  }
0x530: {  	v3 =	vadd.s32 v1, v3;
	s10 =	simm.s32 $0xB080  }
0x531: {  	[hbm4b:s24+s3] =	stream.indirect_vreg.scatter [tilespmem:s10], [sflag:$0x1], $0x80, v4, vm0, $0xb8;
	[tilespmem:$0x14200] =	vst v63  }
0x532: {  	s10 =	simm.s32 $0xB880  }
0x533: {  	[hbm4b:s4+s3] =	stream.indirect_vreg.scatter [tilespmem:s10], [sflag:$0x1], $0x80, v4, vm0, $0xb8;
	[tilespmem:$0x14200] =	vst v63  }
0x534: {  	s10 =	simm.s32 $0xC080  }
0x535: {  	[hbm4b:s0+s3] =	stream.indirect_vreg.scatter [tilespmem:s10], [sflag:$0x1], $0x80, v3, vm0, $0xb8;
	[tilespmem:$0x14200] =	vst v63  }
0x536: {  	s10 =	simm.s32 $0xC880  }
0x537: {  	[hbm4b:s19+s3] =	stream.indirect_vreg.scatter [tilespmem:s10], [sflag:$0x1], $0x80, v3, vm0, $0xb8;
	[tilespmem:$0x14200] =	vst v63  }
0x538: {  	s10 =	simm.s32 $0xD080  }
0x539: {  	[hbm4b:s28+s3] =	stream.indirect_vreg.scatter [tilespmem:s10], [sflag:$0x1], $0x80, v3, vm0, $0xb8;
	[tilespmem:$0x14200] =	vst v63  }
0x53a: {  	s28 =	simm.s32 $0xD880  }
0x53b: {  	[hbm4b:s20+s3] =	stream.indirect_vreg.scatter [tilespmem:s28], [sflag:$0x1], $0x80, v3, vm0, $0xb8;
	[tilespmem:$0x14200] =	vst v63  }
0x53c: {  	s20 =	simm.s32 $0xE080  }
0x53d: {  	[hbm4b:s21+s3] =	stream.indirect_vreg.scatter [tilespmem:s20], [sflag:$0x1], $0x80, v3, vm0, $0xb8;
	[tilespmem:$0x14200] =	vst v63  }
0x53e: {  	s19 =	simm.s32 $0xE880  }
0x53f: {  	[hbm4b:s16+s3] =	stream.indirect_vreg.scatter [tilespmem:s19], [sflag:$0x1], $0x80, v3, vm0, $0xb8;
	[tilespmem:$0x14200] =	vst v63  }
0x540: {  	s21 =	simm.s32 $0xF080  }
0x541: {  	[hbm4b:s24+s3] =	stream.indirect_vreg.scatter [tilespmem:s21], [sflag:$0x1], $0x80, v3, vm0, $0xb8;
	[tilespmem:$0x14200] =	vst v63  }
0x542: {  	s24 =	simm.s32 $0xF880  }
0x543: {  	[hbm4b:s4+s3] =	stream.indirect_vreg.scatter [tilespmem:s24], [sflag:$0x1], $0x80, v3, vm0, $0xb8;
	[tilespmem:$0x14200] =	vst v63  }
0x544: {  	s0 =	sld [smem:$0x7D8];
	_ =	swait.ge [sflag:s18], $0x10000  }
0x545: {  	[sflag:s18] =	ssyncset.done $0x0  }
0x546: {  	[sflag:s18] =	ssyncadd.s32 $0xFFFF0000  }
0x547: {  	v3 =	vld [tilespmem:$0x14080];
	_ =	sdelay $0x4  }
0x548: {  	v60 =	vshll.u32 v3, $0x4  }
0x549: {  	v3 =	vand.u32 $0x7, v3;
	v4 =	vand.u32 $0xFFFFFF80, v60  }
0x54a: {  	v3 =	vor.u32 v3, v4  }
0x54b: {  	v4 =	vperm.xlane v3, v0;
	_ =	sdelay $0x1  }
0x54c: {  	v4 =	vadd.s32 v1, v4;
	_ =	sdelay $0x3  }
0x54d: {  	s16 =	simm.s32 $0x80  }
0x54e: {  	[tilespmem:s16], [sflag:$0x1] =	stream.indirect_vreg.gather [hbm4b:s7+s3], $0x80, v4, vm0, $0xb8;
	[tilespmem:$0x14200] =	vst v63  }
0x54f: {  	_ = 	snop  }
0x550: {  	[tilespmem:s29], [sflag:$0x1] =	stream.indirect_vreg.gather [hbm4b:s11+s3], $0x80, v4, vm0, $0xb8;
	[tilespmem:$0x14200] =	vst v63  }
0x551: {  	_ = 	snop  }
0x552: {  	[tilespmem:s17], [sflag:$0x1] =	stream.indirect_vreg.gather [hbm4b:s1+s3], $0x80, v4, vm0, $0xb8;
	[tilespmem:$0x14200] =	vst v63  }
0x553: {  	_ = 	snop  }
0x554: {  	[tilespmem:s15], [sflag:$0x1] =	stream.indirect_vreg.gather [hbm4b:s2+s3], $0x80, v4, vm0, $0xb8;
	[tilespmem:$0x14200] =	vst v63  }
0x555: {  	s28 =	rddreg [dreg:$0x1b]  }
0x556: {  	[tilespmem:s22], [sflag:$0x1] =	stream.indirect_vreg.gather [hbm4b:s28+s3], $0x80, v4, vm0, $0xb8;
	[tilespmem:$0x14200] =	vst v63  }
0x557: {  	v3 =	vperm.xlane v3, v2  }
0x558: {  	[tilespmem:s26], [sflag:$0x1] =	stream.indirect_vreg.gather [hbm4b:s5+s3], $0x80, v4, vm0, $0xb8;
	[tilespmem:$0x14200] =	vst v63  }
0x559: {  	v3 =	vadd.s32 v1, v3;
	s29 =	rddreg [dreg:$0x1e];
	s22 =	simm.s32 $0x3080  }
0x55a: {  	[tilespmem:s22], [sflag:$0x1] =	stream.indirect_vreg.gather [hbm4b:s29+s3], $0x80, v4, vm0, $0xb8;
	[tilespmem:$0x14200] =	vst v63  }
0x55b: {  	s26 =	simm.s32 $0x3880  }
0x55c: {  	[tilespmem:s26], [sflag:$0x1] =	stream.indirect_vreg.gather [hbm4b:s6+s3], $0x80, v4, vm0, $0xb8;
	[tilespmem:$0x14200] =	vst v63  }
0x55d: {  	_ = 	snop  }
0x55e: {  	[tilespmem:s12], [sflag:$0x1] =	stream.indirect_vreg.gather [hbm4b:s7+s3], $0x80, v3, vm0, $0xb8;
	[tilespmem:$0x14200] =	vst v63  }
0x55f: {  	_ = 	snop  }
0x560: {  	[tilespmem:s13], [sflag:$0x1] =	stream.indirect_vreg.gather [hbm4b:s11+s3], $0x80, v3, vm0, $0xb8;
	[tilespmem:$0x14200] =	vst v63  }
0x561: {  	_ = 	snop  }
0x562: {  	[tilespmem:s14], [sflag:$0x1] =	stream.indirect_vreg.gather [hbm4b:s1+s3], $0x80, v3, vm0, $0xb8;
	[tilespmem:$0x14200] =	vst v63  }
0x563: {  	_ = 	snop  }
0x564: {  	[tilespmem:s25], [sflag:$0x1] =	stream.indirect_vreg.gather [hbm4b:s2+s3], $0x80, v3, vm0, $0xb8;
	[tilespmem:$0x14200] =	vst v63  }
0x565: {  	_ = 	snop  }
0x566: {  	[tilespmem:s30], [sflag:$0x1] =	stream.indirect_vreg.gather [hbm4b:s28+s3], $0x80, v3, vm0, $0xb8;
	[tilespmem:$0x14200] =	vst v63  }
0x567: {  	s14 =	simm.s32 $0x6880  }
0x568: {  	[tilespmem:s14], [sflag:$0x1] =	stream.indirect_vreg.gather [hbm4b:s5+s3], $0x80, v3, vm0, $0xb8;
	[tilespmem:$0x14200] =	vst v63  }
0x569: {  	s15 =	simm.s32 $0x7080  }
0x56a: {  	[tilespmem:s15], [sflag:$0x1] =	stream.indirect_vreg.gather [hbm4b:s29+s3], $0x80, v3, vm0, $0xb8;
	[tilespmem:$0x14200] =	vst v63  }
0x56b: {  	s16 =	simm.s32 $0x7880  }
0x56c: {  	[tilespmem:s16], [sflag:$0x1] =	stream.indirect_vreg.gather [hbm4b:s6+s3], $0x80, v3, vm0, $0xb8;
	[tilespmem:$0x14200] =	vst v63  }
0x56d: {  	v3 =	vld [tilespmem:$0x14090];
	_ =	sdelay $0x4  }
0x56e: {  	v61 =	vshll.u32 v3, $0x4  }
0x56f: {  	v3 =	vand.u32 $0x7, v3;
	v4 =	vand.u32 $0xFFFFFF80, v61  }
0x570: {  	v3 =	vor.u32 v3, v4  }
0x571: {  	v4 =	vperm.xlane v3, v0;
	_ =	sdelay $0x1  }
0x572: {  	v4 =	vadd.s32 v1, v4;
	_ =	sdelay $0x3  }
0x573: {  	s22 =	simm.s32 $0x8080  }
0x574: {  	[tilespmem:s22], [sflag:$0x1] =	stream.indirect_vreg.gather [hbm4b:s7+s3], $0x80, v4, vm0, $0xb8;
	[tilespmem:$0x14200] =	vst v63  }
0x575: {  	s25 =	simm.s32 $0x8880  }
0x576: {  	[tilespmem:s25], [sflag:$0x1] =	stream.indirect_vreg.gather [hbm4b:s11+s3], $0x80, v4, vm0, $0xb8;
	[tilespmem:$0x14200] =	vst v63  }
0x577: {  	s26 =	simm.s32 $0x9080  }
0x578: {  	[tilespmem:s26], [sflag:$0x1] =	stream.indirect_vreg.gather [hbm4b:s1+s3], $0x80, v4, vm0, $0xb8;
	[tilespmem:$0x14200] =	vst v63  }
0x579: {  	s30 =	simm.s32 $0x9880  }
0x57a: {  	[tilespmem:s30], [sflag:$0x1] =	stream.indirect_vreg.gather [hbm4b:s2+s3], $0x80, v4, vm0, $0xb8;
	[tilespmem:$0x14200] =	vst v63  }
0x57b: {  	s4 =	simm.s32 $0xA080  }
0x57c: {  	[tilespmem:s4], [sflag:$0x1] =	stream.indirect_vreg.gather [hbm4b:s28+s3], $0x80, v4, vm0, $0xb8;
	[tilespmem:$0x14200] =	vst v63  }
0x57d: {  	v3 =	vperm.xlane v3, v2;
	s4 =	simm.s32 $0xA880  }
0x57e: {  	[tilespmem:s4], [sflag:$0x1] =	stream.indirect_vreg.gather [hbm4b:s5+s3], $0x80, v4, vm0, $0xb8;
	[tilespmem:$0x14200] =	vst v63  }
0x57f: {  	s16 =	simm.s32 $0xB080;
	v3 =	vadd.s32 v1, v3  }
0x580: {  	[tilespmem:s16], [sflag:$0x1] =	stream.indirect_vreg.gather [hbm4b:s29+s3], $0x80, v4, vm0, $0xb8;
	[tilespmem:$0x14200] =	vst v63  }
0x581: {  	s22 =	simm.s32 $0xB880  }
0x582: {  	[tilespmem:s22], [sflag:$0x1] =	stream.indirect_vreg.gather [hbm4b:s6+s3], $0x80, v4, vm0, $0xb8;
	[tilespmem:$0x14200] =	vst v63  }
0x583: {  	s26 =	simm.s32 $0xC080  }
0x584: {  	[tilespmem:s26], [sflag:$0x1] =	stream.indirect_vreg.gather [hbm4b:s7+s3], $0x80, v3, vm0, $0xb8;
	[tilespmem:$0x14200] =	vst v63  }
0x585: {  	s16 =	simm.s32 $0xC880  }
0x586: {  	[tilespmem:s16], [sflag:$0x1] =	stream.indirect_vreg.gather [hbm4b:s11+s3], $0x80, v3, vm0, $0xb8;
	[tilespmem:$0x14200] =	vst v63  }
0x587: {  	_ = 	snop  }
0x588: {  	[tilespmem:s10], [sflag:$0x1] =	stream.indirect_vreg.gather [hbm4b:s1+s3], $0x80, v3, vm0, $0xb8;
	[tilespmem:$0x14200] =	vst v63  }
0x589: {  	s15 =	simm.s32 $0xD880  }
0x58a: {  	[tilespmem:s15], [sflag:$0x1] =	stream.indirect_vreg.gather [hbm4b:s2+s3], $0x80, v3, vm0, $0xb8;
	[tilespmem:$0x14200] =	vst v63  }
0x58b: {  	_ = 	snop  }
0x58c: {  	[tilespmem:s20], [sflag:$0x1] =	stream.indirect_vreg.gather [hbm4b:s28+s3], $0x80, v3, vm0, $0xb8;
	[tilespmem:$0x14200] =	vst v63  }
0x58d: {  	_ = 	snop  }
0x58e: {  	[tilespmem:s19], [sflag:$0x1] =	stream.indirect_vreg.gather [hbm4b:s5+s3], $0x80, v3, vm0, $0xb8;
	[tilespmem:$0x14200] =	vst v63  }
0x58f: {  	_ = 	snop  }
0x590: {  	[tilespmem:s21], [sflag:$0x1] =	stream.indirect_vreg.gather [hbm4b:s29+s3], $0x80, v3, vm0, $0xb8;
	[tilespmem:$0x14200] =	vst v63  }
0x591: {  	_ = 	snop  }
0x592: {  	[tilespmem:s24], [sflag:$0x1] =	stream.indirect_vreg.gather [hbm4b:s6+s3], $0x80, v3, vm0, $0xb8;
	[tilespmem:$0x14200] =	vst v63  }
0x593: {  	_ =	swait.ge [sflag:s18], $0x10000  }
0x594: {  	[sflag:s18] =	ssyncset.done $0x0  }
0x595: {  	[sflag:s18] =	ssyncadd.s32 $0xFFFF0000  }
0x596: {  	v3 =	vld [tilespmem:$0x14100];
	_ =	sdelay $0x4  }
0x597: {  	v62 =	vshll.u32 v3, $0x4  }
0x598: {  	v3 =	vand.u32 $0x7, v3;
	v4 =	vand.u32 $0xFFFFFF80, v62  }
0x599: {  	v3 =	vor.u32 v3, v4  }
0x59a: {  	v4 =	vperm.xlane v3, v0;
	_ =	sdelay $0x1  }
0x59b: {  	v4 =	vadd.s32 v1, v4;
	_ =	sdelay $0x3  }
0x59c: {  	s20 =	simm.s32 $0x80  }
0x59d: {  	[hbm4b:s9+s3] =	stream.indirect_vreg.scatter [tilespmem:s20], [sflag:$0x1], $0x80, v4, vm0, $0xb8;
	[tilespmem:$0x14200] =	vst v63  }
0x59e: {  	s17 =	simm.s32 $0x1080;
	s22 =	simm.s32 $0x880  }
0x59f: {  	[hbm4b:s31+s3] =	stream.indirect_vreg.scatter [tilespmem:s22], [sflag:$0x1], $0x80, v4, vm0, $0xb8;
	[tilespmem:$0x14200] =	vst v63  }
0x5a0: {  	s2 =	smov.u32 s5;
	s5 =	smov.u32 s6;
	s6 =	rddreg [dreg:$0x1a]  }
0x5a1: {  	[hbm4b:s6+s3] =	stream.indirect_vreg.scatter [tilespmem:s17], [sflag:$0x1], $0x80, v4, vm0, $0xb8;
	[tilespmem:$0x14200] =	vst v63  }
0x5a2: {  	s24 =	simm.s32 $0x1880;
	s7 =	rddreg [dreg:$0x1c]  }
0x5a3: {  	[hbm4b:s7+s3] =	stream.indirect_vreg.scatter [tilespmem:s24], [sflag:$0x1], $0x80, v4, vm0, $0xb8;
	[tilespmem:$0x14200] =	vst v63  }
0x5a4: {  	s28 =	simm.s32 $0x2080;
	s22 =	rddreg [dreg:$0x1d]  }
0x5a5: {  	[hbm4b:s22+s3] =	stream.indirect_vreg.scatter [tilespmem:s28], [sflag:$0x1], $0x80, v4, vm0, $0xb8;
	[tilespmem:$0x14200] =	vst v63  }
0x5a6: {  	s20 =	simm.s32 $0x2880;
	s28 =	rddreg [dreg:$0x1f]  }
0x5a7: {  	[hbm4b:s28+s3] =	stream.indirect_vreg.scatter [tilespmem:s20], [sflag:$0x1], $0x80, v4, vm0, $0xb8;
	[tilespmem:$0x14200] =	vst v63  }
0x5a8: {  	v3 =	vperm.xlane v3, v2;
	s20 =	sld [smem:$0x7EE];
	_ =	sdelay $0x1  }
0x5a9: {  	v3 =	vadd.s32 v1, v3;
	s24 =	simm.s32 $0x3080  }
0x5aa: {  	[hbm4b:s20+s3] =	stream.indirect_vreg.scatter [tilespmem:s24], [sflag:$0x1], $0x80, v4, vm0, $0xb8;
	[tilespmem:$0x14200] =	vst v63  }
0x5ab: {  	s24 =	simm.s32 $0x3880  }
0x5ac: {  	[hbm4b:s8+s3] =	stream.indirect_vreg.scatter [tilespmem:s24], [sflag:$0x1], $0x80, v4, vm0, $0xb8;
	[tilespmem:$0x14200] =	vst v63  }
0x5ad: {  	s24 =	simm.s32 $0x4080  }
0x5ae: {  	[hbm4b:s9+s3] =	stream.indirect_vreg.scatter [tilespmem:s24], [sflag:$0x1], $0x80, v3, vm0, $0xb8;
	[tilespmem:$0x14200] =	vst v63  }
0x5af: {  	s24 =	simm.s32 $0x4880  }
0x5b0: {  	[hbm4b:s31+s3] =	stream.indirect_vreg.scatter [tilespmem:s24], [sflag:$0x1], $0x80, v3, vm0, $0xb8;
	[tilespmem:$0x14200] =	vst v63  }
0x5b1: {  	s24 =	simm.s32 $0x5080  }
0x5b2: {  	[hbm4b:s6+s3] =	stream.indirect_vreg.scatter [tilespmem:s24], [sflag:$0x1], $0x80, v3, vm0, $0xb8;
	[tilespmem:$0x14200] =	vst v63  }
0x5b3: {  	s24 =	simm.s32 $0x5880  }
0x5b4: {  	[hbm4b:s7+s3] =	stream.indirect_vreg.scatter [tilespmem:s24], [sflag:$0x1], $0x80, v3, vm0, $0xb8;
	[tilespmem:$0x14200] =	vst v63  }
0x5b5: {  	s24 =	simm.s32 $0x6080  }
0x5b6: {  	[hbm4b:s22+s3] =	stream.indirect_vreg.scatter [tilespmem:s24], [sflag:$0x1], $0x80, v3, vm0, $0xb8;
	[tilespmem:$0x14200] =	vst v63  }
0x5b7: {  	s24 =	simm.s32 $0x6880  }
0x5b8: {  	[hbm4b:s28+s3] =	stream.indirect_vreg.scatter [tilespmem:s24], [sflag:$0x1], $0x80, v3, vm0, $0xb8;
	[tilespmem:$0x14200] =	vst v63  }
0x5b9: {  	s24 =	simm.s32 $0x7080  }
0x5ba: {  	[hbm4b:s20+s3] =	stream.indirect_vreg.scatter [tilespmem:s24], [sflag:$0x1], $0x80, v3, vm0, $0xb8;
	[tilespmem:$0x14200] =	vst v63  }
0x5bb: {  	s12 =	simm.s32 $0x7880  }
0x5bc: {  	[hbm4b:s8+s3] =	stream.indirect_vreg.scatter [tilespmem:s12], [sflag:$0x1], $0x80, v3, vm0, $0xb8;
	[tilespmem:$0x14200] =	vst v63  }
0x5bd: {  	v3 =	vld [tilespmem:$0x14110];
	_ =	sdelay $0x4  }
0x5be: {  	v63 =	vshll.u32 v3, $0x4  }
0x5bf: {  	v3 =	vand.u32 $0x7, v3;
	v4 =	vand.u32 $0xFFFFFF80, v63  }
0x5c0: {  	v3 =	vor.u32 v3, v4  }
0x5c1: {  	v4 =	vperm.xlane v3, v0;
	_ =	sdelay $0x1  }
0x5c2: {  	v4 =	vadd.s32 v1, v4;
	_ =	sdelay $0x3  }
0x5c3: {  	s17 =	simm.s32 $0x8080  }
0x5c4: {  	[hbm4b:s9+s3] =	stream.indirect_vreg.scatter [tilespmem:s17], [sflag:$0x1], $0x80, v4, vm0, $0xb8;
	[tilespmem:$0x14200] =	vst v63  }
0x5c5: {  	s14 =	simm.s32 $0x8880  }
0x5c6: {  	[hbm4b:s31+s3] =	stream.indirect_vreg.scatter [tilespmem:s14], [sflag:$0x1], $0x80, v4, vm0, $0xb8;
	[tilespmem:$0x14200] =	vst v63  }
0x5c7: {  	s13 =	simm.s32 $0x9080  }
0x5c8: {  	[hbm4b:s6+s3] =	stream.indirect_vreg.scatter [tilespmem:s13], [sflag:$0x1], $0x80, v4, vm0, $0xb8;
	[tilespmem:$0x14200] =	vst v63  }
0x5c9: {  	s24 =	simm.s32 $0x9880  }
0x5ca: {  	[hbm4b:s7+s3] =	stream.indirect_vreg.scatter [tilespmem:s24], [sflag:$0x1], $0x80, v4, vm0, $0xb8;
	[tilespmem:$0x14200] =	vst v63  }
0x5cb: {  	s25 =	simm.s32 $0xA080  }
0x5cc: {  	[hbm4b:s22+s3] =	stream.indirect_vreg.scatter [tilespmem:s25], [sflag:$0x1], $0x80, v4, vm0, $0xb8;
	[tilespmem:$0x14200] =	vst v63  }
0x5cd: {  	v3 =	vperm.xlane v3, v2  }
0x5ce: {  	[hbm4b:s28+s3] =	stream.indirect_vreg.scatter [tilespmem:s4], [sflag:$0x1], $0x80, v4, vm0, $0xb8;
	[tilespmem:$0x14200] =	vst v63  }
0x5cf: {  	s30 =	simm.s32 $0xB080;
	v3 =	vadd.s32 v1, v3  }
0x5d0: {  	[hbm4b:s20+s3] =	stream.indirect_vreg.scatter [tilespmem:s30], [sflag:$0x1], $0x80, v4, vm0, $0xb8;
	[tilespmem:$0x14200] =	vst v63  }
0x5d1: {  	s25 =	simm.s32 $0xB880  }
0x5d2: {  	[hbm4b:s8+s3] =	stream.indirect_vreg.scatter [tilespmem:s25], [sflag:$0x1], $0x80, v4, vm0, $0xb8;
	[tilespmem:$0x14200] =	vst v63  }
0x5d3: {  	s30 =	simm.s32 $0xC080  }
0x5d4: {  	[hbm4b:s9+s3] =	stream.indirect_vreg.scatter [tilespmem:s30], [sflag:$0x1], $0x80, v3, vm0, $0xb8;
	[tilespmem:$0x14200] =	vst v63  }
0x5d5: {  	_ = 	snop  }
0x5d6: {  	[hbm4b:s31+s3] =	stream.indirect_vreg.scatter [tilespmem:s16], [sflag:$0x1], $0x80, v3, vm0, $0xb8;
	[tilespmem:$0x14200] =	vst v63  }
0x5d7: {  	s10 =	simm.s32 $0xD080  }
0x5d8: {  	[hbm4b:s6+s3] =	stream.indirect_vreg.scatter [tilespmem:s10], [sflag:$0x1], $0x80, v3, vm0, $0xb8;
	[tilespmem:$0x14200] =	vst v63  }
0x5d9: {  	s1 =	simm.s32 $0xD880  }
0x5da: {  	[hbm4b:s7+s3] =	stream.indirect_vreg.scatter [tilespmem:s1], [sflag:$0x1], $0x80, v3, vm0, $0xb8;
	[tilespmem:$0x14200] =	vst v63  }
0x5db: {  	s11 =	simm.s32 $0xE080  }
0x5dc: {  	[hbm4b:s22+s3] =	stream.indirect_vreg.scatter [tilespmem:s11], [sflag:$0x1], $0x80, v3, vm0, $0xb8;
	[tilespmem:$0x14200] =	vst v63  }
0x5dd: {  	s19 =	simm.s32 $0xE880  }
0x5de: {  	[hbm4b:s28+s3] =	stream.indirect_vreg.scatter [tilespmem:s19], [sflag:$0x1], $0x80, v3, vm0, $0xb8;
	[tilespmem:$0x14200] =	vst v63  }
0x5df: {  	p0 =	sne.s32 s0, $0x1;
	s21 =	simm.s32 $0xF080  }
0x5e0: {  	[hbm4b:s20+s3] =	stream.indirect_vreg.scatter [tilespmem:s21], [sflag:$0x1], $0x80, v3, vm0, $0xb8;
	[tilespmem:$0x14200] =	vst v63  }
.Ltmp3:
0x5e1: {  	s15 =	simm.s32 $0xF880;
	(pc) =	sbr.rel @p0 .LBB2_2-.Ltmp3, $4  }
0x5e2: {  	[hbm4b:s8+s3] =	stream.indirect_vreg.scatter [tilespmem:s15], [sflag:$0x1], $0x80, v3, vm0, $0xb8;
	[tilespmem:$0x14200] =	vst v63  }
0x5e3: {  	s23 =	sadd.s32 $0x20, s23;
	s0 =	sadd.s32 $0xFFFFFFFF, s0;
	_ =	swait.ge [sflag:s18], $0x10000  }
0x5e4: {  	s26 =	simm.s32 $0x80;
	s29 =	smov.u32 s31;
	[sflag:s18] =	ssyncset.done $0x0  }
0x5e5: {  	s25 =	smov.u32 s9;
	s6 =	smov.u32 s8;
	[sflag:s18] =	ssyncadd.s32 $0xFFFF0000  }
.Ltmp4:
0x5e6: {  	_ = 	snop;
	(pc) =	sbr.rel .LBB2_3-.Ltmp4, $1  }
0x5e7: {  	_ =	sdelay $0x3  }
.LBB2_4:
0x5e8: {  	_ =	sfence.sel $0x180000  }
0x5e9: {  	[bflag:$0x0] =	sbarrier.arrive $0xFFFF  }
0x5ea: {  	_ =	strace $0x90000053  }
0x5eb: {  	s0 =	stileid.u32;
	[bflag:$0x2] =	sbarrier.arrive $0xFFFF  }
0x5ec: {  	p0 =	sne.s32 s0, $0x0;
	s0 =	rddreg [dreg:$0x4]  }
0x5ed: {  	s0 =	sadd.s32 @!p0 $0x100000, s0  }
0x5ee: {  	[sflag:s0] =	ssyncadd.tile.s32 @!p0 $0x1;
	_ =	shalt  }
.Lfunc_end2:
_tile_overlayer_lowered:
.L_overlay_start_2:
0x5ef: {  	(tag) =	ssettag $0x2  }
0x5f0: {  	s0 =	rddreg [dreg:$0x0];
	s2 =	stileid.u32  }
0x5f1: {  	s1 =	rddreg [dreg:$0x1];
	p0 =	sne.s32 s2, $0x0  }
0x5f2: {  	s3 =	rddreg [dreg:$0x2];
	[bflag:$0x3] =	sbarrier.arrive $0xFFFF;
	s2 =	simm.s32 @!p0 $0x1C02  }
0x5f3: {  	[timem:s3], [sflag:s2] =	dma.local @!p0 [hbm:s0], s1  }
0x5f4: {  	s0 =	simm.s32 @!p0 $0x2  }
0x5f5: {  	_ =	swait.ge @!p0 [sflag:s0], s1  }
0x5f6: {  	s1 =	ssub.s32 @!p0 $0x0, s1;
	[sflag:s0] =	ssyncset.done @!p0 $0x0  }
0x5f7: {  	[sflag:s0] =	ssyncadd.s32 @!p0 s1  }
0x5f8: {  	[bflag:$0x3] =	sbarrier.arrive $0xFFFF  }
0x5f9: {  	_ =	shalt  }

// kernel: sparse-core-data-format-call.1.cloned.1.call-start
scs
called_computation.1_lowered:
.L_overlay_start_0:
0x0: {  	s2 =	sld [smem:$0x3FD9]  }
0x1: {  	s3 =	sld [smem:$0x3FFE];
	_ =	sdelay $0x1  }
0x2: {  	s1 =	srdreg.scid  }
0x3: {  	s0 =	sand.u32 $0x1, s1  }
0x4: {  	s15 =	sshll.u32 s0, $0xA;
	s2 =	sadd.s32 s3, s2  }
0x5: {  	s2 =	sadd.s32 s2, s15  }
0x6: {  	[smem:$0x3FC2] =	sst s2  }
0x7: {  	_ = 	snop  }
0x8: {  	s2 =	sld [smem:$0x3FD0];
	_ =	sdelay $0x2  }
0x9: {  	s16 =	simm.s32 $0xB;
	s4 =	simm.s32 $0x10  }
0xa: {  	[smem:s4], [sflag:s16] =	dma.local [hbm:s2], $0x1  }
0xb: {  	_ =	swait.eq [sflag:s16], $0x1  }
0xc: {  	[sflag:s16] =	ssyncset.done $0x0  }
0xd: {  	[sflag:s16] =	ssyncadd.s32 $0xFFFFFFFF  }
0xe: {  	s17 =	sld [smem:$0x10];
	(tm) =	ssettm $0x1  }
0xf: {  	s18 =	sld [smem:$0x3FFB];
	_ =	sdelay $0x3  }
0x10: {  	_ =	strace s18  }
0x11: {  	s3 =	sld [smem:$0x3FFC];
	_ =	sdelay $0x3  }
0x12: {  	_ =	strace s3  }
0x13: {  	s3 =	sld [smem:$0x3FFD];
	_ =	sdelay $0x3  }
0x14: {  	_ =	strace s3  }
0x15: {  	_ =	strace $0x8FFFFFFF  }
0x16: {  	s19 =	sld [smem:$0x3FDB];
	_ =	sdelay $0x1  }
0x17: {  	s20 =	simm.s32 $_scs_section_size  }
0x18: {  	s5 =	simm.s32 $_size__tile_overlayer_lowered;
	s6 =	simm.s32 $_tile_overlayer_lowered  }
0x19: {  	s23 =	simm.s32 $0x1BFF;
	s22 =	sshll.u32 s6, $0x1;
	s3 =	sadd.s32 s20, s19  }
0x1a: {  	s7 =	simm.s32 $0x0;
	s21 =	sshll.u32 s5, $0x1;
	s5 =	sadd.s32 s22, s3  }
0x1b: {  	[timem:s7], [sflag:s23] =	dma.local [hbm:s5], s21  }
0x1c: {  	_ =	swait.ge [sflag:s23], s21  }
0x1d: {  	s4 =	ssub.s32 $0x0, s21;
	[sflag:s23] =	ssyncset.done $0x0  }
0x1e: {  	[sflag:s23] =	ssyncadd.s32 s4;
	_ =	sdelay $0x1  }
0x1f: {  	s24 =	simm.s32 $0x1B8B  }
0x20: {  	_ =	swait.ge [sflag:s24], $0x1  }
0x21: {  	[sflag:s24] =	ssyncset.done $0x0  }
0x22: {  	s26 =	simm.s32 $0x1B8E;
	s25 =	sld [smem:$0x3FFE];
	[sflag:s24] =	ssyncadd.s32 $0xFFFFFFFF  }
0x23: {  	s27 =	simm.s32 $execute0_lowered;
	[smem:$0x3FD2] =	sst s26  }
0x24: {  	s5 =	sshll.u32 s27, $0x1;
	_ =	strace $0x80000055;
	[dreg:$0x1] =	wrdreg $0xFFFFFFFF  }
0x25: {  	s28 =	simm.s32 $_size_execute0_lowered;
	s3 =	sadd.s32 s3, s5;
	[dreg:$0x0] =	wrdreg $0x0  }
0x26: {  	s5 =	sshll.u32 s28, $0x1;
	[dreg:$0x2] =	wrdreg s3  }
0x27: {  	[dreg:$0x3] =	wrdreg s5  }
0x28: {  	[dreg:$0x4] =	wrdreg $0xC0  }
0x29: {  	_ =	task [dreg:s7], $0x5FFFF  }
0x2a: {  	[dreg:$0x1] =	wrdreg $0xFFFFFFFF  }
0x2b: {  	[dreg:$0x0] =	wrdreg $0x60  }
0x2c: {  	[dreg:$0x2] =	wrdreg s25  }
0x2d: {  	[dreg:$0x3] =	wrdreg s17  }
0x2e: {  	[dreg:$0x4] =	wrdreg $0xA  }
0x2f: {  	_ =	task.clear_ibuf [dreg:s7], $0x5FFFF;
	_ =	strace $0x90000055  }
0x30: {  	s29 =	simm.s32 $0xA;
	_ =	strace $0x80000057  }
0x31: {  	_ =	swait.ge [sflag:s29], $0x1  }
0x32: {  	[sflag:s29] =	ssyncadd.s32 $0xFFFFFFFF  }
0x33: {  	_ =	strace $0x90000057  }
0x34: {  	_ =	sfence  }
0x35: {  	s30 =	sld [smem:$0x0];
	_ =	sdelay $0x2  }
0x36: {  	s31 =	sshll.u32 s1, $0xD;
	s1 =	sshrl.u32 s1, $0x2  }
0x37: {  	s3 =	sand.u32 $0x4000, s31;
	s1 =	sadd.s32 s1, s30  }
0x38: {  	s0 =	sor.u32 s3, s0;
	s1 =	sshll.u32 s1, $0x11  }
0x39: {  	s0 =	sor.u32 s1, s0  }
0x3a: {  	s0 =	sadd.s32 $0x8F2B, s0  }
0x3b: {  	[sflag:s0] =	ssyncadd.remote.s32 $0x1  }
0x3c: {  	_ =	sfence.sel $0xFFFF  }
0x3d: {  	[dreg:$0x0] =	wrdreg $0xFFFFFFFF;
	(pc) =	sbr.abs _section_cstart, $3  }
0x3e: {  	[dreg:$0x1] =	wrdreg $0xFFFFFFFF  }
0x3f: {  	_ =	task.clear_ibuf [dreg:s7], $0x2FFFF;
	_ =	strace $0x9FFFFFFF  }
0x40: {  	(tm) =	ssettm $0x7FFFFFFF  }
0x41: {  	_ =	shalt  }
tec
execute0_lowered:
.L_overlay_start_1:
0x0: {  	(tag) =	ssettag $0x1  }
0x1: {  	s1 =	rddreg [dreg:$0x0]  }
0x2: {  	s2 =	rddreg [dreg:$0x1]  }
0x3: {  	s0 =	rddreg [dreg:$0x2];
	_ =	strace $0x80000056;
	s4 =	srdreg.scid  }
.Ltmp0:
0x4: {  	s6 =	simm.s32 $0x2;
	p0 =	por $0x0, $0x0;
	(pc) =	sbr.rel .LBB1_1-.Ltmp0, $4  }
0x5: {  	s9 =	simm.s32 $0x0;
	s3 =	sadd.s32 $0x201E00, s1;
	s5 =	sshll.u32 s4, $0x4  }
0x6: {  	s1 =	stileid.u32;
	s4 =	simm.s32 $0x1;
	s5 =	sand.u32 $0x10, s5  }
0x7: {  	s7 =	simm.s32 $0x0;
	[sflag:s4] =	ssyncpa.u1 $0x0;
	s5 =	sor.u32 s1, s5  }
0x8: {  	[sflag:s6] =	ssyncpa.u1 $0x0;
	s6 =	simm.s32 $0x0;
	s8 =	smov.u32 s5  }
.LBB1_7:
0x9: {  	s11 =	sadd.s32 $0x20, s8  }
0xa: {  	p1 =	slt.u32 s7, $0x2;
	s7 =	sadd.s32 $0x1, s7;
	p2 =	sgt.s32 s11, $0xFFF  }
0xb: {  	s11 =	smov.u32 @p2 s5;
	p2 =	sne.s32 s7, $0x82  }
.Ltmp1:
0xc: {  	_ = 	snop;
	(pc) =	sbr.rel @!p2 .LBB1_8-.Ltmp1, $4  }
0xd: {  	s10 =	simm.s32 @!p1 $0x2  }
0xe: {  	_ =	swait.ge @!p1 [sflag:s10], $0x4000  }
0xf: {  	s9 =	smov.u32 s8;
	[sflag:s10] =	ssyncset.done @!p1 $0x0  }
0x10: {  	p0 =	por !p0, !p0;
	s8 =	smov.u32 s11;
	[sflag:s10] =	ssyncadd.s32 @!p1 $0xFFFFC000  }
.LBB1_1:
0x11: {  	p1 =	sgt.u32 s7, $0x7F  }
0x12: {  	s10 =	sxor.u32 @!p1 $0xFFFFFFFF, s7  }
0x13: {  	s11 =	sshll.u32 @!p1 s8, $0xB;
	s10 =	sshll.u32 @!p1 s10, $0xE  }
0x14: {  	s12 =	simm.s32 @!p1 $0x0;
	s11 =	sadd.s32 @!p1 s3, s11;
	s10 =	sand.u32 @!p1 $0x4000, s10  }
0x15: {  	[tilespmem:s10], [sflag:$0x1] =	stream.linear.gather @!p1 [hbm4b:s11+s12], $0x4000, $0x38;
	[tilespmem:$0x10000] =	vst v63  }
0x16: {  	p1 =	seq.s32 s7, $0x0  }
0x17: {  	p2 =	seq.s32 @!p1 s7, $0x81  }
0x18: {  	p1 =	por p1, p2  }
.Ltmp2:
0x19: {  	_ = 	snop;
	(pc) =	sbr.rel @p1 .LBB1_7-.Ltmp2, $1  }
0x1a: {  	_ =	sdelay $0x3  }
0x1b: {  	s10 =	simm.s32 $0x1;
	_ =	swait.ge [sflag:s4], $0x4000;
	s12 =	sshll.u32 s7, $0xE  }
0x1c: {  	s13 =	simm.s32 $0x0;
	s10 =	simm.s32 @!p0 $0x0;
	[sflag:s4] =	ssyncset.done $0x0  }
0x1d: {  	s12 =	sand.u32 $0x4000, s12;
	s11 =	sshll.u32 s10, $0xE;
	[sflag:s4] =	ssyncadd.s32 $0xFFFFC000  }
0x1e: {  	s12 =	sor.u32 $0x8000, s12;
	s10 =	sor.u32 $0x8040, s11;
	s11 =	sor.u32 $0x40, s11  }
.LBB1_3:
0x1f: {  	v0 =	vmov s11;
	_ =	sdelay $0x3  }
0x20: {  	s15 =	simm.s32 $0x0  }
0x21: {  	v6 =	vld.idx.msk [tilespmem:v0+s15+$0x30 ss:$0x1], $0xffff  }
0x22: {  	v7 =	vld.idx.msk [tilespmem:v0+s15+$0xFFFFFFC0 ss:$0x1], $0xffff  }
0x23: {  	v5 =	vld.idx.msk [tilespmem:v0+s15+$0xFFFFFFD0 ss:$0x1], $0xffff  }
0x24: {  	v4 =	vld.idx.msk [tilespmem:v0+s15+$0xFFFFFFE0 ss:$0x1], $0xffff  }
0x25: {  	v3 =	vld.idx.msk [tilespmem:v0+s15+$0xFFFFFFF0 ss:$0x1], $0xffff  }
0x26: {  	v1 =	vld.idx.msk [tilespmem:v0+s15+$0x0 ss:$0x1], $0xffff  }
0x27: {  	v2 =	vld.idx.msk [tilespmem:v0+s15+$0x10 ss:$0x1], $0xffff;
	[tilespmem:s10+$0x30] =	vst v6  }
0x28: {  	s14 =	simm.s32 $0x80;
	s16 =	simm.s32 $0x400;
	[tilespmem:s10+$0xFFFFFFC0] =	vst v7;
	v6 =	vld.idx.msk [tilespmem:v0+s15+$0x20 ss:$0x1], $0xffff;
	s15 =	smov.u32 s10  }
.LBB1_4:
0x29: {  	p1 =	sne.s32 s16, $0xE00;
	v7 =	vld.idx.msk [tilespmem:v0+s14+$0x30 ss:$0x1], $0xffff;
	[tilespmem:s15+$0xFFFFFFD0] =	vst v5  }
0x2a: {  	v8 =	vld.idx.msk [tilespmem:v0+s14+$0xFFFFFFC0 ss:$0x1], $0xffff;
	[tilespmem:s15+$0xFFFFFFE0] =	vst v4  }
0x2b: {  	v5 =	vld.idx.msk [tilespmem:v0+s14+$0xFFFFFFD0 ss:$0x1], $0xffff;
	[tilespmem:s15+$0xFFFFFFF0] =	vst v3  }
.Ltmp3:
0x2c: {  	v4 =	vld.idx.msk [tilespmem:v0+s14+$0xFFFFFFE0 ss:$0x1], $0xffff;
	[tilespmem:s15+$0x0] =	vst v1;
	(pc) =	sbr.rel @p1 .LBB1_4-.Ltmp3, $4  }
0x2d: {  	v3 =	vld.idx.msk [tilespmem:v0+s14+$0xFFFFFFF0 ss:$0x1], $0xffff;
	[tilespmem:s15+$0x10] =	vst v2  }
0x2e: {  	v1 =	vld.idx.msk [tilespmem:v0+s14+$0x0 ss:$0x1], $0xffff;
	[tilespmem:s15+$0x20] =	vst v6;
	s15 =	sadd.s32 $0x800, s15  }
0x2f: {  	v2 =	vld.idx.msk [tilespmem:v0+s14+$0x10 ss:$0x1], $0xffff;
	[tilespmem:s15+$0x30] =	vst v7  }
0x30: {  	[tilespmem:s15+$0xFFFFFFC0] =	vst v8;
	v6 =	vld.idx.msk [tilespmem:v0+s14+$0x20 ss:$0x1], $0xffff;
	s14 =	sshra.s32 s16, $0x2;
	s16 =	sadd.s32 $0x200, s16  }
0x31: {  	_ =	sdelay $0x2  }
0x32: {  	[tilespmem:s15+$0xFFFFFFD0] =	vst v5  }
0x33: {  	v56 =	vld.idx.msk [tilespmem:v0+s14+$0x30 ss:$0x1], $0xffff;
	[tilespmem:s15+$0xFFFFFFE0] =	vst v4  }
0x34: {  	v57 =	vld.idx.msk [tilespmem:v0+s14+$0xFFFFFFC0 ss:$0x1], $0xffff;
	[tilespmem:s15+$0xFFFFFFF0] =	vst v3  }
0x35: {  	v58 =	vld.idx.msk [tilespmem:v0+s14+$0xFFFFFFD0 ss:$0x1], $0xffff;
	[tilespmem:s15+$0x0] =	vst v1  }
0x36: {  	v59 =	vld.idx.msk [tilespmem:v0+s14+$0xFFFFFFE0 ss:$0x1], $0xffff;
	[tilespmem:s15+$0x10] =	vst v2  }
0x37: {  	v60 =	vld.idx.msk [tilespmem:v0+s14+$0xFFFFFFF0 ss:$0x1], $0xffff;
	s31 =	sadd.s32 $0x800, s15;
	[tilespmem:s15+$0x20] =	vst v6  }
0x38: {  	v61 =	vld.idx.msk [tilespmem:v0+s14+$0x0 ss:$0x1], $0xffff;
	[tilespmem:s31+$0x30] =	vst v56  }
0x39: {  	v62 =	vld.idx.msk [tilespmem:v0+s14+$0x10 ss:$0x1], $0xffff;
	s13 =	sadd.s32 $0x1, s13;
	[tilespmem:s31+$0xFFFFFFC0] =	vst v57  }
0x3a: {  	v63 =	vld.idx.msk [tilespmem:v0+s14+$0x20 ss:$0x1], $0xffff;
	p1 =	sne.s32 s13, $0x10;
	[tilespmem:s31+$0xFFFFFFD0] =	vst v58  }
.Ltmp4:
0x3b: {  	[tilespmem:s31+$0xFFFFFFE0] =	vst v59;
	(pc) =	sbr.rel @p1 .LBB1_3-.Ltmp4, $4  }
0x3c: {  	[tilespmem:s31+$0xFFFFFFF0] =	vst v60  }
0x3d: {  	[tilespmem:s31+$0x0] =	vst v61  }
0x3e: {  	[tilespmem:s31+$0x10] =	vst v62  }
0x3f: {  	s10 =	sadd.s32 $0x80, s10;
	s11 =	sadd.s32 $0x400, s11;
	[tilespmem:s31+$0x20] =	vst v63  }
.Ltmp5:
0x40: {  	(pc) =	sbr.rel .LBB1_7-.Ltmp5, $4  }
0x41: {  	_ = 	snop  }
0x42: {  	s9 =	sshll.u32 s9, $0xB  }
0x43: {  	s9 =	sadd.s32 s2, s9  }
0x44: {  	[hbm4b:s9+s6] =	stream.linear.scatter [tilespmem:s12], [sflag:$0x2], $0x4000, $0x38;
	[tilespmem:$0x10000] =	vst v63  }
.LBB1_8:
0x45: {  	_ =	sfence.sel $0x180000  }
0x46: {  	s2 =	simm.s32 $0x1;
	[bflag:$0x0] =	sbarrier.arrive $0xFFFF  }
0x47: {  	s31 =	simm.s32 $0x2;
	[sflag:s2] =	ssyncpa.u1 $0x1  }
0x48: {  	[sflag:s31] =	ssyncpa.u1 $0x1  }
0x49: {  	p0 =	sne.s32 s1, $0x0;
	_ =	strace $0x90000056  }
0x4a: {  	s0 =	sadd.s32 @!p0 $0x100000, s0;
	[bflag:$0x2] =	sbarrier.arrive $0xFFFF  }
0x4b: {  	[sflag:s0] =	ssyncadd.tile.s32 @!p0 $0x1;
	_ =	shalt  }
.Lfunc_end1:
_tile_overlayer_lowered:
.L_overlay_start_2:
0x4c: {  	(tag) =	ssettag $0x2  }
0x4d: {  	s0 =	rddreg [dreg:$0x0];
	s2 =	stileid.u32  }
0x4e: {  	s1 =	rddreg [dreg:$0x1];
	p0 =	sne.s32 s2, $0x0  }
0x4f: {  	s3 =	rddreg [dreg:$0x2];
	[bflag:$0x3] =	sbarrier.arrive $0xFFFF;
	s2 =	simm.s32 @!p0 $0x1C01  }
0x50: {  	[timem:s3], [sflag:s2] =	dma.local @!p0 [hbm:s0], s1  }
0x51: {  	s0 =	simm.s32 @!p0 $0x1  }
0x52: {  	_ =	swait.ge @!p0 [sflag:s0], s1  }
0x53: {  	s1 =	ssub.s32 @!p0 $0x0, s1;
	[sflag:s0] =	ssyncset.done @!p0 $0x0  }
0x54: {  	[sflag:s0] =	ssyncadd.s32 @!p0 s1  }
0x55: {  	[bflag:$0x3] =	sbarrier.arrive $0xFFFF  }
0x56: {  	_ =	shalt  }

// kernel: sparse-core-data-format-call.cloned.1.call-start
scs
called_computation_lowered:
.L_overlay_start_0:
0x0: {  	s2 =	sld [smem:$0x3FD9]  }
0x1: {  	s3 =	sld [smem:$0x3FFE];
	_ =	sdelay $0x1  }
0x2: {  	s1 =	srdreg.scid  }
0x3: {  	s0 =	sand.u32 $0x1, s1  }
0x4: {  	s16 =	sshll.u32 s0, $0xA;
	s2 =	sadd.s32 s3, s2  }
0x5: {  	s2 =	sadd.s32 s2, s16  }
0x6: {  	[smem:$0x3FC2] =	sst s2  }
0x7: {  	_ = 	snop  }
0x8: {  	s2 =	sld [smem:$0x3FD0];
	_ =	sdelay $0x2  }
0x9: {  	s17 =	simm.s32 $0xB;
	s4 =	simm.s32 $0x10  }
0xa: {  	[smem:s4], [sflag:s17] =	dma.local [hbm:s2], $0x1  }
0xb: {  	_ =	swait.eq [sflag:s17], $0x1  }
0xc: {  	[sflag:s17] =	ssyncset.done $0x0  }
0xd: {  	[sflag:s17] =	ssyncadd.s32 $0xFFFFFFFF  }
0xe: {  	s18 =	sld [smem:$0x11];
	(tm) =	ssettm $0x1  }
0xf: {  	s19 =	sld [smem:$0x3FFB];
	_ =	sdelay $0x3  }
0x10: {  	_ =	strace s19  }
0x11: {  	s2 =	sld [smem:$0x3FFC];
	_ =	sdelay $0x3  }
0x12: {  	_ =	strace s2  }
0x13: {  	s2 =	sld [smem:$0x3FFD];
	_ =	sdelay $0x3  }
0x14: {  	_ =	strace s2  }
0x15: {  	_ =	strace $0x8FFFFFFF  }
0x16: {  	s20 =	sld [smem:$0x3FDB];
	_ =	sdelay $0x1  }
0x17: {  	s21 =	simm.s32 $_scs_section_size  }
0x18: {  	s5 =	simm.s32 $_size__tile_overlayer_lowered;
	s6 =	simm.s32 $_tile_overlayer_lowered  }
0x19: {  	s7 =	simm.s32 $0x1BFF;
	s22 =	sshll.u32 s6, $0x1;
	s4 =	sadd.s32 s21, s20  }
0x1a: {  	s23 =	simm.s32 $0x0;
	s5 =	sshll.u32 s5, $0x1;
	s6 =	sadd.s32 s22, s4  }
0x1b: {  	[timem:s23], [sflag:s7] =	dma.local [hbm:s6], s5  }
0x1c: {  	_ =	swait.ge [sflag:s7], s5  }
0x1d: {  	s5 =	ssub.s32 $0x0, s5;
	[sflag:s7] =	ssyncset.done $0x0  }
0x1e: {  	[sflag:s7] =	ssyncadd.s32 s5;
	_ =	sdelay $0x1  }
0x1f: {  	s24 =	simm.s32 $0x1B8B  }
0x20: {  	_ =	swait.ge [sflag:s24], $0x1  }
0x21: {  	[sflag:s24] =	ssyncset.done $0x0  }
0x22: {  	[sflag:s24] =	ssyncadd.s32 $0xFFFFFFFF  }
0x23: {  	s5 =	sld [smem:$0x0]  }
0x24: {  	s6 =	sand.u32 $0xFFFFFFFE, s1  }
0x25: {  	p0 =	sne.s32 s1, s6  }
0x26: {  	s6 =	sshll.u32 @p0 s6, $0xE  }
0x27: {  	s6 =	sadd.s32 @p0 $0x11B8D, s6;
	s7 =	sshll.u32 @p0 s5, $0x11  }
0x28: {  	s6 =	sor.u32 @p0 s7, s6  }
0x29: {  	[sflag:s6] =	ssyncadd.remote.s32 @p0 $0x1;
	_ =	sdelay $0x1  }
0x2a: {  	s6 =	simm.s32 @p0 $0x1B8D  }
0x2b: {  	_ =	swait.eq @p0 [sflag:s6], $0x1  }
0x2c: {  	[sflag:s6] =	ssyncadd.s32 @p0 $0xFFFFFFFF  }
0x2d: {  	s7 =	sshll.u32 @!p0 s1, $0xE  }
0x2e: {  	s7 =	sor.u32 @!p0 $0x4000, s7;
	s6 =	simm.s32 @!p0 $0x1B8D  }
0x2f: {  	s5 =	sshll.u32 @!p0 s5, $0x11;
	s7 =	sadd.s32 @!p0 $0x11B8D, s7;
	_ =	swait.eq @!p0 [sflag:s6], $0x1  }
0x30: {  	s5 =	sor.u32 @!p0 s5, s7;
	[sflag:s6] =	ssyncadd.s32 @!p0 $0xFFFFFFFF  }
0x31: {  	s26 =	simm.s32 $0x1B8E;
	s25 =	sld [smem:$0x3FFE];
	[sflag:s5] =	ssyncadd.remote.s32 @!p0 $0x1  }
0x32: {  	s27 =	simm.s32 $execute0_lowered;
	[smem:$0x3FD2] =	sst s26  }
0x33: {  	s6 =	sshll.u32 s27, $0x1;
	_ =	strace $0x80000058;
	[dreg:$0x1] =	wrdreg $0xFFFFFFFF  }
0x34: {  	s28 =	simm.s32 $_size_execute0_lowered;
	s4 =	sadd.s32 s4, s6;
	[dreg:$0x0] =	wrdreg $0x0  }
0x35: {  	s6 =	sshll.u32 s28, $0x1;
	[dreg:$0x2] =	wrdreg s4  }
0x36: {  	[dreg:$0x3] =	wrdreg s6  }
0x37: {  	[dreg:$0x4] =	wrdreg $0xC0  }
0x38: {  	_ =	task [dreg:s23], $0x5FFFF  }
0x39: {  	[dreg:$0x1] =	wrdreg $0xFFFFFFFF  }
0x3a: {  	[dreg:$0x0] =	wrdreg $0x60  }
0x3b: {  	[dreg:$0x2] =	wrdreg s25  }
0x3c: {  	[dreg:$0x3] =	wrdreg s18  }
0x3d: {  	[dreg:$0x4] =	wrdreg $0x9  }
0x3e: {  	_ =	task.clear_ibuf [dreg:s23], $0x5FFFF;
	_ =	strace $0x90000058  }
0x3f: {  	s29 =	simm.s32 $0x9;
	_ =	strace $0x8000005A  }
0x40: {  	_ =	swait.ge [sflag:s29], $0x1  }
0x41: {  	[sflag:s29] =	ssyncadd.s32 $0xFFFFFFFF  }
0x42: {  	_ =	strace $0x9000005A  }
0x43: {  	_ =	sfence  }
0x44: {  	s30 =	sld [smem:$0x0];
	_ =	sdelay $0x2  }
0x45: {  	s31 =	sshll.u32 s1, $0xD;
	s1 =	sshrl.u32 s1, $0x2  }
0x46: {  	s4 =	sand.u32 $0x4000, s31;
	s1 =	sadd.s32 s1, s30  }
0x47: {  	s0 =	sor.u32 s4, s0;
	s1 =	sshll.u32 s1, $0x11  }
0x48: {  	s0 =	sor.u32 s1, s0  }
0x49: {  	s0 =	sadd.s32 $0x8F2B, s0  }
0x4a: {  	[sflag:s0] =	ssyncadd.remote.s32 $0x1  }
0x4b: {  	_ =	sfence.sel $0xFFFF  }
0x4c: {  	[dreg:$0x0] =	wrdreg $0xFFFFFFFF;
	(pc) =	sbr.abs _section_cstart, $3  }
0x4d: {  	[dreg:$0x1] =	wrdreg $0xFFFFFFFF  }
0x4e: {  	_ =	task.clear_ibuf [dreg:s23], $0x2FFFF;
	_ =	strace $0x9FFFFFFF  }
0x4f: {  	(tm) =	ssettm $0x7FFFFFFF  }
tec
execute0_lowered:
.L_overlay_start_1:
0x0: {  	(tag) =	ssettag $0x1  }
0x1: {  	s1 =	rddreg [dreg:$0x0]  }
0x2: {  	s2 =	rddreg [dreg:$0x1]  }
0x3: {  	s0 =	rddreg [dreg:$0x2];
	_ =	strace $0x80000059;
	s4 =	srdreg.scid  }
.Ltmp0:
0x4: {  	s6 =	simm.s32 $0x2;
	p0 =	por $0x0, $0x0;
	(pc) =	sbr.rel .LBB1_1-.Ltmp0, $4  }
0x5: {  	s9 =	simm.s32 $0x0;
	s3 =	sadd.s32 $0xA01E00, s1;
	s5 =	sshll.u32 s4, $0x4  }
0x6: {  	s1 =	stileid.u32;
	s4 =	simm.s32 $0x1;
	s5 =	sand.u32 $0x10, s5  }
0x7: {  	s7 =	simm.s32 $0x0;
	[sflag:s4] =	ssyncpa.u1 $0x0;
	s5 =	sor.u32 s1, s5  }
0x8: {  	[sflag:s6] =	ssyncpa.u1 $0x0;
	s6 =	simm.s32 $0x0;
	s8 =	smov.u32 s5  }
.LBB1_7:
0x9: {  	s11 =	sadd.s32 $0x20, s8  }
0xa: {  	p1 =	slt.u32 s7, $0x2;
	s7 =	sadd.s32 $0x1, s7;
	p2 =	sgt.s32 s11, $0xFFF  }
0xb: {  	s11 =	smov.u32 @p2 s5;
	p2 =	sne.s32 s7, $0x82  }
.Ltmp1:
0xc: {  	_ = 	snop;
	(pc) =	sbr.rel @!p2 .LBB1_8-.Ltmp1, $4  }
0xd: {  	s10 =	simm.s32 @!p1 $0x2  }
0xe: {  	_ =	swait.ge @!p1 [sflag:s10], $0x4000  }
0xf: {  	s9 =	smov.u32 s8;
	[sflag:s10] =	ssyncset.done @!p1 $0x0  }
0x10: {  	p0 =	por !p0, !p0;
	s8 =	smov.u32 s11;
	[sflag:s10] =	ssyncadd.s32 @!p1 $0xFFFFC000  }
.LBB1_1:
0x11: {  	p1 =	sgt.u32 s7, $0x7F  }
0x12: {  	s10 =	sxor.u32 @!p1 $0xFFFFFFFF, s7  }
0x13: {  	s11 =	sshll.u32 @!p1 s8, $0xB;
	s10 =	sshll.u32 @!p1 s10, $0xE  }
0x14: {  	s12 =	simm.s32 @!p1 $0x0;
	s11 =	sadd.s32 @!p1 s3, s11;
	s10 =	sand.u32 @!p1 $0x4000, s10  }
0x15: {  	[tilespmem:s10], [sflag:$0x1] =	stream.linear.gather @!p1 [hbm4b:s11+s12], $0x4000, $0x38;
	[tilespmem:$0x10000] =	vst v63  }
0x16: {  	p1 =	seq.s32 s7, $0x0  }
0x17: {  	p2 =	seq.s32 @!p1 s7, $0x81  }
0x18: {  	p1 =	por p1, p2  }
.Ltmp2:
0x19: {  	_ = 	snop;
	(pc) =	sbr.rel @p1 .LBB1_7-.Ltmp2, $1  }
0x1a: {  	_ =	sdelay $0x3  }
0x1b: {  	s10 =	simm.s32 $0x1;
	_ =	swait.ge [sflag:s4], $0x4000;
	s12 =	sshll.u32 s7, $0xE  }
0x1c: {  	s13 =	simm.s32 $0x0;
	s10 =	simm.s32 @!p0 $0x0;
	[sflag:s4] =	ssyncset.done $0x0  }
0x1d: {  	s12 =	sand.u32 $0x4000, s12;
	s11 =	sshll.u32 s10, $0xE;
	[sflag:s4] =	ssyncadd.s32 $0xFFFFC000  }
0x1e: {  	s12 =	sor.u32 $0x8000, s12;
	s10 =	sor.u32 $0x8040, s11;
	s11 =	sor.u32 $0x40, s11  }
.LBB1_3:
0x1f: {  	v0 =	vmov s11;
	_ =	sdelay $0x3  }
0x20: {  	s15 =	simm.s32 $0x0  }
0x21: {  	v6 =	vld.idx.msk [tilespmem:v0+s15+$0x30 ss:$0x1], $0xffff  }
0x22: {  	v7 =	vld.idx.msk [tilespmem:v0+s15+$0xFFFFFFC0 ss:$0x1], $0xffff  }
0x23: {  	v5 =	vld.idx.msk [tilespmem:v0+s15+$0xFFFFFFD0 ss:$0x1], $0xffff  }
0x24: {  	v4 =	vld.idx.msk [tilespmem:v0+s15+$0xFFFFFFE0 ss:$0x1], $0xffff  }
0x25: {  	v3 =	vld.idx.msk [tilespmem:v0+s15+$0xFFFFFFF0 ss:$0x1], $0xffff  }
0x26: {  	v1 =	vld.idx.msk [tilespmem:v0+s15+$0x0 ss:$0x1], $0xffff  }
0x27: {  	v2 =	vld.idx.msk [tilespmem:v0+s15+$0x10 ss:$0x1], $0xffff;
	[tilespmem:s10+$0x30] =	vst v6  }
0x28: {  	s14 =	simm.s32 $0x80;
	s16 =	simm.s32 $0x400;
	[tilespmem:s10+$0xFFFFFFC0] =	vst v7;
	v6 =	vld.idx.msk [tilespmem:v0+s15+$0x20 ss:$0x1], $0xffff;
	s15 =	smov.u32 s10  }
.LBB1_4:
0x29: {  	p1 =	sne.s32 s16, $0xE00;
	v7 =	vld.idx.msk [tilespmem:v0+s14+$0x30 ss:$0x1], $0xffff;
	[tilespmem:s15+$0xFFFFFFD0] =	vst v5  }
0x2a: {  	v8 =	vld.idx.msk [tilespmem:v0+s14+$0xFFFFFFC0 ss:$0x1], $0xffff;
	[tilespmem:s15+$0xFFFFFFE0] =	vst v4  }
0x2b: {  	v5 =	vld.idx.msk [tilespmem:v0+s14+$0xFFFFFFD0 ss:$0x1], $0xffff;
	[tilespmem:s15+$0xFFFFFFF0] =	vst v3  }
.Ltmp3:
0x2c: {  	v4 =	vld.idx.msk [tilespmem:v0+s14+$0xFFFFFFE0 ss:$0x1], $0xffff;
	[tilespmem:s15+$0x0] =	vst v1;
	(pc) =	sbr.rel @p1 .LBB1_4-.Ltmp3, $4  }
0x2d: {  	v3 =	vld.idx.msk [tilespmem:v0+s14+$0xFFFFFFF0 ss:$0x1], $0xffff;
	[tilespmem:s15+$0x10] =	vst v2  }
0x2e: {  	v1 =	vld.idx.msk [tilespmem:v0+s14+$0x0 ss:$0x1], $0xffff;
	[tilespmem:s15+$0x20] =	vst v6;
	s15 =	sadd.s32 $0x800, s15  }
0x2f: {  	v2 =	vld.idx.msk [tilespmem:v0+s14+$0x10 ss:$0x1], $0xffff;
	[tilespmem:s15+$0x30] =	vst v7  }
0x30: {  	[tilespmem:s15+$0xFFFFFFC0] =	vst v8;
	v6 =	vld.idx.msk [tilespmem:v0+s14+$0x20 ss:$0x1], $0xffff;
	s14 =	sshra.s32 s16, $0x2;
	s16 =	sadd.s32 $0x200, s16  }
0x31: {  	_ =	sdelay $0x2  }
0x32: {  	[tilespmem:s15+$0xFFFFFFD0] =	vst v5  }
0x33: {  	v56 =	vld.idx.msk [tilespmem:v0+s14+$0x30 ss:$0x1], $0xffff;
	[tilespmem:s15+$0xFFFFFFE0] =	vst v4  }
0x34: {  	v57 =	vld.idx.msk [tilespmem:v0+s14+$0xFFFFFFC0 ss:$0x1], $0xffff;
	[tilespmem:s15+$0xFFFFFFF0] =	vst v3  }
0x35: {  	v58 =	vld.idx.msk [tilespmem:v0+s14+$0xFFFFFFD0 ss:$0x1], $0xffff;
	[tilespmem:s15+$0x0] =	vst v1  }
0x36: {  	v59 =	vld.idx.msk [tilespmem:v0+s14+$0xFFFFFFE0 ss:$0x1], $0xffff;
	[tilespmem:s15+$0x10] =	vst v2  }
0x37: {  	v60 =	vld.idx.msk [tilespmem:v0+s14+$0xFFFFFFF0 ss:$0x1], $0xffff;
	s31 =	sadd.s32 $0x800, s15;
	[tilespmem:s15+$0x20] =	vst v6  }
0x38: {  	v61 =	vld.idx.msk [tilespmem:v0+s14+$0x0 ss:$0x1], $0xffff;
	[tilespmem:s31+$0x30] =	vst v56  }
0x39: {  	v62 =	vld.idx.msk [tilespmem:v0+s14+$0x10 ss:$0x1], $0xffff;
	s13 =	sadd.s32 $0x1, s13;
	[tilespmem:s31+$0xFFFFFFC0] =	vst v57  }
0x3a: {  	v63 =	vld.idx.msk [tilespmem:v0+s14+$0x20 ss:$0x1], $0xffff;
	p1 =	sne.s32 s13, $0x10;
	[tilespmem:s31+$0xFFFFFFD0] =	vst v58  }
.Ltmp4:
0x3b: {  	[tilespmem:s31+$0xFFFFFFE0] =	vst v59;
	(pc) =	sbr.rel @p1 .LBB1_3-.Ltmp4, $4  }
0x3c: {  	[tilespmem:s31+$0xFFFFFFF0] =	vst v60  }
0x3d: {  	[tilespmem:s31+$0x0] =	vst v61  }
0x3e: {  	[tilespmem:s31+$0x10] =	vst v62  }
0x3f: {  	s10 =	sadd.s32 $0x80, s10;
	s11 =	sadd.s32 $0x400, s11;
	[tilespmem:s31+$0x20] =	vst v63  }
.Ltmp5:
0x40: {  	(pc) =	sbr.rel .LBB1_7-.Ltmp5, $4  }
0x41: {  	_ = 	snop  }
0x42: {  	s9 =	sshll.u32 s9, $0xB  }
0x43: {  	s9 =	sadd.s32 s2, s9  }
0x44: {  	[hbm4b:s9+s6] =	stream.linear.scatter [tilespmem:s12], [sflag:$0x2], $0x4000, $0x38;
	[tilespmem:$0x10000] =	vst v63  }
.LBB1_8:
0x45: {  	_ =	sfence.sel $0x180000  }
0x46: {  	s2 =	simm.s32 $0x1;
	[bflag:$0x0] =	sbarrier.arrive $0xFFFF  }
0x47: {  	s31 =	simm.s32 $0x2;
	[sflag:s2] =	ssyncpa.u1 $0x1  }
0x48: {  	[sflag:s31] =	ssyncpa.u1 $0x1  }
0x49: {  	p0 =	sne.s32 s1, $0x0;
	_ =	strace $0x90000059  }
0x4a: {  	s0 =	sadd.s32 @!p0 $0x100000, s0;
	[bflag:$0x2] =	sbarrier.arrive $0xFFFF  }
0x4b: {  	[sflag:s0] =	ssyncadd.tile.s32 @!p0 $0x1;
	_ =	shalt  }
.Lfunc_end1:
_tile_overlayer_lowered:
.L_overlay_start_2:
0x4c: {  	(tag) =	ssettag $0x2  }
0x4d: {  	s0 =	rddreg [dreg:$0x0];
	s2 =	stileid.u32  }
0x4e: {  	s1 =	rddreg [dreg:$0x1];
	p0 =	sne.s32 s2, $0x0  }
0x4f: {  	s3 =	rddreg [dreg:$0x2];
	[bflag:$0x3] =	sbarrier.arrive $0xFFFF;
	s2 =	simm.s32 @!p0 $0x1C01  }
0x50: {  	[timem:s3], [sflag:s2] =	dma.local @!p0 [hbm:s0], s1  }
0x51: {  	s0 =	simm.s32 @!p0 $0x1  }
0x52: {  	_ =	swait.ge @!p0 [sflag:s0], s1  }
0x53: {  	s1 =	ssub.s32 @!p0 $0x0, s1;
	[sflag:s0] =	ssyncset.done @!p0 $0x0  }
0x54: {  	[sflag:s0] =	ssyncadd.s32 @!p0 s1  }
0x55: {  	[bflag:$0x3] =	sbarrier.arrive $0xFFFF  }
0x56: {  	_ =	shalt  }

</sc_bundles>
